<compile_context>
chip_gen: v7x
topology: tpu7x:2x2x1
jax: 0.10.2.dev20260603
libtpu: 0.0.44.dev20260713+nightly
codegen_flags: <defaults>
</compile_context>

<pallas_src>
import functools

import jax
import jax.numpy as jnp
from jax import lax
from jax.experimental import pallas as pl
from jax.experimental.pallas import tpu as pltpu
from jax.experimental.pallas import tpu_sc as plsc

B = 16384
D = 64
H = 16
V = 1000000

NC = 2
NS = 16
NW = NC * NS
BPW = B // NW
CH = 64
NCH = BPW // CH

NBLK = (V + 127) // 128
BPB = (NBLK + NW - 1) // NW
LAST = NBLK - 1
SLAB = 992
NBUF = 8
SWIN = SLAB + 40


def _sget(ref, lanes, i):
    v = ref[pl.ds((i >> 4) << 4, 16)]
    return jnp.max(jnp.where(lanes == (i & 15), v, jnp.int32(-1)))


def _sc_sweep(tableT, tailT, sidx, bounds):
    mesh = plsc.VectorSubcoreMesh(core_axis_name="c", subcore_axis_name="s")

    @functools.partial(
        pl.kernel,
        out_type=jax.ShapeDtypeStruct((B * D,), jnp.float32),
        mesh=mesh,
        scratch_types=[
            pltpu.VMEM((SWIN,), jnp.int32),
            pltpu.VMEM((48,), jnp.int32),
            pltpu.VMEM((NBUF, D, 128), jnp.float32),
            pltpu.VMEM((SLAB // 2, 128), jnp.float32),
            [pltpu.SemaphoreType.DMA] * NBUF,
            pltpu.SemaphoreType.DMA,
        ],
        compiler_params=pltpu.CompilerParams(needs_layout_passes=False),
    )
    def k(tab_hbm, tail_hbm, sidx_hbm, bnd_hbm, out_hbm, sidx_v, bnd_v,
          blk_v, slab_v, bsems, osem):
        wid = lax.axis_index("s") * NC + lax.axis_index("c")
        lanes = lax.iota(jnp.int32, 16)
        pltpu.sync_copy(bnd_hbm, bnd_v)
        lo = _sget(bnd_v, lanes, wid)
        hi = _sget(bnd_v, lanes, wid + 1)
        lo16 = pl.multiple_of((lo >> 4) << 4, 16)
        pltpu.sync_copy(sidx_hbm.at[pl.ds(lo16, SWIN)], sidx_v)
        b0 = wid * BPB
        b1 = jnp.minimum(b0 + BPB, NBLK)

        def issue(cb, buf):
            @pl.when(cb < LAST)
            def _():
                pltpu.async_copy(
                    tab_hbm.at[:, pl.ds(cb * 128, 128)],
                    blk_v.at[buf], bsems[buf],
                )

            @pl.when(cb == LAST)
            def _():
                pltpu.async_copy(tail_hbm, blk_v.at[buf], bsems[buf])

        def wait(cb, buf):
            pltpu.make_async_copy(
                tab_hbm.at[:, pl.ds(0, 128)], blk_v.at[buf], bsems[buf]
            ).wait()

        for s in range(NBUF - 1):
            @pl.when(b0 + s < b1)
            def _(s=s):
                issue(b0 + s, s)

        def one_block(cb, buf, p):
            def live():
                wait(cb, buf)

                @pl.when(cb + NBUF - 1 < b1)
                def _():
                    issue(cb + NBUF - 1, (buf + NBUF - 1) % NBUF)

                end = (cb + 1) * 128

                def cond(p2):
                    return jnp.logical_and(
                        p2 < hi, _sget(sidx_v, lanes, p2 - lo16) < end
                    )

                def hit(p2):
                    c = _sget(sidx_v, lanes, p2 - lo16) - cb * 128
                    ph = p2 - lo
                    for kk in range(D // 16):
                        col = plsc.load_gather(
                            blk_v,
                            [
                                jnp.full((16,), buf, jnp.int32),
                                lanes + kk * 16,
                                jnp.full((16,), 0, jnp.int32) + c,
                            ],
                        )
                        slab_v[ph >> 1, pl.ds((ph & 1) * D + kk * 16, 16)] = (
                            col
                        )
                    return p2 + 1

                return lax.while_loop(cond, hit, p)

            return lax.cond(cb < b1, live, lambda: p)

        def ring_body(u, p):
            for v in range(NBUF):
                p = one_block(b0 + NBUF * u + v, v, p)
            return p

        p_end = lax.fori_loop(0, (BPB + NBUF - 1) // NBUF, ring_body, lo)
        n = p_end - lo

        def obody(t, carry):
            @pl.when(t < n)
            def _():
                pltpu.async_copy(
                    slab_v.at[t >> 1, pl.ds((t & 1) * D, D)],
                    out_hbm.at[pl.ds((lo + t) * D, D)],
                    osem,
                )
            return carry

        lax.fori_loop(0, SLAB, obody, 0)

        def dbody(t, carry):
            @pl.when(t < n)
            def _():
                pltpu.make_async_copy(
                    out_hbm.at[pl.ds(0, D)],
                    slab_v.at[0, pl.ds(0, D)],
                    osem,
                ).wait()
            return carry

        lax.fori_loop(0, SLAB, dbody, 0)

    return k(tableT, tailT, sidx, bounds)


def _sc_unsort(spair, rank):
    mesh = plsc.VectorSubcoreMesh(core_axis_name="c", subcore_axis_name="s")

    @functools.partial(
        pl.kernel,
        out_type=jax.ShapeDtypeStruct((B, D), jnp.float32),
        mesh=mesh,
        scratch_types=[
            pltpu.VMEM((BPW,), jnp.int32),
            pltpu.VMEM((NCH, CH), jnp.int32),
            pltpu.VMEM((BPW,), jnp.int32),
            pltpu.VMEM((2, CH, 2 * D), jnp.float32),
            pltpu.VMEM((BPW, D), jnp.float32),
            [pltpu.SemaphoreType.DMA] * 2,
        ],
        compiler_params=pltpu.CompilerParams(needs_layout_passes=False),
    )
    def k(tab_hbm, idx_hbm, out_hbm, idx_v, q_v, r_v, pair_v, rows_v, sems):
        wid = lax.axis_index("s") * NC + lax.axis_index("c")
        base = wid * BPW
        pltpu.sync_copy(idx_hbm.at[pl.ds(base, BPW)], idx_v)

        def qb(g, carry):
            v = idx_v[pl.ds(g * 16, 16)]
            r_v[pl.ds(g * 16, 16)] = v & 1
            return carry

        lax.fori_loop(0, BPW // 16, qb, 0)
        for ch in range(NCH):
            def qb2(g, carry, ch=ch):
                v = idx_v[pl.ds(ch * CH + g * 16, 16)]
                q_v[ch, pl.ds(g * 16, 16)] = v >> 1
                return carry
            lax.fori_loop(0, CH // 16, qb2, 0)

        def issue(ch):
            pltpu.async_copy(
                tab_hbm.at[q_v.at[ch]], pair_v.at[ch % 2], sems[ch % 2]
            )

        issue(0)
        for ch in range(NCH):
            buf = ch % 2
            pltpu.make_async_copy(
                tab_hbm.at[q_v.at[ch]], pair_v.at[buf], sems[buf]
            ).wait()
            if ch + 1 < NCH:
                issue(ch + 1)

            def ebody(t, carry, ch=ch, buf=buf):
                sel = plsc.load_gather(
                    r_v, [jnp.full((16,), ch * CH, jnp.int32) + t]
                )
                pick_lo = sel == 0
                for kk in range(D // 16):
                    lo = pair_v[buf, t, pl.ds(kk * 16, 16)]
                    hi = pair_v[buf, t, pl.ds(D + kk * 16, 16)]
                    rows_v[ch * CH + t, pl.ds(kk * 16, 16)] = jnp.where(
                        pick_lo, lo, hi
                    )
                return carry

            lax.fori_loop(0, CH, ebody, 0)

        pltpu.sync_copy(rows_v, out_hbm.at[pl.ds(base, BPW)])

    return k(spair, rank)


def _mlp_body(x_ref, w1_ref, b1_ref, w2_ref, b2_ref, oe_ref, os_ref):
    x = x_ref[...]
    h = jnp.dot(x, w1_ref[...], preferred_element_type=jnp.float32)
    h = jnp.maximum(h + b1_ref[...], 0.0)
    y = (
        jnp.dot(h, w2_ref[...], preferred_element_type=jnp.float32)
        + b2_ref[...]
    )
    oe_ref[...] = x.T
    os_ref[...] = y.T


def _tc_mlp(embs, W1, b1, W2, b2):
    bm = 2048
    return pl.pallas_call(
        _mlp_body,
        grid=(B // bm,),
        in_specs=[
            pl.BlockSpec((bm, D), lambda i: (i, 0)),
            pl.BlockSpec((D, H), lambda i: (0, 0)),
            pl.BlockSpec((1, H), lambda i: (0, 0)),
            pl.BlockSpec((H, D), lambda i: (0, 0)),
            pl.BlockSpec((1, D), lambda i: (0, 0)),
        ],
        out_specs=[
            pl.BlockSpec((D, bm), lambda i: (0, i)),
            pl.BlockSpec((D, bm), lambda i: (0, i)),
        ],
        out_shape=[
            jax.ShapeDtypeStruct((D, B), jnp.float32),
            jax.ShapeDtypeStruct((D, B), jnp.float32),
        ],
    )(embs, W1, b1.reshape(1, H), W2, b2.reshape(1, D))


def kernel(states, table, W1, b1, W2, b2):
    idx1 = states.reshape(B).astype(jnp.int32)
    iota = lax.iota(jnp.int32, B)
    sidx, perm = lax.sort([idx1, iota], num_keys=1)
    rank = jnp.zeros((B,), jnp.int32).at[perm].set(iota)
    starts = (lax.iota(jnp.int32, 48) * (BPB * 128)).astype(jnp.int32)
    bounds = jnp.searchsorted(sidx, starts).astype(jnp.int32)
    tableT = table.T
    tailT = jnp.pad(tableT[:, V - 64:], ((0, 0), (0, 64)))
    sidx_p = jnp.pad(sidx, (0, 64))
    sorted_flat = _sc_sweep(tableT, tailT, sidx_p, bounds)
    spair = sorted_flat.reshape(B * D // 128, 128)
    embs = _sc_unsort(spair, rank)
    embsT, sfsT = _tc_mlp(embs, W1, b1, W2, b2)
    return (embsT.T, sfsT.T)

# --- scband reference (transcript-rebuilt; emitter-appended) ---
"""Pipeline reference for scband-dsf-sf-nn-17042430230645 (READ-ONLY COPY).

The authoritative reference and input builder live on the scoring server;
editing this copy changes nothing except your own understanding.
"""

import jax, jax.numpy as jnp
import numpy as np

STATE_NUM = 1000000
DIM = 64
BATCH = 16384

def setup_inputs(seed: int = 0) -> dict:
    key = jax.random.key(seed)
    k1, k2, k3, k4, k5, k6 = jax.random.split(key, 6)
    states = jax.random.randint(k1, (BATCH, 1), 0, STATE_NUM, dtype=jnp.int64 if jax.config.jax_enable_x64 else jnp.int32)
    table = jax.random.normal(k2, (STATE_NUM, DIM), dtype=jnp.float32)
    W1 = jax.random.normal(k3, (DIM, 16), dtype=jnp.float32) * (1.0 / np.sqrt(DIM))
    b1 = jax.random.uniform(k4, (16,), dtype=jnp.float32, minval=-1.0/np.sqrt(DIM), maxval=1.0/np.sqrt(DIM))
    W2 = jax.random.normal(k5, (16, DIM), dtype=jnp.float32) * (1.0 / np.sqrt(16))
    b2 = jax.random.uniform(k6, (DIM,), dtype=jnp.float32, minval=-1.0/np.sqrt(16), maxval=1.0/np.sqrt(16))
    return {"states": states, "table": table, "W1": W1, "b1": b1, "W2": W2, "b2": b2}

def reference(states, table, W1, b1, W2, b2):
    # embedding lookup: [B, 1] -> [B, 1, dim] -> squeeze(1) -> [B, dim]
    state_embs = jnp.take(table, states[:, 0], axis=0)
    # MLP: dim -> 16 -> relu -> dim
    x = state_embs @ W1 + b1
    x = jax.nn.relu(x)
    state_sfs = x @ W2 + b2
    return (state_embs, state_sfs)

if __name__ == "__main__":
    import jax
    _d = setup_inputs()
    print(jax.jit(kernel)(*tuple(_d.values())))

</pallas_src>

<mosaic_0001>
#map = affine_map<(d0, d1) -> (0, 0)>
#map1 = affine_map<(d0, d1) -> (0)>
module attributes {stable_mosaic.version = 14 : i64} {
  func.func @k(%arg0: i32, %arg1: i32, %arg2: memref<64x1000000xf32, #tpu.memory_space<hbm>>, %arg3: memref<64x128xf32, #tpu.memory_space<hbm>>, %arg4: memref<16448xi32, #tpu.memory_space<hbm>>, %arg5: memref<48xi32, #tpu.memory_space<hbm>>, %arg6: memref<1048576xf32, #tpu.memory_space<hbm>>, %arg7: memref<1032xi32, #tpu.memory_space<vmem>>, %arg8: memref<48xi32, #tpu.memory_space<vmem>>, %arg9: memref<8x64x128xf32, #tpu.memory_space<vmem>>, %arg10: memref<496x128xf32, #tpu.memory_space<vmem>>, %arg11: memref<!tpu.dma_semaphore, #tpu.memory_space<semaphore_mem>>, %arg12: memref<!tpu.dma_semaphore, #tpu.memory_space<semaphore_mem>>, %arg13: memref<!tpu.dma_semaphore, #tpu.memory_space<semaphore_mem>>, %arg14: memref<!tpu.dma_semaphore, #tpu.memory_space<semaphore_mem>>, %arg15: memref<!tpu.dma_semaphore, #tpu.memory_space<semaphore_mem>>, %arg16: memref<!tpu.dma_semaphore, #tpu.memory_space<semaphore_mem>>, %arg17: memref<!tpu.dma_semaphore, #tpu.memory_space<semaphore_mem>>, %arg18: memref<!tpu.dma_semaphore, #tpu.memory_space<semaphore_mem>>, %arg19: memref<!tpu.dma_semaphore, #tpu.memory_space<semaphore_mem>>) attributes {dimension_semantics = [#tpu.dimension_semantics<core_parallel>, #tpu.dimension_semantics<subcore_parallel>], iteration_bounds = array<i64: 2, 16>, scalar_prefetch = 0 : i64, scratch_operands = 13 : i64, tpu.core_type = #tpu.core_type<sc_vector_subcore>, window_params = [{transform_indices = #map}, {transform_indices = #map}, {transform_indices = #map1}, {transform_indices = #map1}, {transform_indices = #map1}]} {
    %mul3A = arith.constant 2 : i32
    %mul3A_0 = arith.muli %arg1, %mul3A : i32
    %add3A = arith.addi %mul3A_0, %arg0 : i32
    %iota3A = tpu.iota {dimensions = array<i32: 0>} : vector<16xi32>
    "tpu.region"() ({
      %run_scoped3A = tpu.sem_alloc : memref<!tpu.dma_semaphore, #tpu.memory_space<semaphore_mem>>
      tpu.enqueue_dma source(%arg5 : memref<48xi32, #tpu.memory_space<hbm>>) target(%arg8 : memref<48xi32, #tpu.memory_space<vmem>>) target_semaphore(%run_scoped3A : memref<!tpu.dma_semaphore, #tpu.memory_space<semaphore_mem>>)
      tpu.wait_dma2 semaphore(%run_scoped3A : memref<!tpu.dma_semaphore, #tpu.memory_space<semaphore_mem>>) src(%arg5 : memref<48xi32, #tpu.memory_space<hbm>>) dst(%arg8 : memref<48xi32, #tpu.memory_space<vmem>>)
      tpu.yield
    }) : () -> ()
    %shift_right_arithmetic3A = arith.constant 4 : i32
    %shift_right_arithmetic3A_1 = arith.shrsi %add3A, %shift_right_arithmetic3A : i32
    %shift_left3A = arith.constant 4 : i32
    %shift_left3A_2 = arith.shli %shift_right_arithmetic3A_1, %shift_left3A : i32
    %get3A = arith.index_cast %shift_left3A_2 : i32 to index
    %get3A_3 = tpu.vector_load %arg8[%get3A] {strides = array<i32>} : memref<48xi32, #tpu.memory_space<vmem>>, vector<16xi32>,
    %and3A = arith.constant 15 : i32
    %and3A_4 = arith.andi %add3A, %and3A : i32
    %eq3A = vector.broadcast %and3A_4 : i32 to vector<16xi32>
    %eq3A_5 = arith.cmpi eq, %iota3A, %eq3A : vector<16xi32>
    %jit3A = arith.constant -1 : i32
    %broadcast_in_dim3A = vector.broadcast %jit3A : i32 to vector<16xi32>
    %select_n3A = arith.select %eq3A_5, %get3A_3, %broadcast_in_dim3A : vector<16xi1>, vector<16xi32>
    %reduce_max3A = arith.constant true
    %reduce_max3A_6 = vector.broadcast %reduce_max3A : i1 to vector<16xi1>
    %reduce_max3A_7 = arith.constant -2147483648 : i32
    %reduce_max3A_8 = vector.broadcast %reduce_max3A_7 : i32 to vector<16xi32>
    %reduce_max3A_9 = arith.xori %select_n3A, %reduce_max3A_8 : vector<16xi32>
    %reduce_max3A_10 = tpu.scan <max>, %reduce_max3A_9 masked %reduce_max3A_6 : vector<16xi32>, vector<16xi1> -> vector<16xi32>
    %reduce_max3A_11 = arith.xori %reduce_max3A_10, %reduce_max3A_8 : vector<16xi32>
    %reduce_max3A_12 = vector.extract %reduce_max3A_11[15] : i32 from vector<16xi32>
    %add3A_13 = arith.constant 1 : i32
    %add3A_14 = arith.addi %add3A, %add3A_13 : i32
    %shift_right_arithmetic3A_15 = arith.constant 4 : i32
    %shift_right_arithmetic3A_16 = arith.shrsi %add3A_14, %shift_right_arithmetic3A_15 : i32
    %shift_left3A_17 = arith.constant 4 : i32
    %shift_left3A_18 = arith.shli %shift_right_arithmetic3A_16, %shift_left3A_17 : i32
    %get3A_19 = arith.index_cast %shift_left3A_18 : i32 to index
    %get3A_20 = tpu.vector_load %arg8[%get3A_19] {strides = array<i32>} : memref<48xi32, #tpu.memory_space<vmem>>, vector<16xi32>,
    %and3A_21 = arith.constant 15 : i32
    %and3A_22 = arith.andi %add3A_14, %and3A_21 : i32
    %eq3A_23 = vector.broadcast %and3A_22 : i32 to vector<16xi32>
    %eq3A_24 = arith.cmpi eq, %iota3A, %eq3A_23 : vector<16xi32>
    %jit3A_25 = arith.constant -1 : i32
    %broadcast_in_dim3A_26 = vector.broadcast %jit3A_25 : i32 to vector<16xi32>
    %select_n3A_27 = arith.select %eq3A_24, %get3A_20, %broadcast_in_dim3A_26 : vector<16xi1>, vector<16xi32>
    %reduce_max3A_28 = arith.constant true
    %reduce_max3A_29 = vector.broadcast %reduce_max3A_28 : i1 to vector<16xi1>
    %reduce_max3A_30 = arith.constant -2147483648 : i32
    %reduce_max3A_31 = vector.broadcast %reduce_max3A_30 : i32 to vector<16xi32>
    %reduce_max3A_32 = arith.xori %select_n3A_27, %reduce_max3A_31 : vector<16xi32>
    %reduce_max3A_33 = tpu.scan <max>, %reduce_max3A_32 masked %reduce_max3A_29 : vector<16xi32>, vector<16xi1> -> vector<16xi32>
    %reduce_max3A_34 = arith.xori %reduce_max3A_33, %reduce_max3A_31 : vector<16xi32>
    %reduce_max3A_35 = vector.extract %reduce_max3A_34[15] : i32 from vector<16xi32>
    %shift_right_arithmetic3A_36 = arith.constant 4 : i32
    %shift_right_arithmetic3A_37 = arith.shrsi %reduce_max3A_12, %shift_right_arithmetic3A_36 : i32
    %shift_left3A_38 = arith.constant 4 : i32
    %shift_left3A_39 = arith.shli %shift_right_arithmetic3A_37, %shift_left3A_38 : i32
    %multiple_of3A = tpu.assume_multiple %shift_left3A_39, 16 : i32
    "tpu.region"() ({
      %run_scoped3A = tpu.sem_alloc : memref<!tpu.dma_semaphore, #tpu.memory_space<semaphore_mem>>
      %dma_start3A = tpu.memref_slice %arg4[%multiple_of3A] : memref<16448xi32, #tpu.memory_space<hbm>> -> memref<1032xi32, #tpu.memory_space<hbm>>
      %dma_start3A_101 = tpu.memref_slice %arg4[%multiple_of3A] : memref<16448xi32, #tpu.memory_space<hbm>> -> memref<1032xi32, #tpu.memory_space<hbm>>
      tpu.enqueue_dma source(%dma_start3A_101 : memref<1032xi32, #tpu.memory_space<hbm>>) target(%arg7 : memref<1032xi32, #tpu.memory_space<vmem>>) target_semaphore(%run_scoped3A : memref<!tpu.dma_semaphore, #tpu.memory_space<semaphore_mem>>)
      %dma_wait3A = tpu.memref_slice %arg4[%multiple_of3A] : memref<16448xi32, #tpu.memory_space<hbm>> -> memref<1032xi32, #tpu.memory_space<hbm>>
      %dma_wait3A_102 = tpu.memref_slice %arg4[%multiple_of3A] : memref<16448xi32, #tpu.memory_space<hbm>> -> memref<1032xi32, #tpu.memory_space<hbm>>
      tpu.wait_dma2 semaphore(%run_scoped3A : memref<!tpu.dma_semaphore, #tpu.memory_space<semaphore_mem>>) src(%dma_wait3A_102 : memref<1032xi32, #tpu.memory_space<hbm>>) dst(%arg7 : memref<1032xi32, #tpu.memory_space<vmem>>)
      tpu.yield
    }) : () -> ()
    %mul3A_40 = arith.constant 245 : i32
    %mul3A_41 = arith.muli %add3A, %mul3A_40 : i32
    %add3A_42 = arith.constant 245 : i32
    %add3A_43 = arith.addi %mul3A_41, %add3A_42 : i32
    %min3A = arith.constant 7813 : i32
    %min3A_44 = arith.minsi %add3A_43, %min3A : i32
    %add3A_45 = arith.constant 0 : i32
    %add3A_46 = arith.addi %mul3A_41, %add3A_45 : i32
    %lt3A = arith.cmpi slt, %add3A_46, %min3A_44 : i32
    %convert_element_type3A = arith.extui %lt3A : i1 to i32
    %cond3A = arith.constant 0 : i32
    %cond3A_47 = arith.cmpi ne, %convert_element_type3A, %cond3A : i32
    scf.if %cond3A_47 {
      %add3A_101 = arith.constant 0 : i32
      %add3A_102 = arith.addi %mul3A_41, %add3A_101 : i32
      %lt3A_103 = arith.constant 7812 : i32
      %lt3A_104 = arith.cmpi slt, %add3A_102, %lt3A_103 : i32
      %convert_element_type3A_105 = arith.extui %lt3A_104 : i1 to i32
      %cond3A_106 = arith.constant 0 : i32
      %cond3A_107 = arith.cmpi ne, %convert_element_type3A_105, %cond3A_106 : i32
      scf.if %cond3A_107 {
        %mul3A_113 = arith.constant 128 : i32
        %mul3A_114 = arith.muli %add3A_102, %mul3A_113 : i32
        %dma_start3A = arith.constant 0 : i32
        %dma_start3A_115 = arith.constant 0 : i32
        %dma_start3A_116 = arith.constant 0 : i32
        %dma_start3A_117 = tpu.memref_slice %arg9[%dma_start3A, %dma_start3A_115, %dma_start3A_116] : memref<8x64x128xf32, #tpu.memory_space<vmem>> -> memref<1x64x128xf32, #tpu.memory_space<vmem>>
        %dma_start3A_118 = tpu.memref_squeeze %dma_start3A_117 : memref<1x64x128xf32, #tpu.memory_space<vmem>> -> memref<64x128xf32, #tpu.memory_space<vmem>>
        %dma_start3A_119 = arith.constant 0 : i32
        %dma_start3A_120 = tpu.memref_slice %arg2[%dma_start3A_119, %mul3A_114] : memref<64x1000000xf32, #tpu.memory_space<hbm>> -> memref<64x128xf32, #tpu.memory_space<hbm>>
        %dma_start3A_121 = arith.constant 0 : i32
        %dma_start3A_122 = arith.constant 0 : i32
        %dma_start3A_123 = tpu.memref_slice %arg9[%dma_start3A, %dma_start3A_121, %dma_start3A_122] : memref<8x64x128xf32, #tpu.memory_space<vmem>> -> memref<1x64x128xf32, #tpu.memory_space<vmem>>
        %dma_start3A_124 = tpu.memref_squeeze %dma_start3A_123 : memref<1x64x128xf32, #tpu.memory_space<vmem>> -> memref<64x128xf32, #tpu.memory_space<vmem>>
        %dma_start3A_125 = arith.constant 0 : i32
        %dma_start3A_126 = tpu.memref_slice %arg2[%dma_start3A_125, %mul3A_114] : memref<64x1000000xf32, #tpu.memory_space<hbm>> -> memref<64x128xf32, #tpu.memory_space<hbm>>
        tpu.enqueue_dma source(%dma_start3A_126 : memref<64x128xf32, #tpu.memory_space<hbm>>) target(%dma_start3A_124 : memref<64x128xf32, #tpu.memory_space<vmem>>) target_semaphore(%arg11 : memref<!tpu.dma_semaphore, #tpu.memory_space<semaphore_mem>>)
      } else {
      }
      %eq3A_108 = arith.constant 7812 : i32
      %eq3A_109 = arith.cmpi eq, %add3A_102, %eq3A_108 : i32
      %convert_element_type3A_110 = arith.extui %eq3A_109 : i1 to i32
      %cond3A_111 = arith.constant 0 : i32
      %cond3A_112 = arith.cmpi ne, %convert_element_type3A_110, %cond3A_111 : i32
      scf.if %cond3A_112 {
        %dma_start3A = arith.constant 0 : i32
        %dma_start3A_113 = arith.constant 0 : i32
        %dma_start3A_114 = arith.constant 0 : i32
        %dma_start3A_115 = tpu.memref_slice %arg9[%dma_start3A, %dma_start3A_113, %dma_start3A_114] : memref<8x64x128xf32, #tpu.memory_space<vmem>> -> memref<1x64x128xf32, #tpu.memory_space<vmem>>
        %dma_start3A_116 = tpu.memref_squeeze %dma_start3A_115 : memref<1x64x128xf32, #tpu.memory_space<vmem>> -> memref<64x128xf32, #tpu.memory_space<vmem>>
        %dma_start3A_117 = arith.constant 0 : i32
        %dma_start3A_118 = arith.constant 0 : i32
        %dma_start3A_119 = tpu.memref_slice %arg9[%dma_start3A, %dma_start3A_117, %dma_start3A_118] : memref<8x64x128xf32, #tpu.memory_space<vmem>> -> memref<1x64x128xf32, #tpu.memory_space<vmem>>
        %dma_start3A_120 = tpu.memref_squeeze %dma_start3A_119 : memref<1x64x128xf32, #tpu.memory_space<vmem>> -> memref<64x128xf32, #tpu.memory_space<vmem>>
        tpu.enqueue_dma source(%arg3 : memref<64x128xf32, #tpu.memory_space<hbm>>) target(%dma_start3A_120 : memref<64x128xf32, #tpu.memory_space<vmem>>) target_semaphore(%arg11 : memref<!tpu.dma_semaphore, #tpu.memory_space<semaphore_mem>>)
      } else {
      }
    } else {
    }
    %add3A_48 = arith.constant 1 : i32
    %add3A_49 = arith.addi %mul3A_41, %add3A_48 : i32
    %lt3A_50 = arith.cmpi slt, %add3A_49, %min3A_44 : i32
    %convert_element_type3A_51 = arith.extui %lt3A_50 : i1 to i32
    %cond3A_52 = arith.constant 0 : i32
    %cond3A_53 = arith.cmpi ne, %convert_element_type3A_51, %cond3A_52 : i32
    scf.if %cond3A_53 {
      %add3A_101 = arith.constant 1 : i32
      %add3A_102 = arith.addi %mul3A_41, %add3A_101 : i32
      %lt3A_103 = arith.constant 7812 : i32
      %lt3A_104 = arith.cmpi slt, %add3A_102, %lt3A_103 : i32
      %convert_element_type3A_105 = arith.extui %lt3A_104 : i1 to i32
      %cond3A_106 = arith.constant 0 : i32
      %cond3A_107 = arith.cmpi ne, %convert_element_type3A_105, %cond3A_106 : i32
      scf.if %cond3A_107 {
        %mul3A_113 = arith.constant 128 : i32
        %mul3A_114 = arith.muli %add3A_102, %mul3A_113 : i32
        %dma_start3A = arith.constant 1 : i32
        %dma_start3A_115 = arith.constant 0 : i32
        %dma_start3A_116 = arith.constant 0 : i32
        %dma_start3A_117 = tpu.memref_slice %arg9[%dma_start3A, %dma_start3A_115, %dma_start3A_116] : memref<8x64x128xf32, #tpu.memory_space<vmem>> -> memref<1x64x128xf32, #tpu.memory_space<vmem>>
        %dma_start3A_118 = tpu.memref_squeeze %dma_start3A_117 : memref<1x64x128xf32, #tpu.memory_space<vmem>> -> memref<64x128xf32, #tpu.memory_space<vmem>>
        %dma_start3A_119 = arith.constant 0 : i32
        %dma_start3A_120 = tpu.memref_slice %arg2[%dma_start3A_119, %mul3A_114] : memref<64x1000000xf32, #tpu.memory_space<hbm>> -> memref<64x128xf32, #tpu.memory_space<hbm>>
        %dma_start3A_121 = arith.constant 0 : i32
        %dma_start3A_122 = arith.constant 0 : i32
        %dma_start3A_123 = tpu.memref_slice %arg9[%dma_start3A, %dma_start3A_121, %dma_start3A_122] : memref<8x64x128xf32, #tpu.memory_space<vmem>> -> memref<1x64x128xf32, #tpu.memory_space<vmem>>
        %dma_start3A_124 = tpu.memref_squeeze %dma_start3A_123 : memref<1x64x128xf32, #tpu.memory_space<vmem>> -> memref<64x128xf32, #tpu.memory_space<vmem>>
        %dma_start3A_125 = arith.constant 0 : i32
        %dma_start3A_126 = tpu.memref_slice %arg2[%dma_start3A_125, %mul3A_114] : memref<64x1000000xf32, #tpu.memory_space<hbm>> -> memref<64x128xf32, #tpu.memory_space<hbm>>
        tpu.enqueue_dma source(%dma_start3A_126 : memref<64x128xf32, #tpu.memory_space<hbm>>) target(%dma_start3A_124 : memref<64x128xf32, #tpu.memory_space<vmem>>) target_semaphore(%arg12 : memref<!tpu.dma_semaphore, #tpu.memory_space<semaphore_mem>>)
      } else {
      }
      %eq3A_108 = arith.constant 7812 : i32
      %eq3A_109 = arith.cmpi eq, %add3A_102, %eq3A_108 : i32
      %convert_element_type3A_110 = arith.extui %eq3A_109 : i1 to i32
      %cond3A_111 = arith.constant 0 : i32
      %cond3A_112 = arith.cmpi ne, %convert_element_type3A_110, %cond3A_111 : i32
      scf.if %cond3A_112 {
        %dma_start3A = arith.constant 1 : i32
        %dma_start3A_113 = arith.constant 0 : i32
        %dma_start3A_114 = arith.constant 0 : i32
        %dma_start3A_115 = tpu.memref_slice %arg9[%dma_start3A, %dma_start3A_113, %dma_start3A_114] : memref<8x64x128xf32, #tpu.memory_space<vmem>> -> memref<1x64x128xf32, #tpu.memory_space<vmem>>
        %dma_start3A_116 = tpu.memref_squeeze %dma_start3A_115 : memref<1x64x128xf32, #tpu.memory_space<vmem>> -> memref<64x128xf32, #tpu.memory_space<vmem>>
        %dma_start3A_117 = arith.constant 0 : i32
        %dma_start3A_118 = arith.constant 0 : i32
        %dma_start3A_119 = tpu.memref_slice %arg9[%dma_start3A, %dma_start3A_117, %dma_start3A_118] : memref<8x64x128xf32, #tpu.memory_space<vmem>> -> memref<1x64x128xf32, #tpu.memory_space<vmem>>
        %dma_start3A_120 = tpu.memref_squeeze %dma_start3A_119 : memref<1x64x128xf32, #tpu.memory_space<vmem>> -> memref<64x128xf32, #tpu.memory_space<vmem>>
        tpu.enqueue_dma source(%arg3 : memref<64x128xf32, #tpu.memory_space<hbm>>) target(%dma_start3A_120 : memref<64x128xf32, #tpu.memory_space<vmem>>) target_semaphore(%arg12 : memref<!tpu.dma_semaphore, #tpu.memory_space<semaphore_mem>>)
      } else {
      }
    } else {
    }
    %add3A_54 = arith.constant 2 : i32
    %add3A_55 = arith.addi %mul3A_41, %add3A_54 : i32
    %lt3A_56 = arith.cmpi slt, %add3A_55, %min3A_44 : i32
    %convert_element_type3A_57 = arith.extui %lt3A_56 : i1 to i32
    %cond3A_58 = arith.constant 0 : i32
    %cond3A_59 = arith.cmpi ne, %convert_element_type3A_57, %cond3A_58 : i32
    scf.if %cond3A_59 {
      %add3A_101 = arith.constant 2 : i32
      %add3A_102 = arith.addi %mul3A_41, %add3A_101 : i32
      %lt3A_103 = arith.constant 7812 : i32
      %lt3A_104 = arith.cmpi slt, %add3A_102, %lt3A_103 : i32
      %convert_element_type3A_105 = arith.extui %lt3A_104 : i1 to i32
      %cond3A_106 = arith.constant 0 : i32
      %cond3A_107 = arith.cmpi ne, %convert_element_type3A_105, %cond3A_106 : i32
      scf.if %cond3A_107 {
        %mul3A_113 = arith.constant 128 : i32
        %mul3A_114 = arith.muli %add3A_102, %mul3A_113 : i32
        %dma_start3A = arith.constant 2 : i32
        %dma_start3A_115 = arith.constant 0 : i32
        %dma_start3A_116 = arith.constant 0 : i32
        %dma_start3A_117 = tpu.memref_slice %arg9[%dma_start3A, %dma_start3A_115, %dma_start3A_116] : memref<8x64x128xf32, #tpu.memory_space<vmem>> -> memref<1x64x128xf32, #tpu.memory_space<vmem>>
        %dma_start3A_118 = tpu.memref_squeeze %dma_start3A_117 : memref<1x64x128xf32, #tpu.memory_space<vmem>> -> memref<64x128xf32, #tpu.memory_space<vmem>>
        %dma_start3A_119 = arith.constant 0 : i32
        %dma_start3A_120 = tpu.memref_slice %arg2[%dma_start3A_119, %mul3A_114] : memref<64x1000000xf32, #tpu.memory_space<hbm>> -> memref<64x128xf32, #tpu.memory_space<hbm>>
        %dma_start3A_121 = arith.constant 0 : i32
        %dma_start3A_122 = arith.constant 0 : i32
        %dma_start3A_123 = tpu.memref_slice %arg9[%dma_start3A, %dma_start3A_121, %dma_start3A_122] : memref<8x64x128xf32, #tpu.memory_space<vmem>> -> memref<1x64x128xf32, #tpu.memory_space<vmem>>
        %dma_start3A_124 = tpu.memref_squeeze %dma_start3A_123 : memref<1x64x128xf32, #tpu.memory_space<vmem>> -> memref<64x128xf32, #tpu.memory_space<vmem>>
        %dma_start3A_125 = arith.constant 0 : i32
        %dma_start3A_126 = tpu.memref_slice %arg2[%dma_start3A_125, %mul3A_114] : memref<64x1000000xf32, #tpu.memory_space<hbm>> -> memref<64x128xf32, #tpu.memory_space<hbm>>
        tpu.enqueue_dma source(%dma_start3A_126 : memref<64x128xf32, #tpu.memory_space<hbm>>) target(%dma_start3A_124 : memref<64x128xf32, #tpu.memory_space<vmem>>) target_semaphore(%arg13 : memref<!tpu.dma_semaphore, #tpu.memory_space<semaphore_mem>>)
      } else {
      }
      %eq3A_108 = arith.constant 7812 : i32
      %eq3A_109 = arith.cmpi eq, %add3A_102, %eq3A_108 : i32
      %convert_element_type3A_110 = arith.extui %eq3A_109 : i1 to i32
      %cond3A_111 = arith.constant 0 : i32
      %cond3A_112 = arith.cmpi ne, %convert_element_type3A_110, %cond3A_111 : i32
      scf.if %cond3A_112 {
        %dma_start3A = arith.constant 2 : i32
        %dma_start3A_113 = arith.constant 0 : i32
        %dma_start3A_114 = arith.constant 0 : i32
        %dma_start3A_115 = tpu.memref_slice %arg9[%dma_start3A, %dma_start3A_113, %dma_start3A_114] : memref<8x64x128xf32, #tpu.memory_space<vmem>> -> memref<1x64x128xf32, #tpu.memory_space<vmem>>
        %dma_start3A_116 = tpu.memref_squeeze %dma_start3A_115 : memref<1x64x128xf32, #tpu.memory_space<vmem>> -> memref<64x128xf32, #tpu.memory_space<vmem>>
        %dma_start3A_117 = arith.constant 0 : i32
        %dma_start3A_118 = arith.constant 0 : i32
        %dma_start3A_119 = tpu.memref_slice %arg9[%dma_start3A, %dma_start3A_117, %dma_start3A_118] : memref<8x64x128xf32, #tpu.memory_space<vmem>> -> memref<1x64x128xf32, #tpu.memory_space<vmem>>
        %dma_start3A_120 = tpu.memref_squeeze %dma_start3A_119 : memref<1x64x128xf32, #tpu.memory_space<vmem>> -> memref<64x128xf32, #tpu.memory_space<vmem>>
        tpu.enqueue_dma source(%arg3 : memref<64x128xf32, #tpu.memory_space<hbm>>) target(%dma_start3A_120 : memref<64x128xf32, #tpu.memory_space<vmem>>) target_semaphore(%arg13 : memref<!tpu.dma_semaphore, #tpu.memory_space<semaphore_mem>>)
      } else {
      }
    } else {
    }
    %add3A_60 = arith.constant 3 : i32
    %add3A_61 = arith.addi %mul3A_41, %add3A_60 : i32
    %lt3A_62 = arith.cmpi slt, %add3A_61, %min3A_44 : i32
    %convert_element_type3A_63 = arith.extui %lt3A_62 : i1 to i32
    %cond3A_64 = arith.constant 0 : i32
    %cond3A_65 = arith.cmpi ne, %convert_element_type3A_63, %cond3A_64 : i32
    scf.if %cond3A_65 {
      %add3A_101 = arith.constant 3 : i32
      %add3A_102 = arith.addi %mul3A_41, %add3A_101 : i32
      %lt3A_103 = arith.constant 7812 : i32
      %lt3A_104 = arith.cmpi slt, %add3A_102, %lt3A_103 : i32
      %convert_element_type3A_105 = arith.extui %lt3A_104 : i1 to i32
      %cond3A_106 = arith.constant 0 : i32
      %cond3A_107 = arith.cmpi ne, %convert_element_type3A_105, %cond3A_106 : i32
      scf.if %cond3A_107 {
        %mul3A_113 = arith.constant 128 : i32
        %mul3A_114 = arith.muli %add3A_102, %mul3A_113 : i32
        %dma_start3A = arith.constant 3 : i32
        %dma_start3A_115 = arith.constant 0 : i32
        %dma_start3A_116 = arith.constant 0 : i32
        %dma_start3A_117 = tpu.memref_slice %arg9[%dma_start3A, %dma_start3A_115, %dma_start3A_116] : memref<8x64x128xf32, #tpu.memory_space<vmem>> -> memref<1x64x128xf32, #tpu.memory_space<vmem>>
        %dma_start3A_118 = tpu.memref_squeeze %dma_start3A_117 : memref<1x64x128xf32, #tpu.memory_space<vmem>> -> memref<64x128xf32, #tpu.memory_space<vmem>>
        %dma_start3A_119 = arith.constant 0 : i32
        %dma_start3A_120 = tpu.memref_slice %arg2[%dma_start3A_119, %mul3A_114] : memref<64x1000000xf32, #tpu.memory_space<hbm>> -> memref<64x128xf32, #tpu.memory_space<hbm>>
        %dma_start3A_121 = arith.constant 0 : i32
        %dma_start3A_122 = arith.constant 0 : i32
        %dma_start3A_123 = tpu.memref_slice %arg9[%dma_start3A, %dma_start3A_121, %dma_start3A_122] : memref<8x64x128xf32, #tpu.memory_space<vmem>> -> memref<1x64x128xf32, #tpu.memory_space<vmem>>
        %dma_start3A_124 = tpu.memref_squeeze %dma_start3A_123 : memref<1x64x128xf32, #tpu.memory_space<vmem>> -> memref<64x128xf32, #tpu.memory_space<vmem>>
        %dma_start3A_125 = arith.constant 0 : i32
        %dma_start3A_126 = tpu.memref_slice %arg2[%dma_start3A_125, %mul3A_114] : memref<64x1000000xf32, #tpu.memory_space<hbm>> -> memref<64x128xf32, #tpu.memory_space<hbm>>
        tpu.enqueue_dma source(%dma_start3A_126 : memref<64x128xf32, #tpu.memory_space<hbm>>) target(%dma_start3A_124 : memref<64x128xf32, #tpu.memory_space<vmem>>) target_semaphore(%arg14 : memref<!tpu.dma_semaphore, #tpu.memory_space<semaphore_mem>>)
      } else {
      }
      %eq3A_108 = arith.constant 7812 : i32
      %eq3A_109 = arith.cmpi eq, %add3A_102, %eq3A_108 : i32
      %convert_element_type3A_110 = arith.extui %eq3A_109 : i1 to i32
      %cond3A_111 = arith.constant 0 : i32
      %cond3A_112 = arith.cmpi ne, %convert_element_type3A_110, %cond3A_111 : i32
      scf.if %cond3A_112 {
        %dma_start3A = arith.constant 3 : i32
        %dma_start3A_113 = arith.constant 0 : i32
        %dma_start3A_114 = arith.constant 0 : i32
        %dma_start3A_115 = tpu.memref_slice %arg9[%dma_start3A, %dma_start3A_113, %dma_start3A_114] : memref<8x64x128xf32, #tpu.memory_space<vmem>> -> memref<1x64x128xf32, #tpu.memory_space<vmem>>
        %dma_start3A_116 = tpu.memref_squeeze %dma_start3A_115 : memref<1x64x128xf32, #tpu.memory_space<vmem>> -> memref<64x128xf32, #tpu.memory_space<vmem>>
        %dma_start3A_117 = arith.constant 0 : i32
        %dma_start3A_118 = arith.constant 0 : i32
        %dma_start3A_119 = tpu.memref_slice %arg9[%dma_start3A, %dma_start3A_117, %dma_start3A_118] : memref<8x64x128xf32, #tpu.memory_space<vmem>> -> memref<1x64x128xf32, #tpu.memory_space<vmem>>
        %dma_start3A_120 = tpu.memref_squeeze %dma_start3A_119 : memref<1x64x128xf32, #tpu.memory_space<vmem>> -> memref<64x128xf32, #tpu.memory_space<vmem>>
        tpu.enqueue_dma source(%arg3 : memref<64x128xf32, #tpu.memory_space<hbm>>) target(%dma_start3A_120 : memref<64x128xf32, #tpu.memory_space<vmem>>) target_semaphore(%arg14 : memref<!tpu.dma_semaphore, #tpu.memory_space<semaphore_mem>>)
      } else {
      }
    } else {
    }
    %add3A_66 = arith.constant 4 : i32
    %add3A_67 = arith.addi %mul3A_41, %add3A_66 : i32
    %lt3A_68 = arith.cmpi slt, %add3A_67, %min3A_44 : i32
    %convert_element_type3A_69 = arith.extui %lt3A_68 : i1 to i32
    %cond3A_70 = arith.constant 0 : i32
    %cond3A_71 = arith.cmpi ne, %convert_element_type3A_69, %cond3A_70 : i32
    scf.if %cond3A_71 {
      %add3A_101 = arith.constant 4 : i32
      %add3A_102 = arith.addi %mul3A_41, %add3A_101 : i32
      %lt3A_103 = arith.constant 7812 : i32
      %lt3A_104 = arith.cmpi slt, %add3A_102, %lt3A_103 : i32
      %convert_element_type3A_105 = arith.extui %lt3A_104 : i1 to i32
      %cond3A_106 = arith.constant 0 : i32
      %cond3A_107 = arith.cmpi ne, %convert_element_type3A_105, %cond3A_106 : i32
      scf.if %cond3A_107 {
        %mul3A_113 = arith.constant 128 : i32
        %mul3A_114 = arith.muli %add3A_102, %mul3A_113 : i32
        %dma_start3A = arith.constant 4 : i32
        %dma_start3A_115 = arith.constant 0 : i32
        %dma_start3A_116 = arith.constant 0 : i32
        %dma_start3A_117 = tpu.memref_slice %arg9[%dma_start3A, %dma_start3A_115, %dma_start3A_116] : memref<8x64x128xf32, #tpu.memory_space<vmem>> -> memref<1x64x128xf32, #tpu.memory_space<vmem>>
        %dma_start3A_118 = tpu.memref_squeeze %dma_start3A_117 : memref<1x64x128xf32, #tpu.memory_space<vmem>> -> memref<64x128xf32, #tpu.memory_space<vmem>>
        %dma_start3A_119 = arith.constant 0 : i32
        %dma_start3A_120 = tpu.memref_slice %arg2[%dma_start3A_119, %mul3A_114] : memref<64x1000000xf32, #tpu.memory_space<hbm>> -> memref<64x128xf32, #tpu.memory_space<hbm>>
        %dma_start3A_121 = arith.constant 0 : i32
        %dma_start3A_122 = arith.constant 0 : i32
        %dma_start3A_123 = tpu.memref_slice %arg9[%dma_start3A, %dma_start3A_121, %dma_start3A_122] : memref<8x64x128xf32, #tpu.memory_space<vmem>> -> memref<1x64x128xf32, #tpu.memory_space<vmem>>
        %dma_start3A_124 = tpu.memref_squeeze %dma_start3A_123 : memref<1x64x128xf32, #tpu.memory_space<vmem>> -> memref<64x128xf32, #tpu.memory_space<vmem>>
        %dma_start3A_125 = arith.constant 0 : i32
        %dma_start3A_126 = tpu.memref_slice %arg2[%dma_start3A_125, %mul3A_114] : memref<64x1000000xf32, #tpu.memory_space<hbm>> -> memref<64x128xf32, #tpu.memory_space<hbm>>
        tpu.enqueue_dma source(%dma_start3A_126 : memref<64x128xf32, #tpu.memory_space<hbm>>) target(%dma_start3A_124 : memref<64x128xf32, #tpu.memory_space<vmem>>) target_semaphore(%arg15 : memref<!tpu.dma_semaphore, #tpu.memory_space<semaphore_mem>>)
      } else {
      }
      %eq3A_108 = arith.constant 7812 : i32
      %eq3A_109 = arith.cmpi eq, %add3A_102, %eq3A_108 : i32
      %convert_element_type3A_110 = arith.extui %eq3A_109 : i1 to i32
      %cond3A_111 = arith.constant 0 : i32
      %cond3A_112 = arith.cmpi ne, %convert_element_type3A_110, %cond3A_111 : i32
      scf.if %cond3A_112 {
        %dma_start3A = arith.constant 4 : i32
        %dma_start3A_113 = arith.constant 0 : i32
        %dma_start3A_114 = arith.constant 0 : i32
        %dma_start3A_115 = tpu.memref_slice %arg9[%dma_start3A, %dma_start3A_113, %dma_start3A_114] : memref<8x64x128xf32, #tpu.memory_space<vmem>> -> memref<1x64x128xf32, #tpu.memory_space<vmem>>
        %dma_start3A_116 = tpu.memref_squeeze %dma_start3A_115 : memref<1x64x128xf32, #tpu.memory_space<vmem>> -> memref<64x128xf32, #tpu.memory_space<vmem>>
        %dma_start3A_117 = arith.constant 0 : i32
        %dma_start3A_118 = arith.constant 0 : i32
        %dma_start3A_119 = tpu.memref_slice %arg9[%dma_start3A, %dma_start3A_117, %dma_start3A_118] : memref<8x64x128xf32, #tpu.memory_space<vmem>> -> memref<1x64x128xf32, #tpu.memory_space<vmem>>
        %dma_start3A_120 = tpu.memref_squeeze %dma_start3A_119 : memref<1x64x128xf32, #tpu.memory_space<vmem>> -> memref<64x128xf32, #tpu.memory_space<vmem>>
        tpu.enqueue_dma source(%arg3 : memref<64x128xf32, #tpu.memory_space<hbm>>) target(%dma_start3A_120 : memref<64x128xf32, #tpu.memory_space<vmem>>) target_semaphore(%arg15 : memref<!tpu.dma_semaphore, #tpu.memory_space<semaphore_mem>>)
      } else {
      }
    } else {
    }
    %add3A_72 = arith.constant 5 : i32
    %add3A_73 = arith.addi %mul3A_41, %add3A_72 : i32
    %lt3A_74 = arith.cmpi slt, %add3A_73, %min3A_44 : i32
    %convert_element_type3A_75 = arith.extui %lt3A_74 : i1 to i32
    %cond3A_76 = arith.constant 0 : i32
    %cond3A_77 = arith.cmpi ne, %convert_element_type3A_75, %cond3A_76 : i32
    scf.if %cond3A_77 {
      %add3A_101 = arith.constant 5 : i32
      %add3A_102 = arith.addi %mul3A_41, %add3A_101 : i32
      %lt3A_103 = arith.constant 7812 : i32
      %lt3A_104 = arith.cmpi slt, %add3A_102, %lt3A_103 : i32
      %convert_element_type3A_105 = arith.extui %lt3A_104 : i1 to i32
      %cond3A_106 = arith.constant 0 : i32
      %cond3A_107 = arith.cmpi ne, %convert_element_type3A_105, %cond3A_106 : i32
      scf.if %cond3A_107 {
        %mul3A_113 = arith.constant 128 : i32
        %mul3A_114 = arith.muli %add3A_102, %mul3A_113 : i32
        %dma_start3A = arith.constant 5 : i32
        %dma_start3A_115 = arith.constant 0 : i32
        %dma_start3A_116 = arith.constant 0 : i32
        %dma_start3A_117 = tpu.memref_slice %arg9[%dma_start3A, %dma_start3A_115, %dma_start3A_116] : memref<8x64x128xf32, #tpu.memory_space<vmem>> -> memref<1x64x128xf32, #tpu.memory_space<vmem>>
        %dma_start3A_118 = tpu.memref_squeeze %dma_start3A_117 : memref<1x64x128xf32, #tpu.memory_space<vmem>> -> memref<64x128xf32, #tpu.memory_space<vmem>>
        %dma_start3A_119 = arith.constant 0 : i32
        %dma_start3A_120 = tpu.memref_slice %arg2[%dma_start3A_119, %mul3A_114] : memref<64x1000000xf32, #tpu.memory_space<hbm>> -> memref<64x128xf32, #tpu.memory_space<hbm>>
        %dma_start3A_121 = arith.constant 0 : i32
        %dma_start3A_122 = arith.constant 0 : i32
        %dma_start3A_123 = tpu.memref_slice %arg9[%dma_start3A, %dma_start3A_121, %dma_start3A_122] : memref<8x64x128xf32, #tpu.memory_space<vmem>> -> memref<1x64x128xf32, #tpu.memory_space<vmem>>
        %dma_start3A_124 = tpu.memref_squeeze %dma_start3A_123 : memref<1x64x128xf32, #tpu.memory_space<vmem>> -> memref<64x128xf32, #tpu.memory_space<vmem>>
        %dma_start3A_125 = arith.constant 0 : i32
        %dma_start3A_126 = tpu.memref_slice %arg2[%dma_start3A_125, %mul3A_114] : memref<64x1000000xf32, #tpu.memory_space<hbm>> -> memref<64x128xf32, #tpu.memory_space<hbm>>
        tpu.enqueue_dma source(%dma_start3A_126 : memref<64x128xf32, #tpu.memory_space<hbm>>) target(%dma_start3A_124 : memref<64x128xf32, #tpu.memory_space<vmem>>) target_semaphore(%arg16 : memref<!tpu.dma_semaphore, #tpu.memory_space<semaphore_mem>>)
      } else {
      }
      %eq3A_108 = arith.constant 7812 : i32
      %eq3A_109 = arith.cmpi eq, %add3A_102, %eq3A_108 : i32
      %convert_element_type3A_110 = arith.extui %eq3A_109 : i1 to i32
      %cond3A_111 = arith.constant 0 : i32
      %cond3A_112 = arith.cmpi ne, %convert_element_type3A_110, %cond3A_111 : i32
      scf.if %cond3A_112 {
        %dma_start3A = arith.constant 5 : i32
        %dma_start3A_113 = arith.constant 0 : i32
        %dma_start3A_114 = arith.constant 0 : i32
        %dma_start3A_115 = tpu.memref_slice %arg9[%dma_start3A, %dma_start3A_113, %dma_start3A_114] : memref<8x64x128xf32, #tpu.memory_space<vmem>> -> memref<1x64x128xf32, #tpu.memory_space<vmem>>
        %dma_start3A_116 = tpu.memref_squeeze %dma_start3A_115 : memref<1x64x128xf32, #tpu.memory_space<vmem>> -> memref<64x128xf32, #tpu.memory_space<vmem>>
        %dma_start3A_117 = arith.constant 0 : i32
        %dma_start3A_118 = arith.constant 0 : i32
        %dma_start3A_119 = tpu.memref_slice %arg9[%dma_start3A, %dma_start3A_117, %dma_start3A_118] : memref<8x64x128xf32, #tpu.memory_space<vmem>> -> memref<1x64x128xf32, #tpu.memory_space<vmem>>
        %dma_start3A_120 = tpu.memref_squeeze %dma_start3A_119 : memref<1x64x128xf32, #tpu.memory_space<vmem>> -> memref<64x128xf32, #tpu.memory_space<vmem>>
        tpu.enqueue_dma source(%arg3 : memref<64x128xf32, #tpu.memory_space<hbm>>) target(%dma_start3A_120 : memref<64x128xf32, #tpu.memory_space<vmem>>) target_semaphore(%arg16 : memref<!tpu.dma_semaphore, #tpu.memory_space<semaphore_mem>>)
      } else {
      }
    } else {
    }
    %add3A_78 = arith.constant 6 : i32
    %add3A_79 = arith.addi %mul3A_41, %add3A_78 : i32
    %lt3A_80 = arith.cmpi slt, %add3A_79, %min3A_44 : i32
    %convert_element_type3A_81 = arith.extui %lt3A_80 : i1 to i32
    %cond3A_82 = arith.constant 0 : i32
    %cond3A_83 = arith.cmpi ne, %convert_element_type3A_81, %cond3A_82 : i32
    scf.if %cond3A_83 {
      %add3A_101 = arith.constant 6 : i32
      %add3A_102 = arith.addi %mul3A_41, %add3A_101 : i32
      %lt3A_103 = arith.constant 7812 : i32
      %lt3A_104 = arith.cmpi slt, %add3A_102, %lt3A_103 : i32
      %convert_element_type3A_105 = arith.extui %lt3A_104 : i1 to i32
      %cond3A_106 = arith.constant 0 : i32
      %cond3A_107 = arith.cmpi ne, %convert_element_type3A_105, %cond3A_106 : i32
      scf.if %cond3A_107 {
        %mul3A_113 = arith.constant 128 : i32
        %mul3A_114 = arith.muli %add3A_102, %mul3A_113 : i32
        %dma_start3A = arith.constant 6 : i32
        %dma_start3A_115 = arith.constant 0 : i32
        %dma_start3A_116 = arith.constant 0 : i32
        %dma_start3A_117 = tpu.memref_slice %arg9[%dma_start3A, %dma_start3A_115, %dma_start3A_116] : memref<8x64x128xf32, #tpu.memory_space<vmem>> -> memref<1x64x128xf32, #tpu.memory_space<vmem>>
        %dma_start3A_118 = tpu.memref_squeeze %dma_start3A_117 : memref<1x64x128xf32, #tpu.memory_space<vmem>> -> memref<64x128xf32, #tpu.memory_space<vmem>>
        %dma_start3A_119 = arith.constant 0 : i32
        %dma_start3A_120 = tpu.memref_slice %arg2[%dma_start3A_119, %mul3A_114] : memref<64x1000000xf32, #tpu.memory_space<hbm>> -> memref<64x128xf32, #tpu.memory_space<hbm>>
        %dma_start3A_121 = arith.constant 0 : i32
        %dma_start3A_122 = arith.constant 0 : i32
        %dma_start3A_123 = tpu.memref_slice %arg9[%dma_start3A, %dma_start3A_121, %dma_start3A_122] : memref<8x64x128xf32, #tpu.memory_space<vmem>> -> memref<1x64x128xf32, #tpu.memory_space<vmem>>
        %dma_start3A_124 = tpu.memref_squeeze %dma_start3A_123 : memref<1x64x128xf32, #tpu.memory_space<vmem>> -> memref<64x128xf32, #tpu.memory_space<vmem>>
        %dma_start3A_125 = arith.constant 0 : i32
        %dma_start3A_126 = tpu.memref_slice %arg2[%dma_start3A_125, %mul3A_114] : memref<64x1000000xf32, #tpu.memory_space<hbm>> -> memref<64x128xf32, #tpu.memory_space<hbm>>
        tpu.enqueue_dma source(%dma_start3A_126 : memref<64x128xf32, #tpu.memory_space<hbm>>) target(%dma_start3A_124 : memref<64x128xf32, #tpu.memory_space<vmem>>) target_semaphore(%arg17 : memref<!tpu.dma_semaphore, #tpu.memory_space<semaphore_mem>>)
      } else {
      }
      %eq3A_108 = arith.constant 7812 : i32
      %eq3A_109 = arith.cmpi eq, %add3A_102, %eq3A_108 : i32
      %convert_element_type3A_110 = arith.extui %eq3A_109 : i1 to i32
      %cond3A_111 = arith.constant 0 : i32
      %cond3A_112 = arith.cmpi ne, %convert_element_type3A_110, %cond3A_111 : i32
      scf.if %cond3A_112 {
        %dma_start3A = arith.constant 6 : i32
        %dma_start3A_113 = arith.constant 0 : i32
        %dma_start3A_114 = arith.constant 0 : i32
        %dma_start3A_115 = tpu.memref_slice %arg9[%dma_start3A, %dma_start3A_113, %dma_start3A_114] : memref<8x64x128xf32, #tpu.memory_space<vmem>> -> memref<1x64x128xf32, #tpu.memory_space<vmem>>
        %dma_start3A_116 = tpu.memref_squeeze %dma_start3A_115 : memref<1x64x128xf32, #tpu.memory_space<vmem>> -> memref<64x128xf32, #tpu.memory_space<vmem>>
        %dma_start3A_117 = arith.constant 0 : i32
        %dma_start3A_118 = arith.constant 0 : i32
        %dma_start3A_119 = tpu.memref_slice %arg9[%dma_start3A, %dma_start3A_117, %dma_start3A_118] : memref<8x64x128xf32, #tpu.memory_space<vmem>> -> memref<1x64x128xf32, #tpu.memory_space<vmem>>
        %dma_start3A_120 = tpu.memref_squeeze %dma_start3A_119 : memref<1x64x128xf32, #tpu.memory_space<vmem>> -> memref<64x128xf32, #tpu.memory_space<vmem>>
        tpu.enqueue_dma source(%arg3 : memref<64x128xf32, #tpu.memory_space<hbm>>) target(%dma_start3A_120 : memref<64x128xf32, #tpu.memory_space<vmem>>) target_semaphore(%arg17 : memref<!tpu.dma_semaphore, #tpu.memory_space<semaphore_mem>>)
      } else {
      }
    } else {
    }
    %scan3A = arith.constant 0 : i32
    %scan3A_84 = arith.constant 31 : i32
    %scan3A_85 = arith.addi %scan3A, %scan3A_84 : i32
    %scan3A_86 = arith.constant 1 : i32
    %scan3A_87 = scf.for %scan3A_101 = %scan3A to %scan3A_85 step %scan3A_86 iter_args(%scan3A_102 = %reduce_max3A_12) -> (i32)  : i32 {
      %mul3A_103 = arith.constant 8 : i32
      %mul3A_104 = arith.muli %mul3A_103, %scan3A_101 : i32
      %add3A_105 = arith.addi %mul3A_41, %mul3A_104 : i32
      %add3A_106 = arith.constant 0 : i32
      %add3A_107 = arith.addi %add3A_105, %add3A_106 : i32
      %lt3A_108 = arith.cmpi slt, %add3A_107, %min3A_44 : i32
      %convert_element_type3A_109 = arith.extui %lt3A_108 : i1 to i32
      %cond3A_110 = arith.constant 0 : i32
      %cond3A_111 = arith.cmpi ne, %convert_element_type3A_109, %cond3A_110 : i32
      %cond3A_112 = scf.if %cond3A_111 -> (i32) {
        %dma_wait3A = arith.constant 0 : i32
        %dma_wait3A_183 = arith.constant 0 : i32
        %dma_wait3A_184 = arith.constant 0 : i32
        %dma_wait3A_185 = tpu.memref_slice %arg9[%dma_wait3A, %dma_wait3A_183, %dma_wait3A_184] : memref<8x64x128xf32, #tpu.memory_space<vmem>> -> memref<1x64x128xf32, #tpu.memory_space<vmem>>
        %dma_wait3A_186 = tpu.memref_squeeze %dma_wait3A_185 : memref<1x64x128xf32, #tpu.memory_space<vmem>> -> memref<64x128xf32, #tpu.memory_space<vmem>>
        %dma_wait3A_187 = arith.constant 0 : i32
        %dma_wait3A_188 = arith.constant 0 : i32
        %dma_wait3A_189 = tpu.memref_slice %arg2[%dma_wait3A_187, %dma_wait3A_188] : memref<64x1000000xf32, #tpu.memory_space<hbm>> -> memref<64x128xf32, #tpu.memory_space<hbm>>
        %dma_wait3A_190 = arith.constant 0 : i32
        %dma_wait3A_191 = arith.constant 0 : i32
        %dma_wait3A_192 = tpu.memref_slice %arg9[%dma_wait3A, %dma_wait3A_190, %dma_wait3A_191] : memref<8x64x128xf32, #tpu.memory_space<vmem>> -> memref<1x64x128xf32, #tpu.memory_space<vmem>>
        %dma_wait3A_193 = tpu.memref_squeeze %dma_wait3A_192 : memref<1x64x128xf32, #tpu.memory_space<vmem>> -> memref<64x128xf32, #tpu.memory_space<vmem>>
        %dma_wait3A_194 = arith.constant 0 : i32
        %dma_wait3A_195 = arith.constant 0 : i32
        %dma_wait3A_196 = tpu.memref_slice %arg2[%dma_wait3A_194, %dma_wait3A_195] : memref<64x1000000xf32, #tpu.memory_space<hbm>> -> memref<64x128xf32, #tpu.memory_space<hbm>>
        tpu.wait_dma2 semaphore(%arg11 : memref<!tpu.dma_semaphore, #tpu.memory_space<semaphore_mem>>) src(%dma_wait3A_196 : memref<64x128xf32, #tpu.memory_space<hbm>>) dst(%dma_wait3A_193 : memref<64x128xf32, #tpu.memory_space<vmem>>)
        %add3A_197 = arith.constant 8 : i32
        %add3A_198 = arith.addi %add3A_107, %add3A_197 : i32
        %sub3A_199 = arith.constant 1 : i32
        %sub3A_200 = arith.subi %add3A_198, %sub3A_199 : i32
        %lt3A_201 = arith.cmpi slt, %sub3A_200, %min3A_44 : i32
        %convert_element_type3A_202 = arith.extui %lt3A_201 : i1 to i32
        %cond3A_203 = arith.constant 0 : i32
        %cond3A_204 = arith.cmpi ne, %convert_element_type3A_202, %cond3A_203 : i32
        scf.if %cond3A_204 {
          %add3A_209 = arith.constant 8 : i32
          %add3A_210 = arith.addi %add3A_107, %add3A_209 : i32
          %sub3A_211 = arith.constant 1 : i32
          %sub3A_212 = arith.subi %add3A_210, %sub3A_211 : i32
          %lt3A_213 = arith.constant 7812 : i32
          %lt3A_214 = arith.cmpi slt, %sub3A_212, %lt3A_213 : i32
          %convert_element_type3A_215 = arith.extui %lt3A_214 : i1 to i32
          %cond3A_216 = arith.constant 0 : i32
          %cond3A_217 = arith.cmpi ne, %convert_element_type3A_215, %cond3A_216 : i32
          scf.if %cond3A_217 {
            %mul3A_223 = arith.constant 128 : i32
            %mul3A_224 = arith.muli %sub3A_212, %mul3A_223 : i32
            %dma_start3A = arith.constant 7 : i32
            %dma_start3A_225 = arith.constant 0 : i32
            %dma_start3A_226 = arith.constant 0 : i32
            %dma_start3A_227 = tpu.memref_slice %arg9[%dma_start3A, %dma_start3A_225, %dma_start3A_226] : memref<8x64x128xf32, #tpu.memory_space<vmem>> -> memref<1x64x128xf32, #tpu.memory_space<vmem>>
            %dma_start3A_228 = tpu.memref_squeeze %dma_start3A_227 : memref<1x64x128xf32, #tpu.memory_space<vmem>> -> memref<64x128xf32, #tpu.memory_space<vmem>>
            %dma_start3A_229 = arith.constant 0 : i32
            %dma_start3A_230 = tpu.memref_slice %arg2[%dma_start3A_229, %mul3A_224] : memref<64x1000000xf32, #tpu.memory_space<hbm>> -> memref<64x128xf32, #tpu.memory_space<hbm>>
            %dma_start3A_231 = arith.constant 0 : i32
            %dma_start3A_232 = arith.constant 0 : i32
            %dma_start3A_233 = tpu.memref_slice %arg9[%dma_start3A, %dma_start3A_231, %dma_start3A_232] : memref<8x64x128xf32, #tpu.memory_space<vmem>> -> memref<1x64x128xf32, #tpu.memory_space<vmem>>
            %dma_start3A_234 = tpu.memref_squeeze %dma_start3A_233 : memref<1x64x128xf32, #tpu.memory_space<vmem>> -> memref<64x128xf32, #tpu.memory_space<vmem>>
            %dma_start3A_235 = arith.constant 0 : i32
            %dma_start3A_236 = tpu.memref_slice %arg2[%dma_start3A_235, %mul3A_224] : memref<64x1000000xf32, #tpu.memory_space<hbm>> -> memref<64x128xf32, #tpu.memory_space<hbm>>
            tpu.enqueue_dma source(%dma_start3A_236 : memref<64x128xf32, #tpu.memory_space<hbm>>) target(%dma_start3A_234 : memref<64x128xf32, #tpu.memory_space<vmem>>) target_semaphore(%arg18 : memref<!tpu.dma_semaphore, #tpu.memory_space<semaphore_mem>>)
          } else {
          }
          %eq3A_218 = arith.constant 7812 : i32
          %eq3A_219 = arith.cmpi eq, %sub3A_212, %eq3A_218 : i32
          %convert_element_type3A_220 = arith.extui %eq3A_219 : i1 to i32
          %cond3A_221 = arith.constant 0 : i32
          %cond3A_222 = arith.cmpi ne, %convert_element_type3A_220, %cond3A_221 : i32
          scf.if %cond3A_222 {
            %dma_start3A = arith.constant 7 : i32
            %dma_start3A_223 = arith.constant 0 : i32
            %dma_start3A_224 = arith.constant 0 : i32
            %dma_start3A_225 = tpu.memref_slice %arg9[%dma_start3A, %dma_start3A_223, %dma_start3A_224] : memref<8x64x128xf32, #tpu.memory_space<vmem>> -> memref<1x64x128xf32, #tpu.memory_space<vmem>>
            %dma_start3A_226 = tpu.memref_squeeze %dma_start3A_225 : memref<1x64x128xf32, #tpu.memory_space<vmem>> -> memref<64x128xf32, #tpu.memory_space<vmem>>
            %dma_start3A_227 = arith.constant 0 : i32
            %dma_start3A_228 = arith.constant 0 : i32
            %dma_start3A_229 = tpu.memref_slice %arg9[%dma_start3A, %dma_start3A_227, %dma_start3A_228] : memref<8x64x128xf32, #tpu.memory_space<vmem>> -> memref<1x64x128xf32, #tpu.memory_space<vmem>>
            %dma_start3A_230 = tpu.memref_squeeze %dma_start3A_229 : memref<1x64x128xf32, #tpu.memory_space<vmem>> -> memref<64x128xf32, #tpu.memory_space<vmem>>
            tpu.enqueue_dma source(%arg3 : memref<64x128xf32, #tpu.memory_space<hbm>>) target(%dma_start3A_230 : memref<64x128xf32, #tpu.memory_space<vmem>>) target_semaphore(%arg18 : memref<!tpu.dma_semaphore, #tpu.memory_space<semaphore_mem>>)
          } else {
          }
        } else {
        }
        %add3A_205 = arith.constant 1 : i32
        %add3A_206 = arith.addi %add3A_107, %add3A_205 : i32
        %mul3A_207 = arith.constant 128 : i32
        %mul3A_208 = arith.muli %add3A_206, %mul3A_207 : i32
        %while3A = scf.while (%while3A_209 = %scan3A_102) : (i32) -> i32 {
          %lt3A_210 = arith.cmpi slt, %while3A_209, %reduce_max3A_35 : i32
          %sub3A_211 = arith.subi %while3A_209, %multiple_of3A : i32
          %shift_right_arithmetic3A_212 = arith.constant 4 : i32
          %shift_right_arithmetic3A_213 = arith.shrsi %sub3A_211, %shift_right_arithmetic3A_212 : i32
          %shift_left3A_214 = arith.constant 4 : i32
          %shift_left3A_215 = arith.shli %shift_right_arithmetic3A_213, %shift_left3A_214 : i32
          %get3A_216 = arith.index_cast %shift_left3A_215 : i32 to index
          %get3A_217 = tpu.vector_load %arg7[%get3A_216] {strides = array<i32>} : memref<1032xi32, #tpu.memory_space<vmem>>, vector<16xi32>,
          %and3A_218 = arith.constant 15 : i32
          %and3A_219 = arith.andi %sub3A_211, %and3A_218 : i32
          %eq3A_220 = vector.broadcast %and3A_219 : i32 to vector<16xi32>
          %eq3A_221 = arith.cmpi eq, %iota3A, %eq3A_220 : vector<16xi32>
          %jit3A_222 = arith.constant -1 : i32
          %broadcast_in_dim3A_223 = vector.broadcast %jit3A_222 : i32 to vector<16xi32>
          %select_n3A_224 = arith.select %eq3A_221, %get3A_217, %broadcast_in_dim3A_223 : vector<16xi1>, vector<16xi32>
          %reduce_max3A_225 = arith.constant true
          %reduce_max3A_226 = vector.broadcast %reduce_max3A_225 : i1 to vector<16xi1>
          %reduce_max3A_227 = arith.constant -2147483648 : i32
          %reduce_max3A_228 = vector.broadcast %reduce_max3A_227 : i32 to vector<16xi32>
          %reduce_max3A_229 = arith.xori %select_n3A_224, %reduce_max3A_228 : vector<16xi32>
          %reduce_max3A_230 = tpu.scan <max>, %reduce_max3A_229 masked %reduce_max3A_226 : vector<16xi32>, vector<16xi1> -> vector<16xi32>
          %reduce_max3A_231 = arith.xori %reduce_max3A_230, %reduce_max3A_228 : vector<16xi32>
          %reduce_max3A_232 = vector.extract %reduce_max3A_231[15] : i32 from vector<16xi32>
          %lt3A_233 = arith.cmpi slt, %reduce_max3A_232, %mul3A_208 : i32
          %and3A_234 = arith.andi %lt3A_210, %lt3A_233 : i1
          scf.condition(%and3A_234) %while3A_209 : i32
        } do {
        ^bb0(%while3A_209: i32):
          %sub3A_210 = arith.subi %while3A_209, %multiple_of3A : i32
          %shift_right_arithmetic3A_211 = arith.constant 4 : i32
          %shift_right_arithmetic3A_212 = arith.shrsi %sub3A_210, %shift_right_arithmetic3A_211 : i32
          %shift_left3A_213 = arith.constant 4 : i32
          %shift_left3A_214 = arith.shli %shift_right_arithmetic3A_212, %shift_left3A_213 : i32
          %get3A_215 = arith.index_cast %shift_left3A_214 : i32 to index
          %get3A_216 = tpu.vector_load %arg7[%get3A_215] {strides = array<i32>} : memref<1032xi32, #tpu.memory_space<vmem>>, vector<16xi32>,
          %and3A_217 = arith.constant 15 : i32
          %and3A_218 = arith.andi %sub3A_210, %and3A_217 : i32
          %eq3A_219 = vector.broadcast %and3A_218 : i32 to vector<16xi32>
          %eq3A_220 = arith.cmpi eq, %iota3A, %eq3A_219 : vector<16xi32>
          %jit3A_221 = arith.constant -1 : i32
          %broadcast_in_dim3A_222 = vector.broadcast %jit3A_221 : i32 to vector<16xi32>
          %select_n3A_223 = arith.select %eq3A_220, %get3A_216, %broadcast_in_dim3A_222 : vector<16xi1>, vector<16xi32>
          %reduce_max3A_224 = arith.constant true
          %reduce_max3A_225 = vector.broadcast %reduce_max3A_224 : i1 to vector<16xi1>
          %reduce_max3A_226 = arith.constant -2147483648 : i32
          %reduce_max3A_227 = vector.broadcast %reduce_max3A_226 : i32 to vector<16xi32>
          %reduce_max3A_228 = arith.xori %select_n3A_223, %reduce_max3A_227 : vector<16xi32>
          %reduce_max3A_229 = tpu.scan <max>, %reduce_max3A_228 masked %reduce_max3A_225 : vector<16xi32>, vector<16xi1> -> vector<16xi32>
          %reduce_max3A_230 = arith.xori %reduce_max3A_229, %reduce_max3A_227 : vector<16xi32>
          %reduce_max3A_231 = vector.extract %reduce_max3A_230[15] : i32 from vector<16xi32>
          %mul3A_232 = arith.constant 128 : i32
          %mul3A_233 = arith.muli %add3A_107, %mul3A_232 : i32
          %sub3A_234 = arith.subi %reduce_max3A_231, %mul3A_233 : i32
          %sub3A_235 = arith.subi %while3A_209, %reduce_max3A_12 : i32
          %broadcast_in_dim3A_236 = arith.constant 0 : i32
          %broadcast_in_dim3A_237 = vector.broadcast %broadcast_in_dim3A_236 : i32 to vector<16xi32>
          %add3A_238 = arith.constant 0 : i32
          %add3A_239 = vector.broadcast %add3A_238 : i32 to vector<16xi32>
          %add3A_240 = arith.addi %iota3A, %add3A_239 : vector<16xi32>
          %broadcast_in_dim3A_241 = arith.constant 0 : i32
          %broadcast_in_dim3A_242 = vector.broadcast %broadcast_in_dim3A_241 : i32 to vector<16xi32>
          %add3A_243 = vector.broadcast %sub3A_234 : i32 to vector<16xi32>
          %add3A_244 = arith.addi %broadcast_in_dim3A_242, %add3A_243 : vector<16xi32>
          %gather3A = tpu.vector_load_idx %arg9[%broadcast_in_dim3A_237, %add3A_240, %add3A_244] : memref<8x64x128xf32, #tpu.memory_space<vmem>>[vector<16xi32>, vector<16xi32>, vector<16xi32>], vector<16xf32>,
          %shift_right_arithmetic3A_245 = arith.constant 1 : i32
          %shift_right_arithmetic3A_246 = arith.shrsi %sub3A_235, %shift_right_arithmetic3A_245 : i32
          %and3A_247 = arith.constant 1 : i32
          %and3A_248 = arith.andi %sub3A_235, %and3A_247 : i32
          %mul3A_249 = arith.constant 64 : i32
          %mul3A_250 = arith.muli %and3A_248, %mul3A_249 : i32
          %add3A_251 = arith.constant 0 : i32
          %add3A_252 = arith.addi %mul3A_250, %add3A_251 : i32
          %swap3A = arith.index_cast %shift_right_arithmetic3A_246 : i32 to index
          %swap3A_253 = arith.index_cast %add3A_252 : i32 to index
          %swap3A_254 = tpu.vector_load %arg10[%swap3A, %swap3A_253] {strides = array<i32>} : memref<496x128xf32, #tpu.memory_space<vmem>>, vector<16xf32>,
          tpu.vector_store %arg10[%swap3A, %swap3A_253], %gather3A {strides = array<i32>} : memref<496x128xf32, #tpu.memory_space<vmem>>, vector<16xf32>,
          %broadcast_in_dim3A_255 = arith.constant 0 : i32
          %broadcast_in_dim3A_256 = vector.broadcast %broadcast_in_dim3A_255 : i32 to vector<16xi32>
          %add3A_257 = arith.constant 16 : i32
          %add3A_258 = vector.broadcast %add3A_257 : i32 to vector<16xi32>
          %add3A_259 = arith.addi %iota3A, %add3A_258 : vector<16xi32>
          %broadcast_in_dim3A_260 = arith.constant 0 : i32
          %broadcast_in_dim3A_261 = vector.broadcast %broadcast_in_dim3A_260 : i32 to vector<16xi32>
          %add3A_262 = vector.broadcast %sub3A_234 : i32 to vector<16xi32>
          %add3A_263 = arith.addi %broadcast_in_dim3A_261, %add3A_262 : vector<16xi32>
          %gather3A_264 = tpu.vector_load_idx %arg9[%broadcast_in_dim3A_256, %add3A_259, %add3A_263] : memref<8x64x128xf32, #tpu.memory_space<vmem>>[vector<16xi32>, vector<16xi32>, vector<16xi32>], vector<16xf32>,
          %shift_right_arithmetic3A_265 = arith.constant 1 : i32
          %shift_right_arithmetic3A_266 = arith.shrsi %sub3A_235, %shift_right_arithmetic3A_265 : i32
          %and3A_267 = arith.constant 1 : i32
          %and3A_268 = arith.andi %sub3A_235, %and3A_267 : i32
          %mul3A_269 = arith.constant 64 : i32
          %mul3A_270 = arith.muli %and3A_268, %mul3A_269 : i32
          %add3A_271 = arith.constant 16 : i32
          %add3A_272 = arith.addi %mul3A_270, %add3A_271 : i32
          %swap3A_273 = arith.index_cast %shift_right_arithmetic3A_266 : i32 to index
          %swap3A_274 = arith.index_cast %add3A_272 : i32 to index
          %swap3A_275 = tpu.vector_load %arg10[%swap3A_273, %swap3A_274] {strides = array<i32>} : memref<496x128xf32, #tpu.memory_space<vmem>>, vector<16xf32>,
          tpu.vector_store %arg10[%swap3A_273, %swap3A_274], %gather3A_264 {strides = array<i32>} : memref<496x128xf32, #tpu.memory_space<vmem>>, vector<16xf32>,
          %broadcast_in_dim3A_276 = arith.constant 0 : i32
          %broadcast_in_dim3A_277 = vector.broadcast %broadcast_in_dim3A_276 : i32 to vector<16xi32>
          %add3A_278 = arith.constant 32 : i32
          %add3A_279 = vector.broadcast %add3A_278 : i32 to vector<16xi32>
          %add3A_280 = arith.addi %iota3A, %add3A_279 : vector<16xi32>
          %broadcast_in_dim3A_281 = arith.constant 0 : i32
          %broadcast_in_dim3A_282 = vector.broadcast %broadcast_in_dim3A_281 : i32 to vector<16xi32>
          %add3A_283 = vector.broadcast %sub3A_234 : i32 to vector<16xi32>
          %add3A_284 = arith.addi %broadcast_in_dim3A_282, %add3A_283 : vector<16xi32>
          %gather3A_285 = tpu.vector_load_idx %arg9[%broadcast_in_dim3A_277, %add3A_280, %add3A_284] : memref<8x64x128xf32, #tpu.memory_space<vmem>>[vector<16xi32>, vector<16xi32>, vector<16xi32>], vector<16xf32>,
          %shift_right_arithmetic3A_286 = arith.constant 1 : i32
          %shift_right_arithmetic3A_287 = arith.shrsi %sub3A_235, %shift_right_arithmetic3A_286 : i32
          %and3A_288 = arith.constant 1 : i32
          %and3A_289 = arith.andi %sub3A_235, %and3A_288 : i32
          %mul3A_290 = arith.constant 64 : i32
          %mul3A_291 = arith.muli %and3A_289, %mul3A_290 : i32
          %add3A_292 = arith.constant 32 : i32
          %add3A_293 = arith.addi %mul3A_291, %add3A_292 : i32
          %swap3A_294 = arith.index_cast %shift_right_arithmetic3A_287 : i32 to index
          %swap3A_295 = arith.index_cast %add3A_293 : i32 to index
          %swap3A_296 = tpu.vector_load %arg10[%swap3A_294, %swap3A_295] {strides = array<i32>} : memref<496x128xf32, #tpu.memory_space<vmem>>, vector<16xf32>,
          tpu.vector_store %arg10[%swap3A_294, %swap3A_295], %gather3A_285 {strides = array<i32>} : memref<496x128xf32, #tpu.memory_space<vmem>>, vector<16xf32>,
          %broadcast_in_dim3A_297 = arith.constant 0 : i32
          %broadcast_in_dim3A_298 = vector.broadcast %broadcast_in_dim3A_297 : i32 to vector<16xi32>
          %add3A_299 = arith.constant 48 : i32
          %add3A_300 = vector.broadcast %add3A_299 : i32 to vector<16xi32>
          %add3A_301 = arith.addi %iota3A, %add3A_300 : vector<16xi32>
          %broadcast_in_dim3A_302 = arith.constant 0 : i32
          %broadcast_in_dim3A_303 = vector.broadcast %broadcast_in_dim3A_302 : i32 to vector<16xi32>
          %add3A_304 = vector.broadcast %sub3A_234 : i32 to vector<16xi32>
          %add3A_305 = arith.addi %broadcast_in_dim3A_303, %add3A_304 : vector<16xi32>
          %gather3A_306 = tpu.vector_load_idx %arg9[%broadcast_in_dim3A_298, %add3A_301, %add3A_305] : memref<8x64x128xf32, #tpu.memory_space<vmem>>[vector<16xi32>, vector<16xi32>, vector<16xi32>], vector<16xf32>,
          %shift_right_arithmetic3A_307 = arith.constant 1 : i32
          %shift_right_arithmetic3A_308 = arith.shrsi %sub3A_235, %shift_right_arithmetic3A_307 : i32
          %and3A_309 = arith.constant 1 : i32
          %and3A_310 = arith.andi %sub3A_235, %and3A_309 : i32
          %mul3A_311 = arith.constant 64 : i32
          %mul3A_312 = arith.muli %and3A_310, %mul3A_311 : i32
          %add3A_313 = arith.constant 48 : i32
          %add3A_314 = arith.addi %mul3A_312, %add3A_313 : i32
          %swap3A_315 = arith.index_cast %shift_right_arithmetic3A_308 : i32 to index
          %swap3A_316 = arith.index_cast %add3A_314 : i32 to index
          %swap3A_317 = tpu.vector_load %arg10[%swap3A_315, %swap3A_316] {strides = array<i32>} : memref<496x128xf32, #tpu.memory_space<vmem>>, vector<16xf32>,
          tpu.vector_store %arg10[%swap3A_315, %swap3A_316], %gather3A_306 {strides = array<i32>} : memref<496x128xf32, #tpu.memory_space<vmem>>, vector<16xf32>,
          %add3A_318 = arith.constant 1 : i32
          %add3A_319 = arith.addi %while3A_209, %add3A_318 : i32
          scf.yield %add3A_319 : i32
        }
        scf.yield %while3A : i32
      } else {
        scf.yield %scan3A_102 : i32
      }
      %mul3A_113 = arith.constant 8 : i32
      %mul3A_114 = arith.muli %mul3A_113, %scan3A_101 : i32
      %add3A_115 = arith.addi %mul3A_41, %mul3A_114 : i32
      %add3A_116 = arith.constant 1 : i32
      %add3A_117 = arith.addi %add3A_115, %add3A_116 : i32
      %lt3A_118 = arith.cmpi slt, %add3A_117, %min3A_44 : i32
      %convert_element_type3A_119 = arith.extui %lt3A_118 : i1 to i32
      %cond3A_120 = arith.constant 0 : i32
      %cond3A_121 = arith.cmpi ne, %convert_element_type3A_119, %cond3A_120 : i32
      %cond3A_122 = scf.if %cond3A_121 -> (i32) {
        %dma_wait3A = arith.constant 1 : i32
        %dma_wait3A_183 = arith.constant 0 : i32
        %dma_wait3A_184 = arith.constant 0 : i32
        %dma_wait3A_185 = tpu.memref_slice %arg9[%dma_wait3A, %dma_wait3A_183, %dma_wait3A_184] : memref<8x64x128xf32, #tpu.memory_space<vmem>> -> memref<1x64x128xf32, #tpu.memory_space<vmem>>
        %dma_wait3A_186 = tpu.memref_squeeze %dma_wait3A_185 : memref<1x64x128xf32, #tpu.memory_space<vmem>> -> memref<64x128xf32, #tpu.memory_space<vmem>>
        %dma_wait3A_187 = arith.constant 0 : i32
        %dma_wait3A_188 = arith.constant 0 : i32
        %dma_wait3A_189 = tpu.memref_slice %arg2[%dma_wait3A_187, %dma_wait3A_188] : memref<64x1000000xf32, #tpu.memory_space<hbm>> -> memref<64x128xf32, #tpu.memory_space<hbm>>
        %dma_wait3A_190 = arith.constant 0 : i32
        %dma_wait3A_191 = arith.constant 0 : i32
        %dma_wait3A_192 = tpu.memref_slice %arg9[%dma_wait3A, %dma_wait3A_190, %dma_wait3A_191] : memref<8x64x128xf32, #tpu.memory_space<vmem>> -> memref<1x64x128xf32, #tpu.memory_space<vmem>>
        %dma_wait3A_193 = tpu.memref_squeeze %dma_wait3A_192 : memref<1x64x128xf32, #tpu.memory_space<vmem>> -> memref<64x128xf32, #tpu.memory_space<vmem>>
        %dma_wait3A_194 = arith.constant 0 : i32
        %dma_wait3A_195 = arith.constant 0 : i32
        %dma_wait3A_196 = tpu.memref_slice %arg2[%dma_wait3A_194, %dma_wait3A_195] : memref<64x1000000xf32, #tpu.memory_space<hbm>> -> memref<64x128xf32, #tpu.memory_space<hbm>>
        tpu.wait_dma2 semaphore(%arg12 : memref<!tpu.dma_semaphore, #tpu.memory_space<semaphore_mem>>) src(%dma_wait3A_196 : memref<64x128xf32, #tpu.memory_space<hbm>>) dst(%dma_wait3A_193 : memref<64x128xf32, #tpu.memory_space<vmem>>)
        %add3A_197 = arith.constant 8 : i32
        %add3A_198 = arith.addi %add3A_117, %add3A_197 : i32
        %sub3A_199 = arith.constant 1 : i32
        %sub3A_200 = arith.subi %add3A_198, %sub3A_199 : i32
        %lt3A_201 = arith.cmpi slt, %sub3A_200, %min3A_44 : i32
        %convert_element_type3A_202 = arith.extui %lt3A_201 : i1 to i32
        %cond3A_203 = arith.constant 0 : i32
        %cond3A_204 = arith.cmpi ne, %convert_element_type3A_202, %cond3A_203 : i32
        scf.if %cond3A_204 {
          %add3A_209 = arith.constant 8 : i32
          %add3A_210 = arith.addi %add3A_117, %add3A_209 : i32
          %sub3A_211 = arith.constant 1 : i32
          %sub3A_212 = arith.subi %add3A_210, %sub3A_211 : i32
          %lt3A_213 = arith.constant 7812 : i32
          %lt3A_214 = arith.cmpi slt, %sub3A_212, %lt3A_213 : i32
          %convert_element_type3A_215 = arith.extui %lt3A_214 : i1 to i32
          %cond3A_216 = arith.constant 0 : i32
          %cond3A_217 = arith.cmpi ne, %convert_element_type3A_215, %cond3A_216 : i32
          scf.if %cond3A_217 {
            %mul3A_223 = arith.constant 128 : i32
            %mul3A_224 = arith.muli %sub3A_212, %mul3A_223 : i32
            %dma_start3A = arith.constant 0 : i32
            %dma_start3A_225 = arith.constant 0 : i32
            %dma_start3A_226 = arith.constant 0 : i32
            %dma_start3A_227 = tpu.memref_slice %arg9[%dma_start3A, %dma_start3A_225, %dma_start3A_226] : memref<8x64x128xf32, #tpu.memory_space<vmem>> -> memref<1x64x128xf32, #tpu.memory_space<vmem>>
            %dma_start3A_228 = tpu.memref_squeeze %dma_start3A_227 : memref<1x64x128xf32, #tpu.memory_space<vmem>> -> memref<64x128xf32, #tpu.memory_space<vmem>>
            %dma_start3A_229 = arith.constant 0 : i32
            %dma_start3A_230 = tpu.memref_slice %arg2[%dma_start3A_229, %mul3A_224] : memref<64x1000000xf32, #tpu.memory_space<hbm>> -> memref<64x128xf32, #tpu.memory_space<hbm>>
            %dma_start3A_231 = arith.constant 0 : i32
            %dma_start3A_232 = arith.constant 0 : i32
            %dma_start3A_233 = tpu.memref_slice %arg9[%dma_start3A, %dma_start3A_231, %dma_start3A_232] : memref<8x64x128xf32, #tpu.memory_space<vmem>> -> memref<1x64x128xf32, #tpu.memory_space<vmem>>
            %dma_start3A_234 = tpu.memref_squeeze %dma_start3A_233 : memref<1x64x128xf32, #tpu.memory_space<vmem>> -> memref<64x128xf32, #tpu.memory_space<vmem>>
            %dma_start3A_235 = arith.constant 0 : i32
            %dma_start3A_236 = tpu.memref_slice %arg2[%dma_start3A_235, %mul3A_224] : memref<64x1000000xf32, #tpu.memory_space<hbm>> -> memref<64x128xf32, #tpu.memory_space<hbm>>
            tpu.enqueue_dma source(%dma_start3A_236 : memref<64x128xf32, #tpu.memory_space<hbm>>) target(%dma_start3A_234 : memref<64x128xf32, #tpu.memory_space<vmem>>) target_semaphore(%arg11 : memref<!tpu.dma_semaphore, #tpu.memory_space<semaphore_mem>>)
          } else {
          }
          %eq3A_218 = arith.constant 7812 : i32
          %eq3A_219 = arith.cmpi eq, %sub3A_212, %eq3A_218 : i32
          %convert_element_type3A_220 = arith.extui %eq3A_219 : i1 to i32
          %cond3A_221 = arith.constant 0 : i32
          %cond3A_222 = arith.cmpi ne, %convert_element_type3A_220, %cond3A_221 : i32
          scf.if %cond3A_222 {
            %dma_start3A = arith.constant 0 : i32
            %dma_start3A_223 = arith.constant 0 : i32
            %dma_start3A_224 = arith.constant 0 : i32
            %dma_start3A_225 = tpu.memref_slice %arg9[%dma_start3A, %dma_start3A_223, %dma_start3A_224] : memref<8x64x128xf32, #tpu.memory_space<vmem>> -> memref<1x64x128xf32, #tpu.memory_space<vmem>>
            %dma_start3A_226 = tpu.memref_squeeze %dma_start3A_225 : memref<1x64x128xf32, #tpu.memory_space<vmem>> -> memref<64x128xf32, #tpu.memory_space<vmem>>
            %dma_start3A_227 = arith.constant 0 : i32
            %dma_start3A_228 = arith.constant 0 : i32
            %dma_start3A_229 = tpu.memref_slice %arg9[%dma_start3A, %dma_start3A_227, %dma_start3A_228] : memref<8x64x128xf32, #tpu.memory_space<vmem>> -> memref<1x64x128xf32, #tpu.memory_space<vmem>>
            %dma_start3A_230 = tpu.memref_squeeze %dma_start3A_229 : memref<1x64x128xf32, #tpu.memory_space<vmem>> -> memref<64x128xf32, #tpu.memory_space<vmem>>
            tpu.enqueue_dma source(%arg3 : memref<64x128xf32, #tpu.memory_space<hbm>>) target(%dma_start3A_230 : memref<64x128xf32, #tpu.memory_space<vmem>>) target_semaphore(%arg11 : memref<!tpu.dma_semaphore, #tpu.memory_space<semaphore_mem>>)
          } else {
          }
        } else {
        }
        %add3A_205 = arith.constant 1 : i32
        %add3A_206 = arith.addi %add3A_117, %add3A_205 : i32
        %mul3A_207 = arith.constant 128 : i32
        %mul3A_208 = arith.muli %add3A_206, %mul3A_207 : i32
        %while3A = scf.while (%while3A_209 = %cond3A_112) : (i32) -> i32 {
          %lt3A_210 = arith.cmpi slt, %while3A_209, %reduce_max3A_35 : i32
          %sub3A_211 = arith.subi %while3A_209, %multiple_of3A : i32
          %shift_right_arithmetic3A_212 = arith.constant 4 : i32
          %shift_right_arithmetic3A_213 = arith.shrsi %sub3A_211, %shift_right_arithmetic3A_212 : i32
          %shift_left3A_214 = arith.constant 4 : i32
          %shift_left3A_215 = arith.shli %shift_right_arithmetic3A_213, %shift_left3A_214 : i32
          %get3A_216 = arith.index_cast %shift_left3A_215 : i32 to index
          %get3A_217 = tpu.vector_load %arg7[%get3A_216] {strides = array<i32>} : memref<1032xi32, #tpu.memory_space<vmem>>, vector<16xi32>,
          %and3A_218 = arith.constant 15 : i32
          %and3A_219 = arith.andi %sub3A_211, %and3A_218 : i32
          %eq3A_220 = vector.broadcast %and3A_219 : i32 to vector<16xi32>
          %eq3A_221 = arith.cmpi eq, %iota3A, %eq3A_220 : vector<16xi32>
          %jit3A_222 = arith.constant -1 : i32
          %broadcast_in_dim3A_223 = vector.broadcast %jit3A_222 : i32 to vector<16xi32>
          %select_n3A_224 = arith.select %eq3A_221, %get3A_217, %broadcast_in_dim3A_223 : vector<16xi1>, vector<16xi32>
          %reduce_max3A_225 = arith.constant true
          %reduce_max3A_226 = vector.broadcast %reduce_max3A_225 : i1 to vector<16xi1>
          %reduce_max3A_227 = arith.constant -2147483648 : i32
          %reduce_max3A_228 = vector.broadcast %reduce_max3A_227 : i32 to vector<16xi32>
          %reduce_max3A_229 = arith.xori %select_n3A_224, %reduce_max3A_228 : vector<16xi32>
          %reduce_max3A_230 = tpu.scan <max>, %reduce_max3A_229 masked %reduce_max3A_226 : vector<16xi32>, vector<16xi1> -> vector<16xi32>
          %reduce_max3A_231 = arith.xori %reduce_max3A_230, %reduce_max3A_228 : vector<16xi32>
          %reduce_max3A_232 = vector.extract %reduce_max3A_231[15] : i32 from vector<16xi32>
          %lt3A_233 = arith.cmpi slt, %reduce_max3A_232, %mul3A_208 : i32
          %and3A_234 = arith.andi %lt3A_210, %lt3A_233 : i1
          scf.condition(%and3A_234) %while3A_209 : i32
        } do {
        ^bb0(%while3A_209: i32):
          %sub3A_210 = arith.subi %while3A_209, %multiple_of3A : i32
          %shift_right_arithmetic3A_211 = arith.constant 4 : i32
          %shift_right_arithmetic3A_212 = arith.shrsi %sub3A_210, %shift_right_arithmetic3A_211 : i32
          %shift_left3A_213 = arith.constant 4 : i32
          %shift_left3A_214 = arith.shli %shift_right_arithmetic3A_212, %shift_left3A_213 : i32
          %get3A_215 = arith.index_cast %shift_left3A_214 : i32 to index
          %get3A_216 = tpu.vector_load %arg7[%get3A_215] {strides = array<i32>} : memref<1032xi32, #tpu.memory_space<vmem>>, vector<16xi32>,
          %and3A_217 = arith.constant 15 : i32
          %and3A_218 = arith.andi %sub3A_210, %and3A_217 : i32
          %eq3A_219 = vector.broadcast %and3A_218 : i32 to vector<16xi32>
          %eq3A_220 = arith.cmpi eq, %iota3A, %eq3A_219 : vector<16xi32>
          %jit3A_221 = arith.constant -1 : i32
          %broadcast_in_dim3A_222 = vector.broadcast %jit3A_221 : i32 to vector<16xi32>
          %select_n3A_223 = arith.select %eq3A_220, %get3A_216, %broadcast_in_dim3A_222 : vector<16xi1>, vector<16xi32>
          %reduce_max3A_224 = arith.constant true
          %reduce_max3A_225 = vector.broadcast %reduce_max3A_224 : i1 to vector<16xi1>
          %reduce_max3A_226 = arith.constant -2147483648 : i32
          %reduce_max3A_227 = vector.broadcast %reduce_max3A_226 : i32 to vector<16xi32>
          %reduce_max3A_228 = arith.xori %select_n3A_223, %reduce_max3A_227 : vector<16xi32>
          %reduce_max3A_229 = tpu.scan <max>, %reduce_max3A_228 masked %reduce_max3A_225 : vector<16xi32>, vector<16xi1> -> vector<16xi32>
          %reduce_max3A_230 = arith.xori %reduce_max3A_229, %reduce_max3A_227 : vector<16xi32>
          %reduce_max3A_231 = vector.extract %reduce_max3A_230[15] : i32 from vector<16xi32>
          %mul3A_232 = arith.constant 128 : i32
          %mul3A_233 = arith.muli %add3A_117, %mul3A_232 : i32
          %sub3A_234 = arith.subi %reduce_max3A_231, %mul3A_233 : i32
          %sub3A_235 = arith.subi %while3A_209, %reduce_max3A_12 : i32
          %broadcast_in_dim3A_236 = arith.constant 1 : i32
          %broadcast_in_dim3A_237 = vector.broadcast %broadcast_in_dim3A_236 : i32 to vector<16xi32>
          %add3A_238 = arith.constant 0 : i32
          %add3A_239 = vector.broadcast %add3A_238 : i32 to vector<16xi32>
          %add3A_240 = arith.addi %iota3A, %add3A_239 : vector<16xi32>
          %broadcast_in_dim3A_241 = arith.constant 0 : i32
          %broadcast_in_dim3A_242 = vector.broadcast %broadcast_in_dim3A_241 : i32 to vector<16xi32>
          %add3A_243 = vector.broadcast %sub3A_234 : i32 to vector<16xi32>
          %add3A_244 = arith.addi %broadcast_in_dim3A_242, %add3A_243 : vector<16xi32>
          %gather3A = tpu.vector_load_idx %arg9[%broadcast_in_dim3A_237, %add3A_240, %add3A_244] : memref<8x64x128xf32, #tpu.memory_space<vmem>>[vector<16xi32>, vector<16xi32>, vector<16xi32>], vector<16xf32>,
          %shift_right_arithmetic3A_245 = arith.constant 1 : i32
          %shift_right_arithmetic3A_246 = arith.shrsi %sub3A_235, %shift_right_arithmetic3A_245 : i32
          %and3A_247 = arith.constant 1 : i32
          %and3A_248 = arith.andi %sub3A_235, %and3A_247 : i32
          %mul3A_249 = arith.constant 64 : i32
          %mul3A_250 = arith.muli %and3A_248, %mul3A_249 : i32
          %add3A_251 = arith.constant 0 : i32
          %add3A_252 = arith.addi %mul3A_250, %add3A_251 : i32
          %swap3A = arith.index_cast %shift_right_arithmetic3A_246 : i32 to index
          %swap3A_253 = arith.index_cast %add3A_252 : i32 to index
          %swap3A_254 = tpu.vector_load %arg10[%swap3A, %swap3A_253] {strides = array<i32>} : memref<496x128xf32, #tpu.memory_space<vmem>>, vector<16xf32>,
          tpu.vector_store %arg10[%swap3A, %swap3A_253], %gather3A {strides = array<i32>} : memref<496x128xf32, #tpu.memory_space<vmem>>, vector<16xf32>,
          %broadcast_in_dim3A_255 = arith.constant 1 : i32
          %broadcast_in_dim3A_256 = vector.broadcast %broadcast_in_dim3A_255 : i32 to vector<16xi32>
          %add3A_257 = arith.constant 16 : i32
          %add3A_258 = vector.broadcast %add3A_257 : i32 to vector<16xi32>
          %add3A_259 = arith.addi %iota3A, %add3A_258 : vector<16xi32>
          %broadcast_in_dim3A_260 = arith.constant 0 : i32
          %broadcast_in_dim3A_261 = vector.broadcast %broadcast_in_dim3A_260 : i32 to vector<16xi32>
          %add3A_262 = vector.broadcast %sub3A_234 : i32 to vector<16xi32>
          %add3A_263 = arith.addi %broadcast_in_dim3A_261, %add3A_262 : vector<16xi32>
          %gather3A_264 = tpu.vector_load_idx %arg9[%broadcast_in_dim3A_256, %add3A_259, %add3A_263] : memref<8x64x128xf32, #tpu.memory_space<vmem>>[vector<16xi32>, vector<16xi32>, vector<16xi32>], vector<16xf32>,
          %shift_right_arithmetic3A_265 = arith.constant 1 : i32
          %shift_right_arithmetic3A_266 = arith.shrsi %sub3A_235, %shift_right_arithmetic3A_265 : i32
          %and3A_267 = arith.constant 1 : i32
          %and3A_268 = arith.andi %sub3A_235, %and3A_267 : i32
          %mul3A_269 = arith.constant 64 : i32
          %mul3A_270 = arith.muli %and3A_268, %mul3A_269 : i32
          %add3A_271 = arith.constant 16 : i32
          %add3A_272 = arith.addi %mul3A_270, %add3A_271 : i32
          %swap3A_273 = arith.index_cast %shift_right_arithmetic3A_266 : i32 to index
          %swap3A_274 = arith.index_cast %add3A_272 : i32 to index
          %swap3A_275 = tpu.vector_load %arg10[%swap3A_273, %swap3A_274] {strides = array<i32>} : memref<496x128xf32, #tpu.memory_space<vmem>>, vector<16xf32>,
          tpu.vector_store %arg10[%swap3A_273, %swap3A_274], %gather3A_264 {strides = array<i32>} : memref<496x128xf32, #tpu.memory_space<vmem>>, vector<16xf32>,
          %broadcast_in_dim3A_276 = arith.constant 1 : i32
          %broadcast_in_dim3A_277 = vector.broadcast %broadcast_in_dim3A_276 : i32 to vector<16xi32>
          %add3A_278 = arith.constant 32 : i32
          %add3A_279 = vector.broadcast %add3A_278 : i32 to vector<16xi32>
          %add3A_280 = arith.addi %iota3A, %add3A_279 : vector<16xi32>
          %broadcast_in_dim3A_281 = arith.constant 0 : i32
          %broadcast_in_dim3A_282 = vector.broadcast %broadcast_in_dim3A_281 : i32 to vector<16xi32>
          %add3A_283 = vector.broadcast %sub3A_234 : i32 to vector<16xi32>
          %add3A_284 = arith.addi %broadcast_in_dim3A_282, %add3A_283 : vector<16xi32>
          %gather3A_285 = tpu.vector_load_idx %arg9[%broadcast_in_dim3A_277, %add3A_280, %add3A_284] : memref<8x64x128xf32, #tpu.memory_space<vmem>>[vector<16xi32>, vector<16xi32>, vector<16xi32>], vector<16xf32>,
          %shift_right_arithmetic3A_286 = arith.constant 1 : i32
          %shift_right_arithmetic3A_287 = arith.shrsi %sub3A_235, %shift_right_arithmetic3A_286 : i32
          %and3A_288 = arith.constant 1 : i32
          %and3A_289 = arith.andi %sub3A_235, %and3A_288 : i32
          %mul3A_290 = arith.constant 64 : i32
          %mul3A_291 = arith.muli %and3A_289, %mul3A_290 : i32
          %add3A_292 = arith.constant 32 : i32
          %add3A_293 = arith.addi %mul3A_291, %add3A_292 : i32
          %swap3A_294 = arith.index_cast %shift_right_arithmetic3A_287 : i32 to index
          %swap3A_295 = arith.index_cast %add3A_293 : i32 to index
          %swap3A_296 = tpu.vector_load %arg10[%swap3A_294, %swap3A_295] {strides = array<i32>} : memref<496x128xf32, #tpu.memory_space<vmem>>, vector<16xf32>,
          tpu.vector_store %arg10[%swap3A_294, %swap3A_295], %gather3A_285 {strides = array<i32>} : memref<496x128xf32, #tpu.memory_space<vmem>>, vector<16xf32>,
          %broadcast_in_dim3A_297 = arith.constant 1 : i32
          %broadcast_in_dim3A_298 = vector.broadcast %broadcast_in_dim3A_297 : i32 to vector<16xi32>
          %add3A_299 = arith.constant 48 : i32
          %add3A_300 = vector.broadcast %add3A_299 : i32 to vector<16xi32>
          %add3A_301 = arith.addi %iota3A, %add3A_300 : vector<16xi32>
          %broadcast_in_dim3A_302 = arith.constant 0 : i32
          %broadcast_in_dim3A_303 = vector.broadcast %broadcast_in_dim3A_302 : i32 to vector<16xi32>
          %add3A_304 = vector.broadcast %sub3A_234 : i32 to vector<16xi32>
          %add3A_305 = arith.addi %broadcast_in_dim3A_303, %add3A_304 : vector<16xi32>
          %gather3A_306 = tpu.vector_load_idx %arg9[%broadcast_in_dim3A_298, %add3A_301, %add3A_305] : memref<8x64x128xf32, #tpu.memory_space<vmem>>[vector<16xi32>, vector<16xi32>, vector<16xi32>], vector<16xf32>,
          %shift_right_arithmetic3A_307 = arith.constant 1 : i32
          %shift_right_arithmetic3A_308 = arith.shrsi %sub3A_235, %shift_right_arithmetic3A_307 : i32
          %and3A_309 = arith.constant 1 : i32
          %and3A_310 = arith.andi %sub3A_235, %and3A_309 : i32
          %mul3A_311 = arith.constant 64 : i32
          %mul3A_312 = arith.muli %and3A_310, %mul3A_311 : i32
          %add3A_313 = arith.constant 48 : i32
          %add3A_314 = arith.addi %mul3A_312, %add3A_313 : i32
          %swap3A_315 = arith.index_cast %shift_right_arithmetic3A_308 : i32 to index
          %swap3A_316 = arith.index_cast %add3A_314 : i32 to index
          %swap3A_317 = tpu.vector_load %arg10[%swap3A_315, %swap3A_316] {strides = array<i32>} : memref<496x128xf32, #tpu.memory_space<vmem>>, vector<16xf32>,
          tpu.vector_store %arg10[%swap3A_315, %swap3A_316], %gather3A_306 {strides = array<i32>} : memref<496x128xf32, #tpu.memory_space<vmem>>, vector<16xf32>,
          %add3A_318 = arith.constant 1 : i32
          %add3A_319 = arith.addi %while3A_209, %add3A_318 : i32
          scf.yield %add3A_319 : i32
        }
        scf.yield %while3A : i32
      } else {
        scf.yield %cond3A_112 : i32
      }
      %mul3A_123 = arith.constant 8 : i32
      %mul3A_124 = arith.muli %mul3A_123, %scan3A_101 : i32
      %add3A_125 = arith.addi %mul3A_41, %mul3A_124 : i32
      %add3A_126 = arith.constant 2 : i32
      %add3A_127 = arith.addi %add3A_125, %add3A_126 : i32
      %lt3A_128 = arith.cmpi slt, %add3A_127, %min3A_44 : i32
      %convert_element_type3A_129 = arith.extui %lt3A_128 : i1 to i32
      %cond3A_130 = arith.constant 0 : i32
      %cond3A_131 = arith.cmpi ne, %convert_element_type3A_129, %cond3A_130 : i32
      %cond3A_132 = scf.if %cond3A_131 -> (i32) {
        %dma_wait3A = arith.constant 2 : i32
        %dma_wait3A_183 = arith.constant 0 : i32
        %dma_wait3A_184 = arith.constant 0 : i32
        %dma_wait3A_185 = tpu.memref_slice %arg9[%dma_wait3A, %dma_wait3A_183, %dma_wait3A_184] : memref<8x64x128xf32, #tpu.memory_space<vmem>> -> memref<1x64x128xf32, #tpu.memory_space<vmem>>
        %dma_wait3A_186 = tpu.memref_squeeze %dma_wait3A_185 : memref<1x64x128xf32, #tpu.memory_space<vmem>> -> memref<64x128xf32, #tpu.memory_space<vmem>>
        %dma_wait3A_187 = arith.constant 0 : i32
        %dma_wait3A_188 = arith.constant 0 : i32
        %dma_wait3A_189 = tpu.memref_slice %arg2[%dma_wait3A_187, %dma_wait3A_188] : memref<64x1000000xf32, #tpu.memory_space<hbm>> -> memref<64x128xf32, #tpu.memory_space<hbm>>
        %dma_wait3A_190 = arith.constant 0 : i32
        %dma_wait3A_191 = arith.constant 0 : i32
        %dma_wait3A_192 = tpu.memref_slice %arg9[%dma_wait3A, %dma_wait3A_190, %dma_wait3A_191] : memref<8x64x128xf32, #tpu.memory_space<vmem>> -> memref<1x64x128xf32, #tpu.memory_space<vmem>>
        %dma_wait3A_193 = tpu.memref_squeeze %dma_wait3A_192 : memref<1x64x128xf32, #tpu.memory_space<vmem>> -> memref<64x128xf32, #tpu.memory_space<vmem>>
        %dma_wait3A_194 = arith.constant 0 : i32
        %dma_wait3A_195 = arith.constant 0 : i32
        %dma_wait3A_196 = tpu.memref_slice %arg2[%dma_wait3A_194, %dma_wait3A_195] : memref<64x1000000xf32, #tpu.memory_space<hbm>> -> memref<64x128xf32, #tpu.memory_space<hbm>>
        tpu.wait_dma2 semaphore(%arg13 : memref<!tpu.dma_semaphore, #tpu.memory_space<semaphore_mem>>) src(%dma_wait3A_196 : memref<64x128xf32, #tpu.memory_space<hbm>>) dst(%dma_wait3A_193 : memref<64x128xf32, #tpu.memory_space<vmem>>)
        %add3A_197 = arith.constant 8 : i32
        %add3A_198 = arith.addi %add3A_127, %add3A_197 : i32
        %sub3A_199 = arith.constant 1 : i32
        %sub3A_200 = arith.subi %add3A_198, %sub3A_199 : i32
        %lt3A_201 = arith.cmpi slt, %sub3A_200, %min3A_44 : i32
        %convert_element_type3A_202 = arith.extui %lt3A_201 : i1 to i32
        %cond3A_203 = arith.constant 0 : i32
        %cond3A_204 = arith.cmpi ne, %convert_element_type3A_202, %cond3A_203 : i32
        scf.if %cond3A_204 {
          %add3A_209 = arith.constant 8 : i32
          %add3A_210 = arith.addi %add3A_127, %add3A_209 : i32
          %sub3A_211 = arith.constant 1 : i32
          %sub3A_212 = arith.subi %add3A_210, %sub3A_211 : i32
          %lt3A_213 = arith.constant 7812 : i32
          %lt3A_214 = arith.cmpi slt, %sub3A_212, %lt3A_213 : i32
          %convert_element_type3A_215 = arith.extui %lt3A_214 : i1 to i32
          %cond3A_216 = arith.constant 0 : i32
          %cond3A_217 = arith.cmpi ne, %convert_element_type3A_215, %cond3A_216 : i32
          scf.if %cond3A_217 {
            %mul3A_223 = arith.constant 128 : i32
            %mul3A_224 = arith.muli %sub3A_212, %mul3A_223 : i32
            %dma_start3A = arith.constant 1 : i32
            %dma_start3A_225 = arith.constant 0 : i32
            %dma_start3A_226 = arith.constant 0 : i32
            %dma_start3A_227 = tpu.memref_slice %arg9[%dma_start3A, %dma_start3A_225, %dma_start3A_226] : memref<8x64x128xf32, #tpu.memory_space<vmem>> -> memref<1x64x128xf32, #tpu.memory_space<vmem>>
            %dma_start3A_228 = tpu.memref_squeeze %dma_start3A_227 : memref<1x64x128xf32, #tpu.memory_space<vmem>> -> memref<64x128xf32, #tpu.memory_space<vmem>>
            %dma_start3A_229 = arith.constant 0 : i32
            %dma_start3A_230 = tpu.memref_slice %arg2[%dma_start3A_229, %mul3A_224] : memref<64x1000000xf32, #tpu.memory_space<hbm>> -> memref<64x128xf32, #tpu.memory_space<hbm>>
            %dma_start3A_231 = arith.constant 0 : i32
            %dma_start3A_232 = arith.constant 0 : i32
            %dma_start3A_233 = tpu.memref_slice %arg9[%dma_start3A, %dma_start3A_231, %dma_start3A_232] : memref<8x64x128xf32, #tpu.memory_space<vmem>> -> memref<1x64x128xf32, #tpu.memory_space<vmem>>
            %dma_start3A_234 = tpu.memref_squeeze %dma_start3A_233 : memref<1x64x128xf32, #tpu.memory_space<vmem>> -> memref<64x128xf32, #tpu.memory_space<vmem>>
            %dma_start3A_235 = arith.constant 0 : i32
            %dma_start3A_236 = tpu.memref_slice %arg2[%dma_start3A_235, %mul3A_224] : memref<64x1000000xf32, #tpu.memory_space<hbm>> -> memref<64x128xf32, #tpu.memory_space<hbm>>
            tpu.enqueue_dma source(%dma_start3A_236 : memref<64x128xf32, #tpu.memory_space<hbm>>) target(%dma_start3A_234 : memref<64x128xf32, #tpu.memory_space<vmem>>) target_semaphore(%arg12 : memref<!tpu.dma_semaphore, #tpu.memory_space<semaphore_mem>>)
          } else {
          }
          %eq3A_218 = arith.constant 7812 : i32
          %eq3A_219 = arith.cmpi eq, %sub3A_212, %eq3A_218 : i32
          %convert_element_type3A_220 = arith.extui %eq3A_219 : i1 to i32
          %cond3A_221 = arith.constant 0 : i32
          %cond3A_222 = arith.cmpi ne, %convert_element_type3A_220, %cond3A_221 : i32
          scf.if %cond3A_222 {
            %dma_start3A = arith.constant 1 : i32
            %dma_start3A_223 = arith.constant 0 : i32
            %dma_start3A_224 = arith.constant 0 : i32
            %dma_start3A_225 = tpu.memref_slice %arg9[%dma_start3A, %dma_start3A_223, %dma_start3A_224] : memref<8x64x128xf32, #tpu.memory_space<vmem>> -> memref<1x64x128xf32, #tpu.memory_space<vmem>>
            %dma_start3A_226 = tpu.memref_squeeze %dma_start3A_225 : memref<1x64x128xf32, #tpu.memory_space<vmem>> -> memref<64x128xf32, #tpu.memory_space<vmem>>
            %dma_start3A_227 = arith.constant 0 : i32
            %dma_start3A_228 = arith.constant 0 : i32
            %dma_start3A_229 = tpu.memref_slice %arg9[%dma_start3A, %dma_start3A_227, %dma_start3A_228] : memref<8x64x128xf32, #tpu.memory_space<vmem>> -> memref<1x64x128xf32, #tpu.memory_space<vmem>>
            %dma_start3A_230 = tpu.memref_squeeze %dma_start3A_229 : memref<1x64x128xf32, #tpu.memory_space<vmem>> -> memref<64x128xf32, #tpu.memory_space<vmem>>
            tpu.enqueue_dma source(%arg3 : memref<64x128xf32, #tpu.memory_space<hbm>>) target(%dma_start3A_230 : memref<64x128xf32, #tpu.memory_space<vmem>>) target_semaphore(%arg12 : memref<!tpu.dma_semaphore, #tpu.memory_space<semaphore_mem>>)
          } else {
          }
        } else {
        }
        %add3A_205 = arith.constant 1 : i32
        %add3A_206 = arith.addi %add3A_127, %add3A_205 : i32
        %mul3A_207 = arith.constant 128 : i32
        %mul3A_208 = arith.muli %add3A_206, %mul3A_207 : i32
        %while3A = scf.while (%while3A_209 = %cond3A_122) : (i32) -> i32 {
          %lt3A_210 = arith.cmpi slt, %while3A_209, %reduce_max3A_35 : i32
          %sub3A_211 = arith.subi %while3A_209, %multiple_of3A : i32
          %shift_right_arithmetic3A_212 = arith.constant 4 : i32
          %shift_right_arithmetic3A_213 = arith.shrsi %sub3A_211, %shift_right_arithmetic3A_212 : i32
          %shift_left3A_214 = arith.constant 4 : i32
          %shift_left3A_215 = arith.shli %shift_right_arithmetic3A_213, %shift_left3A_214 : i32
          %get3A_216 = arith.index_cast %shift_left3A_215 : i32 to index
          %get3A_217 = tpu.vector_load %arg7[%get3A_216] {strides = array<i32>} : memref<1032xi32, #tpu.memory_space<vmem>>, vector<16xi32>,
          %and3A_218 = arith.constant 15 : i32
          %and3A_219 = arith.andi %sub3A_211, %and3A_218 : i32
          %eq3A_220 = vector.broadcast %and3A_219 : i32 to vector<16xi32>
          %eq3A_221 = arith.cmpi eq, %iota3A, %eq3A_220 : vector<16xi32>
          %jit3A_222 = arith.constant -1 : i32
          %broadcast_in_dim3A_223 = vector.broadcast %jit3A_222 : i32 to vector<16xi32>
          %select_n3A_224 = arith.select %eq3A_221, %get3A_217, %broadcast_in_dim3A_223 : vector<16xi1>, vector<16xi32>
          %reduce_max3A_225 = arith.constant true
          %reduce_max3A_226 = vector.broadcast %reduce_max3A_225 : i1 to vector<16xi1>
          %reduce_max3A_227 = arith.constant -2147483648 : i32
          %reduce_max3A_228 = vector.broadcast %reduce_max3A_227 : i32 to vector<16xi32>
          %reduce_max3A_229 = arith.xori %select_n3A_224, %reduce_max3A_228 : vector<16xi32>
          %reduce_max3A_230 = tpu.scan <max>, %reduce_max3A_229 masked %reduce_max3A_226 : vector<16xi32>, vector<16xi1> -> vector<16xi32>
          %reduce_max3A_231 = arith.xori %reduce_max3A_230, %reduce_max3A_228 : vector<16xi32>
          %reduce_max3A_232 = vector.extract %reduce_max3A_231[15] : i32 from vector<16xi32>
          %lt3A_233 = arith.cmpi slt, %reduce_max3A_232, %mul3A_208 : i32
          %and3A_234 = arith.andi %lt3A_210, %lt3A_233 : i1
          scf.condition(%and3A_234) %while3A_209 : i32
        } do {
        ^bb0(%while3A_209: i32):
          %sub3A_210 = arith.subi %while3A_209, %multiple_of3A : i32
          %shift_right_arithmetic3A_211 = arith.constant 4 : i32
          %shift_right_arithmetic3A_212 = arith.shrsi %sub3A_210, %shift_right_arithmetic3A_211 : i32
          %shift_left3A_213 = arith.constant 4 : i32
          %shift_left3A_214 = arith.shli %shift_right_arithmetic3A_212, %shift_left3A_213 : i32
          %get3A_215 = arith.index_cast %shift_left3A_214 : i32 to index
          %get3A_216 = tpu.vector_load %arg7[%get3A_215] {strides = array<i32>} : memref<1032xi32, #tpu.memory_space<vmem>>, vector<16xi32>,
          %and3A_217 = arith.constant 15 : i32
          %and3A_218 = arith.andi %sub3A_210, %and3A_217 : i32
          %eq3A_219 = vector.broadcast %and3A_218 : i32 to vector<16xi32>
          %eq3A_220 = arith.cmpi eq, %iota3A, %eq3A_219 : vector<16xi32>
          %jit3A_221 = arith.constant -1 : i32
          %broadcast_in_dim3A_222 = vector.broadcast %jit3A_221 : i32 to vector<16xi32>
          %select_n3A_223 = arith.select %eq3A_220, %get3A_216, %broadcast_in_dim3A_222 : vector<16xi1>, vector<16xi32>
          %reduce_max3A_224 = arith.constant true
          %reduce_max3A_225 = vector.broadcast %reduce_max3A_224 : i1 to vector<16xi1>
          %reduce_max3A_226 = arith.constant -2147483648 : i32
          %reduce_max3A_227 = vector.broadcast %reduce_max3A_226 : i32 to vector<16xi32>
          %reduce_max3A_228 = arith.xori %select_n3A_223, %reduce_max3A_227 : vector<16xi32>
          %reduce_max3A_229 = tpu.scan <max>, %reduce_max3A_228 masked %reduce_max3A_225 : vector<16xi32>, vector<16xi1> -> vector<16xi32>
          %reduce_max3A_230 = arith.xori %reduce_max3A_229, %reduce_max3A_227 : vector<16xi32>
          %reduce_max3A_231 = vector.extract %reduce_max3A_230[15] : i32 from vector<16xi32>
          %mul3A_232 = arith.constant 128 : i32
          %mul3A_233 = arith.muli %add3A_127, %mul3A_232 : i32
          %sub3A_234 = arith.subi %reduce_max3A_231, %mul3A_233 : i32
          %sub3A_235 = arith.subi %while3A_209, %reduce_max3A_12 : i32
          %broadcast_in_dim3A_236 = arith.constant 2 : i32
          %broadcast_in_dim3A_237 = vector.broadcast %broadcast_in_dim3A_236 : i32 to vector<16xi32>
          %add3A_238 = arith.constant 0 : i32
          %add3A_239 = vector.broadcast %add3A_238 : i32 to vector<16xi32>
          %add3A_240 = arith.addi %iota3A, %add3A_239 : vector<16xi32>
          %broadcast_in_dim3A_241 = arith.constant 0 : i32
          %broadcast_in_dim3A_242 = vector.broadcast %broadcast_in_dim3A_241 : i32 to vector<16xi32>
          %add3A_243 = vector.broadcast %sub3A_234 : i32 to vector<16xi32>
          %add3A_244 = arith.addi %broadcast_in_dim3A_242, %add3A_243 : vector<16xi32>
          %gather3A = tpu.vector_load_idx %arg9[%broadcast_in_dim3A_237, %add3A_240, %add3A_244] : memref<8x64x128xf32, #tpu.memory_space<vmem>>[vector<16xi32>, vector<16xi32>, vector<16xi32>], vector<16xf32>,
          %shift_right_arithmetic3A_245 = arith.constant 1 : i32
          %shift_right_arithmetic3A_246 = arith.shrsi %sub3A_235, %shift_right_arithmetic3A_245 : i32
          %and3A_247 = arith.constant 1 : i32
          %and3A_248 = arith.andi %sub3A_235, %and3A_247 : i32
          %mul3A_249 = arith.constant 64 : i32
          %mul3A_250 = arith.muli %and3A_248, %mul3A_249 : i32
          %add3A_251 = arith.constant 0 : i32
          %add3A_252 = arith.addi %mul3A_250, %add3A_251 : i32
          %swap3A = arith.index_cast %shift_right_arithmetic3A_246 : i32 to index
          %swap3A_253 = arith.index_cast %add3A_252 : i32 to index
          %swap3A_254 = tpu.vector_load %arg10[%swap3A, %swap3A_253] {strides = array<i32>} : memref<496x128xf32, #tpu.memory_space<vmem>>, vector<16xf32>,
          tpu.vector_store %arg10[%swap3A, %swap3A_253], %gather3A {strides = array<i32>} : memref<496x128xf32, #tpu.memory_space<vmem>>, vector<16xf32>,
          %broadcast_in_dim3A_255 = arith.constant 2 : i32
          %broadcast_in_dim3A_256 = vector.broadcast %broadcast_in_dim3A_255 : i32 to vector<16xi32>
          %add3A_257 = arith.constant 16 : i32
          %add3A_258 = vector.broadcast %add3A_257 : i32 to vector<16xi32>
          %add3A_259 = arith.addi %iota3A, %add3A_258 : vector<16xi32>
          %broadcast_in_dim3A_260 = arith.constant 0 : i32
          %broadcast_in_dim3A_261 = vector.broadcast %broadcast_in_dim3A_260 : i32 to vector<16xi32>
          %add3A_262 = vector.broadcast %sub3A_234 : i32 to vector<16xi32>
          %add3A_263 = arith.addi %broadcast_in_dim3A_261, %add3A_262 : vector<16xi32>
          %gather3A_264 = tpu.vector_load_idx %arg9[%broadcast_in_dim3A_256, %add3A_259, %add3A_263] : memref<8x64x128xf32, #tpu.memory_space<vmem>>[vector<16xi32>, vector<16xi32>, vector<16xi32>], vector<16xf32>,
          %shift_right_arithmetic3A_265 = arith.constant 1 : i32
          %shift_right_arithmetic3A_266 = arith.shrsi %sub3A_235, %shift_right_arithmetic3A_265 : i32
          %and3A_267 = arith.constant 1 : i32
          %and3A_268 = arith.andi %sub3A_235, %and3A_267 : i32
          %mul3A_269 = arith.constant 64 : i32
          %mul3A_270 = arith.muli %and3A_268, %mul3A_269 : i32
          %add3A_271 = arith.constant 16 : i32
          %add3A_272 = arith.addi %mul3A_270, %add3A_271 : i32
          %swap3A_273 = arith.index_cast %shift_right_arithmetic3A_266 : i32 to index
          %swap3A_274 = arith.index_cast %add3A_272 : i32 to index
          %swap3A_275 = tpu.vector_load %arg10[%swap3A_273, %swap3A_274] {strides = array<i32>} : memref<496x128xf32, #tpu.memory_space<vmem>>, vector<16xf32>,
          tpu.vector_store %arg10[%swap3A_273, %swap3A_274], %gather3A_264 {strides = array<i32>} : memref<496x128xf32, #tpu.memory_space<vmem>>, vector<16xf32>,
          %broadcast_in_dim3A_276 = arith.constant 2 : i32
          %broadcast_in_dim3A_277 = vector.broadcast %broadcast_in_dim3A_276 : i32 to vector<16xi32>
          %add3A_278 = arith.constant 32 : i32
          %add3A_279 = vector.broadcast %add3A_278 : i32 to vector<16xi32>
          %add3A_280 = arith.addi %iota3A, %add3A_279 : vector<16xi32>
          %broadcast_in_dim3A_281 = arith.constant 0 : i32
          %broadcast_in_dim3A_282 = vector.broadcast %broadcast_in_dim3A_281 : i32 to vector<16xi32>
          %add3A_283 = vector.broadcast %sub3A_234 : i32 to vector<16xi32>
          %add3A_284 = arith.addi %broadcast_in_dim3A_282, %add3A_283 : vector<16xi32>
          %gather3A_285 = tpu.vector_load_idx %arg9[%broadcast_in_dim3A_277, %add3A_280, %add3A_284] : memref<8x64x128xf32, #tpu.memory_space<vmem>>[vector<16xi32>, vector<16xi32>, vector<16xi32>], vector<16xf32>,
          %shift_right_arithmetic3A_286 = arith.constant 1 : i32
          %shift_right_arithmetic3A_287 = arith.shrsi %sub3A_235, %shift_right_arithmetic3A_286 : i32
          %and3A_288 = arith.constant 1 : i32
          %and3A_289 = arith.andi %sub3A_235, %and3A_288 : i32
          %mul3A_290 = arith.constant 64 : i32
          %mul3A_291 = arith.muli %and3A_289, %mul3A_290 : i32
          %add3A_292 = arith.constant 32 : i32
          %add3A_293 = arith.addi %mul3A_291, %add3A_292 : i32
          %swap3A_294 = arith.index_cast %shift_right_arithmetic3A_287 : i32 to index
          %swap3A_295 = arith.index_cast %add3A_293 : i32 to index
          %swap3A_296 = tpu.vector_load %arg10[%swap3A_294, %swap3A_295] {strides = array<i32>} : memref<496x128xf32, #tpu.memory_space<vmem>>, vector<16xf32>,
          tpu.vector_store %arg10[%swap3A_294, %swap3A_295], %gather3A_285 {strides = array<i32>} : memref<496x128xf32, #tpu.memory_space<vmem>>, vector<16xf32>,
          %broadcast_in_dim3A_297 = arith.constant 2 : i32
          %broadcast_in_dim3A_298 = vector.broadcast %broadcast_in_dim3A_297 : i32 to vector<16xi32>
          %add3A_299 = arith.constant 48 : i32
          %add3A_300 = vector.broadcast %add3A_299 : i32 to vector<16xi32>
          %add3A_301 = arith.addi %iota3A, %add3A_300 : vector<16xi32>
          %broadcast_in_dim3A_302 = arith.constant 0 : i32
          %broadcast_in_dim3A_303 = vector.broadcast %broadcast_in_dim3A_302 : i32 to vector<16xi32>
          %add3A_304 = vector.broadcast %sub3A_234 : i32 to vector<16xi32>
          %add3A_305 = arith.addi %broadcast_in_dim3A_303, %add3A_304 : vector<16xi32>
          %gather3A_306 = tpu.vector_load_idx %arg9[%broadcast_in_dim3A_298, %add3A_301, %add3A_305] : memref<8x64x128xf32, #tpu.memory_space<vmem>>[vector<16xi32>, vector<16xi32>, vector<16xi32>], vector<16xf32>,
          %shift_right_arithmetic3A_307 = arith.constant 1 : i32
          %shift_right_arithmetic3A_308 = arith.shrsi %sub3A_235, %shift_right_arithmetic3A_307 : i32
          %and3A_309 = arith.constant 1 : i32
          %and3A_310 = arith.andi %sub3A_235, %and3A_309 : i32
          %mul3A_311 = arith.constant 64 : i32
          %mul3A_312 = arith.muli %and3A_310, %mul3A_311 : i32
          %add3A_313 = arith.constant 48 : i32
          %add3A_314 = arith.addi %mul3A_312, %add3A_313 : i32
          %swap3A_315 = arith.index_cast %shift_right_arithmetic3A_308 : i32 to index
          %swap3A_316 = arith.index_cast %add3A_314 : i32 to index
          %swap3A_317 = tpu.vector_load %arg10[%swap3A_315, %swap3A_316] {strides = array<i32>} : memref<496x128xf32, #tpu.memory_space<vmem>>, vector<16xf32>,
          tpu.vector_store %arg10[%swap3A_315, %swap3A_316], %gather3A_306 {strides = array<i32>} : memref<496x128xf32, #tpu.memory_space<vmem>>, vector<16xf32>,
          %add3A_318 = arith.constant 1 : i32
          %add3A_319 = arith.addi %while3A_209, %add3A_318 : i32
          scf.yield %add3A_319 : i32
        }
        scf.yield %while3A : i32
      } else {
        scf.yield %cond3A_122 : i32
      }
      %mul3A_133 = arith.constant 8 : i32
      %mul3A_134 = arith.muli %mul3A_133, %scan3A_101 : i32
      %add3A_135 = arith.addi %mul3A_41, %mul3A_134 : i32
      %add3A_136 = arith.constant 3 : i32
      %add3A_137 = arith.addi %add3A_135, %add3A_136 : i32
      %lt3A_138 = arith.cmpi slt, %add3A_137, %min3A_44 : i32
      %convert_element_type3A_139 = arith.extui %lt3A_138 : i1 to i32
      %cond3A_140 = arith.constant 0 : i32
      %cond3A_141 = arith.cmpi ne, %convert_element_type3A_139, %cond3A_140 : i32
      %cond3A_142 = scf.if %cond3A_141 -> (i32) {
        %dma_wait3A = arith.constant 3 : i32
        %dma_wait3A_183 = arith.constant 0 : i32
        %dma_wait3A_184 = arith.constant 0 : i32
        %dma_wait3A_185 = tpu.memref_slice %arg9[%dma_wait3A, %dma_wait3A_183, %dma_wait3A_184] : memref<8x64x128xf32, #tpu.memory_space<vmem>> -> memref<1x64x128xf32, #tpu.memory_space<vmem>>
        %dma_wait3A_186 = tpu.memref_squeeze %dma_wait3A_185 : memref<1x64x128xf32, #tpu.memory_space<vmem>> -> memref<64x128xf32, #tpu.memory_space<vmem>>
        %dma_wait3A_187 = arith.constant 0 : i32
        %dma_wait3A_188 = arith.constant 0 : i32
        %dma_wait3A_189 = tpu.memref_slice %arg2[%dma_wait3A_187, %dma_wait3A_188] : memref<64x1000000xf32, #tpu.memory_space<hbm>> -> memref<64x128xf32, #tpu.memory_space<hbm>>
        %dma_wait3A_190 = arith.constant 0 : i32
        %dma_wait3A_191 = arith.constant 0 : i32
        %dma_wait3A_192 = tpu.memref_slice %arg9[%dma_wait3A, %dma_wait3A_190, %dma_wait3A_191] : memref<8x64x128xf32, #tpu.memory_space<vmem>> -> memref<1x64x128xf32, #tpu.memory_space<vmem>>
        %dma_wait3A_193 = tpu.memref_squeeze %dma_wait3A_192 : memref<1x64x128xf32, #tpu.memory_space<vmem>> -> memref<64x128xf32, #tpu.memory_space<vmem>>
        %dma_wait3A_194 = arith.constant 0 : i32
        %dma_wait3A_195 = arith.constant 0 : i32
        %dma_wait3A_196 = tpu.memref_slice %arg2[%dma_wait3A_194, %dma_wait3A_195] : memref<64x1000000xf32, #tpu.memory_space<hbm>> -> memref<64x128xf32, #tpu.memory_space<hbm>>
        tpu.wait_dma2 semaphore(%arg14 : memref<!tpu.dma_semaphore, #tpu.memory_space<semaphore_mem>>) src(%dma_wait3A_196 : memref<64x128xf32, #tpu.memory_space<hbm>>) dst(%dma_wait3A_193 : memref<64x128xf32, #tpu.memory_space<vmem>>)
        %add3A_197 = arith.constant 8 : i32
        %add3A_198 = arith.addi %add3A_137, %add3A_197 : i32
        %sub3A_199 = arith.constant 1 : i32
        %sub3A_200 = arith.subi %add3A_198, %sub3A_199 : i32
        %lt3A_201 = arith.cmpi slt, %sub3A_200, %min3A_44 : i32
        %convert_element_type3A_202 = arith.extui %lt3A_201 : i1 to i32
        %cond3A_203 = arith.constant 0 : i32
        %cond3A_204 = arith.cmpi ne, %convert_element_type3A_202, %cond3A_203 : i32
        scf.if %cond3A_204 {
          %add3A_209 = arith.constant 8 : i32
          %add3A_210 = arith.addi %add3A_137, %add3A_209 : i32
          %sub3A_211 = arith.constant 1 : i32
          %sub3A_212 = arith.subi %add3A_210, %sub3A_211 : i32
          %lt3A_213 = arith.constant 7812 : i32
          %lt3A_214 = arith.cmpi slt, %sub3A_212, %lt3A_213 : i32
          %convert_element_type3A_215 = arith.extui %lt3A_214 : i1 to i32
          %cond3A_216 = arith.constant 0 : i32
          %cond3A_217 = arith.cmpi ne, %convert_element_type3A_215, %cond3A_216 : i32
          scf.if %cond3A_217 {
            %mul3A_223 = arith.constant 128 : i32
            %mul3A_224 = arith.muli %sub3A_212, %mul3A_223 : i32
            %dma_start3A = arith.constant 2 : i32
            %dma_start3A_225 = arith.constant 0 : i32
            %dma_start3A_226 = arith.constant 0 : i32
            %dma_start3A_227 = tpu.memref_slice %arg9[%dma_start3A, %dma_start3A_225, %dma_start3A_226] : memref<8x64x128xf32, #tpu.memory_space<vmem>> -> memref<1x64x128xf32, #tpu.memory_space<vmem>>
            %dma_start3A_228 = tpu.memref_squeeze %dma_start3A_227 : memref<1x64x128xf32, #tpu.memory_space<vmem>> -> memref<64x128xf32, #tpu.memory_space<vmem>>
            %dma_start3A_229 = arith.constant 0 : i32
            %dma_start3A_230 = tpu.memref_slice %arg2[%dma_start3A_229, %mul3A_224] : memref<64x1000000xf32, #tpu.memory_space<hbm>> -> memref<64x128xf32, #tpu.memory_space<hbm>>
            %dma_start3A_231 = arith.constant 0 : i32
            %dma_start3A_232 = arith.constant 0 : i32
            %dma_start3A_233 = tpu.memref_slice %arg9[%dma_start3A, %dma_start3A_231, %dma_start3A_232] : memref<8x64x128xf32, #tpu.memory_space<vmem>> -> memref<1x64x128xf32, #tpu.memory_space<vmem>>
            %dma_start3A_234 = tpu.memref_squeeze %dma_start3A_233 : memref<1x64x128xf32, #tpu.memory_space<vmem>> -> memref<64x128xf32, #tpu.memory_space<vmem>>
            %dma_start3A_235 = arith.constant 0 : i32
            %dma_start3A_236 = tpu.memref_slice %arg2[%dma_start3A_235, %mul3A_224] : memref<64x1000000xf32, #tpu.memory_space<hbm>> -> memref<64x128xf32, #tpu.memory_space<hbm>>
            tpu.enqueue_dma source(%dma_start3A_236 : memref<64x128xf32, #tpu.memory_space<hbm>>) target(%dma_start3A_234 : memref<64x128xf32, #tpu.memory_space<vmem>>) target_semaphore(%arg13 : memref<!tpu.dma_semaphore, #tpu.memory_space<semaphore_mem>>)
          } else {
          }
          %eq3A_218 = arith.constant 7812 : i32
          %eq3A_219 = arith.cmpi eq, %sub3A_212, %eq3A_218 : i32
          %convert_element_type3A_220 = arith.extui %eq3A_219 : i1 to i32
          %cond3A_221 = arith.constant 0 : i32
          %cond3A_222 = arith.cmpi ne, %convert_element_type3A_220, %cond3A_221 : i32
          scf.if %cond3A_222 {
            %dma_start3A = arith.constant 2 : i32
            %dma_start3A_223 = arith.constant 0 : i32
            %dma_start3A_224 = arith.constant 0 : i32
            %dma_start3A_225 = tpu.memref_slice %arg9[%dma_start3A, %dma_start3A_223, %dma_start3A_224] : memref<8x64x128xf32, #tpu.memory_space<vmem>> -> memref<1x64x128xf32, #tpu.memory_space<vmem>>
            %dma_start3A_226 = tpu.memref_squeeze %dma_start3A_225 : memref<1x64x128xf32, #tpu.memory_space<vmem>> -> memref<64x128xf32, #tpu.memory_space<vmem>>
            %dma_start3A_227 = arith.constant 0 : i32
            %dma_start3A_228 = arith.constant 0 : i32
            %dma_start3A_229 = tpu.memref_slice %arg9[%dma_start3A, %dma_start3A_227, %dma_start3A_228] : memref<8x64x128xf32, #tpu.memory_space<vmem>> -> memref<1x64x128xf32, #tpu.memory_space<vmem>>
            %dma_start3A_230 = tpu.memref_squeeze %dma_start3A_229 : memref<1x64x128xf32, #tpu.memory_space<vmem>> -> memref<64x128xf32, #tpu.memory_space<vmem>>
            tpu.enqueue_dma source(%arg3 : memref<64x128xf32, #tpu.memory_space<hbm>>) target(%dma_start3A_230 : memref<64x128xf32, #tpu.memory_space<vmem>>) target_semaphore(%arg13 : memref<!tpu.dma_semaphore, #tpu.memory_space<semaphore_mem>>)
          } else {
          }
        } else {
        }
        %add3A_205 = arith.constant 1 : i32
        %add3A_206 = arith.addi %add3A_137, %add3A_205 : i32
        %mul3A_207 = arith.constant 128 : i32
        %mul3A_208 = arith.muli %add3A_206, %mul3A_207 : i32
        %while3A = scf.while (%while3A_209 = %cond3A_132) : (i32) -> i32 {
          %lt3A_210 = arith.cmpi slt, %while3A_209, %reduce_max3A_35 : i32
          %sub3A_211 = arith.subi %while3A_209, %multiple_of3A : i32
          %shift_right_arithmetic3A_212 = arith.constant 4 : i32
          %shift_right_arithmetic3A_213 = arith.shrsi %sub3A_211, %shift_right_arithmetic3A_212 : i32
          %shift_left3A_214 = arith.constant 4 : i32
          %shift_left3A_215 = arith.shli %shift_right_arithmetic3A_213, %shift_left3A_214 : i32
          %get3A_216 = arith.index_cast %shift_left3A_215 : i32 to index
          %get3A_217 = tpu.vector_load %arg7[%get3A_216] {strides = array<i32>} : memref<1032xi32, #tpu.memory_space<vmem>>, vector<16xi32>,
          %and3A_218 = arith.constant 15 : i32
          %and3A_219 = arith.andi %sub3A_211, %and3A_218 : i32
          %eq3A_220 = vector.broadcast %and3A_219 : i32 to vector<16xi32>
          %eq3A_221 = arith.cmpi eq, %iota3A, %eq3A_220 : vector<16xi32>
          %jit3A_222 = arith.constant -1 : i32
          %broadcast_in_dim3A_223 = vector.broadcast %jit3A_222 : i32 to vector<16xi32>
          %select_n3A_224 = arith.select %eq3A_221, %get3A_217, %broadcast_in_dim3A_223 : vector<16xi1>, vector<16xi32>
          %reduce_max3A_225 = arith.constant true
          %reduce_max3A_226 = vector.broadcast %reduce_max3A_225 : i1 to vector<16xi1>
          %reduce_max3A_227 = arith.constant -2147483648 : i32
          %reduce_max3A_228 = vector.broadcast %reduce_max3A_227 : i32 to vector<16xi32>
          %reduce_max3A_229 = arith.xori %select_n3A_224, %reduce_max3A_228 : vector<16xi32>
          %reduce_max3A_230 = tpu.scan <max>, %reduce_max3A_229 masked %reduce_max3A_226 : vector<16xi32>, vector<16xi1> -> vector<16xi32>
          %reduce_max3A_231 = arith.xori %reduce_max3A_230, %reduce_max3A_228 : vector<16xi32>
          %reduce_max3A_232 = vector.extract %reduce_max3A_231[15] : i32 from vector<16xi32>
          %lt3A_233 = arith.cmpi slt, %reduce_max3A_232, %mul3A_208 : i32
          %and3A_234 = arith.andi %lt3A_210, %lt3A_233 : i1
          scf.condition(%and3A_234) %while3A_209 : i32
        } do {
        ^bb0(%while3A_209: i32):
          %sub3A_210 = arith.subi %while3A_209, %multiple_of3A : i32
          %shift_right_arithmetic3A_211 = arith.constant 4 : i32
          %shift_right_arithmetic3A_212 = arith.shrsi %sub3A_210, %shift_right_arithmetic3A_211 : i32
          %shift_left3A_213 = arith.constant 4 : i32
          %shift_left3A_214 = arith.shli %shift_right_arithmetic3A_212, %shift_left3A_213 : i32
          %get3A_215 = arith.index_cast %shift_left3A_214 : i32 to index
          %get3A_216 = tpu.vector_load %arg7[%get3A_215] {strides = array<i32>} : memref<1032xi32, #tpu.memory_space<vmem>>, vector<16xi32>,
          %and3A_217 = arith.constant 15 : i32
          %and3A_218 = arith.andi %sub3A_210, %and3A_217 : i32
          %eq3A_219 = vector.broadcast %and3A_218 : i32 to vector<16xi32>
          %eq3A_220 = arith.cmpi eq, %iota3A, %eq3A_219 : vector<16xi32>
          %jit3A_221 = arith.constant -1 : i32
          %broadcast_in_dim3A_222 = vector.broadcast %jit3A_221 : i32 to vector<16xi32>
          %select_n3A_223 = arith.select %eq3A_220, %get3A_216, %broadcast_in_dim3A_222 : vector<16xi1>, vector<16xi32>
          %reduce_max3A_224 = arith.constant true
          %reduce_max3A_225 = vector.broadcast %reduce_max3A_224 : i1 to vector<16xi1>
          %reduce_max3A_226 = arith.constant -2147483648 : i32
          %reduce_max3A_227 = vector.broadcast %reduce_max3A_226 : i32 to vector<16xi32>
          %reduce_max3A_228 = arith.xori %select_n3A_223, %reduce_max3A_227 : vector<16xi32>
          %reduce_max3A_229 = tpu.scan <max>, %reduce_max3A_228 masked %reduce_max3A_225 : vector<16xi32>, vector<16xi1> -> vector<16xi32>
          %reduce_max3A_230 = arith.xori %reduce_max3A_229, %reduce_max3A_227 : vector<16xi32>
          %reduce_max3A_231 = vector.extract %reduce_max3A_230[15] : i32 from vector<16xi32>
          %mul3A_232 = arith.constant 128 : i32
          %mul3A_233 = arith.muli %add3A_137, %mul3A_232 : i32
          %sub3A_234 = arith.subi %reduce_max3A_231, %mul3A_233 : i32
          %sub3A_235 = arith.subi %while3A_209, %reduce_max3A_12 : i32
          %broadcast_in_dim3A_236 = arith.constant 3 : i32
          %broadcast_in_dim3A_237 = vector.broadcast %broadcast_in_dim3A_236 : i32 to vector<16xi32>
          %add3A_238 = arith.constant 0 : i32
          %add3A_239 = vector.broadcast %add3A_238 : i32 to vector<16xi32>
          %add3A_240 = arith.addi %iota3A, %add3A_239 : vector<16xi32>
          %broadcast_in_dim3A_241 = arith.constant 0 : i32
          %broadcast_in_dim3A_242 = vector.broadcast %broadcast_in_dim3A_241 : i32 to vector<16xi32>
          %add3A_243 = vector.broadcast %sub3A_234 : i32 to vector<16xi32>
          %add3A_244 = arith.addi %broadcast_in_dim3A_242, %add3A_243 : vector<16xi32>
          %gather3A = tpu.vector_load_idx %arg9[%broadcast_in_dim3A_237, %add3A_240, %add3A_244] : memref<8x64x128xf32, #tpu.memory_space<vmem>>[vector<16xi32>, vector<16xi32>, vector<16xi32>], vector<16xf32>,
          %shift_right_arithmetic3A_245 = arith.constant 1 : i32
          %shift_right_arithmetic3A_246 = arith.shrsi %sub3A_235, %shift_right_arithmetic3A_245 : i32
          %and3A_247 = arith.constant 1 : i32
          %and3A_248 = arith.andi %sub3A_235, %and3A_247 : i32
          %mul3A_249 = arith.constant 64 : i32
          %mul3A_250 = arith.muli %and3A_248, %mul3A_249 : i32
          %add3A_251 = arith.constant 0 : i32
          %add3A_252 = arith.addi %mul3A_250, %add3A_251 : i32
          %swap3A = arith.index_cast %shift_right_arithmetic3A_246 : i32 to index
          %swap3A_253 = arith.index_cast %add3A_252 : i32 to index
          %swap3A_254 = tpu.vector_load %arg10[%swap3A, %swap3A_253] {strides = array<i32>} : memref<496x128xf32, #tpu.memory_space<vmem>>, vector<16xf32>,
          tpu.vector_store %arg10[%swap3A, %swap3A_253], %gather3A {strides = array<i32>} : memref<496x128xf32, #tpu.memory_space<vmem>>, vector<16xf32>,
          %broadcast_in_dim3A_255 = arith.constant 3 : i32
          %broadcast_in_dim3A_256 = vector.broadcast %broadcast_in_dim3A_255 : i32 to vector<16xi32>
          %add3A_257 = arith.constant 16 : i32
          %add3A_258 = vector.broadcast %add3A_257 : i32 to vector<16xi32>
          %add3A_259 = arith.addi %iota3A, %add3A_258 : vector<16xi32>
          %broadcast_in_dim3A_260 = arith.constant 0 : i32
          %broadcast_in_dim3A_261 = vector.broadcast %broadcast_in_dim3A_260 : i32 to vector<16xi32>
          %add3A_262 = vector.broadcast %sub3A_234 : i32 to vector<16xi32>
          %add3A_263 = arith.addi %broadcast_in_dim3A_261, %add3A_262 : vector<16xi32>
          %gather3A_264 = tpu.vector_load_idx %arg9[%broadcast_in_dim3A_256, %add3A_259, %add3A_263] : memref<8x64x128xf32, #tpu.memory_space<vmem>>[vector<16xi32>, vector<16xi32>, vector<16xi32>], vector<16xf32>,
          %shift_right_arithmetic3A_265 = arith.constant 1 : i32
          %shift_right_arithmetic3A_266 = arith.shrsi %sub3A_235, %shift_right_arithmetic3A_265 : i32
          %and3A_267 = arith.constant 1 : i32
          %and3A_268 = arith.andi %sub3A_235, %and3A_267 : i32
          %mul3A_269 = arith.constant 64 : i32
          %mul3A_270 = arith.muli %and3A_268, %mul3A_269 : i32
          %add3A_271 = arith.constant 16 : i32
          %add3A_272 = arith.addi %mul3A_270, %add3A_271 : i32
          %swap3A_273 = arith.index_cast %shift_right_arithmetic3A_266 : i32 to index
          %swap3A_274 = arith.index_cast %add3A_272 : i32 to index
          %swap3A_275 = tpu.vector_load %arg10[%swap3A_273, %swap3A_274] {strides = array<i32>} : memref<496x128xf32, #tpu.memory_space<vmem>>, vector<16xf32>,
          tpu.vector_store %arg10[%swap3A_273, %swap3A_274], %gather3A_264 {strides = array<i32>} : memref<496x128xf32, #tpu.memory_space<vmem>>, vector<16xf32>,
          %broadcast_in_dim3A_276 = arith.constant 3 : i32
          %broadcast_in_dim3A_277 = vector.broadcast %broadcast_in_dim3A_276 : i32 to vector<16xi32>
          %add3A_278 = arith.constant 32 : i32
          %add3A_279 = vector.broadcast %add3A_278 : i32 to vector<16xi32>
          %add3A_280 = arith.addi %iota3A, %add3A_279 : vector<16xi32>
          %broadcast_in_dim3A_281 = arith.constant 0 : i32
          %broadcast_in_dim3A_282 = vector.broadcast %broadcast_in_dim3A_281 : i32 to vector<16xi32>
          %add3A_283 = vector.broadcast %sub3A_234 : i32 to vector<16xi32>
          %add3A_284 = arith.addi %broadcast_in_dim3A_282, %add3A_283 : vector<16xi32>
          %gather3A_285 = tpu.vector_load_idx %arg9[%broadcast_in_dim3A_277, %add3A_280, %add3A_284] : memref<8x64x128xf32, #tpu.memory_space<vmem>>[vector<16xi32>, vector<16xi32>, vector<16xi32>], vector<16xf32>,
          %shift_right_arithmetic3A_286 = arith.constant 1 : i32
          %shift_right_arithmetic3A_287 = arith.shrsi %sub3A_235, %shift_right_arithmetic3A_286 : i32
          %and3A_288 = arith.constant 1 : i32
          %and3A_289 = arith.andi %sub3A_235, %and3A_288 : i32
          %mul3A_290 = arith.constant 64 : i32
          %mul3A_291 = arith.muli %and3A_289, %mul3A_290 : i32
          %add3A_292 = arith.constant 32 : i32
          %add3A_293 = arith.addi %mul3A_291, %add3A_292 : i32
          %swap3A_294 = arith.index_cast %shift_right_arithmetic3A_287 : i32 to index
          %swap3A_295 = arith.index_cast %add3A_293 : i32 to index
          %swap3A_296 = tpu.vector_load %arg10[%swap3A_294, %swap3A_295] {strides = array<i32>} : memref<496x128xf32, #tpu.memory_space<vmem>>, vector<16xf32>,
          tpu.vector_store %arg10[%swap3A_294, %swap3A_295], %gather3A_285 {strides = array<i32>} : memref<496x128xf32, #tpu.memory_space<vmem>>, vector<16xf32>,
          %broadcast_in_dim3A_297 = arith.constant 3 : i32
          %broadcast_in_dim3A_298 = vector.broadcast %broadcast_in_dim3A_297 : i32 to vector<16xi32>
          %add3A_299 = arith.constant 48 : i32
          %add3A_300 = vector.broadcast %add3A_299 : i32 to vector<16xi32>
          %add3A_301 = arith.addi %iota3A, %add3A_300 : vector<16xi32>
          %broadcast_in_dim3A_302 = arith.constant 0 : i32
          %broadcast_in_dim3A_303 = vector.broadcast %broadcast_in_dim3A_302 : i32 to vector<16xi32>
          %add3A_304 = vector.broadcast %sub3A_234 : i32 to vector<16xi32>
          %add3A_305 = arith.addi %broadcast_in_dim3A_303, %add3A_304 : vector<16xi32>
          %gather3A_306 = tpu.vector_load_idx %arg9[%broadcast_in_dim3A_298, %add3A_301, %add3A_305] : memref<8x64x128xf32, #tpu.memory_space<vmem>>[vector<16xi32>, vector<16xi32>, vector<16xi32>], vector<16xf32>,
          %shift_right_arithmetic3A_307 = arith.constant 1 : i32
          %shift_right_arithmetic3A_308 = arith.shrsi %sub3A_235, %shift_right_arithmetic3A_307 : i32
          %and3A_309 = arith.constant 1 : i32
          %and3A_310 = arith.andi %sub3A_235, %and3A_309 : i32
          %mul3A_311 = arith.constant 64 : i32
          %mul3A_312 = arith.muli %and3A_310, %mul3A_311 : i32
          %add3A_313 = arith.constant 48 : i32
          %add3A_314 = arith.addi %mul3A_312, %add3A_313 : i32
          %swap3A_315 = arith.index_cast %shift_right_arithmetic3A_308 : i32 to index
          %swap3A_316 = arith.index_cast %add3A_314 : i32 to index
          %swap3A_317 = tpu.vector_load %arg10[%swap3A_315, %swap3A_316] {strides = array<i32>} : memref<496x128xf32, #tpu.memory_space<vmem>>, vector<16xf32>,
          tpu.vector_store %arg10[%swap3A_315, %swap3A_316], %gather3A_306 {strides = array<i32>} : memref<496x128xf32, #tpu.memory_space<vmem>>, vector<16xf32>,
          %add3A_318 = arith.constant 1 : i32
          %add3A_319 = arith.addi %while3A_209, %add3A_318 : i32
          scf.yield %add3A_319 : i32
        }
        scf.yield %while3A : i32
      } else {
        scf.yield %cond3A_132 : i32
      }
      %mul3A_143 = arith.constant 8 : i32
      %mul3A_144 = arith.muli %mul3A_143, %scan3A_101 : i32
      %add3A_145 = arith.addi %mul3A_41, %mul3A_144 : i32
      %add3A_146 = arith.constant 4 : i32
      %add3A_147 = arith.addi %add3A_145, %add3A_146 : i32
      %lt3A_148 = arith.cmpi slt, %add3A_147, %min3A_44 : i32
      %convert_element_type3A_149 = arith.extui %lt3A_148 : i1 to i32
      %cond3A_150 = arith.constant 0 : i32
      %cond3A_151 = arith.cmpi ne, %convert_element_type3A_149, %cond3A_150 : i32
      %cond3A_152 = scf.if %cond3A_151 -> (i32) {
        %dma_wait3A = arith.constant 4 : i32
        %dma_wait3A_183 = arith.constant 0 : i32
        %dma_wait3A_184 = arith.constant 0 : i32
        %dma_wait3A_185 = tpu.memref_slice %arg9[%dma_wait3A, %dma_wait3A_183, %dma_wait3A_184] : memref<8x64x128xf32, #tpu.memory_space<vmem>> -> memref<1x64x128xf32, #tpu.memory_space<vmem>>
        %dma_wait3A_186 = tpu.memref_squeeze %dma_wait3A_185 : memref<1x64x128xf32, #tpu.memory_space<vmem>> -> memref<64x128xf32, #tpu.memory_space<vmem>>
        %dma_wait3A_187 = arith.constant 0 : i32
        %dma_wait3A_188 = arith.constant 0 : i32
        %dma_wait3A_189 = tpu.memref_slice %arg2[%dma_wait3A_187, %dma_wait3A_188] : memref<64x1000000xf32, #tpu.memory_space<hbm>> -> memref<64x128xf32, #tpu.memory_space<hbm>>
        %dma_wait3A_190 = arith.constant 0 : i32
        %dma_wait3A_191 = arith.constant 0 : i32
        %dma_wait3A_192 = tpu.memref_slice %arg9[%dma_wait3A, %dma_wait3A_190, %dma_wait3A_191] : memref<8x64x128xf32, #tpu.memory_space<vmem>> -> memref<1x64x128xf32, #tpu.memory_space<vmem>>
        %dma_wait3A_193 = tpu.memref_squeeze %dma_wait3A_192 : memref<1x64x128xf32, #tpu.memory_space<vmem>> -> memref<64x128xf32, #tpu.memory_space<vmem>>
        %dma_wait3A_194 = arith.constant 0 : i32
        %dma_wait3A_195 = arith.constant 0 : i32
        %dma_wait3A_196 = tpu.memref_slice %arg2[%dma_wait3A_194, %dma_wait3A_195] : memref<64x1000000xf32, #tpu.memory_space<hbm>> -> memref<64x128xf32, #tpu.memory_space<hbm>>
        tpu.wait_dma2 semaphore(%arg15 : memref<!tpu.dma_semaphore, #tpu.memory_space<semaphore_mem>>) src(%dma_wait3A_196 : memref<64x128xf32, #tpu.memory_space<hbm>>) dst(%dma_wait3A_193 : memref<64x128xf32, #tpu.memory_space<vmem>>)
        %add3A_197 = arith.constant 8 : i32
        %add3A_198 = arith.addi %add3A_147, %add3A_197 : i32
        %sub3A_199 = arith.constant 1 : i32
        %sub3A_200 = arith.subi %add3A_198, %sub3A_199 : i32
        %lt3A_201 = arith.cmpi slt, %sub3A_200, %min3A_44 : i32
        %convert_element_type3A_202 = arith.extui %lt3A_201 : i1 to i32
        %cond3A_203 = arith.constant 0 : i32
        %cond3A_204 = arith.cmpi ne, %convert_element_type3A_202, %cond3A_203 : i32
        scf.if %cond3A_204 {
          %add3A_209 = arith.constant 8 : i32
          %add3A_210 = arith.addi %add3A_147, %add3A_209 : i32
          %sub3A_211 = arith.constant 1 : i32
          %sub3A_212 = arith.subi %add3A_210, %sub3A_211 : i32
          %lt3A_213 = arith.constant 7812 : i32
          %lt3A_214 = arith.cmpi slt, %sub3A_212, %lt3A_213 : i32
          %convert_element_type3A_215 = arith.extui %lt3A_214 : i1 to i32
          %cond3A_216 = arith.constant 0 : i32
          %cond3A_217 = arith.cmpi ne, %convert_element_type3A_215, %cond3A_216 : i32
          scf.if %cond3A_217 {
            %mul3A_223 = arith.constant 128 : i32
            %mul3A_224 = arith.muli %sub3A_212, %mul3A_223 : i32
            %dma_start3A = arith.constant 3 : i32
            %dma_start3A_225 = arith.constant 0 : i32
            %dma_start3A_226 = arith.constant 0 : i32
            %dma_start3A_227 = tpu.memref_slice %arg9[%dma_start3A, %dma_start3A_225, %dma_start3A_226] : memref<8x64x128xf32, #tpu.memory_space<vmem>> -> memref<1x64x128xf32, #tpu.memory_space<vmem>>
            %dma_start3A_228 = tpu.memref_squeeze %dma_start3A_227 : memref<1x64x128xf32, #tpu.memory_space<vmem>> -> memref<64x128xf32, #tpu.memory_space<vmem>>
            %dma_start3A_229 = arith.constant 0 : i32
            %dma_start3A_230 = tpu.memref_slice %arg2[%dma_start3A_229, %mul3A_224] : memref<64x1000000xf32, #tpu.memory_space<hbm>> -> memref<64x128xf32, #tpu.memory_space<hbm>>
            %dma_start3A_231 = arith.constant 0 : i32
            %dma_start3A_232 = arith.constant 0 : i32
            %dma_start3A_233 = tpu.memref_slice %arg9[%dma_start3A, %dma_start3A_231, %dma_start3A_232] : memref<8x64x128xf32, #tpu.memory_space<vmem>> -> memref<1x64x128xf32, #tpu.memory_space<vmem>>
            %dma_start3A_234 = tpu.memref_squeeze %dma_start3A_233 : memref<1x64x128xf32, #tpu.memory_space<vmem>> -> memref<64x128xf32, #tpu.memory_space<vmem>>
            %dma_start3A_235 = arith.constant 0 : i32
            %dma_start3A_236 = tpu.memref_slice %arg2[%dma_start3A_235, %mul3A_224] : memref<64x1000000xf32, #tpu.memory_space<hbm>> -> memref<64x128xf32, #tpu.memory_space<hbm>>
            tpu.enqueue_dma source(%dma_start3A_236 : memref<64x128xf32, #tpu.memory_space<hbm>>) target(%dma_start3A_234 : memref<64x128xf32, #tpu.memory_space<vmem>>) target_semaphore(%arg14 : memref<!tpu.dma_semaphore, #tpu.memory_space<semaphore_mem>>)
          } else {
          }
          %eq3A_218 = arith.constant 7812 : i32
          %eq3A_219 = arith.cmpi eq, %sub3A_212, %eq3A_218 : i32
          %convert_element_type3A_220 = arith.extui %eq3A_219 : i1 to i32
          %cond3A_221 = arith.constant 0 : i32
          %cond3A_222 = arith.cmpi ne, %convert_element_type3A_220, %cond3A_221 : i32
          scf.if %cond3A_222 {
            %dma_start3A = arith.constant 3 : i32
            %dma_start3A_223 = arith.constant 0 : i32
            %dma_start3A_224 = arith.constant 0 : i32
            %dma_start3A_225 = tpu.memref_slice %arg9[%dma_start3A, %dma_start3A_223, %dma_start3A_224] : memref<8x64x128xf32, #tpu.memory_space<vmem>> -> memref<1x64x128xf32, #tpu.memory_space<vmem>>
            %dma_start3A_226 = tpu.memref_squeeze %dma_start3A_225 : memref<1x64x128xf32, #tpu.memory_space<vmem>> -> memref<64x128xf32, #tpu.memory_space<vmem>>
            %dma_start3A_227 = arith.constant 0 : i32
            %dma_start3A_228 = arith.constant 0 : i32
            %dma_start3A_229 = tpu.memref_slice %arg9[%dma_start3A, %dma_start3A_227, %dma_start3A_228] : memref<8x64x128xf32, #tpu.memory_space<vmem>> -> memref<1x64x128xf32, #tpu.memory_space<vmem>>
            %dma_start3A_230 = tpu.memref_squeeze %dma_start3A_229 : memref<1x64x128xf32, #tpu.memory_space<vmem>> -> memref<64x128xf32, #tpu.memory_space<vmem>>
            tpu.enqueue_dma source(%arg3 : memref<64x128xf32, #tpu.memory_space<hbm>>) target(%dma_start3A_230 : memref<64x128xf32, #tpu.memory_space<vmem>>) target_semaphore(%arg14 : memref<!tpu.dma_semaphore, #tpu.memory_space<semaphore_mem>>)
          } else {
          }
        } else {
        }
        %add3A_205 = arith.constant 1 : i32
        %add3A_206 = arith.addi %add3A_147, %add3A_205 : i32
        %mul3A_207 = arith.constant 128 : i32
        %mul3A_208 = arith.muli %add3A_206, %mul3A_207 : i32
        %while3A = scf.while (%while3A_209 = %cond3A_142) : (i32) -> i32 {
          %lt3A_210 = arith.cmpi slt, %while3A_209, %reduce_max3A_35 : i32
          %sub3A_211 = arith.subi %while3A_209, %multiple_of3A : i32
          %shift_right_arithmetic3A_212 = arith.constant 4 : i32
          %shift_right_arithmetic3A_213 = arith.shrsi %sub3A_211, %shift_right_arithmetic3A_212 : i32
          %shift_left3A_214 = arith.constant 4 : i32
          %shift_left3A_215 = arith.shli %shift_right_arithmetic3A_213, %shift_left3A_214 : i32
          %get3A_216 = arith.index_cast %shift_left3A_215 : i32 to index
          %get3A_217 = tpu.vector_load %arg7[%get3A_216] {strides = array<i32>} : memref<1032xi32, #tpu.memory_space<vmem>>, vector<16xi32>,
          %and3A_218 = arith.constant 15 : i32
          %and3A_219 = arith.andi %sub3A_211, %and3A_218 : i32
          %eq3A_220 = vector.broadcast %and3A_219 : i32 to vector<16xi32>
          %eq3A_221 = arith.cmpi eq, %iota3A, %eq3A_220 : vector<16xi32>
          %jit3A_222 = arith.constant -1 : i32
          %broadcast_in_dim3A_223 = vector.broadcast %jit3A_222 : i32 to vector<16xi32>
          %select_n3A_224 = arith.select %eq3A_221, %get3A_217, %broadcast_in_dim3A_223 : vector<16xi1>, vector<16xi32>
          %reduce_max3A_225 = arith.constant true
          %reduce_max3A_226 = vector.broadcast %reduce_max3A_225 : i1 to vector<16xi1>
          %reduce_max3A_227 = arith.constant -2147483648 : i32
          %reduce_max3A_228 = vector.broadcast %reduce_max3A_227 : i32 to vector<16xi32>
          %reduce_max3A_229 = arith.xori %select_n3A_224, %reduce_max3A_228 : vector<16xi32>
          %reduce_max3A_230 = tpu.scan <max>, %reduce_max3A_229 masked %reduce_max3A_226 : vector<16xi32>, vector<16xi1> -> vector<16xi32>
          %reduce_max3A_231 = arith.xori %reduce_max3A_230, %reduce_max3A_228 : vector<16xi32>
          %reduce_max3A_232 = vector.extract %reduce_max3A_231[15] : i32 from vector<16xi32>
          %lt3A_233 = arith.cmpi slt, %reduce_max3A_232, %mul3A_208 : i32
          %and3A_234 = arith.andi %lt3A_210, %lt3A_233 : i1
          scf.condition(%and3A_234) %while3A_209 : i32
        } do {
        ^bb0(%while3A_209: i32):
          %sub3A_210 = arith.subi %while3A_209, %multiple_of3A : i32
          %shift_right_arithmetic3A_211 = arith.constant 4 : i32
          %shift_right_arithmetic3A_212 = arith.shrsi %sub3A_210, %shift_right_arithmetic3A_211 : i32
          %shift_left3A_213 = arith.constant 4 : i32
          %shift_left3A_214 = arith.shli %shift_right_arithmetic3A_212, %shift_left3A_213 : i32
          %get3A_215 = arith.index_cast %shift_left3A_214 : i32 to index
          %get3A_216 = tpu.vector_load %arg7[%get3A_215] {strides = array<i32>} : memref<1032xi32, #tpu.memory_space<vmem>>, vector<16xi32>,
          %and3A_217 = arith.constant 15 : i32
          %and3A_218 = arith.andi %sub3A_210, %and3A_217 : i32
          %eq3A_219 = vector.broadcast %and3A_218 : i32 to vector<16xi32>
          %eq3A_220 = arith.cmpi eq, %iota3A, %eq3A_219 : vector<16xi32>
          %jit3A_221 = arith.constant -1 : i32
          %broadcast_in_dim3A_222 = vector.broadcast %jit3A_221 : i32 to vector<16xi32>
          %select_n3A_223 = arith.select %eq3A_220, %get3A_216, %broadcast_in_dim3A_222 : vector<16xi1>, vector<16xi32>
          %reduce_max3A_224 = arith.constant true
          %reduce_max3A_225 = vector.broadcast %reduce_max3A_224 : i1 to vector<16xi1>
          %reduce_max3A_226 = arith.constant -2147483648 : i32
          %reduce_max3A_227 = vector.broadcast %reduce_max3A_226 : i32 to vector<16xi32>
          %reduce_max3A_228 = arith.xori %select_n3A_223, %reduce_max3A_227 : vector<16xi32>
          %reduce_max3A_229 = tpu.scan <max>, %reduce_max3A_228 masked %reduce_max3A_225 : vector<16xi32>, vector<16xi1> -> vector<16xi32>
          %reduce_max3A_230 = arith.xori %reduce_max3A_229, %reduce_max3A_227 : vector<16xi32>
          %reduce_max3A_231 = vector.extract %reduce_max3A_230[15] : i32 from vector<16xi32>
          %mul3A_232 = arith.constant 128 : i32
          %mul3A_233 = arith.muli %add3A_147, %mul3A_232 : i32
          %sub3A_234 = arith.subi %reduce_max3A_231, %mul3A_233 : i32
          %sub3A_235 = arith.subi %while3A_209, %reduce_max3A_12 : i32
          %broadcast_in_dim3A_236 = arith.constant 4 : i32
          %broadcast_in_dim3A_237 = vector.broadcast %broadcast_in_dim3A_236 : i32 to vector<16xi32>
          %add3A_238 = arith.constant 0 : i32
          %add3A_239 = vector.broadcast %add3A_238 : i32 to vector<16xi32>
          %add3A_240 = arith.addi %iota3A, %add3A_239 : vector<16xi32>
          %broadcast_in_dim3A_241 = arith.constant 0 : i32
          %broadcast_in_dim3A_242 = vector.broadcast %broadcast_in_dim3A_241 : i32 to vector<16xi32>
          %add3A_243 = vector.broadcast %sub3A_234 : i32 to vector<16xi32>
          %add3A_244 = arith.addi %broadcast_in_dim3A_242, %add3A_243 : vector<16xi32>
          %gather3A = tpu.vector_load_idx %arg9[%broadcast_in_dim3A_237, %add3A_240, %add3A_244] : memref<8x64x128xf32, #tpu.memory_space<vmem>>[vector<16xi32>, vector<16xi32>, vector<16xi32>], vector<16xf32>,
          %shift_right_arithmetic3A_245 = arith.constant 1 : i32
          %shift_right_arithmetic3A_246 = arith.shrsi %sub3A_235, %shift_right_arithmetic3A_245 : i32
          %and3A_247 = arith.constant 1 : i32
          %and3A_248 = arith.andi %sub3A_235, %and3A_247 : i32
          %mul3A_249 = arith.constant 64 : i32
          %mul3A_250 = arith.muli %and3A_248, %mul3A_249 : i32
          %add3A_251 = arith.constant 0 : i32
          %add3A_252 = arith.addi %mul3A_250, %add3A_251 : i32
          %swap3A = arith.index_cast %shift_right_arithmetic3A_246 : i32 to index
          %swap3A_253 = arith.index_cast %add3A_252 : i32 to index
          %swap3A_254 = tpu.vector_load %arg10[%swap3A, %swap3A_253] {strides = array<i32>} : memref<496x128xf32, #tpu.memory_space<vmem>>, vector<16xf32>,
          tpu.vector_store %arg10[%swap3A, %swap3A_253], %gather3A {strides = array<i32>} : memref<496x128xf32, #tpu.memory_space<vmem>>, vector<16xf32>,
          %broadcast_in_dim3A_255 = arith.constant 4 : i32
          %broadcast_in_dim3A_256 = vector.broadcast %broadcast_in_dim3A_255 : i32 to vector<16xi32>
          %add3A_257 = arith.constant 16 : i32
          %add3A_258 = vector.broadcast %add3A_257 : i32 to vector<16xi32>
          %add3A_259 = arith.addi %iota3A, %add3A_258 : vector<16xi32>
          %broadcast_in_dim3A_260 = arith.constant 0 : i32
          %broadcast_in_dim3A_261 = vector.broadcast %broadcast_in_dim3A_260 : i32 to vector<16xi32>
          %add3A_262 = vector.broadcast %sub3A_234 : i32 to vector<16xi32>
          %add3A_263 = arith.addi %broadcast_in_dim3A_261, %add3A_262 : vector<16xi32>
          %gather3A_264 = tpu.vector_load_idx %arg9[%broadcast_in_dim3A_256, %add3A_259, %add3A_263] : memref<8x64x128xf32, #tpu.memory_space<vmem>>[vector<16xi32>, vector<16xi32>, vector<16xi32>], vector<16xf32>,
          %shift_right_arithmetic3A_265 = arith.constant 1 : i32
          %shift_right_arithmetic3A_266 = arith.shrsi %sub3A_235, %shift_right_arithmetic3A_265 : i32
          %and3A_267 = arith.constant 1 : i32
          %and3A_268 = arith.andi %sub3A_235, %and3A_267 : i32
          %mul3A_269 = arith.constant 64 : i32
          %mul3A_270 = arith.muli %and3A_268, %mul3A_269 : i32
          %add3A_271 = arith.constant 16 : i32
          %add3A_272 = arith.addi %mul3A_270, %add3A_271 : i32
          %swap3A_273 = arith.index_cast %shift_right_arithmetic3A_266 : i32 to index
          %swap3A_274 = arith.index_cast %add3A_272 : i32 to index
          %swap3A_275 = tpu.vector_load %arg10[%swap3A_273, %swap3A_274] {strides = array<i32>} : memref<496x128xf32, #tpu.memory_space<vmem>>, vector<16xf32>,
          tpu.vector_store %arg10[%swap3A_273, %swap3A_274], %gather3A_264 {strides = array<i32>} : memref<496x128xf32, #tpu.memory_space<vmem>>, vector<16xf32>,
          %broadcast_in_dim3A_276 = arith.constant 4 : i32
          %broadcast_in_dim3A_277 = vector.broadcast %broadcast_in_dim3A_276 : i32 to vector<16xi32>
          %add3A_278 = arith.constant 32 : i32
          %add3A_279 = vector.broadcast %add3A_278 : i32 to vector<16xi32>
          %add3A_280 = arith.addi %iota3A, %add3A_279 : vector<16xi32>
          %broadcast_in_dim3A_281 = arith.constant 0 : i32
          %broadcast_in_dim3A_282 = vector.broadcast %broadcast_in_dim3A_281 : i32 to vector<16xi32>
          %add3A_283 = vector.broadcast %sub3A_234 : i32 to vector<16xi32>
          %add3A_284 = arith.addi %broadcast_in_dim3A_282, %add3A_283 : vector<16xi32>
          %gather3A_285 = tpu.vector_load_idx %arg9[%broadcast_in_dim3A_277, %add3A_280, %add3A_284] : memref<8x64x128xf32, #tpu.memory_space<vmem>>[vector<16xi32>, vector<16xi32>, vector<16xi32>], vector<16xf32>,
          %shift_right_arithmetic3A_286 = arith.constant 1 : i32
          %shift_right_arithmetic3A_287 = arith.shrsi %sub3A_235, %shift_right_arithmetic3A_286 : i32
          %and3A_288 = arith.constant 1 : i32
          %and3A_289 = arith.andi %sub3A_235, %and3A_288 : i32
          %mul3A_290 = arith.constant 64 : i32
          %mul3A_291 = arith.muli %and3A_289, %mul3A_290 : i32
          %add3A_292 = arith.constant 32 : i32
          %add3A_293 = arith.addi %mul3A_291, %add3A_292 : i32
          %swap3A_294 = arith.index_cast %shift_right_arithmetic3A_287 : i32 to index
          %swap3A_295 = arith.index_cast %add3A_293 : i32 to index
          %swap3A_296 = tpu.vector_load %arg10[%swap3A_294, %swap3A_295] {strides = array<i32>} : memref<496x128xf32, #tpu.memory_space<vmem>>, vector<16xf32>,
          tpu.vector_store %arg10[%swap3A_294, %swap3A_295], %gather3A_285 {strides = array<i32>} : memref<496x128xf32, #tpu.memory_space<vmem>>, vector<16xf32>,
          %broadcast_in_dim3A_297 = arith.constant 4 : i32
          %broadcast_in_dim3A_298 = vector.broadcast %broadcast_in_dim3A_297 : i32 to vector<16xi32>
          %add3A_299 = arith.constant 48 : i32
          %add3A_300 = vector.broadcast %add3A_299 : i32 to vector<16xi32>
          %add3A_301 = arith.addi %iota3A, %add3A_300 : vector<16xi32>
          %broadcast_in_dim3A_302 = arith.constant 0 : i32
          %broadcast_in_dim3A_303 = vector.broadcast %broadcast_in_dim3A_302 : i32 to vector<16xi32>
          %add3A_304 = vector.broadcast %sub3A_234 : i32 to vector<16xi32>
          %add3A_305 = arith.addi %broadcast_in_dim3A_303, %add3A_304 : vector<16xi32>
          %gather3A_306 = tpu.vector_load_idx %arg9[%broadcast_in_dim3A_298, %add3A_301, %add3A_305] : memref<8x64x128xf32, #tpu.memory_space<vmem>>[vector<16xi32>, vector<16xi32>, vector<16xi32>], vector<16xf32>,
          %shift_right_arithmetic3A_307 = arith.constant 1 : i32
          %shift_right_arithmetic3A_308 = arith.shrsi %sub3A_235, %shift_right_arithmetic3A_307 : i32
          %and3A_309 = arith.constant 1 : i32
          %and3A_310 = arith.andi %sub3A_235, %and3A_309 : i32
          %mul3A_311 = arith.constant 64 : i32
          %mul3A_312 = arith.muli %and3A_310, %mul3A_311 : i32
          %add3A_313 = arith.constant 48 : i32
          %add3A_314 = arith.addi %mul3A_312, %add3A_313 : i32
          %swap3A_315 = arith.index_cast %shift_right_arithmetic3A_308 : i32 to index
          %swap3A_316 = arith.index_cast %add3A_314 : i32 to index
          %swap3A_317 = tpu.vector_load %arg10[%swap3A_315, %swap3A_316] {strides = array<i32>} : memref<496x128xf32, #tpu.memory_space<vmem>>, vector<16xf32>,
          tpu.vector_store %arg10[%swap3A_315, %swap3A_316], %gather3A_306 {strides = array<i32>} : memref<496x128xf32, #tpu.memory_space<vmem>>, vector<16xf32>,
          %add3A_318 = arith.constant 1 : i32
          %add3A_319 = arith.addi %while3A_209, %add3A_318 : i32
          scf.yield %add3A_319 : i32
        }
        scf.yield %while3A : i32
      } else {
        scf.yield %cond3A_142 : i32
      }
      %mul3A_153 = arith.constant 8 : i32
      %mul3A_154 = arith.muli %mul3A_153, %scan3A_101 : i32
      %add3A_155 = arith.addi %mul3A_41, %mul3A_154 : i32
      %add3A_156 = arith.constant 5 : i32
      %add3A_157 = arith.addi %add3A_155, %add3A_156 : i32
      %lt3A_158 = arith.cmpi slt, %add3A_157, %min3A_44 : i32
      %convert_element_type3A_159 = arith.extui %lt3A_158 : i1 to i32
      %cond3A_160 = arith.constant 0 : i32
      %cond3A_161 = arith.cmpi ne, %convert_element_type3A_159, %cond3A_160 : i32
      %cond3A_162 = scf.if %cond3A_161 -> (i32) {
        %dma_wait3A = arith.constant 5 : i32
        %dma_wait3A_183 = arith.constant 0 : i32
        %dma_wait3A_184 = arith.constant 0 : i32
        %dma_wait3A_185 = tpu.memref_slice %arg9[%dma_wait3A, %dma_wait3A_183, %dma_wait3A_184] : memref<8x64x128xf32, #tpu.memory_space<vmem>> -> memref<1x64x128xf32, #tpu.memory_space<vmem>>
        %dma_wait3A_186 = tpu.memref_squeeze %dma_wait3A_185 : memref<1x64x128xf32, #tpu.memory_space<vmem>> -> memref<64x128xf32, #tpu.memory_space<vmem>>
        %dma_wait3A_187 = arith.constant 0 : i32
        %dma_wait3A_188 = arith.constant 0 : i32
        %dma_wait3A_189 = tpu.memref_slice %arg2[%dma_wait3A_187, %dma_wait3A_188] : memref<64x1000000xf32, #tpu.memory_space<hbm>> -> memref<64x128xf32, #tpu.memory_space<hbm>>
        %dma_wait3A_190 = arith.constant 0 : i32
        %dma_wait3A_191 = arith.constant 0 : i32
        %dma_wait3A_192 = tpu.memref_slice %arg9[%dma_wait3A, %dma_wait3A_190, %dma_wait3A_191] : memref<8x64x128xf32, #tpu.memory_space<vmem>> -> memref<1x64x128xf32, #tpu.memory_space<vmem>>
        %dma_wait3A_193 = tpu.memref_squeeze %dma_wait3A_192 : memref<1x64x128xf32, #tpu.memory_space<vmem>> -> memref<64x128xf32, #tpu.memory_space<vmem>>
        %dma_wait3A_194 = arith.constant 0 : i32
        %dma_wait3A_195 = arith.constant 0 : i32
        %dma_wait3A_196 = tpu.memref_slice %arg2[%dma_wait3A_194, %dma_wait3A_195] : memref<64x1000000xf32, #tpu.memory_space<hbm>> -> memref<64x128xf32, #tpu.memory_space<hbm>>
        tpu.wait_dma2 semaphore(%arg16 : memref<!tpu.dma_semaphore, #tpu.memory_space<semaphore_mem>>) src(%dma_wait3A_196 : memref<64x128xf32, #tpu.memory_space<hbm>>) dst(%dma_wait3A_193 : memref<64x128xf32, #tpu.memory_space<vmem>>)
        %add3A_197 = arith.constant 8 : i32
        %add3A_198 = arith.addi %add3A_157, %add3A_197 : i32
        %sub3A_199 = arith.constant 1 : i32
        %sub3A_200 = arith.subi %add3A_198, %sub3A_199 : i32
        %lt3A_201 = arith.cmpi slt, %sub3A_200, %min3A_44 : i32
        %convert_element_type3A_202 = arith.extui %lt3A_201 : i1 to i32
        %cond3A_203 = arith.constant 0 : i32
        %cond3A_204 = arith.cmpi ne, %convert_element_type3A_202, %cond3A_203 : i32
        scf.if %cond3A_204 {
          %add3A_209 = arith.constant 8 : i32
          %add3A_210 = arith.addi %add3A_157, %add3A_209 : i32
          %sub3A_211 = arith.constant 1 : i32
          %sub3A_212 = arith.subi %add3A_210, %sub3A_211 : i32
          %lt3A_213 = arith.constant 7812 : i32
          %lt3A_214 = arith.cmpi slt, %sub3A_212, %lt3A_213 : i32
          %convert_element_type3A_215 = arith.extui %lt3A_214 : i1 to i32
          %cond3A_216 = arith.constant 0 : i32
          %cond3A_217 = arith.cmpi ne, %convert_element_type3A_215, %cond3A_216 : i32
          scf.if %cond3A_217 {
            %mul3A_223 = arith.constant 128 : i32
            %mul3A_224 = arith.muli %sub3A_212, %mul3A_223 : i32
            %dma_start3A = arith.constant 4 : i32
            %dma_start3A_225 = arith.constant 0 : i32
            %dma_start3A_226 = arith.constant 0 : i32
            %dma_start3A_227 = tpu.memref_slice %arg9[%dma_start3A, %dma_start3A_225, %dma_start3A_226] : memref<8x64x128xf32, #tpu.memory_space<vmem>> -> memref<1x64x128xf32, #tpu.memory_space<vmem>>
            %dma_start3A_228 = tpu.memref_squeeze %dma_start3A_227 : memref<1x64x128xf32, #tpu.memory_space<vmem>> -> memref<64x128xf32, #tpu.memory_space<vmem>>
            %dma_start3A_229 = arith.constant 0 : i32
            %dma_start3A_230 = tpu.memref_slice %arg2[%dma_start3A_229, %mul3A_224] : memref<64x1000000xf32, #tpu.memory_space<hbm>> -> memref<64x128xf32, #tpu.memory_space<hbm>>
            %dma_start3A_231 = arith.constant 0 : i32
            %dma_start3A_232 = arith.constant 0 : i32
            %dma_start3A_233 = tpu.memref_slice %arg9[%dma_start3A, %dma_start3A_231, %dma_start3A_232] : memref<8x64x128xf32, #tpu.memory_space<vmem>> -> memref<1x64x128xf32, #tpu.memory_space<vmem>>
            %dma_start3A_234 = tpu.memref_squeeze %dma_start3A_233 : memref<1x64x128xf32, #tpu.memory_space<vmem>> -> memref<64x128xf32, #tpu.memory_space<vmem>>
            %dma_start3A_235 = arith.constant 0 : i32
            %dma_start3A_236 = tpu.memref_slice %arg2[%dma_start3A_235, %mul3A_224] : memref<64x1000000xf32, #tpu.memory_space<hbm>> -> memref<64x128xf32, #tpu.memory_space<hbm>>
            tpu.enqueue_dma source(%dma_start3A_236 : memref<64x128xf32, #tpu.memory_space<hbm>>) target(%dma_start3A_234 : memref<64x128xf32, #tpu.memory_space<vmem>>) target_semaphore(%arg15 : memref<!tpu.dma_semaphore, #tpu.memory_space<semaphore_mem>>)
          } else {
          }
          %eq3A_218 = arith.constant 7812 : i32
          %eq3A_219 = arith.cmpi eq, %sub3A_212, %eq3A_218 : i32
          %convert_element_type3A_220 = arith.extui %eq3A_219 : i1 to i32
          %cond3A_221 = arith.constant 0 : i32
          %cond3A_222 = arith.cmpi ne, %convert_element_type3A_220, %cond3A_221 : i32
          scf.if %cond3A_222 {
            %dma_start3A = arith.constant 4 : i32
            %dma_start3A_223 = arith.constant 0 : i32
            %dma_start3A_224 = arith.constant 0 : i32
            %dma_start3A_225 = tpu.memref_slice %arg9[%dma_start3A, %dma_start3A_223, %dma_start3A_224] : memref<8x64x128xf32, #tpu.memory_space<vmem>> -> memref<1x64x128xf32, #tpu.memory_space<vmem>>
            %dma_start3A_226 = tpu.memref_squeeze %dma_start3A_225 : memref<1x64x128xf32, #tpu.memory_space<vmem>> -> memref<64x128xf32, #tpu.memory_space<vmem>>
            %dma_start3A_227 = arith.constant 0 : i32
            %dma_start3A_228 = arith.constant 0 : i32
            %dma_start3A_229 = tpu.memref_slice %arg9[%dma_start3A, %dma_start3A_227, %dma_start3A_228] : memref<8x64x128xf32, #tpu.memory_space<vmem>> -> memref<1x64x128xf32, #tpu.memory_space<vmem>>
            %dma_start3A_230 = tpu.memref_squeeze %dma_start3A_229 : memref<1x64x128xf32, #tpu.memory_space<vmem>> -> memref<64x128xf32, #tpu.memory_space<vmem>>
            tpu.enqueue_dma source(%arg3 : memref<64x128xf32, #tpu.memory_space<hbm>>) target(%dma_start3A_230 : memref<64x128xf32, #tpu.memory_space<vmem>>) target_semaphore(%arg15 : memref<!tpu.dma_semaphore, #tpu.memory_space<semaphore_mem>>)
          } else {
          }
        } else {
        }
        %add3A_205 = arith.constant 1 : i32
        %add3A_206 = arith.addi %add3A_157, %add3A_205 : i32
        %mul3A_207 = arith.constant 128 : i32
        %mul3A_208 = arith.muli %add3A_206, %mul3A_207 : i32
        %while3A = scf.while (%while3A_209 = %cond3A_152) : (i32) -> i32 {
          %lt3A_210 = arith.cmpi slt, %while3A_209, %reduce_max3A_35 : i32
          %sub3A_211 = arith.subi %while3A_209, %multiple_of3A : i32
          %shift_right_arithmetic3A_212 = arith.constant 4 : i32
          %shift_right_arithmetic3A_213 = arith.shrsi %sub3A_211, %shift_right_arithmetic3A_212 : i32
          %shift_left3A_214 = arith.constant 4 : i32
          %shift_left3A_215 = arith.shli %shift_right_arithmetic3A_213, %shift_left3A_214 : i32
          %get3A_216 = arith.index_cast %shift_left3A_215 : i32 to index
          %get3A_217 = tpu.vector_load %arg7[%get3A_216] {strides = array<i32>} : memref<1032xi32, #tpu.memory_space<vmem>>, vector<16xi32>,
          %and3A_218 = arith.constant 15 : i32
          %and3A_219 = arith.andi %sub3A_211, %and3A_218 : i32
          %eq3A_220 = vector.broadcast %and3A_219 : i32 to vector<16xi32>
          %eq3A_221 = arith.cmpi eq, %iota3A, %eq3A_220 : vector<16xi32>
          %jit3A_222 = arith.constant -1 : i32
          %broadcast_in_dim3A_223 = vector.broadcast %jit3A_222 : i32 to vector<16xi32>
          %select_n3A_224 = arith.select %eq3A_221, %get3A_217, %broadcast_in_dim3A_223 : vector<16xi1>, vector<16xi32>
          %reduce_max3A_225 = arith.constant true
          %reduce_max3A_226 = vector.broadcast %reduce_max3A_225 : i1 to vector<16xi1>
          %reduce_max3A_227 = arith.constant -2147483648 : i32
          %reduce_max3A_228 = vector.broadcast %reduce_max3A_227 : i32 to vector<16xi32>
          %reduce_max3A_229 = arith.xori %select_n3A_224, %reduce_max3A_228 : vector<16xi32>
          %reduce_max3A_230 = tpu.scan <max>, %reduce_max3A_229 masked %reduce_max3A_226 : vector<16xi32>, vector<16xi1> -> vector<16xi32>
          %reduce_max3A_231 = arith.xori %reduce_max3A_230, %reduce_max3A_228 : vector<16xi32>
          %reduce_max3A_232 = vector.extract %reduce_max3A_231[15] : i32 from vector<16xi32>
          %lt3A_233 = arith.cmpi slt, %reduce_max3A_232, %mul3A_208 : i32
          %and3A_234 = arith.andi %lt3A_210, %lt3A_233 : i1
          scf.condition(%and3A_234) %while3A_209 : i32
        } do {
        ^bb0(%while3A_209: i32):
          %sub3A_210 = arith.subi %while3A_209, %multiple_of3A : i32
          %shift_right_arithmetic3A_211 = arith.constant 4 : i32
          %shift_right_arithmetic3A_212 = arith.shrsi %sub3A_210, %shift_right_arithmetic3A_211 : i32
          %shift_left3A_213 = arith.constant 4 : i32
          %shift_left3A_214 = arith.shli %shift_right_arithmetic3A_212, %shift_left3A_213 : i32
          %get3A_215 = arith.index_cast %shift_left3A_214 : i32 to index
          %get3A_216 = tpu.vector_load %arg7[%get3A_215] {strides = array<i32>} : memref<1032xi32, #tpu.memory_space<vmem>>, vector<16xi32>,
          %and3A_217 = arith.constant 15 : i32
          %and3A_218 = arith.andi %sub3A_210, %and3A_217 : i32
          %eq3A_219 = vector.broadcast %and3A_218 : i32 to vector<16xi32>
          %eq3A_220 = arith.cmpi eq, %iota3A, %eq3A_219 : vector<16xi32>
          %jit3A_221 = arith.constant -1 : i32
          %broadcast_in_dim3A_222 = vector.broadcast %jit3A_221 : i32 to vector<16xi32>
          %select_n3A_223 = arith.select %eq3A_220, %get3A_216, %broadcast_in_dim3A_222 : vector<16xi1>, vector<16xi32>
          %reduce_max3A_224 = arith.constant true
          %reduce_max3A_225 = vector.broadcast %reduce_max3A_224 : i1 to vector<16xi1>
          %reduce_max3A_226 = arith.constant -2147483648 : i32
          %reduce_max3A_227 = vector.broadcast %reduce_max3A_226 : i32 to vector<16xi32>
          %reduce_max3A_228 = arith.xori %select_n3A_223, %reduce_max3A_227 : vector<16xi32>
          %reduce_max3A_229 = tpu.scan <max>, %reduce_max3A_228 masked %reduce_max3A_225 : vector<16xi32>, vector<16xi1> -> vector<16xi32>
          %reduce_max3A_230 = arith.xori %reduce_max3A_229, %reduce_max3A_227 : vector<16xi32>
          %reduce_max3A_231 = vector.extract %reduce_max3A_230[15] : i32 from vector<16xi32>
          %mul3A_232 = arith.constant 128 : i32
          %mul3A_233 = arith.muli %add3A_157, %mul3A_232 : i32
          %sub3A_234 = arith.subi %reduce_max3A_231, %mul3A_233 : i32
          %sub3A_235 = arith.subi %while3A_209, %reduce_max3A_12 : i32
          %broadcast_in_dim3A_236 = arith.constant 5 : i32
          %broadcast_in_dim3A_237 = vector.broadcast %broadcast_in_dim3A_236 : i32 to vector<16xi32>
          %add3A_238 = arith.constant 0 : i32
          %add3A_239 = vector.broadcast %add3A_238 : i32 to vector<16xi32>
          %add3A_240 = arith.addi %iota3A, %add3A_239 : vector<16xi32>
          %broadcast_in_dim3A_241 = arith.constant 0 : i32
          %broadcast_in_dim3A_242 = vector.broadcast %broadcast_in_dim3A_241 : i32 to vector<16xi32>
          %add3A_243 = vector.broadcast %sub3A_234 : i32 to vector<16xi32>
          %add3A_244 = arith.addi %broadcast_in_dim3A_242, %add3A_243 : vector<16xi32>
          %gather3A = tpu.vector_load_idx %arg9[%broadcast_in_dim3A_237, %add3A_240, %add3A_244] : memref<8x64x128xf32, #tpu.memory_space<vmem>>[vector<16xi32>, vector<16xi32>, vector<16xi32>], vector<16xf32>,
          %shift_right_arithmetic3A_245 = arith.constant 1 : i32
          %shift_right_arithmetic3A_246 = arith.shrsi %sub3A_235, %shift_right_arithmetic3A_245 : i32
          %and3A_247 = arith.constant 1 : i32
          %and3A_248 = arith.andi %sub3A_235, %and3A_247 : i32
          %mul3A_249 = arith.constant 64 : i32
          %mul3A_250 = arith.muli %and3A_248, %mul3A_249 : i32
          %add3A_251 = arith.constant 0 : i32
          %add3A_252 = arith.addi %mul3A_250, %add3A_251 : i32
          %swap3A = arith.index_cast %shift_right_arithmetic3A_246 : i32 to index
          %swap3A_253 = arith.index_cast %add3A_252 : i32 to index
          %swap3A_254 = tpu.vector_load %arg10[%swap3A, %swap3A_253] {strides = array<i32>} : memref<496x128xf32, #tpu.memory_space<vmem>>, vector<16xf32>,
          tpu.vector_store %arg10[%swap3A, %swap3A_253], %gather3A {strides = array<i32>} : memref<496x128xf32, #tpu.memory_space<vmem>>, vector<16xf32>,
          %broadcast_in_dim3A_255 = arith.constant 5 : i32
          %broadcast_in_dim3A_256 = vector.broadcast %broadcast_in_dim3A_255 : i32 to vector<16xi32>
          %add3A_257 = arith.constant 16 : i32
          %add3A_258 = vector.broadcast %add3A_257 : i32 to vector<16xi32>
          %add3A_259 = arith.addi %iota3A, %add3A_258 : vector<16xi32>
          %broadcast_in_dim3A_260 = arith.constant 0 : i32
          %broadcast_in_dim3A_261 = vector.broadcast %broadcast_in_dim3A_260 : i32 to vector<16xi32>
          %add3A_262 = vector.broadcast %sub3A_234 : i32 to vector<16xi32>
          %add3A_263 = arith.addi %broadcast_in_dim3A_261, %add3A_262 : vector<16xi32>
          %gather3A_264 = tpu.vector_load_idx %arg9[%broadcast_in_dim3A_256, %add3A_259, %add3A_263] : memref<8x64x128xf32, #tpu.memory_space<vmem>>[vector<16xi32>, vector<16xi32>, vector<16xi32>], vector<16xf32>,
          %shift_right_arithmetic3A_265 = arith.constant 1 : i32
          %shift_right_arithmetic3A_266 = arith.shrsi %sub3A_235, %shift_right_arithmetic3A_265 : i32
          %and3A_267 = arith.constant 1 : i32
          %and3A_268 = arith.andi %sub3A_235, %and3A_267 : i32
          %mul3A_269 = arith.constant 64 : i32
          %mul3A_270 = arith.muli %and3A_268, %mul3A_269 : i32
          %add3A_271 = arith.constant 16 : i32
          %add3A_272 = arith.addi %mul3A_270, %add3A_271 : i32
          %swap3A_273 = arith.index_cast %shift_right_arithmetic3A_266 : i32 to index
          %swap3A_274 = arith.index_cast %add3A_272 : i32 to index
          %swap3A_275 = tpu.vector_load %arg10[%swap3A_273, %swap3A_274] {strides = array<i32>} : memref<496x128xf32, #tpu.memory_space<vmem>>, vector<16xf32>,
          tpu.vector_store %arg10[%swap3A_273, %swap3A_274], %gather3A_264 {strides = array<i32>} : memref<496x128xf32, #tpu.memory_space<vmem>>, vector<16xf32>,
          %broadcast_in_dim3A_276 = arith.constant 5 : i32
          %broadcast_in_dim3A_277 = vector.broadcast %broadcast_in_dim3A_276 : i32 to vector<16xi32>
          %add3A_278 = arith.constant 32 : i32
          %add3A_279 = vector.broadcast %add3A_278 : i32 to vector<16xi32>
          %add3A_280 = arith.addi %iota3A, %add3A_279 : vector<16xi32>
          %broadcast_in_dim3A_281 = arith.constant 0 : i32
          %broadcast_in_dim3A_282 = vector.broadcast %broadcast_in_dim3A_281 : i32 to vector<16xi32>
          %add3A_283 = vector.broadcast %sub3A_234 : i32 to vector<16xi32>
          %add3A_284 = arith.addi %broadcast_in_dim3A_282, %add3A_283 : vector<16xi32>
          %gather3A_285 = tpu.vector_load_idx %arg9[%broadcast_in_dim3A_277, %add3A_280, %add3A_284] : memref<8x64x128xf32, #tpu.memory_space<vmem>>[vector<16xi32>, vector<16xi32>, vector<16xi32>], vector<16xf32>,
          %shift_right_arithmetic3A_286 = arith.constant 1 : i32
          %shift_right_arithmetic3A_287 = arith.shrsi %sub3A_235, %shift_right_arithmetic3A_286 : i32
          %and3A_288 = arith.constant 1 : i32
          %and3A_289 = arith.andi %sub3A_235, %and3A_288 : i32
          %mul3A_290 = arith.constant 64 : i32
          %mul3A_291 = arith.muli %and3A_289, %mul3A_290 : i32
          %add3A_292 = arith.constant 32 : i32
          %add3A_293 = arith.addi %mul3A_291, %add3A_292 : i32
          %swap3A_294 = arith.index_cast %shift_right_arithmetic3A_287 : i32 to index
          %swap3A_295 = arith.index_cast %add3A_293 : i32 to index
          %swap3A_296 = tpu.vector_load %arg10[%swap3A_294, %swap3A_295] {strides = array<i32>} : memref<496x128xf32, #tpu.memory_space<vmem>>, vector<16xf32>,
          tpu.vector_store %arg10[%swap3A_294, %swap3A_295], %gather3A_285 {strides = array<i32>} : memref<496x128xf32, #tpu.memory_space<vmem>>, vector<16xf32>,
          %broadcast_in_dim3A_297 = arith.constant 5 : i32
          %broadcast_in_dim3A_298 = vector.broadcast %broadcast_in_dim3A_297 : i32 to vector<16xi32>
          %add3A_299 = arith.constant 48 : i32
          %add3A_300 = vector.broadcast %add3A_299 : i32 to vector<16xi32>
          %add3A_301 = arith.addi %iota3A, %add3A_300 : vector<16xi32>
          %broadcast_in_dim3A_302 = arith.constant 0 : i32
          %broadcast_in_dim3A_303 = vector.broadcast %broadcast_in_dim3A_302 : i32 to vector<16xi32>
          %add3A_304 = vector.broadcast %sub3A_234 : i32 to vector<16xi32>
          %add3A_305 = arith.addi %broadcast_in_dim3A_303, %add3A_304 : vector<16xi32>
          %gather3A_306 = tpu.vector_load_idx %arg9[%broadcast_in_dim3A_298, %add3A_301, %add3A_305] : memref<8x64x128xf32, #tpu.memory_space<vmem>>[vector<16xi32>, vector<16xi32>, vector<16xi32>], vector<16xf32>,
          %shift_right_arithmetic3A_307 = arith.constant 1 : i32
          %shift_right_arithmetic3A_308 = arith.shrsi %sub3A_235, %shift_right_arithmetic3A_307 : i32
          %and3A_309 = arith.constant 1 : i32
          %and3A_310 = arith.andi %sub3A_235, %and3A_309 : i32
          %mul3A_311 = arith.constant 64 : i32
          %mul3A_312 = arith.muli %and3A_310, %mul3A_311 : i32
          %add3A_313 = arith.constant 48 : i32
          %add3A_314 = arith.addi %mul3A_312, %add3A_313 : i32
          %swap3A_315 = arith.index_cast %shift_right_arithmetic3A_308 : i32 to index
          %swap3A_316 = arith.index_cast %add3A_314 : i32 to index
          %swap3A_317 = tpu.vector_load %arg10[%swap3A_315, %swap3A_316] {strides = array<i32>} : memref<496x128xf32, #tpu.memory_space<vmem>>, vector<16xf32>,
          tpu.vector_store %arg10[%swap3A_315, %swap3A_316], %gather3A_306 {strides = array<i32>} : memref<496x128xf32, #tpu.memory_space<vmem>>, vector<16xf32>,
          %add3A_318 = arith.constant 1 : i32
          %add3A_319 = arith.addi %while3A_209, %add3A_318 : i32
          scf.yield %add3A_319 : i32
        }
        scf.yield %while3A : i32
      } else {
        scf.yield %cond3A_152 : i32
      }
      %mul3A_163 = arith.constant 8 : i32
      %mul3A_164 = arith.muli %mul3A_163, %scan3A_101 : i32
      %add3A_165 = arith.addi %mul3A_41, %mul3A_164 : i32
      %add3A_166 = arith.constant 6 : i32
      %add3A_167 = arith.addi %add3A_165, %add3A_166 : i32
      %lt3A_168 = arith.cmpi slt, %add3A_167, %min3A_44 : i32
      %convert_element_type3A_169 = arith.extui %lt3A_168 : i1 to i32
      %cond3A_170 = arith.constant 0 : i32
      %cond3A_171 = arith.cmpi ne, %convert_element_type3A_169, %cond3A_170 : i32
      %cond3A_172 = scf.if %cond3A_171 -> (i32) {
        %dma_wait3A = arith.constant 6 : i32
        %dma_wait3A_183 = arith.constant 0 : i32
        %dma_wait3A_184 = arith.constant 0 : i32
        %dma_wait3A_185 = tpu.memref_slice %arg9[%dma_wait3A, %dma_wait3A_183, %dma_wait3A_184] : memref<8x64x128xf32, #tpu.memory_space<vmem>> -> memref<1x64x128xf32, #tpu.memory_space<vmem>>
        %dma_wait3A_186 = tpu.memref_squeeze %dma_wait3A_185 : memref<1x64x128xf32, #tpu.memory_space<vmem>> -> memref<64x128xf32, #tpu.memory_space<vmem>>
        %dma_wait3A_187 = arith.constant 0 : i32
        %dma_wait3A_188 = arith.constant 0 : i32
        %dma_wait3A_189 = tpu.memref_slice %arg2[%dma_wait3A_187, %dma_wait3A_188] : memref<64x1000000xf32, #tpu.memory_space<hbm>> -> memref<64x128xf32, #tpu.memory_space<hbm>>
        %dma_wait3A_190 = arith.constant 0 : i32
        %dma_wait3A_191 = arith.constant 0 : i32
        %dma_wait3A_192 = tpu.memref_slice %arg9[%dma_wait3A, %dma_wait3A_190, %dma_wait3A_191] : memref<8x64x128xf32, #tpu.memory_space<vmem>> -> memref<1x64x128xf32, #tpu.memory_space<vmem>>
        %dma_wait3A_193 = tpu.memref_squeeze %dma_wait3A_192 : memref<1x64x128xf32, #tpu.memory_space<vmem>> -> memref<64x128xf32, #tpu.memory_space<vmem>>
        %dma_wait3A_194 = arith.constant 0 : i32
        %dma_wait3A_195 = arith.constant 0 : i32
        %dma_wait3A_196 = tpu.memref_slice %arg2[%dma_wait3A_194, %dma_wait3A_195] : memref<64x1000000xf32, #tpu.memory_space<hbm>> -> memref<64x128xf32, #tpu.memory_space<hbm>>
        tpu.wait_dma2 semaphore(%arg17 : memref<!tpu.dma_semaphore, #tpu.memory_space<semaphore_mem>>) src(%dma_wait3A_196 : memref<64x128xf32, #tpu.memory_space<hbm>>) dst(%dma_wait3A_193 : memref<64x128xf32, #tpu.memory_space<vmem>>)
        %add3A_197 = arith.constant 8 : i32
        %add3A_198 = arith.addi %add3A_167, %add3A_197 : i32
        %sub3A_199 = arith.constant 1 : i32
        %sub3A_200 = arith.subi %add3A_198, %sub3A_199 : i32
        %lt3A_201 = arith.cmpi slt, %sub3A_200, %min3A_44 : i32
        %convert_element_type3A_202 = arith.extui %lt3A_201 : i1 to i32
        %cond3A_203 = arith.constant 0 : i32
        %cond3A_204 = arith.cmpi ne, %convert_element_type3A_202, %cond3A_203 : i32
        scf.if %cond3A_204 {
          %add3A_209 = arith.constant 8 : i32
          %add3A_210 = arith.addi %add3A_167, %add3A_209 : i32
          %sub3A_211 = arith.constant 1 : i32
          %sub3A_212 = arith.subi %add3A_210, %sub3A_211 : i32
          %lt3A_213 = arith.constant 7812 : i32
          %lt3A_214 = arith.cmpi slt, %sub3A_212, %lt3A_213 : i32
          %convert_element_type3A_215 = arith.extui %lt3A_214 : i1 to i32
          %cond3A_216 = arith.constant 0 : i32
          %cond3A_217 = arith.cmpi ne, %convert_element_type3A_215, %cond3A_216 : i32
          scf.if %cond3A_217 {
            %mul3A_223 = arith.constant 128 : i32
            %mul3A_224 = arith.muli %sub3A_212, %mul3A_223 : i32
            %dma_start3A = arith.constant 5 : i32
            %dma_start3A_225 = arith.constant 0 : i32
            %dma_start3A_226 = arith.constant 0 : i32
            %dma_start3A_227 = tpu.memref_slice %arg9[%dma_start3A, %dma_start3A_225, %dma_start3A_226] : memref<8x64x128xf32, #tpu.memory_space<vmem>> -> memref<1x64x128xf32, #tpu.memory_space<vmem>>
            %dma_start3A_228 = tpu.memref_squeeze %dma_start3A_227 : memref<1x64x128xf32, #tpu.memory_space<vmem>> -> memref<64x128xf32, #tpu.memory_space<vmem>>
            %dma_start3A_229 = arith.constant 0 : i32
            %dma_start3A_230 = tpu.memref_slice %arg2[%dma_start3A_229, %mul3A_224] : memref<64x1000000xf32, #tpu.memory_space<hbm>> -> memref<64x128xf32, #tpu.memory_space<hbm>>
            %dma_start3A_231 = arith.constant 0 : i32
            %dma_start3A_232 = arith.constant 0 : i32
            %dma_start3A_233 = tpu.memref_slice %arg9[%dma_start3A, %dma_start3A_231, %dma_start3A_232] : memref<8x64x128xf32, #tpu.memory_space<vmem>> -> memref<1x64x128xf32, #tpu.memory_space<vmem>>
            %dma_start3A_234 = tpu.memref_squeeze %dma_start3A_233 : memref<1x64x128xf32, #tpu.memory_space<vmem>> -> memref<64x128xf32, #tpu.memory_space<vmem>>
            %dma_start3A_235 = arith.constant 0 : i32
            %dma_start3A_236 = tpu.memref_slice %arg2[%dma_start3A_235, %mul3A_224] : memref<64x1000000xf32, #tpu.memory_space<hbm>> -> memref<64x128xf32, #tpu.memory_space<hbm>>
            tpu.enqueue_dma source(%dma_start3A_236 : memref<64x128xf32, #tpu.memory_space<hbm>>) target(%dma_start3A_234 : memref<64x128xf32, #tpu.memory_space<vmem>>) target_semaphore(%arg16 : memref<!tpu.dma_semaphore, #tpu.memory_space<semaphore_mem>>)
          } else {
          }
          %eq3A_218 = arith.constant 7812 : i32
          %eq3A_219 = arith.cmpi eq, %sub3A_212, %eq3A_218 : i32
          %convert_element_type3A_220 = arith.extui %eq3A_219 : i1 to i32
          %cond3A_221 = arith.constant 0 : i32
          %cond3A_222 = arith.cmpi ne, %convert_element_type3A_220, %cond3A_221 : i32
          scf.if %cond3A_222 {
            %dma_start3A = arith.constant 5 : i32
            %dma_start3A_223 = arith.constant 0 : i32
            %dma_start3A_224 = arith.constant 0 : i32
            %dma_start3A_225 = tpu.memref_slice %arg9[%dma_start3A, %dma_start3A_223, %dma_start3A_224] : memref<8x64x128xf32, #tpu.memory_space<vmem>> -> memref<1x64x128xf32, #tpu.memory_space<vmem>>
            %dma_start3A_226 = tpu.memref_squeeze %dma_start3A_225 : memref<1x64x128xf32, #tpu.memory_space<vmem>> -> memref<64x128xf32, #tpu.memory_space<vmem>>
            %dma_start3A_227 = arith.constant 0 : i32
            %dma_start3A_228 = arith.constant 0 : i32
            %dma_start3A_229 = tpu.memref_slice %arg9[%dma_start3A, %dma_start3A_227, %dma_start3A_228] : memref<8x64x128xf32, #tpu.memory_space<vmem>> -> memref<1x64x128xf32, #tpu.memory_space<vmem>>
            %dma_start3A_230 = tpu.memref_squeeze %dma_start3A_229 : memref<1x64x128xf32, #tpu.memory_space<vmem>> -> memref<64x128xf32, #tpu.memory_space<vmem>>
            tpu.enqueue_dma source(%arg3 : memref<64x128xf32, #tpu.memory_space<hbm>>) target(%dma_start3A_230 : memref<64x128xf32, #tpu.memory_space<vmem>>) target_semaphore(%arg16 : memref<!tpu.dma_semaphore, #tpu.memory_space<semaphore_mem>>)
          } else {
          }
        } else {
        }
        %add3A_205 = arith.constant 1 : i32
        %add3A_206 = arith.addi %add3A_167, %add3A_205 : i32
        %mul3A_207 = arith.constant 128 : i32
        %mul3A_208 = arith.muli %add3A_206, %mul3A_207 : i32
        %while3A = scf.while (%while3A_209 = %cond3A_162) : (i32) -> i32 {
          %lt3A_210 = arith.cmpi slt, %while3A_209, %reduce_max3A_35 : i32
          %sub3A_211 = arith.subi %while3A_209, %multiple_of3A : i32
          %shift_right_arithmetic3A_212 = arith.constant 4 : i32
          %shift_right_arithmetic3A_213 = arith.shrsi %sub3A_211, %shift_right_arithmetic3A_212 : i32
          %shift_left3A_214 = arith.constant 4 : i32
          %shift_left3A_215 = arith.shli %shift_right_arithmetic3A_213, %shift_left3A_214 : i32
          %get3A_216 = arith.index_cast %shift_left3A_215 : i32 to index
          %get3A_217 = tpu.vector_load %arg7[%get3A_216] {strides = array<i32>} : memref<1032xi32, #tpu.memory_space<vmem>>, vector<16xi32>,
          %and3A_218 = arith.constant 15 : i32
          %and3A_219 = arith.andi %sub3A_211, %and3A_218 : i32
          %eq3A_220 = vector.broadcast %and3A_219 : i32 to vector<16xi32>
          %eq3A_221 = arith.cmpi eq, %iota3A, %eq3A_220 : vector<16xi32>
          %jit3A_222 = arith.constant -1 : i32
          %broadcast_in_dim3A_223 = vector.broadcast %jit3A_222 : i32 to vector<16xi32>
          %select_n3A_224 = arith.select %eq3A_221, %get3A_217, %broadcast_in_dim3A_223 : vector<16xi1>, vector<16xi32>
          %reduce_max3A_225 = arith.constant true
          %reduce_max3A_226 = vector.broadcast %reduce_max3A_225 : i1 to vector<16xi1>
          %reduce_max3A_227 = arith.constant -2147483648 : i32
          %reduce_max3A_228 = vector.broadcast %reduce_max3A_227 : i32 to vector<16xi32>
          %reduce_max3A_229 = arith.xori %select_n3A_224, %reduce_max3A_228 : vector<16xi32>
          %reduce_max3A_230 = tpu.scan <max>, %reduce_max3A_229 masked %reduce_max3A_226 : vector<16xi32>, vector<16xi1> -> vector<16xi32>
          %reduce_max3A_231 = arith.xori %reduce_max3A_230, %reduce_max3A_228 : vector<16xi32>
          %reduce_max3A_232 = vector.extract %reduce_max3A_231[15] : i32 from vector<16xi32>
          %lt3A_233 = arith.cmpi slt, %reduce_max3A_232, %mul3A_208 : i32
          %and3A_234 = arith.andi %lt3A_210, %lt3A_233 : i1
          scf.condition(%and3A_234) %while3A_209 : i32
        } do {
        ^bb0(%while3A_209: i32):
          %sub3A_210 = arith.subi %while3A_209, %multiple_of3A : i32
          %shift_right_arithmetic3A_211 = arith.constant 4 : i32
          %shift_right_arithmetic3A_212 = arith.shrsi %sub3A_210, %shift_right_arithmetic3A_211 : i32
          %shift_left3A_213 = arith.constant 4 : i32
          %shift_left3A_214 = arith.shli %shift_right_arithmetic3A_212, %shift_left3A_213 : i32
          %get3A_215 = arith.index_cast %shift_left3A_214 : i32 to index
          %get3A_216 = tpu.vector_load %arg7[%get3A_215] {strides = array<i32>} : memref<1032xi32, #tpu.memory_space<vmem>>, vector<16xi32>,
          %and3A_217 = arith.constant 15 : i32
          %and3A_218 = arith.andi %sub3A_210, %and3A_217 : i32
          %eq3A_219 = vector.broadcast %and3A_218 : i32 to vector<16xi32>
          %eq3A_220 = arith.cmpi eq, %iota3A, %eq3A_219 : vector<16xi32>
          %jit3A_221 = arith.constant -1 : i32
          %broadcast_in_dim3A_222 = vector.broadcast %jit3A_221 : i32 to vector<16xi32>
          %select_n3A_223 = arith.select %eq3A_220, %get3A_216, %broadcast_in_dim3A_222 : vector<16xi1>, vector<16xi32>
          %reduce_max3A_224 = arith.constant true
          %reduce_max3A_225 = vector.broadcast %reduce_max3A_224 : i1 to vector<16xi1>
          %reduce_max3A_226 = arith.constant -2147483648 : i32
          %reduce_max3A_227 = vector.broadcast %reduce_max3A_226 : i32 to vector<16xi32>
          %reduce_max3A_228 = arith.xori %select_n3A_223, %reduce_max3A_227 : vector<16xi32>
          %reduce_max3A_229 = tpu.scan <max>, %reduce_max3A_228 masked %reduce_max3A_225 : vector<16xi32>, vector<16xi1> -> vector<16xi32>
          %reduce_max3A_230 = arith.xori %reduce_max3A_229, %reduce_max3A_227 : vector<16xi32>
          %reduce_max3A_231 = vector.extract %reduce_max3A_230[15] : i32 from vector<16xi32>
          %mul3A_232 = arith.constant 128 : i32
          %mul3A_233 = arith.muli %add3A_167, %mul3A_232 : i32
          %sub3A_234 = arith.subi %reduce_max3A_231, %mul3A_233 : i32
          %sub3A_235 = arith.subi %while3A_209, %reduce_max3A_12 : i32
          %broadcast_in_dim3A_236 = arith.constant 6 : i32
          %broadcast_in_dim3A_237 = vector.broadcast %broadcast_in_dim3A_236 : i32 to vector<16xi32>
          %add3A_238 = arith.constant 0 : i32
          %add3A_239 = vector.broadcast %add3A_238 : i32 to vector<16xi32>
          %add3A_240 = arith.addi %iota3A, %add3A_239 : vector<16xi32>
          %broadcast_in_dim3A_241 = arith.constant 0 : i32
          %broadcast_in_dim3A_242 = vector.broadcast %broadcast_in_dim3A_241 : i32 to vector<16xi32>
          %add3A_243 = vector.broadcast %sub3A_234 : i32 to vector<16xi32>
          %add3A_244 = arith.addi %broadcast_in_dim3A_242, %add3A_243 : vector<16xi32>
          %gather3A = tpu.vector_load_idx %arg9[%broadcast_in_dim3A_237, %add3A_240, %add3A_244] : memref<8x64x128xf32, #tpu.memory_space<vmem>>[vector<16xi32>, vector<16xi32>, vector<16xi32>], vector<16xf32>,
          %shift_right_arithmetic3A_245 = arith.constant 1 : i32
          %shift_right_arithmetic3A_246 = arith.shrsi %sub3A_235, %shift_right_arithmetic3A_245 : i32
          %and3A_247 = arith.constant 1 : i32
          %and3A_248 = arith.andi %sub3A_235, %and3A_247 : i32
          %mul3A_249 = arith.constant 64 : i32
          %mul3A_250 = arith.muli %and3A_248, %mul3A_249 : i32
          %add3A_251 = arith.constant 0 : i32
          %add3A_252 = arith.addi %mul3A_250, %add3A_251 : i32
          %swap3A = arith.index_cast %shift_right_arithmetic3A_246 : i32 to index
          %swap3A_253 = arith.index_cast %add3A_252 : i32 to index
          %swap3A_254 = tpu.vector_load %arg10[%swap3A, %swap3A_253] {strides = array<i32>} : memref<496x128xf32, #tpu.memory_space<vmem>>, vector<16xf32>,
          tpu.vector_store %arg10[%swap3A, %swap3A_253], %gather3A {strides = array<i32>} : memref<496x128xf32, #tpu.memory_space<vmem>>, vector<16xf32>,
          %broadcast_in_dim3A_255 = arith.constant 6 : i32
          %broadcast_in_dim3A_256 = vector.broadcast %broadcast_in_dim3A_255 : i32 to vector<16xi32>
          %add3A_257 = arith.constant 16 : i32
          %add3A_258 = vector.broadcast %add3A_257 : i32 to vector<16xi32>
          %add3A_259 = arith.addi %iota3A, %add3A_258 : vector<16xi32>
          %broadcast_in_dim3A_260 = arith.constant 0 : i32
          %broadcast_in_dim3A_261 = vector.broadcast %broadcast_in_dim3A_260 : i32 to vector<16xi32>
          %add3A_262 = vector.broadcast %sub3A_234 : i32 to vector<16xi32>
          %add3A_263 = arith.addi %broadcast_in_dim3A_261, %add3A_262 : vector<16xi32>
          %gather3A_264 = tpu.vector_load_idx %arg9[%broadcast_in_dim3A_256, %add3A_259, %add3A_263] : memref<8x64x128xf32, #tpu.memory_space<vmem>>[vector<16xi32>, vector<16xi32>, vector<16xi32>], vector<16xf32>,
          %shift_right_arithmetic3A_265 = arith.constant 1 : i32
          %shift_right_arithmetic3A_266 = arith.shrsi %sub3A_235, %shift_right_arithmetic3A_265 : i32
          %and3A_267 = arith.constant 1 : i32
          %and3A_268 = arith.andi %sub3A_235, %and3A_267 : i32
          %mul3A_269 = arith.constant 64 : i32
          %mul3A_270 = arith.muli %and3A_268, %mul3A_269 : i32
          %add3A_271 = arith.constant 16 : i32
          %add3A_272 = arith.addi %mul3A_270, %add3A_271 : i32
          %swap3A_273 = arith.index_cast %shift_right_arithmetic3A_266 : i32 to index
          %swap3A_274 = arith.index_cast %add3A_272 : i32 to index
          %swap3A_275 = tpu.vector_load %arg10[%swap3A_273, %swap3A_274] {strides = array<i32>} : memref<496x128xf32, #tpu.memory_space<vmem>>, vector<16xf32>,
          tpu.vector_store %arg10[%swap3A_273, %swap3A_274], %gather3A_264 {strides = array<i32>} : memref<496x128xf32, #tpu.memory_space<vmem>>, vector<16xf32>,
          %broadcast_in_dim3A_276 = arith.constant 6 : i32
          %broadcast_in_dim3A_277 = vector.broadcast %broadcast_in_dim3A_276 : i32 to vector<16xi32>
          %add3A_278 = arith.constant 32 : i32
          %add3A_279 = vector.broadcast %add3A_278 : i32 to vector<16xi32>
          %add3A_280 = arith.addi %iota3A, %add3A_279 : vector<16xi32>
          %broadcast_in_dim3A_281 = arith.constant 0 : i32
          %broadcast_in_dim3A_282 = vector.broadcast %broadcast_in_dim3A_281 : i32 to vector<16xi32>
          %add3A_283 = vector.broadcast %sub3A_234 : i32 to vector<16xi32>
          %add3A_284 = arith.addi %broadcast_in_dim3A_282, %add3A_283 : vector<16xi32>
          %gather3A_285 = tpu.vector_load_idx %arg9[%broadcast_in_dim3A_277, %add3A_280, %add3A_284] : memref<8x64x128xf32, #tpu.memory_space<vmem>>[vector<16xi32>, vector<16xi32>, vector<16xi32>], vector<16xf32>,
          %shift_right_arithmetic3A_286 = arith.constant 1 : i32
          %shift_right_arithmetic3A_287 = arith.shrsi %sub3A_235, %shift_right_arithmetic3A_286 : i32
          %and3A_288 = arith.constant 1 : i32
          %and3A_289 = arith.andi %sub3A_235, %and3A_288 : i32
          %mul3A_290 = arith.constant 64 : i32
          %mul3A_291 = arith.muli %and3A_289, %mul3A_290 : i32
          %add3A_292 = arith.constant 32 : i32
          %add3A_293 = arith.addi %mul3A_291, %add3A_292 : i32
          %swap3A_294 = arith.index_cast %shift_right_arithmetic3A_287 : i32 to index
          %swap3A_295 = arith.index_cast %add3A_293 : i32 to index
          %swap3A_296 = tpu.vector_load %arg10[%swap3A_294, %swap3A_295] {strides = array<i32>} : memref<496x128xf32, #tpu.memory_space<vmem>>, vector<16xf32>,
          tpu.vector_store %arg10[%swap3A_294, %swap3A_295], %gather3A_285 {strides = array<i32>} : memref<496x128xf32, #tpu.memory_space<vmem>>, vector<16xf32>,
          %broadcast_in_dim3A_297 = arith.constant 6 : i32
          %broadcast_in_dim3A_298 = vector.broadcast %broadcast_in_dim3A_297 : i32 to vector<16xi32>
          %add3A_299 = arith.constant 48 : i32
          %add3A_300 = vector.broadcast %add3A_299 : i32 to vector<16xi32>
          %add3A_301 = arith.addi %iota3A, %add3A_300 : vector<16xi32>
          %broadcast_in_dim3A_302 = arith.constant 0 : i32
          %broadcast_in_dim3A_303 = vector.broadcast %broadcast_in_dim3A_302 : i32 to vector<16xi32>
          %add3A_304 = vector.broadcast %sub3A_234 : i32 to vector<16xi32>
          %add3A_305 = arith.addi %broadcast_in_dim3A_303, %add3A_304 : vector<16xi32>
          %gather3A_306 = tpu.vector_load_idx %arg9[%broadcast_in_dim3A_298, %add3A_301, %add3A_305] : memref<8x64x128xf32, #tpu.memory_space<vmem>>[vector<16xi32>, vector<16xi32>, vector<16xi32>], vector<16xf32>,
          %shift_right_arithmetic3A_307 = arith.constant 1 : i32
          %shift_right_arithmetic3A_308 = arith.shrsi %sub3A_235, %shift_right_arithmetic3A_307 : i32
          %and3A_309 = arith.constant 1 : i32
          %and3A_310 = arith.andi %sub3A_235, %and3A_309 : i32
          %mul3A_311 = arith.constant 64 : i32
          %mul3A_312 = arith.muli %and3A_310, %mul3A_311 : i32
          %add3A_313 = arith.constant 48 : i32
          %add3A_314 = arith.addi %mul3A_312, %add3A_313 : i32
          %swap3A_315 = arith.index_cast %shift_right_arithmetic3A_308 : i32 to index
          %swap3A_316 = arith.index_cast %add3A_314 : i32 to index
          %swap3A_317 = tpu.vector_load %arg10[%swap3A_315, %swap3A_316] {strides = array<i32>} : memref<496x128xf32, #tpu.memory_space<vmem>>, vector<16xf32>,
          tpu.vector_store %arg10[%swap3A_315, %swap3A_316], %gather3A_306 {strides = array<i32>} : memref<496x128xf32, #tpu.memory_space<vmem>>, vector<16xf32>,
          %add3A_318 = arith.constant 1 : i32
          %add3A_319 = arith.addi %while3A_209, %add3A_318 : i32
          scf.yield %add3A_319 : i32
        }
        scf.yield %while3A : i32
      } else {
        scf.yield %cond3A_162 : i32
      }
      %mul3A_173 = arith.constant 8 : i32
      %mul3A_174 = arith.muli %mul3A_173, %scan3A_101 : i32
      %add3A_175 = arith.addi %mul3A_41, %mul3A_174 : i32
      %add3A_176 = arith.constant 7 : i32
      %add3A_177 = arith.addi %add3A_175, %add3A_176 : i32
      %lt3A_178 = arith.cmpi slt, %add3A_177, %min3A_44 : i32
      %convert_element_type3A_179 = arith.extui %lt3A_178 : i1 to i32
      %cond3A_180 = arith.constant 0 : i32
      %cond3A_181 = arith.cmpi ne, %convert_element_type3A_179, %cond3A_180 : i32
      %cond3A_182 = scf.if %cond3A_181 -> (i32) {
        %dma_wait3A = arith.constant 7 : i32
        %dma_wait3A_183 = arith.constant 0 : i32
        %dma_wait3A_184 = arith.constant 0 : i32
        %dma_wait3A_185 = tpu.memref_slice %arg9[%dma_wait3A, %dma_wait3A_183, %dma_wait3A_184] : memref<8x64x128xf32, #tpu.memory_space<vmem>> -> memref<1x64x128xf32, #tpu.memory_space<vmem>>
        %dma_wait3A_186 = tpu.memref_squeeze %dma_wait3A_185 : memref<1x64x128xf32, #tpu.memory_space<vmem>> -> memref<64x128xf32, #tpu.memory_space<vmem>>
        %dma_wait3A_187 = arith.constant 0 : i32
        %dma_wait3A_188 = arith.constant 0 : i32
        %dma_wait3A_189 = tpu.memref_slice %arg2[%dma_wait3A_187, %dma_wait3A_188] : memref<64x1000000xf32, #tpu.memory_space<hbm>> -> memref<64x128xf32, #tpu.memory_space<hbm>>
        %dma_wait3A_190 = arith.constant 0 : i32
        %dma_wait3A_191 = arith.constant 0 : i32
        %dma_wait3A_192 = tpu.memref_slice %arg9[%dma_wait3A, %dma_wait3A_190, %dma_wait3A_191] : memref<8x64x128xf32, #tpu.memory_space<vmem>> -> memref<1x64x128xf32, #tpu.memory_space<vmem>>
        %dma_wait3A_193 = tpu.memref_squeeze %dma_wait3A_192 : memref<1x64x128xf32, #tpu.memory_space<vmem>> -> memref<64x128xf32, #tpu.memory_space<vmem>>
        %dma_wait3A_194 = arith.constant 0 : i32
        %dma_wait3A_195 = arith.constant 0 : i32
        %dma_wait3A_196 = tpu.memref_slice %arg2[%dma_wait3A_194, %dma_wait3A_195] : memref<64x1000000xf32, #tpu.memory_space<hbm>> -> memref<64x128xf32, #tpu.memory_space<hbm>>
        tpu.wait_dma2 semaphore(%arg18 : memref<!tpu.dma_semaphore, #tpu.memory_space<semaphore_mem>>) src(%dma_wait3A_196 : memref<64x128xf32, #tpu.memory_space<hbm>>) dst(%dma_wait3A_193 : memref<64x128xf32, #tpu.memory_space<vmem>>)
        %add3A_197 = arith.constant 8 : i32
        %add3A_198 = arith.addi %add3A_177, %add3A_197 : i32
        %sub3A_199 = arith.constant 1 : i32
        %sub3A_200 = arith.subi %add3A_198, %sub3A_199 : i32
        %lt3A_201 = arith.cmpi slt, %sub3A_200, %min3A_44 : i32
        %convert_element_type3A_202 = arith.extui %lt3A_201 : i1 to i32
        %cond3A_203 = arith.constant 0 : i32
        %cond3A_204 = arith.cmpi ne, %convert_element_type3A_202, %cond3A_203 : i32
        scf.if %cond3A_204 {
          %add3A_209 = arith.constant 8 : i32
          %add3A_210 = arith.addi %add3A_177, %add3A_209 : i32
          %sub3A_211 = arith.constant 1 : i32
          %sub3A_212 = arith.subi %add3A_210, %sub3A_211 : i32
          %lt3A_213 = arith.constant 7812 : i32
          %lt3A_214 = arith.cmpi slt, %sub3A_212, %lt3A_213 : i32
          %convert_element_type3A_215 = arith.extui %lt3A_214 : i1 to i32
          %cond3A_216 = arith.constant 0 : i32
          %cond3A_217 = arith.cmpi ne, %convert_element_type3A_215, %cond3A_216 : i32
          scf.if %cond3A_217 {
            %mul3A_223 = arith.constant 128 : i32
            %mul3A_224 = arith.muli %sub3A_212, %mul3A_223 : i32
            %dma_start3A = arith.constant 6 : i32
            %dma_start3A_225 = arith.constant 0 : i32
            %dma_start3A_226 = arith.constant 0 : i32
            %dma_start3A_227 = tpu.memref_slice %arg9[%dma_start3A, %dma_start3A_225, %dma_start3A_226] : memref<8x64x128xf32, #tpu.memory_space<vmem>> -> memref<1x64x128xf32, #tpu.memory_space<vmem>>
            %dma_start3A_228 = tpu.memref_squeeze %dma_start3A_227 : memref<1x64x128xf32, #tpu.memory_space<vmem>> -> memref<64x128xf32, #tpu.memory_space<vmem>>
            %dma_start3A_229 = arith.constant 0 : i32
            %dma_start3A_230 = tpu.memref_slice %arg2[%dma_start3A_229, %mul3A_224] : memref<64x1000000xf32, #tpu.memory_space<hbm>> -> memref<64x128xf32, #tpu.memory_space<hbm>>
            %dma_start3A_231 = arith.constant 0 : i32
            %dma_start3A_232 = arith.constant 0 : i32
            %dma_start3A_233 = tpu.memref_slice %arg9[%dma_start3A, %dma_start3A_231, %dma_start3A_232] : memref<8x64x128xf32, #tpu.memory_space<vmem>> -> memref<1x64x128xf32, #tpu.memory_space<vmem>>
            %dma_start3A_234 = tpu.memref_squeeze %dma_start3A_233 : memref<1x64x128xf32, #tpu.memory_space<vmem>> -> memref<64x128xf32, #tpu.memory_space<vmem>>
            %dma_start3A_235 = arith.constant 0 : i32
            %dma_start3A_236 = tpu.memref_slice %arg2[%dma_start3A_235, %mul3A_224] : memref<64x1000000xf32, #tpu.memory_space<hbm>> -> memref<64x128xf32, #tpu.memory_space<hbm>>
            tpu.enqueue_dma source(%dma_start3A_236 : memref<64x128xf32, #tpu.memory_space<hbm>>) target(%dma_start3A_234 : memref<64x128xf32, #tpu.memory_space<vmem>>) target_semaphore(%arg17 : memref<!tpu.dma_semaphore, #tpu.memory_space<semaphore_mem>>)
          } else {
          }
          %eq3A_218 = arith.constant 7812 : i32
          %eq3A_219 = arith.cmpi eq, %sub3A_212, %eq3A_218 : i32
          %convert_element_type3A_220 = arith.extui %eq3A_219 : i1 to i32
          %cond3A_221 = arith.constant 0 : i32
          %cond3A_222 = arith.cmpi ne, %convert_element_type3A_220, %cond3A_221 : i32
          scf.if %cond3A_222 {
            %dma_start3A = arith.constant 6 : i32
            %dma_start3A_223 = arith.constant 0 : i32
            %dma_start3A_224 = arith.constant 0 : i32
            %dma_start3A_225 = tpu.memref_slice %arg9[%dma_start3A, %dma_start3A_223, %dma_start3A_224] : memref<8x64x128xf32, #tpu.memory_space<vmem>> -> memref<1x64x128xf32, #tpu.memory_space<vmem>>
            %dma_start3A_226 = tpu.memref_squeeze %dma_start3A_225 : memref<1x64x128xf32, #tpu.memory_space<vmem>> -> memref<64x128xf32, #tpu.memory_space<vmem>>
            %dma_start3A_227 = arith.constant 0 : i32
            %dma_start3A_228 = arith.constant 0 : i32
            %dma_start3A_229 = tpu.memref_slice %arg9[%dma_start3A, %dma_start3A_227, %dma_start3A_228] : memref<8x64x128xf32, #tpu.memory_space<vmem>> -> memref<1x64x128xf32, #tpu.memory_space<vmem>>
            %dma_start3A_230 = tpu.memref_squeeze %dma_start3A_229 : memref<1x64x128xf32, #tpu.memory_space<vmem>> -> memref<64x128xf32, #tpu.memory_space<vmem>>
            tpu.enqueue_dma source(%arg3 : memref<64x128xf32, #tpu.memory_space<hbm>>) target(%dma_start3A_230 : memref<64x128xf32, #tpu.memory_space<vmem>>) target_semaphore(%arg17 : memref<!tpu.dma_semaphore, #tpu.memory_space<semaphore_mem>>)
          } else {
          }
        } else {
        }
        %add3A_205 = arith.constant 1 : i32
        %add3A_206 = arith.addi %add3A_177, %add3A_205 : i32
        %mul3A_207 = arith.constant 128 : i32
        %mul3A_208 = arith.muli %add3A_206, %mul3A_207 : i32
        %while3A = scf.while (%while3A_209 = %cond3A_172) : (i32) -> i32 {
          %lt3A_210 = arith.cmpi slt, %while3A_209, %reduce_max3A_35 : i32
          %sub3A_211 = arith.subi %while3A_209, %multiple_of3A : i32
          %shift_right_arithmetic3A_212 = arith.constant 4 : i32
          %shift_right_arithmetic3A_213 = arith.shrsi %sub3A_211, %shift_right_arithmetic3A_212 : i32
          %shift_left3A_214 = arith.constant 4 : i32
          %shift_left3A_215 = arith.shli %shift_right_arithmetic3A_213, %shift_left3A_214 : i32
          %get3A_216 = arith.index_cast %shift_left3A_215 : i32 to index
          %get3A_217 = tpu.vector_load %arg7[%get3A_216] {strides = array<i32>} : memref<1032xi32, #tpu.memory_space<vmem>>, vector<16xi32>,
          %and3A_218 = arith.constant 15 : i32
          %and3A_219 = arith.andi %sub3A_211, %and3A_218 : i32
          %eq3A_220 = vector.broadcast %and3A_219 : i32 to vector<16xi32>
          %eq3A_221 = arith.cmpi eq, %iota3A, %eq3A_220 : vector<16xi32>
          %jit3A_222 = arith.constant -1 : i32
          %broadcast_in_dim3A_223 = vector.broadcast %jit3A_222 : i32 to vector<16xi32>
          %select_n3A_224 = arith.select %eq3A_221, %get3A_217, %broadcast_in_dim3A_223 : vector<16xi1>, vector<16xi32>
          %reduce_max3A_225 = arith.constant true
          %reduce_max3A_226 = vector.broadcast %reduce_max3A_225 : i1 to vector<16xi1>
          %reduce_max3A_227 = arith.constant -2147483648 : i32
          %reduce_max3A_228 = vector.broadcast %reduce_max3A_227 : i32 to vector<16xi32>
          %reduce_max3A_229 = arith.xori %select_n3A_224, %reduce_max3A_228 : vector<16xi32>
          %reduce_max3A_230 = tpu.scan <max>, %reduce_max3A_229 masked %reduce_max3A_226 : vector<16xi32>, vector<16xi1> -> vector<16xi32>
          %reduce_max3A_231 = arith.xori %reduce_max3A_230, %reduce_max3A_228 : vector<16xi32>
          %reduce_max3A_232 = vector.extract %reduce_max3A_231[15] : i32 from vector<16xi32>
          %lt3A_233 = arith.cmpi slt, %reduce_max3A_232, %mul3A_208 : i32
          %and3A_234 = arith.andi %lt3A_210, %lt3A_233 : i1
          scf.condition(%and3A_234) %while3A_209 : i32
        } do {
        ^bb0(%while3A_209: i32):
          %sub3A_210 = arith.subi %while3A_209, %multiple_of3A : i32
          %shift_right_arithmetic3A_211 = arith.constant 4 : i32
          %shift_right_arithmetic3A_212 = arith.shrsi %sub3A_210, %shift_right_arithmetic3A_211 : i32
          %shift_left3A_213 = arith.constant 4 : i32
          %shift_left3A_214 = arith.shli %shift_right_arithmetic3A_212, %shift_left3A_213 : i32
          %get3A_215 = arith.index_cast %shift_left3A_214 : i32 to index
          %get3A_216 = tpu.vector_load %arg7[%get3A_215] {strides = array<i32>} : memref<1032xi32, #tpu.memory_space<vmem>>, vector<16xi32>,
          %and3A_217 = arith.constant 15 : i32
          %and3A_218 = arith.andi %sub3A_210, %and3A_217 : i32
          %eq3A_219 = vector.broadcast %and3A_218 : i32 to vector<16xi32>
          %eq3A_220 = arith.cmpi eq, %iota3A, %eq3A_219 : vector<16xi32>
          %jit3A_221 = arith.constant -1 : i32
          %broadcast_in_dim3A_222 = vector.broadcast %jit3A_221 : i32 to vector<16xi32>
          %select_n3A_223 = arith.select %eq3A_220, %get3A_216, %broadcast_in_dim3A_222 : vector<16xi1>, vector<16xi32>
          %reduce_max3A_224 = arith.constant true
          %reduce_max3A_225 = vector.broadcast %reduce_max3A_224 : i1 to vector<16xi1>
          %reduce_max3A_226 = arith.constant -2147483648 : i32
          %reduce_max3A_227 = vector.broadcast %reduce_max3A_226 : i32 to vector<16xi32>
          %reduce_max3A_228 = arith.xori %select_n3A_223, %reduce_max3A_227 : vector<16xi32>
          %reduce_max3A_229 = tpu.scan <max>, %reduce_max3A_228 masked %reduce_max3A_225 : vector<16xi32>, vector<16xi1> -> vector<16xi32>
          %reduce_max3A_230 = arith.xori %reduce_max3A_229, %reduce_max3A_227 : vector<16xi32>
          %reduce_max3A_231 = vector.extract %reduce_max3A_230[15] : i32 from vector<16xi32>
          %mul3A_232 = arith.constant 128 : i32
          %mul3A_233 = arith.muli %add3A_177, %mul3A_232 : i32
          %sub3A_234 = arith.subi %reduce_max3A_231, %mul3A_233 : i32
          %sub3A_235 = arith.subi %while3A_209, %reduce_max3A_12 : i32
          %broadcast_in_dim3A_236 = arith.constant 7 : i32
          %broadcast_in_dim3A_237 = vector.broadcast %broadcast_in_dim3A_236 : i32 to vector<16xi32>
          %add3A_238 = arith.constant 0 : i32
          %add3A_239 = vector.broadcast %add3A_238 : i32 to vector<16xi32>
          %add3A_240 = arith.addi %iota3A, %add3A_239 : vector<16xi32>
          %broadcast_in_dim3A_241 = arith.constant 0 : i32
          %broadcast_in_dim3A_242 = vector.broadcast %broadcast_in_dim3A_241 : i32 to vector<16xi32>
          %add3A_243 = vector.broadcast %sub3A_234 : i32 to vector<16xi32>
          %add3A_244 = arith.addi %broadcast_in_dim3A_242, %add3A_243 : vector<16xi32>
          %gather3A = tpu.vector_load_idx %arg9[%broadcast_in_dim3A_237, %add3A_240, %add3A_244] : memref<8x64x128xf32, #tpu.memory_space<vmem>>[vector<16xi32>, vector<16xi32>, vector<16xi32>], vector<16xf32>,
          %shift_right_arithmetic3A_245 = arith.constant 1 : i32
          %shift_right_arithmetic3A_246 = arith.shrsi %sub3A_235, %shift_right_arithmetic3A_245 : i32
          %and3A_247 = arith.constant 1 : i32
          %and3A_248 = arith.andi %sub3A_235, %and3A_247 : i32
          %mul3A_249 = arith.constant 64 : i32
          %mul3A_250 = arith.muli %and3A_248, %mul3A_249 : i32
          %add3A_251 = arith.constant 0 : i32
          %add3A_252 = arith.addi %mul3A_250, %add3A_251 : i32
          %swap3A = arith.index_cast %shift_right_arithmetic3A_246 : i32 to index
          %swap3A_253 = arith.index_cast %add3A_252 : i32 to index
          %swap3A_254 = tpu.vector_load %arg10[%swap3A, %swap3A_253] {strides = array<i32>} : memref<496x128xf32, #tpu.memory_space<vmem>>, vector<16xf32>,
          tpu.vector_store %arg10[%swap3A, %swap3A_253], %gather3A {strides = array<i32>} : memref<496x128xf32, #tpu.memory_space<vmem>>, vector<16xf32>,
          %broadcast_in_dim3A_255 = arith.constant 7 : i32
          %broadcast_in_dim3A_256 = vector.broadcast %broadcast_in_dim3A_255 : i32 to vector<16xi32>
          %add3A_257 = arith.constant 16 : i32
          %add3A_258 = vector.broadcast %add3A_257 : i32 to vector<16xi32>
          %add3A_259 = arith.addi %iota3A, %add3A_258 : vector<16xi32>
          %broadcast_in_dim3A_260 = arith.constant 0 : i32
          %broadcast_in_dim3A_261 = vector.broadcast %broadcast_in_dim3A_260 : i32 to vector<16xi32>
          %add3A_262 = vector.broadcast %sub3A_234 : i32 to vector<16xi32>
          %add3A_263 = arith.addi %broadcast_in_dim3A_261, %add3A_262 : vector<16xi32>
          %gather3A_264 = tpu.vector_load_idx %arg9[%broadcast_in_dim3A_256, %add3A_259, %add3A_263] : memref<8x64x128xf32, #tpu.memory_space<vmem>>[vector<16xi32>, vector<16xi32>, vector<16xi32>], vector<16xf32>,
          %shift_right_arithmetic3A_265 = arith.constant 1 : i32
          %shift_right_arithmetic3A_266 = arith.shrsi %sub3A_235, %shift_right_arithmetic3A_265 : i32
          %and3A_267 = arith.constant 1 : i32
          %and3A_268 = arith.andi %sub3A_235, %and3A_267 : i32
          %mul3A_269 = arith.constant 64 : i32
          %mul3A_270 = arith.muli %and3A_268, %mul3A_269 : i32
          %add3A_271 = arith.constant 16 : i32
          %add3A_272 = arith.addi %mul3A_270, %add3A_271 : i32
          %swap3A_273 = arith.index_cast %shift_right_arithmetic3A_266 : i32 to index
          %swap3A_274 = arith.index_cast %add3A_272 : i32 to index
          %swap3A_275 = tpu.vector_load %arg10[%swap3A_273, %swap3A_274] {strides = array<i32>} : memref<496x128xf32, #tpu.memory_space<vmem>>, vector<16xf32>,
          tpu.vector_store %arg10[%swap3A_273, %swap3A_274], %gather3A_264 {strides = array<i32>} : memref<496x128xf32, #tpu.memory_space<vmem>>, vector<16xf32>,
          %broadcast_in_dim3A_276 = arith.constant 7 : i32
          %broadcast_in_dim3A_277 = vector.broadcast %broadcast_in_dim3A_276 : i32 to vector<16xi32>
          %add3A_278 = arith.constant 32 : i32
          %add3A_279 = vector.broadcast %add3A_278 : i32 to vector<16xi32>
          %add3A_280 = arith.addi %iota3A, %add3A_279 : vector<16xi32>
          %broadcast_in_dim3A_281 = arith.constant 0 : i32
          %broadcast_in_dim3A_282 = vector.broadcast %broadcast_in_dim3A_281 : i32 to vector<16xi32>
          %add3A_283 = vector.broadcast %sub3A_234 : i32 to vector<16xi32>
          %add3A_284 = arith.addi %broadcast_in_dim3A_282, %add3A_283 : vector<16xi32>
          %gather3A_285 = tpu.vector_load_idx %arg9[%broadcast_in_dim3A_277, %add3A_280, %add3A_284] : memref<8x64x128xf32, #tpu.memory_space<vmem>>[vector<16xi32>, vector<16xi32>, vector<16xi32>], vector<16xf32>,
          %shift_right_arithmetic3A_286 = arith.constant 1 : i32
          %shift_right_arithmetic3A_287 = arith.shrsi %sub3A_235, %shift_right_arithmetic3A_286 : i32
          %and3A_288 = arith.constant 1 : i32
          %and3A_289 = arith.andi %sub3A_235, %and3A_288 : i32
          %mul3A_290 = arith.constant 64 : i32
          %mul3A_291 = arith.muli %and3A_289, %mul3A_290 : i32
          %add3A_292 = arith.constant 32 : i32
          %add3A_293 = arith.addi %mul3A_291, %add3A_292 : i32
          %swap3A_294 = arith.index_cast %shift_right_arithmetic3A_287 : i32 to index
          %swap3A_295 = arith.index_cast %add3A_293 : i32 to index
          %swap3A_296 = tpu.vector_load %arg10[%swap3A_294, %swap3A_295] {strides = array<i32>} : memref<496x128xf32, #tpu.memory_space<vmem>>, vector<16xf32>,
          tpu.vector_store %arg10[%swap3A_294, %swap3A_295], %gather3A_285 {strides = array<i32>} : memref<496x128xf32, #tpu.memory_space<vmem>>, vector<16xf32>,
          %broadcast_in_dim3A_297 = arith.constant 7 : i32
          %broadcast_in_dim3A_298 = vector.broadcast %broadcast_in_dim3A_297 : i32 to vector<16xi32>
          %add3A_299 = arith.constant 48 : i32
          %add3A_300 = vector.broadcast %add3A_299 : i32 to vector<16xi32>
          %add3A_301 = arith.addi %iota3A, %add3A_300 : vector<16xi32>
          %broadcast_in_dim3A_302 = arith.constant 0 : i32
          %broadcast_in_dim3A_303 = vector.broadcast %broadcast_in_dim3A_302 : i32 to vector<16xi32>
          %add3A_304 = vector.broadcast %sub3A_234 : i32 to vector<16xi32>
          %add3A_305 = arith.addi %broadcast_in_dim3A_303, %add3A_304 : vector<16xi32>
          %gather3A_306 = tpu.vector_load_idx %arg9[%broadcast_in_dim3A_298, %add3A_301, %add3A_305] : memref<8x64x128xf32, #tpu.memory_space<vmem>>[vector<16xi32>, vector<16xi32>, vector<16xi32>], vector<16xf32>,
          %shift_right_arithmetic3A_307 = arith.constant 1 : i32
          %shift_right_arithmetic3A_308 = arith.shrsi %sub3A_235, %shift_right_arithmetic3A_307 : i32
          %and3A_309 = arith.constant 1 : i32
          %and3A_310 = arith.andi %sub3A_235, %and3A_309 : i32
          %mul3A_311 = arith.constant 64 : i32
          %mul3A_312 = arith.muli %and3A_310, %mul3A_311 : i32
          %add3A_313 = arith.constant 48 : i32
          %add3A_314 = arith.addi %mul3A_312, %add3A_313 : i32
          %swap3A_315 = arith.index_cast %shift_right_arithmetic3A_308 : i32 to index
          %swap3A_316 = arith.index_cast %add3A_314 : i32 to index
          %swap3A_317 = tpu.vector_load %arg10[%swap3A_315, %swap3A_316] {strides = array<i32>} : memref<496x128xf32, #tpu.memory_space<vmem>>, vector<16xf32>,
          tpu.vector_store %arg10[%swap3A_315, %swap3A_316], %gather3A_306 {strides = array<i32>} : memref<496x128xf32, #tpu.memory_space<vmem>>, vector<16xf32>,
          %add3A_318 = arith.constant 1 : i32
          %add3A_319 = arith.addi %while3A_209, %add3A_318 : i32
          scf.yield %add3A_319 : i32
        }
        scf.yield %while3A : i32
      } else {
        scf.yield %cond3A_172 : i32
      }
      scf.yield %cond3A_182 : i32
    }
    %scan3A_88 = arith.constant 31 : i32
    %sub3A = arith.subi %scan3A_87, %reduce_max3A_12 : i32
    %scan3A_89 = arith.constant 0 : i32
    %scan3A_90 = arith.constant 0 : i32
    %scan3A_91 = arith.constant 992 : i32
    %scan3A_92 = arith.addi %scan3A_90, %scan3A_91 : i32
    %scan3A_93 = arith.constant 1 : i32
    scf.for %scan3A_101 = %scan3A_90 to %scan3A_92 step %scan3A_93  : i32 {
      %lt3A_102 = arith.cmpi slt, %scan3A_101, %sub3A : i32
      %convert_element_type3A_103 = arith.extui %lt3A_102 : i1 to i32
      %cond3A_104 = arith.constant 0 : i32
      %cond3A_105 = arith.cmpi ne, %convert_element_type3A_103, %cond3A_104 : i32
      scf.if %cond3A_105 {
        %shift_right_arithmetic3A_106 = arith.constant 1 : i32
        %shift_right_arithmetic3A_107 = arith.shrsi %scan3A_101, %shift_right_arithmetic3A_106 : i32
        %and3A_108 = arith.constant 1 : i32
        %and3A_109 = arith.andi %scan3A_101, %and3A_108 : i32
        %mul3A_110 = arith.constant 64 : i32
        %mul3A_111 = arith.muli %and3A_109, %mul3A_110 : i32
        %add3A_112 = arith.addi %reduce_max3A_12, %scan3A_101 : i32
        %mul3A_113 = arith.constant 64 : i32
        %mul3A_114 = arith.muli %add3A_112, %mul3A_113 : i32
        %dma_start3A = tpu.memref_slice %arg10[%shift_right_arithmetic3A_107, %mul3A_111] : memref<496x128xf32, #tpu.memory_space<vmem>> -> memref<1x64xf32, #tpu.memory_space<vmem>>
        %dma_start3A_115 = tpu.memref_squeeze %dma_start3A : memref<1x64xf32, #tpu.memory_space<vmem>> -> memref<64xf32, #tpu.memory_space<vmem>>
        %dma_start3A_116 = tpu.memref_slice %arg6[%mul3A_114] : memref<1048576xf32, #tpu.memory_space<hbm>> -> memref<64xf32, #tpu.memory_space<hbm>>
        %dma_start3A_117 = tpu.memref_slice %arg6[%mul3A_114] : memref<1048576xf32, #tpu.memory_space<hbm>> -> memref<64xf32, #tpu.memory_space<hbm>>
        %dma_start3A_118 = tpu.memref_slice %arg10[%shift_right_arithmetic3A_107, %mul3A_111] : memref<496x128xf32, #tpu.memory_space<vmem>> -> memref<1x64xf32, #tpu.memory_space<vmem>>
        %dma_start3A_119 = tpu.memref_squeeze %dma_start3A_118 : memref<1x64xf32, #tpu.memory_space<vmem>> -> memref<64xf32, #tpu.memory_space<vmem>>
        tpu.enqueue_dma source(%dma_start3A_119 : memref<64xf32, #tpu.memory_space<vmem>>) target(%dma_start3A_117 : memref<64xf32, #tpu.memory_space<hbm>>) target_semaphore(%arg19 : memref<!tpu.dma_semaphore, #tpu.memory_space<semaphore_mem>>)
      } else {
      }
    }
    %scan3A_94 = arith.constant 992 : i32
    %scan3A_95 = arith.constant 0 : i32
    %scan3A_96 = arith.constant 0 : i32
    %scan3A_97 = arith.constant 992 : i32
    %scan3A_98 = arith.addi %scan3A_96, %scan3A_97 : i32
    %scan3A_99 = arith.constant 1 : i32
    scf.for %scan3A_101 = %scan3A_96 to %scan3A_98 step %scan3A_99  : i32 {
      %lt3A_102 = arith.cmpi slt, %scan3A_101, %sub3A : i32
      %convert_element_type3A_103 = arith.extui %lt3A_102 : i1 to i32
      %cond3A_104 = arith.constant 0 : i32
      %cond3A_105 = arith.cmpi ne, %convert_element_type3A_103, %cond3A_104 : i32
      scf.if %cond3A_105 {
        %dma_wait3A = arith.constant 0 : i32
        %dma_wait3A_106 = arith.constant 0 : i32
        %dma_wait3A_107 = tpu.memref_slice %arg10[%dma_wait3A, %dma_wait3A_106] : memref<496x128xf32, #tpu.memory_space<vmem>> -> memref<1x64xf32, #tpu.memory_space<vmem>>
        %dma_wait3A_108 = tpu.memref_squeeze %dma_wait3A_107 : memref<1x64xf32, #tpu.memory_space<vmem>> -> memref<64xf32, #tpu.memory_space<vmem>>
        %dma_wait3A_109 = arith.constant 0 : i32
        %dma_wait3A_110 = tpu.memref_slice %arg6[%dma_wait3A_109] : memref<1048576xf32, #tpu.memory_space<hbm>> -> memref<64xf32, #tpu.memory_space<hbm>>
        %dma_wait3A_111 = arith.constant 0 : i32
        %dma_wait3A_112 = tpu.memref_slice %arg10[%dma_wait3A, %dma_wait3A_111] : memref<496x128xf32, #tpu.memory_space<vmem>> -> memref<1x64xf32, #tpu.memory_space<vmem>>
        %dma_wait3A_113 = tpu.memref_squeeze %dma_wait3A_112 : memref<1x64xf32, #tpu.memory_space<vmem>> -> memref<64xf32, #tpu.memory_space<vmem>>
        %dma_wait3A_114 = arith.constant 0 : i32
        %dma_wait3A_115 = tpu.memref_slice %arg6[%dma_wait3A_114] : memref<1048576xf32, #tpu.memory_space<hbm>> -> memref<64xf32, #tpu.memory_space<hbm>>
        tpu.wait_dma2 semaphore(%arg19 : memref<!tpu.dma_semaphore, #tpu.memory_space<semaphore_mem>>) src(%dma_wait3A_115 : memref<64xf32, #tpu.memory_space<hbm>>) dst(%dma_wait3A_113 : memref<64xf32, #tpu.memory_space<vmem>>)
      } else {
      }
    }
    %scan3A_100 = arith.constant 992 : i32
    return
  }
}

#map = affine_map<(d0, d1) -> (0, 0)>
#map1 = affine_map<(d0, d1) -> (0)>
module attributes {stable_mosaic.version = 14 : i64} {
  func.func @k(%arg0: i32, %arg1: i32, %arg2: memref<8192x128xf32, #tpu.memory_space<hbm>>, %arg3: memref<16384xi32, #tpu.memory_space<hbm>>, %arg4: memref<16384x64xf32, #tpu.memory_space<hbm>>, %arg5: memref<512xi32, #tpu.memory_space<vmem>>, %arg6: memref<8x64xi32, #tpu.memory_space<vmem>>, %arg7: memref<512xi32, #tpu.memory_space<vmem>>, %arg8: memref<2x64x128xf32, #tpu.memory_space<vmem>>, %arg9: memref<512x64xf32, #tpu.memory_space<vmem>>, %arg10: memref<!tpu.dma_semaphore, #tpu.memory_space<semaphore_mem>>, %arg11: memref<!tpu.dma_semaphore, #tpu.memory_space<semaphore_mem>>) attributes {dimension_semantics = [#tpu.dimension_semantics<core_parallel>, #tpu.dimension_semantics<subcore_parallel>], iteration_bounds = array<i64: 2, 16>, scalar_prefetch = 0 : i64, scratch_operands = 7 : i64, tpu.core_type = #tpu.core_type<sc_vector_subcore>, window_params = [{transform_indices = #map}, {transform_indices = #map1}, {transform_indices = #map}]} {
    %mul3A = arith.constant 2 : i32
    %mul3A_0 = arith.muli %arg1, %mul3A : i32
    %add3A = arith.addi %mul3A_0, %arg0 : i32
    %mul3A_1 = arith.constant 512 : i32
    %mul3A_2 = arith.muli %add3A, %mul3A_1 : i32
    "tpu.region"() ({
      %run_scoped3A = tpu.sem_alloc : memref<!tpu.dma_semaphore, #tpu.memory_space<semaphore_mem>>
      %dma_start3A_294 = tpu.memref_slice %arg3[%mul3A_2] : memref<16384xi32, #tpu.memory_space<hbm>> -> memref<512xi32, #tpu.memory_space<hbm>>
      %dma_start3A_295 = tpu.memref_slice %arg3[%mul3A_2] : memref<16384xi32, #tpu.memory_space<hbm>> -> memref<512xi32, #tpu.memory_space<hbm>>
      tpu.enqueue_dma source(%dma_start3A_295 : memref<512xi32, #tpu.memory_space<hbm>>) target(%arg5 : memref<512xi32, #tpu.memory_space<vmem>>) target_semaphore(%run_scoped3A : memref<!tpu.dma_semaphore, #tpu.memory_space<semaphore_mem>>)
      %dma_wait3A_296 = tpu.memref_slice %arg3[%mul3A_2] : memref<16384xi32, #tpu.memory_space<hbm>> -> memref<512xi32, #tpu.memory_space<hbm>>
      %dma_wait3A_297 = tpu.memref_slice %arg3[%mul3A_2] : memref<16384xi32, #tpu.memory_space<hbm>> -> memref<512xi32, #tpu.memory_space<hbm>>
      tpu.wait_dma2 semaphore(%run_scoped3A : memref<!tpu.dma_semaphore, #tpu.memory_space<semaphore_mem>>) src(%dma_wait3A_297 : memref<512xi32, #tpu.memory_space<hbm>>) dst(%arg5 : memref<512xi32, #tpu.memory_space<vmem>>)
      tpu.yield
    }) : () -> ()
    %scan3A = arith.constant 0 : i32
    %scan3A_3 = arith.constant 0 : i32
    %scan3A_4 = arith.constant 32 : i32
    %scan3A_5 = arith.addi %scan3A_3, %scan3A_4 : i32
    %scan3A_6 = arith.constant 1 : i32
    scf.for %scan3A_294 = %scan3A_3 to %scan3A_5 step %scan3A_6  : i32 {
      %mul3A_295 = arith.constant 16 : i32
      %mul3A_296 = arith.muli %scan3A_294, %mul3A_295 : i32
      %get3A = arith.index_cast %mul3A_296 : i32 to index
      %get3A_297 = tpu.vector_load %arg5[%get3A] {strides = array<i32>} : memref<512xi32, #tpu.memory_space<vmem>>, vector<16xi32>,
      %and3A = arith.constant 1 : i32
      %and3A_298 = vector.broadcast %and3A : i32 to vector<16xi32>
      %and3A_299 = arith.andi %get3A_297, %and3A_298 : vector<16xi32>
      %mul3A_300 = arith.constant 16 : i32
      %mul3A_301 = arith.muli %scan3A_294, %mul3A_300 : i32
      %swap3A = arith.index_cast %mul3A_301 : i32 to index
      %swap3A_302 = tpu.vector_load %arg7[%swap3A] {strides = array<i32>} : memref<512xi32, #tpu.memory_space<vmem>>, vector<16xi32>,
      tpu.vector_store %arg7[%swap3A], %and3A_299 {strides = array<i32>} : memref<512xi32, #tpu.memory_space<vmem>>, vector<16xi32>,
    }
    %scan3A_7 = arith.constant 32 : i32
    %scan3A_8 = arith.constant 0 : i32
    %scan3A_9 = arith.constant 0 : i32
    %scan3A_10 = arith.constant 4 : i32
    %scan3A_11 = arith.addi %scan3A_9, %scan3A_10 : i32
    %scan3A_12 = arith.constant 1 : i32
    scf.for %scan3A_294 = %scan3A_9 to %scan3A_11 step %scan3A_12  : i32 {
      %mul3A_295 = arith.constant 16 : i32
      %mul3A_296 = arith.muli %scan3A_294, %mul3A_295 : i32
      %add3A_297 = arith.constant 0 : i32
      %add3A_298 = arith.addi %add3A_297, %mul3A_296 : i32
      %get3A = arith.index_cast %add3A_298 : i32 to index
      %get3A_299 = tpu.vector_load %arg5[%get3A] {strides = array<i32>} : memref<512xi32, #tpu.memory_space<vmem>>, vector<16xi32>,
      %shift_right_arithmetic3A = arith.constant 1 : i32
      %shift_right_arithmetic3A_300 = vector.broadcast %shift_right_arithmetic3A : i32 to vector<16xi32>
      %shift_right_arithmetic3A_301 = arith.shrsi %get3A_299, %shift_right_arithmetic3A_300 : vector<16xi32>
      %mul3A_302 = arith.constant 16 : i32
      %mul3A_303 = arith.muli %scan3A_294, %mul3A_302 : i32
      %swap3A = arith.constant 0 : i32
      %swap3A_304 = arith.index_cast %swap3A : i32 to index
      %swap3A_305 = arith.index_cast %mul3A_303 : i32 to index
      %swap3A_306 = tpu.vector_load %arg6[%swap3A_304, %swap3A_305] {strides = array<i32>} : memref<8x64xi32, #tpu.memory_space<vmem>>, vector<16xi32>,
      tpu.vector_store %arg6[%swap3A_304, %swap3A_305], %shift_right_arithmetic3A_301 {strides = array<i32>} : memref<8x64xi32, #tpu.memory_space<vmem>>, vector<16xi32>,
    }
    %scan3A_13 = arith.constant 4 : i32
    %scan3A_14 = arith.constant 0 : i32
    %scan3A_15 = arith.constant 0 : i32
    %scan3A_16 = arith.constant 4 : i32
    %scan3A_17 = arith.addi %scan3A_15, %scan3A_16 : i32
    %scan3A_18 = arith.constant 1 : i32
    scf.for %scan3A_294 = %scan3A_15 to %scan3A_17 step %scan3A_18  : i32 {
      %mul3A_295 = arith.constant 16 : i32
      %mul3A_296 = arith.muli %scan3A_294, %mul3A_295 : i32
      %add3A_297 = arith.constant 64 : i32
      %add3A_298 = arith.addi %add3A_297, %mul3A_296 : i32
      %get3A = arith.index_cast %add3A_298 : i32 to index
      %get3A_299 = tpu.vector_load %arg5[%get3A] {strides = array<i32>} : memref<512xi32, #tpu.memory_space<vmem>>, vector<16xi32>,
      %shift_right_arithmetic3A = arith.constant 1 : i32
      %shift_right_arithmetic3A_300 = vector.broadcast %shift_right_arithmetic3A : i32 to vector<16xi32>
      %shift_right_arithmetic3A_301 = arith.shrsi %get3A_299, %shift_right_arithmetic3A_300 : vector<16xi32>
      %mul3A_302 = arith.constant 16 : i32
      %mul3A_303 = arith.muli %scan3A_294, %mul3A_302 : i32
      %swap3A = arith.constant 1 : i32
      %swap3A_304 = arith.index_cast %swap3A : i32 to index
      %swap3A_305 = arith.index_cast %mul3A_303 : i32 to index
      %swap3A_306 = tpu.vector_load %arg6[%swap3A_304, %swap3A_305] {strides = array<i32>} : memref<8x64xi32, #tpu.memory_space<vmem>>, vector<16xi32>,
      tpu.vector_store %arg6[%swap3A_304, %swap3A_305], %shift_right_arithmetic3A_301 {strides = array<i32>} : memref<8x64xi32, #tpu.memory_space<vmem>>, vector<16xi32>,
    }
    %scan3A_19 = arith.constant 4 : i32
    %scan3A_20 = arith.constant 0 : i32
    %scan3A_21 = arith.constant 0 : i32
    %scan3A_22 = arith.constant 4 : i32
    %scan3A_23 = arith.addi %scan3A_21, %scan3A_22 : i32
    %scan3A_24 = arith.constant 1 : i32
    scf.for %scan3A_294 = %scan3A_21 to %scan3A_23 step %scan3A_24  : i32 {
      %mul3A_295 = arith.constant 16 : i32
      %mul3A_296 = arith.muli %scan3A_294, %mul3A_295 : i32
      %add3A_297 = arith.constant 128 : i32
      %add3A_298 = arith.addi %add3A_297, %mul3A_296 : i32
      %get3A = arith.index_cast %add3A_298 : i32 to index
      %get3A_299 = tpu.vector_load %arg5[%get3A] {strides = array<i32>} : memref<512xi32, #tpu.memory_space<vmem>>, vector<16xi32>,
      %shift_right_arithmetic3A = arith.constant 1 : i32
      %shift_right_arithmetic3A_300 = vector.broadcast %shift_right_arithmetic3A : i32 to vector<16xi32>
      %shift_right_arithmetic3A_301 = arith.shrsi %get3A_299, %shift_right_arithmetic3A_300 : vector<16xi32>
      %mul3A_302 = arith.constant 16 : i32
      %mul3A_303 = arith.muli %scan3A_294, %mul3A_302 : i32
      %swap3A = arith.constant 2 : i32
      %swap3A_304 = arith.index_cast %swap3A : i32 to index
      %swap3A_305 = arith.index_cast %mul3A_303 : i32 to index
      %swap3A_306 = tpu.vector_load %arg6[%swap3A_304, %swap3A_305] {strides = array<i32>} : memref<8x64xi32, #tpu.memory_space<vmem>>, vector<16xi32>,
      tpu.vector_store %arg6[%swap3A_304, %swap3A_305], %shift_right_arithmetic3A_301 {strides = array<i32>} : memref<8x64xi32, #tpu.memory_space<vmem>>, vector<16xi32>,
    }
    %scan3A_25 = arith.constant 4 : i32
    %scan3A_26 = arith.constant 0 : i32
    %scan3A_27 = arith.constant 0 : i32
    %scan3A_28 = arith.constant 4 : i32
    %scan3A_29 = arith.addi %scan3A_27, %scan3A_28 : i32
    %scan3A_30 = arith.constant 1 : i32
    scf.for %scan3A_294 = %scan3A_27 to %scan3A_29 step %scan3A_30  : i32 {
      %mul3A_295 = arith.constant 16 : i32
      %mul3A_296 = arith.muli %scan3A_294, %mul3A_295 : i32
      %add3A_297 = arith.constant 192 : i32
      %add3A_298 = arith.addi %add3A_297, %mul3A_296 : i32
      %get3A = arith.index_cast %add3A_298 : i32 to index
      %get3A_299 = tpu.vector_load %arg5[%get3A] {strides = array<i32>} : memref<512xi32, #tpu.memory_space<vmem>>, vector<16xi32>,
      %shift_right_arithmetic3A = arith.constant 1 : i32
      %shift_right_arithmetic3A_300 = vector.broadcast %shift_right_arithmetic3A : i32 to vector<16xi32>
      %shift_right_arithmetic3A_301 = arith.shrsi %get3A_299, %shift_right_arithmetic3A_300 : vector<16xi32>
      %mul3A_302 = arith.constant 16 : i32
      %mul3A_303 = arith.muli %scan3A_294, %mul3A_302 : i32
      %swap3A = arith.constant 3 : i32
      %swap3A_304 = arith.index_cast %swap3A : i32 to index
      %swap3A_305 = arith.index_cast %mul3A_303 : i32 to index
      %swap3A_306 = tpu.vector_load %arg6[%swap3A_304, %swap3A_305] {strides = array<i32>} : memref<8x64xi32, #tpu.memory_space<vmem>>, vector<16xi32>,
      tpu.vector_store %arg6[%swap3A_304, %swap3A_305], %shift_right_arithmetic3A_301 {strides = array<i32>} : memref<8x64xi32, #tpu.memory_space<vmem>>, vector<16xi32>,
    }
    %scan3A_31 = arith.constant 4 : i32
    %scan3A_32 = arith.constant 0 : i32
    %scan3A_33 = arith.constant 0 : i32
    %scan3A_34 = arith.constant 4 : i32
    %scan3A_35 = arith.addi %scan3A_33, %scan3A_34 : i32
    %scan3A_36 = arith.constant 1 : i32
    scf.for %scan3A_294 = %scan3A_33 to %scan3A_35 step %scan3A_36  : i32 {
      %mul3A_295 = arith.constant 16 : i32
      %mul3A_296 = arith.muli %scan3A_294, %mul3A_295 : i32
      %add3A_297 = arith.constant 256 : i32
      %add3A_298 = arith.addi %add3A_297, %mul3A_296 : i32
      %get3A = arith.index_cast %add3A_298 : i32 to index
      %get3A_299 = tpu.vector_load %arg5[%get3A] {strides = array<i32>} : memref<512xi32, #tpu.memory_space<vmem>>, vector<16xi32>,
      %shift_right_arithmetic3A = arith.constant 1 : i32
      %shift_right_arithmetic3A_300 = vector.broadcast %shift_right_arithmetic3A : i32 to vector<16xi32>
      %shift_right_arithmetic3A_301 = arith.shrsi %get3A_299, %shift_right_arithmetic3A_300 : vector<16xi32>
      %mul3A_302 = arith.constant 16 : i32
      %mul3A_303 = arith.muli %scan3A_294, %mul3A_302 : i32
      %swap3A = arith.constant 4 : i32
      %swap3A_304 = arith.index_cast %swap3A : i32 to index
      %swap3A_305 = arith.index_cast %mul3A_303 : i32 to index
      %swap3A_306 = tpu.vector_load %arg6[%swap3A_304, %swap3A_305] {strides = array<i32>} : memref<8x64xi32, #tpu.memory_space<vmem>>, vector<16xi32>,
      tpu.vector_store %arg6[%swap3A_304, %swap3A_305], %shift_right_arithmetic3A_301 {strides = array<i32>} : memref<8x64xi32, #tpu.memory_space<vmem>>, vector<16xi32>,
    }
    %scan3A_37 = arith.constant 4 : i32
    %scan3A_38 = arith.constant 0 : i32
    %scan3A_39 = arith.constant 0 : i32
    %scan3A_40 = arith.constant 4 : i32
    %scan3A_41 = arith.addi %scan3A_39, %scan3A_40 : i32
    %scan3A_42 = arith.constant 1 : i32
    scf.for %scan3A_294 = %scan3A_39 to %scan3A_41 step %scan3A_42  : i32 {
      %mul3A_295 = arith.constant 16 : i32
      %mul3A_296 = arith.muli %scan3A_294, %mul3A_295 : i32
      %add3A_297 = arith.constant 320 : i32
      %add3A_298 = arith.addi %add3A_297, %mul3A_296 : i32
      %get3A = arith.index_cast %add3A_298 : i32 to index
      %get3A_299 = tpu.vector_load %arg5[%get3A] {strides = array<i32>} : memref<512xi32, #tpu.memory_space<vmem>>, vector<16xi32>,
      %shift_right_arithmetic3A = arith.constant 1 : i32
      %shift_right_arithmetic3A_300 = vector.broadcast %shift_right_arithmetic3A : i32 to vector<16xi32>
      %shift_right_arithmetic3A_301 = arith.shrsi %get3A_299, %shift_right_arithmetic3A_300 : vector<16xi32>
      %mul3A_302 = arith.constant 16 : i32
      %mul3A_303 = arith.muli %scan3A_294, %mul3A_302 : i32
      %swap3A = arith.constant 5 : i32
      %swap3A_304 = arith.index_cast %swap3A : i32 to index
      %swap3A_305 = arith.index_cast %mul3A_303 : i32 to index
      %swap3A_306 = tpu.vector_load %arg6[%swap3A_304, %swap3A_305] {strides = array<i32>} : memref<8x64xi32, #tpu.memory_space<vmem>>, vector<16xi32>,
      tpu.vector_store %arg6[%swap3A_304, %swap3A_305], %shift_right_arithmetic3A_301 {strides = array<i32>} : memref<8x64xi32, #tpu.memory_space<vmem>>, vector<16xi32>,
    }
    %scan3A_43 = arith.constant 4 : i32
    %scan3A_44 = arith.constant 0 : i32
    %scan3A_45 = arith.constant 0 : i32
    %scan3A_46 = arith.constant 4 : i32
    %scan3A_47 = arith.addi %scan3A_45, %scan3A_46 : i32
    %scan3A_48 = arith.constant 1 : i32
    scf.for %scan3A_294 = %scan3A_45 to %scan3A_47 step %scan3A_48  : i32 {
      %mul3A_295 = arith.constant 16 : i32
      %mul3A_296 = arith.muli %scan3A_294, %mul3A_295 : i32
      %add3A_297 = arith.constant 384 : i32
      %add3A_298 = arith.addi %add3A_297, %mul3A_296 : i32
      %get3A = arith.index_cast %add3A_298 : i32 to index
      %get3A_299 = tpu.vector_load %arg5[%get3A] {strides = array<i32>} : memref<512xi32, #tpu.memory_space<vmem>>, vector<16xi32>,
      %shift_right_arithmetic3A = arith.constant 1 : i32
      %shift_right_arithmetic3A_300 = vector.broadcast %shift_right_arithmetic3A : i32 to vector<16xi32>
      %shift_right_arithmetic3A_301 = arith.shrsi %get3A_299, %shift_right_arithmetic3A_300 : vector<16xi32>
      %mul3A_302 = arith.constant 16 : i32
      %mul3A_303 = arith.muli %scan3A_294, %mul3A_302 : i32
      %swap3A = arith.constant 6 : i32
      %swap3A_304 = arith.index_cast %swap3A : i32 to index
      %swap3A_305 = arith.index_cast %mul3A_303 : i32 to index
      %swap3A_306 = tpu.vector_load %arg6[%swap3A_304, %swap3A_305] {strides = array<i32>} : memref<8x64xi32, #tpu.memory_space<vmem>>, vector<16xi32>,
      tpu.vector_store %arg6[%swap3A_304, %swap3A_305], %shift_right_arithmetic3A_301 {strides = array<i32>} : memref<8x64xi32, #tpu.memory_space<vmem>>, vector<16xi32>,
    }
    %scan3A_49 = arith.constant 4 : i32
    %scan3A_50 = arith.constant 0 : i32
    %scan3A_51 = arith.constant 0 : i32
    %scan3A_52 = arith.constant 4 : i32
    %scan3A_53 = arith.addi %scan3A_51, %scan3A_52 : i32
    %scan3A_54 = arith.constant 1 : i32
    scf.for %scan3A_294 = %scan3A_51 to %scan3A_53 step %scan3A_54  : i32 {
      %mul3A_295 = arith.constant 16 : i32
      %mul3A_296 = arith.muli %scan3A_294, %mul3A_295 : i32
      %add3A_297 = arith.constant 448 : i32
      %add3A_298 = arith.addi %add3A_297, %mul3A_296 : i32
      %get3A = arith.index_cast %add3A_298 : i32 to index
      %get3A_299 = tpu.vector_load %arg5[%get3A] {strides = array<i32>} : memref<512xi32, #tpu.memory_space<vmem>>, vector<16xi32>,
      %shift_right_arithmetic3A = arith.constant 1 : i32
      %shift_right_arithmetic3A_300 = vector.broadcast %shift_right_arithmetic3A : i32 to vector<16xi32>
      %shift_right_arithmetic3A_301 = arith.shrsi %get3A_299, %shift_right_arithmetic3A_300 : vector<16xi32>
      %mul3A_302 = arith.constant 16 : i32
      %mul3A_303 = arith.muli %scan3A_294, %mul3A_302 : i32
      %swap3A = arith.constant 7 : i32
      %swap3A_304 = arith.index_cast %swap3A : i32 to index
      %swap3A_305 = arith.index_cast %mul3A_303 : i32 to index
      %swap3A_306 = tpu.vector_load %arg6[%swap3A_304, %swap3A_305] {strides = array<i32>} : memref<8x64xi32, #tpu.memory_space<vmem>>, vector<16xi32>,
      tpu.vector_store %arg6[%swap3A_304, %swap3A_305], %shift_right_arithmetic3A_301 {strides = array<i32>} : memref<8x64xi32, #tpu.memory_space<vmem>>, vector<16xi32>,
    }
    %scan3A_55 = arith.constant 4 : i32
    %dma_start3A = arith.constant 0 : i32
    %dma_start3A_56 = arith.constant 0 : i32
    %dma_start3A_57 = arith.constant 0 : i32
    %dma_start3A_58 = arith.constant 0 : i32
    %dma_start3A_59 = tpu.memref_slice %arg8[%dma_start3A_56, %dma_start3A_57, %dma_start3A_58] : memref<2x64x128xf32, #tpu.memory_space<vmem>> -> memref<1x64x128xf32, #tpu.memory_space<vmem>>
    %dma_start3A_60 = tpu.memref_squeeze %dma_start3A_59 : memref<1x64x128xf32, #tpu.memory_space<vmem>> -> memref<64x128xf32, #tpu.memory_space<vmem>>
    %dma_start3A_61 = arith.constant 0 : i32
    %dma_start3A_62 = tpu.memref_slice %arg6[%dma_start3A, %dma_start3A_61] : memref<8x64xi32, #tpu.memory_space<vmem>> -> memref<1x64xi32, #tpu.memory_space<vmem>>
    %dma_start3A_63 = tpu.memref_squeeze %dma_start3A_62 : memref<1x64xi32, #tpu.memory_space<vmem>> -> memref<64xi32, #tpu.memory_space<vmem>>
    %dma_start3A_64 = arith.constant 0 : i32
    %dma_start3A_65 = arith.constant 0 : i32
    %dma_start3A_66 = tpu.memref_slice %arg2[%dma_start3A_64, %dma_start3A_65] : memref<8192x128xf32, #tpu.memory_space<hbm>> -> memref<8192x128xf32, #tpu.memory_space<hbm>>
    tpu.enqueue_indirect_dma source(%dma_start3A_66 : memref<8192x128xf32, #tpu.memory_space<hbm>>) target(%dma_start3A_60 : memref<64x128xf32, #tpu.memory_space<vmem>>) offsets(%dma_start3A_63 : memref<64xi32, #tpu.memory_space<vmem>>) semaphore(%arg10 : memref<!tpu.dma_semaphore, #tpu.memory_space<semaphore_mem>>)
    %dma_wait3A = arith.constant 0 : i32
    %dma_wait3A_67 = arith.constant 0 : i32
    %dma_wait3A_68 = arith.constant 0 : i32
    %dma_wait3A_69 = arith.constant 0 : i32
    %dma_wait3A_70 = tpu.memref_slice %arg8[%dma_wait3A_67, %dma_wait3A_68, %dma_wait3A_69] : memref<2x64x128xf32, #tpu.memory_space<vmem>> -> memref<1x64x128xf32, #tpu.memory_space<vmem>>
    %dma_wait3A_71 = tpu.memref_squeeze %dma_wait3A_70 : memref<1x64x128xf32, #tpu.memory_space<vmem>> -> memref<64x128xf32, #tpu.memory_space<vmem>>
    %dma_wait3A_72 = arith.constant 0 : i32
    %dma_wait3A_73 = tpu.memref_slice %arg6[%dma_wait3A, %dma_wait3A_72] : memref<8x64xi32, #tpu.memory_space<vmem>> -> memref<1x64xi32, #tpu.memory_space<vmem>>
    %dma_wait3A_74 = tpu.memref_squeeze %dma_wait3A_73 : memref<1x64xi32, #tpu.memory_space<vmem>> -> memref<64xi32, #tpu.memory_space<vmem>>
    %dma_wait3A_75 = arith.constant 0 : i32
    %dma_wait3A_76 = arith.constant 0 : i32
    %dma_wait3A_77 = tpu.memref_slice %arg2[%dma_wait3A_75, %dma_wait3A_76] : memref<8192x128xf32, #tpu.memory_space<hbm>> -> memref<8192x128xf32, #tpu.memory_space<hbm>>
    tpu.wait_indirect_dma semaphore(%arg10 : memref<!tpu.dma_semaphore, #tpu.memory_space<semaphore_mem>>) src(%dma_wait3A_77 : memref<8192x128xf32, #tpu.memory_space<hbm>>) dst(%dma_wait3A_71 : memref<64x128xf32, #tpu.memory_space<vmem>>)
    %dma_start3A_78 = arith.constant 1 : i32
    %dma_start3A_79 = arith.constant 1 : i32
    %dma_start3A_80 = arith.constant 0 : i32
    %dma_start3A_81 = arith.constant 0 : i32
    %dma_start3A_82 = tpu.memref_slice %arg8[%dma_start3A_79, %dma_start3A_80, %dma_start3A_81] : memref<2x64x128xf32, #tpu.memory_space<vmem>> -> memref<1x64x128xf32, #tpu.memory_space<vmem>>
    %dma_start3A_83 = tpu.memref_squeeze %dma_start3A_82 : memref<1x64x128xf32, #tpu.memory_space<vmem>> -> memref<64x128xf32, #tpu.memory_space<vmem>>
    %dma_start3A_84 = arith.constant 0 : i32
    %dma_start3A_85 = tpu.memref_slice %arg6[%dma_start3A_78, %dma_start3A_84] : memref<8x64xi32, #tpu.memory_space<vmem>> -> memref<1x64xi32, #tpu.memory_space<vmem>>
    %dma_start3A_86 = tpu.memref_squeeze %dma_start3A_85 : memref<1x64xi32, #tpu.memory_space<vmem>> -> memref<64xi32, #tpu.memory_space<vmem>>
    %dma_start3A_87 = arith.constant 0 : i32
    %dma_start3A_88 = arith.constant 0 : i32
    %dma_start3A_89 = tpu.memref_slice %arg2[%dma_start3A_87, %dma_start3A_88] : memref<8192x128xf32, #tpu.memory_space<hbm>> -> memref<8192x128xf32, #tpu.memory_space<hbm>>
    tpu.enqueue_indirect_dma source(%dma_start3A_89 : memref<8192x128xf32, #tpu.memory_space<hbm>>) target(%dma_start3A_83 : memref<64x128xf32, #tpu.memory_space<vmem>>) offsets(%dma_start3A_86 : memref<64xi32, #tpu.memory_space<vmem>>) semaphore(%arg11 : memref<!tpu.dma_semaphore, #tpu.memory_space<semaphore_mem>>)
    %scan3A_90 = arith.constant 0 : i32
    %scan3A_91 = arith.constant 0 : i32
    %scan3A_92 = arith.constant 64 : i32
    %scan3A_93 = arith.addi %scan3A_91, %scan3A_92 : i32
    %scan3A_94 = arith.constant 1 : i32
    scf.for %scan3A_294 = %scan3A_91 to %scan3A_93 step %scan3A_94  : i32 {
      %broadcast_in_dim3A = arith.constant 0 : i32
      %broadcast_in_dim3A_295 = vector.broadcast %broadcast_in_dim3A : i32 to vector<16xi32>
      %add3A_296 = vector.broadcast %scan3A_294 : i32 to vector<16xi32>
      %add3A_297 = arith.addi %broadcast_in_dim3A_295, %add3A_296 : vector<16xi32>
      %gather3A = tpu.vector_load_idx %arg7[%add3A_297] : memref<512xi32, #tpu.memory_space<vmem>>[vector<16xi32>], vector<16xi32>,
      %eq3A = arith.constant 0 : i32
      %eq3A_298 = vector.broadcast %eq3A : i32 to vector<16xi32>
      %eq3A_299 = arith.cmpi eq, %gather3A, %eq3A_298 : vector<16xi32>
      %get3A = arith.constant 0 : i32
      %get3A_300 = arith.index_cast %get3A : i32 to index
      %get3A_301 = arith.index_cast %scan3A_294 : i32 to index
      %get3A_302 = arith.constant 0 : index
      %get3A_303 = tpu.vector_load %arg8[%get3A_300, %get3A_301, %get3A_302] {strides = array<i32>} : memref<2x64x128xf32, #tpu.memory_space<vmem>>, vector<16xf32>,
      %get3A_304 = arith.constant 0 : i32
      %get3A_305 = arith.index_cast %get3A_304 : i32 to index
      %get3A_306 = arith.index_cast %scan3A_294 : i32 to index
      %get3A_307 = arith.constant 64 : index
      %get3A_308 = tpu.vector_load %arg8[%get3A_305, %get3A_306, %get3A_307] {strides = array<i32>} : memref<2x64x128xf32, #tpu.memory_space<vmem>>, vector<16xf32>,
      %select_n3A = arith.select %eq3A_299, %get3A_303, %get3A_308 : vector<16xi1>, vector<16xf32>
      %add3A_309 = arith.constant 0 : i32
      %add3A_310 = arith.addi %add3A_309, %scan3A_294 : i32
      %swap3A = arith.index_cast %add3A_310 : i32 to index
      %swap3A_311 = arith.constant 0 : index
      %swap3A_312 = tpu.vector_load %arg9[%swap3A, %swap3A_311] {strides = array<i32>} : memref<512x64xf32, #tpu.memory_space<vmem>>, vector<16xf32>,
      tpu.vector_store %arg9[%swap3A, %swap3A_311], %select_n3A {strides = array<i32>} : memref<512x64xf32, #tpu.memory_space<vmem>>, vector<16xf32>,
      %get3A_313 = arith.constant 0 : i32
      %get3A_314 = arith.index_cast %get3A_313 : i32 to index
      %get3A_315 = arith.index_cast %scan3A_294 : i32 to index
      %get3A_316 = arith.constant 16 : index
      %get3A_317 = tpu.vector_load %arg8[%get3A_314, %get3A_315, %get3A_316] {strides = array<i32>} : memref<2x64x128xf32, #tpu.memory_space<vmem>>, vector<16xf32>,
      %get3A_318 = arith.constant 0 : i32
      %get3A_319 = arith.index_cast %get3A_318 : i32 to index
      %get3A_320 = arith.index_cast %scan3A_294 : i32 to index
      %get3A_321 = arith.constant 80 : index
      %get3A_322 = tpu.vector_load %arg8[%get3A_319, %get3A_320, %get3A_321] {strides = array<i32>} : memref<2x64x128xf32, #tpu.memory_space<vmem>>, vector<16xf32>,
      %select_n3A_323 = arith.select %eq3A_299, %get3A_317, %get3A_322 : vector<16xi1>, vector<16xf32>
      %add3A_324 = arith.constant 0 : i32
      %add3A_325 = arith.addi %add3A_324, %scan3A_294 : i32
      %swap3A_326 = arith.index_cast %add3A_325 : i32 to index
      %swap3A_327 = arith.constant 16 : index
      %swap3A_328 = tpu.vector_load %arg9[%swap3A_326, %swap3A_327] {strides = array<i32>} : memref<512x64xf32, #tpu.memory_space<vmem>>, vector<16xf32>,
      tpu.vector_store %arg9[%swap3A_326, %swap3A_327], %select_n3A_323 {strides = array<i32>} : memref<512x64xf32, #tpu.memory_space<vmem>>, vector<16xf32>,
      %get3A_329 = arith.constant 0 : i32
      %get3A_330 = arith.index_cast %get3A_329 : i32 to index
      %get3A_331 = arith.index_cast %scan3A_294 : i32 to index
      %get3A_332 = arith.constant 32 : index
      %get3A_333 = tpu.vector_load %arg8[%get3A_330, %get3A_331, %get3A_332] {strides = array<i32>} : memref<2x64x128xf32, #tpu.memory_space<vmem>>, vector<16xf32>,
      %get3A_334 = arith.constant 0 : i32
      %get3A_335 = arith.index_cast %get3A_334 : i32 to index
      %get3A_336 = arith.index_cast %scan3A_294 : i32 to index
      %get3A_337 = arith.constant 96 : index
      %get3A_338 = tpu.vector_load %arg8[%get3A_335, %get3A_336, %get3A_337] {strides = array<i32>} : memref<2x64x128xf32, #tpu.memory_space<vmem>>, vector<16xf32>,
      %select_n3A_339 = arith.select %eq3A_299, %get3A_333, %get3A_338 : vector<16xi1>, vector<16xf32>
      %add3A_340 = arith.constant 0 : i32
      %add3A_341 = arith.addi %add3A_340, %scan3A_294 : i32
      %swap3A_342 = arith.index_cast %add3A_341 : i32 to index
      %swap3A_343 = arith.constant 32 : index
      %swap3A_344 = tpu.vector_load %arg9[%swap3A_342, %swap3A_343] {strides = array<i32>} : memref<512x64xf32, #tpu.memory_space<vmem>>, vector<16xf32>,
      tpu.vector_store %arg9[%swap3A_342, %swap3A_343], %select_n3A_339 {strides = array<i32>} : memref<512x64xf32, #tpu.memory_space<vmem>>, vector<16xf32>,
      %get3A_345 = arith.constant 0 : i32
      %get3A_346 = arith.index_cast %get3A_345 : i32 to index
      %get3A_347 = arith.index_cast %scan3A_294 : i32 to index
      %get3A_348 = arith.constant 48 : index
      %get3A_349 = tpu.vector_load %arg8[%get3A_346, %get3A_347, %get3A_348] {strides = array<i32>} : memref<2x64x128xf32, #tpu.memory_space<vmem>>, vector<16xf32>,
      %get3A_350 = arith.constant 0 : i32
      %get3A_351 = arith.index_cast %get3A_350 : i32 to index
      %get3A_352 = arith.index_cast %scan3A_294 : i32 to index
      %get3A_353 = arith.constant 112 : index
      %get3A_354 = tpu.vector_load %arg8[%get3A_351, %get3A_352, %get3A_353] {strides = array<i32>} : memref<2x64x128xf32, #tpu.memory_space<vmem>>, vector<16xf32>,
      %select_n3A_355 = arith.select %eq3A_299, %get3A_349, %get3A_354 : vector<16xi1>, vector<16xf32>
      %add3A_356 = arith.constant 0 : i32
      %add3A_357 = arith.addi %add3A_356, %scan3A_294 : i32
      %swap3A_358 = arith.index_cast %add3A_357 : i32 to index
      %swap3A_359 = arith.constant 48 : index
      %swap3A_360 = tpu.vector_load %arg9[%swap3A_358, %swap3A_359] {strides = array<i32>} : memref<512x64xf32, #tpu.memory_space<vmem>>, vector<16xf32>,
      tpu.vector_store %arg9[%swap3A_358, %swap3A_359], %select_n3A_355 {strides = array<i32>} : memref<512x64xf32, #tpu.memory_space<vmem>>, vector<16xf32>,
    }
    %scan3A_95 = arith.constant 64 : i32
    %dma_wait3A_96 = arith.constant 1 : i32
    %dma_wait3A_97 = arith.constant 1 : i32
    %dma_wait3A_98 = arith.constant 0 : i32
    %dma_wait3A_99 = arith.constant 0 : i32
    %dma_wait3A_100 = tpu.memref_slice %arg8[%dma_wait3A_97, %dma_wait3A_98, %dma_wait3A_99] : memref<2x64x128xf32, #tpu.memory_space<vmem>> -> memref<1x64x128xf32, #tpu.memory_space<vmem>>
    %dma_wait3A_101 = tpu.memref_squeeze %dma_wait3A_100 : memref<1x64x128xf32, #tpu.memory_space<vmem>> -> memref<64x128xf32, #tpu.memory_space<vmem>>
    %dma_wait3A_102 = arith.constant 0 : i32
    %dma_wait3A_103 = tpu.memref_slice %arg6[%dma_wait3A_96, %dma_wait3A_102] : memref<8x64xi32, #tpu.memory_space<vmem>> -> memref<1x64xi32, #tpu.memory_space<vmem>>
    %dma_wait3A_104 = tpu.memref_squeeze %dma_wait3A_103 : memref<1x64xi32, #tpu.memory_space<vmem>> -> memref<64xi32, #tpu.memory_space<vmem>>
    %dma_wait3A_105 = arith.constant 0 : i32
    %dma_wait3A_106 = arith.constant 0 : i32
    %dma_wait3A_107 = tpu.memref_slice %arg2[%dma_wait3A_105, %dma_wait3A_106] : memref<8192x128xf32, #tpu.memory_space<hbm>> -> memref<8192x128xf32, #tpu.memory_space<hbm>>
    tpu.wait_indirect_dma semaphore(%arg11 : memref<!tpu.dma_semaphore, #tpu.memory_space<semaphore_mem>>) src(%dma_wait3A_107 : memref<8192x128xf32, #tpu.memory_space<hbm>>) dst(%dma_wait3A_101 : memref<64x128xf32, #tpu.memory_space<vmem>>)
    %dma_start3A_108 = arith.constant 2 : i32
    %dma_start3A_109 = arith.constant 0 : i32
    %dma_start3A_110 = arith.constant 0 : i32
    %dma_start3A_111 = arith.constant 0 : i32
    %dma_start3A_112 = tpu.memref_slice %arg8[%dma_start3A_109, %dma_start3A_110, %dma_start3A_111] : memref<2x64x128xf32, #tpu.memory_space<vmem>> -> memref<1x64x128xf32, #tpu.memory_space<vmem>>
    %dma_start3A_113 = tpu.memref_squeeze %dma_start3A_112 : memref<1x64x128xf32, #tpu.memory_space<vmem>> -> memref<64x128xf32, #tpu.memory_space<vmem>>
    %dma_start3A_114 = arith.constant 0 : i32
    %dma_start3A_115 = tpu.memref_slice %arg6[%dma_start3A_108, %dma_start3A_114] : memref<8x64xi32, #tpu.memory_space<vmem>> -> memref<1x64xi32, #tpu.memory_space<vmem>>
    %dma_start3A_116 = tpu.memref_squeeze %dma_start3A_115 : memref<1x64xi32, #tpu.memory_space<vmem>> -> memref<64xi32, #tpu.memory_space<vmem>>
    %dma_start3A_117 = arith.constant 0 : i32
    %dma_start3A_118 = arith.constant 0 : i32
    %dma_start3A_119 = tpu.memref_slice %arg2[%dma_start3A_117, %dma_start3A_118] : memref<8192x128xf32, #tpu.memory_space<hbm>> -> memref<8192x128xf32, #tpu.memory_space<hbm>>
    tpu.enqueue_indirect_dma source(%dma_start3A_119 : memref<8192x128xf32, #tpu.memory_space<hbm>>) target(%dma_start3A_113 : memref<64x128xf32, #tpu.memory_space<vmem>>) offsets(%dma_start3A_116 : memref<64xi32, #tpu.memory_space<vmem>>) semaphore(%arg10 : memref<!tpu.dma_semaphore, #tpu.memory_space<semaphore_mem>>)
    %scan3A_120 = arith.constant 0 : i32
    %scan3A_121 = arith.constant 0 : i32
    %scan3A_122 = arith.constant 64 : i32
    %scan3A_123 = arith.addi %scan3A_121, %scan3A_122 : i32
    %scan3A_124 = arith.constant 1 : i32
    scf.for %scan3A_294 = %scan3A_121 to %scan3A_123 step %scan3A_124  : i32 {
      %broadcast_in_dim3A = arith.constant 64 : i32
      %broadcast_in_dim3A_295 = vector.broadcast %broadcast_in_dim3A : i32 to vector<16xi32>
      %add3A_296 = vector.broadcast %scan3A_294 : i32 to vector<16xi32>
      %add3A_297 = arith.addi %broadcast_in_dim3A_295, %add3A_296 : vector<16xi32>
      %gather3A = tpu.vector_load_idx %arg7[%add3A_297] : memref<512xi32, #tpu.memory_space<vmem>>[vector<16xi32>], vector<16xi32>,
      %eq3A = arith.constant 0 : i32
      %eq3A_298 = vector.broadcast %eq3A : i32 to vector<16xi32>
      %eq3A_299 = arith.cmpi eq, %gather3A, %eq3A_298 : vector<16xi32>
      %get3A = arith.constant 1 : i32
      %get3A_300 = arith.index_cast %get3A : i32 to index
      %get3A_301 = arith.index_cast %scan3A_294 : i32 to index
      %get3A_302 = arith.constant 0 : index
      %get3A_303 = tpu.vector_load %arg8[%get3A_300, %get3A_301, %get3A_302] {strides = array<i32>} : memref<2x64x128xf32, #tpu.memory_space<vmem>>, vector<16xf32>,
      %get3A_304 = arith.constant 1 : i32
      %get3A_305 = arith.index_cast %get3A_304 : i32 to index
      %get3A_306 = arith.index_cast %scan3A_294 : i32 to index
      %get3A_307 = arith.constant 64 : index
      %get3A_308 = tpu.vector_load %arg8[%get3A_305, %get3A_306, %get3A_307] {strides = array<i32>} : memref<2x64x128xf32, #tpu.memory_space<vmem>>, vector<16xf32>,
      %select_n3A = arith.select %eq3A_299, %get3A_303, %get3A_308 : vector<16xi1>, vector<16xf32>
      %add3A_309 = arith.constant 64 : i32
      %add3A_310 = arith.addi %add3A_309, %scan3A_294 : i32
      %swap3A = arith.index_cast %add3A_310 : i32 to index
      %swap3A_311 = arith.constant 0 : index
      %swap3A_312 = tpu.vector_load %arg9[%swap3A, %swap3A_311] {strides = array<i32>} : memref<512x64xf32, #tpu.memory_space<vmem>>, vector<16xf32>,
      tpu.vector_store %arg9[%swap3A, %swap3A_311], %select_n3A {strides = array<i32>} : memref<512x64xf32, #tpu.memory_space<vmem>>, vector<16xf32>,
      %get3A_313 = arith.constant 1 : i32
      %get3A_314 = arith.index_cast %get3A_313 : i32 to index
      %get3A_315 = arith.index_cast %scan3A_294 : i32 to index
      %get3A_316 = arith.constant 16 : index
      %get3A_317 = tpu.vector_load %arg8[%get3A_314, %get3A_315, %get3A_316] {strides = array<i32>} : memref<2x64x128xf32, #tpu.memory_space<vmem>>, vector<16xf32>,
      %get3A_318 = arith.constant 1 : i32
      %get3A_319 = arith.index_cast %get3A_318 : i32 to index
      %get3A_320 = arith.index_cast %scan3A_294 : i32 to index
      %get3A_321 = arith.constant 80 : index
      %get3A_322 = tpu.vector_load %arg8[%get3A_319, %get3A_320, %get3A_321] {strides = array<i32>} : memref<2x64x128xf32, #tpu.memory_space<vmem>>, vector<16xf32>,
      %select_n3A_323 = arith.select %eq3A_299, %get3A_317, %get3A_322 : vector<16xi1>, vector<16xf32>
      %add3A_324 = arith.constant 64 : i32
      %add3A_325 = arith.addi %add3A_324, %scan3A_294 : i32
      %swap3A_326 = arith.index_cast %add3A_325 : i32 to index
      %swap3A_327 = arith.constant 16 : index
      %swap3A_328 = tpu.vector_load %arg9[%swap3A_326, %swap3A_327] {strides = array<i32>} : memref<512x64xf32, #tpu.memory_space<vmem>>, vector<16xf32>,
      tpu.vector_store %arg9[%swap3A_326, %swap3A_327], %select_n3A_323 {strides = array<i32>} : memref<512x64xf32, #tpu.memory_space<vmem>>, vector<16xf32>,
      %get3A_329 = arith.constant 1 : i32
      %get3A_330 = arith.index_cast %get3A_329 : i32 to index
      %get3A_331 = arith.index_cast %scan3A_294 : i32 to index
      %get3A_332 = arith.constant 32 : index
      %get3A_333 = tpu.vector_load %arg8[%get3A_330, %get3A_331, %get3A_332] {strides = array<i32>} : memref<2x64x128xf32, #tpu.memory_space<vmem>>, vector<16xf32>,
      %get3A_334 = arith.constant 1 : i32
      %get3A_335 = arith.index_cast %get3A_334 : i32 to index
      %get3A_336 = arith.index_cast %scan3A_294 : i32 to index
      %get3A_337 = arith.constant 96 : index
      %get3A_338 = tpu.vector_load %arg8[%get3A_335, %get3A_336, %get3A_337] {strides = array<i32>} : memref<2x64x128xf32, #tpu.memory_space<vmem>>, vector<16xf32>,
      %select_n3A_339 = arith.select %eq3A_299, %get3A_333, %get3A_338 : vector<16xi1>, vector<16xf32>
      %add3A_340 = arith.constant 64 : i32
      %add3A_341 = arith.addi %add3A_340, %scan3A_294 : i32
      %swap3A_342 = arith.index_cast %add3A_341 : i32 to index
      %swap3A_343 = arith.constant 32 : index
      %swap3A_344 = tpu.vector_load %arg9[%swap3A_342, %swap3A_343] {strides = array<i32>} : memref<512x64xf32, #tpu.memory_space<vmem>>, vector<16xf32>,
      tpu.vector_store %arg9[%swap3A_342, %swap3A_343], %select_n3A_339 {strides = array<i32>} : memref<512x64xf32, #tpu.memory_space<vmem>>, vector<16xf32>,
      %get3A_345 = arith.constant 1 : i32
      %get3A_346 = arith.index_cast %get3A_345 : i32 to index
      %get3A_347 = arith.index_cast %scan3A_294 : i32 to index
      %get3A_348 = arith.constant 48 : index
      %get3A_349 = tpu.vector_load %arg8[%get3A_346, %get3A_347, %get3A_348] {strides = array<i32>} : memref<2x64x128xf32, #tpu.memory_space<vmem>>, vector<16xf32>,
      %get3A_350 = arith.constant 1 : i32
      %get3A_351 = arith.index_cast %get3A_350 : i32 to index
      %get3A_352 = arith.index_cast %scan3A_294 : i32 to index
      %get3A_353 = arith.constant 112 : index
      %get3A_354 = tpu.vector_load %arg8[%get3A_351, %get3A_352, %get3A_353] {strides = array<i32>} : memref<2x64x128xf32, #tpu.memory_space<vmem>>, vector<16xf32>,
      %select_n3A_355 = arith.select %eq3A_299, %get3A_349, %get3A_354 : vector<16xi1>, vector<16xf32>
      %add3A_356 = arith.constant 64 : i32
      %add3A_357 = arith.addi %add3A_356, %scan3A_294 : i32
      %swap3A_358 = arith.index_cast %add3A_357 : i32 to index
      %swap3A_359 = arith.constant 48 : index
      %swap3A_360 = tpu.vector_load %arg9[%swap3A_358, %swap3A_359] {strides = array<i32>} : memref<512x64xf32, #tpu.memory_space<vmem>>, vector<16xf32>,
      tpu.vector_store %arg9[%swap3A_358, %swap3A_359], %select_n3A_355 {strides = array<i32>} : memref<512x64xf32, #tpu.memory_space<vmem>>, vector<16xf32>,
    }
    %scan3A_125 = arith.constant 64 : i32
    %dma_wait3A_126 = arith.constant 2 : i32
    %dma_wait3A_127 = arith.constant 0 : i32
    %dma_wait3A_128 = arith.constant 0 : i32
    %dma_wait3A_129 = arith.constant 0 : i32
    %dma_wait3A_130 = tpu.memref_slice %arg8[%dma_wait3A_127, %dma_wait3A_128, %dma_wait3A_129] : memref<2x64x128xf32, #tpu.memory_space<vmem>> -> memref<1x64x128xf32, #tpu.memory_space<vmem>>
    %dma_wait3A_131 = tpu.memref_squeeze %dma_wait3A_130 : memref<1x64x128xf32, #tpu.memory_space<vmem>> -> memref<64x128xf32, #tpu.memory_space<vmem>>
    %dma_wait3A_132 = arith.constant 0 : i32
    %dma_wait3A_133 = tpu.memref_slice %arg6[%dma_wait3A_126, %dma_wait3A_132] : memref<8x64xi32, #tpu.memory_space<vmem>> -> memref<1x64xi32, #tpu.memory_space<vmem>>
    %dma_wait3A_134 = tpu.memref_squeeze %dma_wait3A_133 : memref<1x64xi32, #tpu.memory_space<vmem>> -> memref<64xi32, #tpu.memory_space<vmem>>
    %dma_wait3A_135 = arith.constant 0 : i32
    %dma_wait3A_136 = arith.constant 0 : i32
    %dma_wait3A_137 = tpu.memref_slice %arg2[%dma_wait3A_135, %dma_wait3A_136] : memref<8192x128xf32, #tpu.memory_space<hbm>> -> memref<8192x128xf32, #tpu.memory_space<hbm>>
    tpu.wait_indirect_dma semaphore(%arg10 : memref<!tpu.dma_semaphore, #tpu.memory_space<semaphore_mem>>) src(%dma_wait3A_137 : memref<8192x128xf32, #tpu.memory_space<hbm>>) dst(%dma_wait3A_131 : memref<64x128xf32, #tpu.memory_space<vmem>>)
    %dma_start3A_138 = arith.constant 3 : i32
    %dma_start3A_139 = arith.constant 1 : i32
    %dma_start3A_140 = arith.constant 0 : i32
    %dma_start3A_141 = arith.constant 0 : i32
    %dma_start3A_142 = tpu.memref_slice %arg8[%dma_start3A_139, %dma_start3A_140, %dma_start3A_141] : memref<2x64x128xf32, #tpu.memory_space<vmem>> -> memref<1x64x128xf32, #tpu.memory_space<vmem>>
    %dma_start3A_143 = tpu.memref_squeeze %dma_start3A_142 : memref<1x64x128xf32, #tpu.memory_space<vmem>> -> memref<64x128xf32, #tpu.memory_space<vmem>>
    %dma_start3A_144 = arith.constant 0 : i32
    %dma_start3A_145 = tpu.memref_slice %arg6[%dma_start3A_138, %dma_start3A_144] : memref<8x64xi32, #tpu.memory_space<vmem>> -> memref<1x64xi32, #tpu.memory_space<vmem>>
    %dma_start3A_146 = tpu.memref_squeeze %dma_start3A_145 : memref<1x64xi32, #tpu.memory_space<vmem>> -> memref<64xi32, #tpu.memory_space<vmem>>
    %dma_start3A_147 = arith.constant 0 : i32
    %dma_start3A_148 = arith.constant 0 : i32
    %dma_start3A_149 = tpu.memref_slice %arg2[%dma_start3A_147, %dma_start3A_148] : memref<8192x128xf32, #tpu.memory_space<hbm>> -> memref<8192x128xf32, #tpu.memory_space<hbm>>
    tpu.enqueue_indirect_dma source(%dma_start3A_149 : memref<8192x128xf32, #tpu.memory_space<hbm>>) target(%dma_start3A_143 : memref<64x128xf32, #tpu.memory_space<vmem>>) offsets(%dma_start3A_146 : memref<64xi32, #tpu.memory_space<vmem>>) semaphore(%arg11 : memref<!tpu.dma_semaphore, #tpu.memory_space<semaphore_mem>>)
    %scan3A_150 = arith.constant 0 : i32
    %scan3A_151 = arith.constant 0 : i32
    %scan3A_152 = arith.constant 64 : i32
    %scan3A_153 = arith.addi %scan3A_151, %scan3A_152 : i32
    %scan3A_154 = arith.constant 1 : i32
    scf.for %scan3A_294 = %scan3A_151 to %scan3A_153 step %scan3A_154  : i32 {
      %broadcast_in_dim3A = arith.constant 128 : i32
      %broadcast_in_dim3A_295 = vector.broadcast %broadcast_in_dim3A : i32 to vector<16xi32>
      %add3A_296 = vector.broadcast %scan3A_294 : i32 to vector<16xi32>
      %add3A_297 = arith.addi %broadcast_in_dim3A_295, %add3A_296 : vector<16xi32>
      %gather3A = tpu.vector_load_idx %arg7[%add3A_297] : memref<512xi32, #tpu.memory_space<vmem>>[vector<16xi32>], vector<16xi32>,
      %eq3A = arith.constant 0 : i32
      %eq3A_298 = vector.broadcast %eq3A : i32 to vector<16xi32>
      %eq3A_299 = arith.cmpi eq, %gather3A, %eq3A_298 : vector<16xi32>
      %get3A = arith.constant 0 : i32
      %get3A_300 = arith.index_cast %get3A : i32 to index
      %get3A_301 = arith.index_cast %scan3A_294 : i32 to index
      %get3A_302 = arith.constant 0 : index
      %get3A_303 = tpu.vector_load %arg8[%get3A_300, %get3A_301, %get3A_302] {strides = array<i32>} : memref<2x64x128xf32, #tpu.memory_space<vmem>>, vector<16xf32>,
      %get3A_304 = arith.constant 0 : i32
      %get3A_305 = arith.index_cast %get3A_304 : i32 to index
      %get3A_306 = arith.index_cast %scan3A_294 : i32 to index
      %get3A_307 = arith.constant 64 : index
      %get3A_308 = tpu.vector_load %arg8[%get3A_305, %get3A_306, %get3A_307] {strides = array<i32>} : memref<2x64x128xf32, #tpu.memory_space<vmem>>, vector<16xf32>,
      %select_n3A = arith.select %eq3A_299, %get3A_303, %get3A_308 : vector<16xi1>, vector<16xf32>
      %add3A_309 = arith.constant 128 : i32
      %add3A_310 = arith.addi %add3A_309, %scan3A_294 : i32
      %swap3A = arith.index_cast %add3A_310 : i32 to index
      %swap3A_311 = arith.constant 0 : index
      %swap3A_312 = tpu.vector_load %arg9[%swap3A, %swap3A_311] {strides = array<i32>} : memref<512x64xf32, #tpu.memory_space<vmem>>, vector<16xf32>,
      tpu.vector_store %arg9[%swap3A, %swap3A_311], %select_n3A {strides = array<i32>} : memref<512x64xf32, #tpu.memory_space<vmem>>, vector<16xf32>,
      %get3A_313 = arith.constant 0 : i32
      %get3A_314 = arith.index_cast %get3A_313 : i32 to index
      %get3A_315 = arith.index_cast %scan3A_294 : i32 to index
      %get3A_316 = arith.constant 16 : index
      %get3A_317 = tpu.vector_load %arg8[%get3A_314, %get3A_315, %get3A_316] {strides = array<i32>} : memref<2x64x128xf32, #tpu.memory_space<vmem>>, vector<16xf32>,
      %get3A_318 = arith.constant 0 : i32
      %get3A_319 = arith.index_cast %get3A_318 : i32 to index
      %get3A_320 = arith.index_cast %scan3A_294 : i32 to index
      %get3A_321 = arith.constant 80 : index
      %get3A_322 = tpu.vector_load %arg8[%get3A_319, %get3A_320, %get3A_321] {strides = array<i32>} : memref<2x64x128xf32, #tpu.memory_space<vmem>>, vector<16xf32>,
      %select_n3A_323 = arith.select %eq3A_299, %get3A_317, %get3A_322 : vector<16xi1>, vector<16xf32>
      %add3A_324 = arith.constant 128 : i32
      %add3A_325 = arith.addi %add3A_324, %scan3A_294 : i32
      %swap3A_326 = arith.index_cast %add3A_325 : i32 to index
      %swap3A_327 = arith.constant 16 : index
      %swap3A_328 = tpu.vector_load %arg9[%swap3A_326, %swap3A_327] {strides = array<i32>} : memref<512x64xf32, #tpu.memory_space<vmem>>, vector<16xf32>,
      tpu.vector_store %arg9[%swap3A_326, %swap3A_327], %select_n3A_323 {strides = array<i32>} : memref<512x64xf32, #tpu.memory_space<vmem>>, vector<16xf32>,
      %get3A_329 = arith.constant 0 : i32
      %get3A_330 = arith.index_cast %get3A_329 : i32 to index
      %get3A_331 = arith.index_cast %scan3A_294 : i32 to index
      %get3A_332 = arith.constant 32 : index
      %get3A_333 = tpu.vector_load %arg8[%get3A_330, %get3A_331, %get3A_332] {strides = array<i32>} : memref<2x64x128xf32, #tpu.memory_space<vmem>>, vector<16xf32>,
      %get3A_334 = arith.constant 0 : i32
      %get3A_335 = arith.index_cast %get3A_334 : i32 to index
      %get3A_336 = arith.index_cast %scan3A_294 : i32 to index
      %get3A_337 = arith.constant 96 : index
      %get3A_338 = tpu.vector_load %arg8[%get3A_335, %get3A_336, %get3A_337] {strides = array<i32>} : memref<2x64x128xf32, #tpu.memory_space<vmem>>, vector<16xf32>,
      %select_n3A_339 = arith.select %eq3A_299, %get3A_333, %get3A_338 : vector<16xi1>, vector<16xf32>
      %add3A_340 = arith.constant 128 : i32
      %add3A_341 = arith.addi %add3A_340, %scan3A_294 : i32
      %swap3A_342 = arith.index_cast %add3A_341 : i32 to index
      %swap3A_343 = arith.constant 32 : index
      %swap3A_344 = tpu.vector_load %arg9[%swap3A_342, %swap3A_343] {strides = array<i32>} : memref<512x64xf32, #tpu.memory_space<vmem>>, vector<16xf32>,
      tpu.vector_store %arg9[%swap3A_342, %swap3A_343], %select_n3A_339 {strides = array<i32>} : memref<512x64xf32, #tpu.memory_space<vmem>>, vector<16xf32>,
      %get3A_345 = arith.constant 0 : i32
      %get3A_346 = arith.index_cast %get3A_345 : i32 to index
      %get3A_347 = arith.index_cast %scan3A_294 : i32 to index
      %get3A_348 = arith.constant 48 : index
      %get3A_349 = tpu.vector_load %arg8[%get3A_346, %get3A_347, %get3A_348] {strides = array<i32>} : memref<2x64x128xf32, #tpu.memory_space<vmem>>, vector<16xf32>,
      %get3A_350 = arith.constant 0 : i32
      %get3A_351 = arith.index_cast %get3A_350 : i32 to index
      %get3A_352 = arith.index_cast %scan3A_294 : i32 to index
      %get3A_353 = arith.constant 112 : index
      %get3A_354 = tpu.vector_load %arg8[%get3A_351, %get3A_352, %get3A_353] {strides = array<i32>} : memref<2x64x128xf32, #tpu.memory_space<vmem>>, vector<16xf32>,
      %select_n3A_355 = arith.select %eq3A_299, %get3A_349, %get3A_354 : vector<16xi1>, vector<16xf32>
      %add3A_356 = arith.constant 128 : i32
      %add3A_357 = arith.addi %add3A_356, %scan3A_294 : i32
      %swap3A_358 = arith.index_cast %add3A_357 : i32 to index
      %swap3A_359 = arith.constant 48 : index
      %swap3A_360 = tpu.vector_load %arg9[%swap3A_358, %swap3A_359] {strides = array<i32>} : memref<512x64xf32, #tpu.memory_space<vmem>>, vector<16xf32>,
      tpu.vector_store %arg9[%swap3A_358, %swap3A_359], %select_n3A_355 {strides = array<i32>} : memref<512x64xf32, #tpu.memory_space<vmem>>, vector<16xf32>,
    }
    %scan3A_155 = arith.constant 64 : i32
    %dma_wait3A_156 = arith.constant 3 : i32
    %dma_wait3A_157 = arith.constant 1 : i32
    %dma_wait3A_158 = arith.constant 0 : i32
    %dma_wait3A_159 = arith.constant 0 : i32
    %dma_wait3A_160 = tpu.memref_slice %arg8[%dma_wait3A_157, %dma_wait3A_158, %dma_wait3A_159] : memref<2x64x128xf32, #tpu.memory_space<vmem>> -> memref<1x64x128xf32, #tpu.memory_space<vmem>>
    %dma_wait3A_161 = tpu.memref_squeeze %dma_wait3A_160 : memref<1x64x128xf32, #tpu.memory_space<vmem>> -> memref<64x128xf32, #tpu.memory_space<vmem>>
    %dma_wait3A_162 = arith.constant 0 : i32
    %dma_wait3A_163 = tpu.memref_slice %arg6[%dma_wait3A_156, %dma_wait3A_162] : memref<8x64xi32, #tpu.memory_space<vmem>> -> memref<1x64xi32, #tpu.memory_space<vmem>>
    %dma_wait3A_164 = tpu.memref_squeeze %dma_wait3A_163 : memref<1x64xi32, #tpu.memory_space<vmem>> -> memref<64xi32, #tpu.memory_space<vmem>>
    %dma_wait3A_165 = arith.constant 0 : i32
    %dma_wait3A_166 = arith.constant 0 : i32
    %dma_wait3A_167 = tpu.memref_slice %arg2[%dma_wait3A_165, %dma_wait3A_166] : memref<8192x128xf32, #tpu.memory_space<hbm>> -> memref<8192x128xf32, #tpu.memory_space<hbm>>
    tpu.wait_indirect_dma semaphore(%arg11 : memref<!tpu.dma_semaphore, #tpu.memory_space<semaphore_mem>>) src(%dma_wait3A_167 : memref<8192x128xf32, #tpu.memory_space<hbm>>) dst(%dma_wait3A_161 : memref<64x128xf32, #tpu.memory_space<vmem>>)
    %dma_start3A_168 = arith.constant 4 : i32
    %dma_start3A_169 = arith.constant 0 : i32
    %dma_start3A_170 = arith.constant 0 : i32
    %dma_start3A_171 = arith.constant 0 : i32
    %dma_start3A_172 = tpu.memref_slice %arg8[%dma_start3A_169, %dma_start3A_170, %dma_start3A_171] : memref<2x64x128xf32, #tpu.memory_space<vmem>> -> memref<1x64x128xf32, #tpu.memory_space<vmem>>
    %dma_start3A_173 = tpu.memref_squeeze %dma_start3A_172 : memref<1x64x128xf32, #tpu.memory_space<vmem>> -> memref<64x128xf32, #tpu.memory_space<vmem>>
    %dma_start3A_174 = arith.constant 0 : i32
    %dma_start3A_175 = tpu.memref_slice %arg6[%dma_start3A_168, %dma_start3A_174] : memref<8x64xi32, #tpu.memory_space<vmem>> -> memref<1x64xi32, #tpu.memory_space<vmem>>
    %dma_start3A_176 = tpu.memref_squeeze %dma_start3A_175 : memref<1x64xi32, #tpu.memory_space<vmem>> -> memref<64xi32, #tpu.memory_space<vmem>>
    %dma_start3A_177 = arith.constant 0 : i32
    %dma_start3A_178 = arith.constant 0 : i32
    %dma_start3A_179 = tpu.memref_slice %arg2[%dma_start3A_177, %dma_start3A_178] : memref<8192x128xf32, #tpu.memory_space<hbm>> -> memref<8192x128xf32, #tpu.memory_space<hbm>>
    tpu.enqueue_indirect_dma source(%dma_start3A_179 : memref<8192x128xf32, #tpu.memory_space<hbm>>) target(%dma_start3A_173 : memref<64x128xf32, #tpu.memory_space<vmem>>) offsets(%dma_start3A_176 : memref<64xi32, #tpu.memory_space<vmem>>) semaphore(%arg10 : memref<!tpu.dma_semaphore, #tpu.memory_space<semaphore_mem>>)
    %scan3A_180 = arith.constant 0 : i32
    %scan3A_181 = arith.constant 0 : i32
    %scan3A_182 = arith.constant 64 : i32
    %scan3A_183 = arith.addi %scan3A_181, %scan3A_182 : i32
    %scan3A_184 = arith.constant 1 : i32
    scf.for %scan3A_294 = %scan3A_181 to %scan3A_183 step %scan3A_184  : i32 {
      %broadcast_in_dim3A = arith.constant 192 : i32
      %broadcast_in_dim3A_295 = vector.broadcast %broadcast_in_dim3A : i32 to vector<16xi32>
      %add3A_296 = vector.broadcast %scan3A_294 : i32 to vector<16xi32>
      %add3A_297 = arith.addi %broadcast_in_dim3A_295, %add3A_296 : vector<16xi32>
      %gather3A = tpu.vector_load_idx %arg7[%add3A_297] : memref<512xi32, #tpu.memory_space<vmem>>[vector<16xi32>], vector<16xi32>,
      %eq3A = arith.constant 0 : i32
      %eq3A_298 = vector.broadcast %eq3A : i32 to vector<16xi32>
      %eq3A_299 = arith.cmpi eq, %gather3A, %eq3A_298 : vector<16xi32>
      %get3A = arith.constant 1 : i32
      %get3A_300 = arith.index_cast %get3A : i32 to index
      %get3A_301 = arith.index_cast %scan3A_294 : i32 to index
      %get3A_302 = arith.constant 0 : index
      %get3A_303 = tpu.vector_load %arg8[%get3A_300, %get3A_301, %get3A_302] {strides = array<i32>} : memref<2x64x128xf32, #tpu.memory_space<vmem>>, vector<16xf32>,
      %get3A_304 = arith.constant 1 : i32
      %get3A_305 = arith.index_cast %get3A_304 : i32 to index
      %get3A_306 = arith.index_cast %scan3A_294 : i32 to index
      %get3A_307 = arith.constant 64 : index
      %get3A_308 = tpu.vector_load %arg8[%get3A_305, %get3A_306, %get3A_307] {strides = array<i32>} : memref<2x64x128xf32, #tpu.memory_space<vmem>>, vector<16xf32>,
      %select_n3A = arith.select %eq3A_299, %get3A_303, %get3A_308 : vector<16xi1>, vector<16xf32>
      %add3A_309 = arith.constant 192 : i32
      %add3A_310 = arith.addi %add3A_309, %scan3A_294 : i32
      %swap3A = arith.index_cast %add3A_310 : i32 to index
      %swap3A_311 = arith.constant 0 : index
      %swap3A_312 = tpu.vector_load %arg9[%swap3A, %swap3A_311] {strides = array<i32>} : memref<512x64xf32, #tpu.memory_space<vmem>>, vector<16xf32>,
      tpu.vector_store %arg9[%swap3A, %swap3A_311], %select_n3A {strides = array<i32>} : memref<512x64xf32, #tpu.memory_space<vmem>>, vector<16xf32>,
      %get3A_313 = arith.constant 1 : i32
      %get3A_314 = arith.index_cast %get3A_313 : i32 to index
      %get3A_315 = arith.index_cast %scan3A_294 : i32 to index
      %get3A_316 = arith.constant 16 : index
      %get3A_317 = tpu.vector_load %arg8[%get3A_314, %get3A_315, %get3A_316] {strides = array<i32>} : memref<2x64x128xf32, #tpu.memory_space<vmem>>, vector<16xf32>,
      %get3A_318 = arith.constant 1 : i32
      %get3A_319 = arith.index_cast %get3A_318 : i32 to index
      %get3A_320 = arith.index_cast %scan3A_294 : i32 to index
      %get3A_321 = arith.constant 80 : index
      %get3A_322 = tpu.vector_load %arg8[%get3A_319, %get3A_320, %get3A_321] {strides = array<i32>} : memref<2x64x128xf32, #tpu.memory_space<vmem>>, vector<16xf32>,
      %select_n3A_323 = arith.select %eq3A_299, %get3A_317, %get3A_322 : vector<16xi1>, vector<16xf32>
      %add3A_324 = arith.constant 192 : i32
      %add3A_325 = arith.addi %add3A_324, %scan3A_294 : i32
      %swap3A_326 = arith.index_cast %add3A_325 : i32 to index
      %swap3A_327 = arith.constant 16 : index
      %swap3A_328 = tpu.vector_load %arg9[%swap3A_326, %swap3A_327] {strides = array<i32>} : memref<512x64xf32, #tpu.memory_space<vmem>>, vector<16xf32>,
      tpu.vector_store %arg9[%swap3A_326, %swap3A_327], %select_n3A_323 {strides = array<i32>} : memref<512x64xf32, #tpu.memory_space<vmem>>, vector<16xf32>,
      %get3A_329 = arith.constant 1 : i32
      %get3A_330 = arith.index_cast %get3A_329 : i32 to index
      %get3A_331 = arith.index_cast %scan3A_294 : i32 to index
      %get3A_332 = arith.constant 32 : index
      %get3A_333 = tpu.vector_load %arg8[%get3A_330, %get3A_331, %get3A_332] {strides = array<i32>} : memref<2x64x128xf32, #tpu.memory_space<vmem>>, vector<16xf32>,
      %get3A_334 = arith.constant 1 : i32
      %get3A_335 = arith.index_cast %get3A_334 : i32 to index
      %get3A_336 = arith.index_cast %scan3A_294 : i32 to index
      %get3A_337 = arith.constant 96 : index
      %get3A_338 = tpu.vector_load %arg8[%get3A_335, %get3A_336, %get3A_337] {strides = array<i32>} : memref<2x64x128xf32, #tpu.memory_space<vmem>>, vector<16xf32>,
      %select_n3A_339 = arith.select %eq3A_299, %get3A_333, %get3A_338 : vector<16xi1>, vector<16xf32>
      %add3A_340 = arith.constant 192 : i32
      %add3A_341 = arith.addi %add3A_340, %scan3A_294 : i32
      %swap3A_342 = arith.index_cast %add3A_341 : i32 to index
      %swap3A_343 = arith.constant 32 : index
      %swap3A_344 = tpu.vector_load %arg9[%swap3A_342, %swap3A_343] {strides = array<i32>} : memref<512x64xf32, #tpu.memory_space<vmem>>, vector<16xf32>,
      tpu.vector_store %arg9[%swap3A_342, %swap3A_343], %select_n3A_339 {strides = array<i32>} : memref<512x64xf32, #tpu.memory_space<vmem>>, vector<16xf32>,
      %get3A_345 = arith.constant 1 : i32
      %get3A_346 = arith.index_cast %get3A_345 : i32 to index
      %get3A_347 = arith.index_cast %scan3A_294 : i32 to index
      %get3A_348 = arith.constant 48 : index
      %get3A_349 = tpu.vector_load %arg8[%get3A_346, %get3A_347, %get3A_348] {strides = array<i32>} : memref<2x64x128xf32, #tpu.memory_space<vmem>>, vector<16xf32>,
      %get3A_350 = arith.constant 1 : i32
      %get3A_351 = arith.index_cast %get3A_350 : i32 to index
      %get3A_352 = arith.index_cast %scan3A_294 : i32 to index
      %get3A_353 = arith.constant 112 : index
      %get3A_354 = tpu.vector_load %arg8[%get3A_351, %get3A_352, %get3A_353] {strides = array<i32>} : memref<2x64x128xf32, #tpu.memory_space<vmem>>, vector<16xf32>,
      %select_n3A_355 = arith.select %eq3A_299, %get3A_349, %get3A_354 : vector<16xi1>, vector<16xf32>
      %add3A_356 = arith.constant 192 : i32
      %add3A_357 = arith.addi %add3A_356, %scan3A_294 : i32
      %swap3A_358 = arith.index_cast %add3A_357 : i32 to index
      %swap3A_359 = arith.constant 48 : index
      %swap3A_360 = tpu.vector_load %arg9[%swap3A_358, %swap3A_359] {strides = array<i32>} : memref<512x64xf32, #tpu.memory_space<vmem>>, vector<16xf32>,
      tpu.vector_store %arg9[%swap3A_358, %swap3A_359], %select_n3A_355 {strides = array<i32>} : memref<512x64xf32, #tpu.memory_space<vmem>>, vector<16xf32>,
    }
    %scan3A_185 = arith.constant 64 : i32
    %dma_wait3A_186 = arith.constant 4 : i32
    %dma_wait3A_187 = arith.constant 0 : i32
    %dma_wait3A_188 = arith.constant 0 : i32
    %dma_wait3A_189 = arith.constant 0 : i32
    %dma_wait3A_190 = tpu.memref_slice %arg8[%dma_wait3A_187, %dma_wait3A_188, %dma_wait3A_189] : memref<2x64x128xf32, #tpu.memory_space<vmem>> -> memref<1x64x128xf32, #tpu.memory_space<vmem>>
    %dma_wait3A_191 = tpu.memref_squeeze %dma_wait3A_190 : memref<1x64x128xf32, #tpu.memory_space<vmem>> -> memref<64x128xf32, #tpu.memory_space<vmem>>
    %dma_wait3A_192 = arith.constant 0 : i32
    %dma_wait3A_193 = tpu.memref_slice %arg6[%dma_wait3A_186, %dma_wait3A_192] : memref<8x64xi32, #tpu.memory_space<vmem>> -> memref<1x64xi32, #tpu.memory_space<vmem>>
    %dma_wait3A_194 = tpu.memref_squeeze %dma_wait3A_193 : memref<1x64xi32, #tpu.memory_space<vmem>> -> memref<64xi32, #tpu.memory_space<vmem>>
    %dma_wait3A_195 = arith.constant 0 : i32
    %dma_wait3A_196 = arith.constant 0 : i32
    %dma_wait3A_197 = tpu.memref_slice %arg2[%dma_wait3A_195, %dma_wait3A_196] : memref<8192x128xf32, #tpu.memory_space<hbm>> -> memref<8192x128xf32, #tpu.memory_space<hbm>>
    tpu.wait_indirect_dma semaphore(%arg10 : memref<!tpu.dma_semaphore, #tpu.memory_space<semaphore_mem>>) src(%dma_wait3A_197 : memref<8192x128xf32, #tpu.memory_space<hbm>>) dst(%dma_wait3A_191 : memref<64x128xf32, #tpu.memory_space<vmem>>)
    %dma_start3A_198 = arith.constant 5 : i32
    %dma_start3A_199 = arith.constant 1 : i32
    %dma_start3A_200 = arith.constant 0 : i32
    %dma_start3A_201 = arith.constant 0 : i32
    %dma_start3A_202 = tpu.memref_slice %arg8[%dma_start3A_199, %dma_start3A_200, %dma_start3A_201] : memref<2x64x128xf32, #tpu.memory_space<vmem>> -> memref<1x64x128xf32, #tpu.memory_space<vmem>>
    %dma_start3A_203 = tpu.memref_squeeze %dma_start3A_202 : memref<1x64x128xf32, #tpu.memory_space<vmem>> -> memref<64x128xf32, #tpu.memory_space<vmem>>
    %dma_start3A_204 = arith.constant 0 : i32
    %dma_start3A_205 = tpu.memref_slice %arg6[%dma_start3A_198, %dma_start3A_204] : memref<8x64xi32, #tpu.memory_space<vmem>> -> memref<1x64xi32, #tpu.memory_space<vmem>>
    %dma_start3A_206 = tpu.memref_squeeze %dma_start3A_205 : memref<1x64xi32, #tpu.memory_space<vmem>> -> memref<64xi32, #tpu.memory_space<vmem>>
    %dma_start3A_207 = arith.constant 0 : i32
    %dma_start3A_208 = arith.constant 0 : i32
    %dma_start3A_209 = tpu.memref_slice %arg2[%dma_start3A_207, %dma_start3A_208] : memref<8192x128xf32, #tpu.memory_space<hbm>> -> memref<8192x128xf32, #tpu.memory_space<hbm>>
    tpu.enqueue_indirect_dma source(%dma_start3A_209 : memref<8192x128xf32, #tpu.memory_space<hbm>>) target(%dma_start3A_203 : memref<64x128xf32, #tpu.memory_space<vmem>>) offsets(%dma_start3A_206 : memref<64xi32, #tpu.memory_space<vmem>>) semaphore(%arg11 : memref<!tpu.dma_semaphore, #tpu.memory_space<semaphore_mem>>)
    %scan3A_210 = arith.constant 0 : i32
    %scan3A_211 = arith.constant 0 : i32
    %scan3A_212 = arith.constant 64 : i32
    %scan3A_213 = arith.addi %scan3A_211, %scan3A_212 : i32
    %scan3A_214 = arith.constant 1 : i32
    scf.for %scan3A_294 = %scan3A_211 to %scan3A_213 step %scan3A_214  : i32 {
      %broadcast_in_dim3A = arith.constant 256 : i32
      %broadcast_in_dim3A_295 = vector.broadcast %broadcast_in_dim3A : i32 to vector<16xi32>
      %add3A_296 = vector.broadcast %scan3A_294 : i32 to vector<16xi32>
      %add3A_297 = arith.addi %broadcast_in_dim3A_295, %add3A_296 : vector<16xi32>
      %gather3A = tpu.vector_load_idx %arg7[%add3A_297] : memref<512xi32, #tpu.memory_space<vmem>>[vector<16xi32>], vector<16xi32>,
      %eq3A = arith.constant 0 : i32
      %eq3A_298 = vector.broadcast %eq3A : i32 to vector<16xi32>
      %eq3A_299 = arith.cmpi eq, %gather3A, %eq3A_298 : vector<16xi32>
      %get3A = arith.constant 0 : i32
      %get3A_300 = arith.index_cast %get3A : i32 to index
      %get3A_301 = arith.index_cast %scan3A_294 : i32 to index
      %get3A_302 = arith.constant 0 : index
      %get3A_303 = tpu.vector_load %arg8[%get3A_300, %get3A_301, %get3A_302] {strides = array<i32>} : memref<2x64x128xf32, #tpu.memory_space<vmem>>, vector<16xf32>,
      %get3A_304 = arith.constant 0 : i32
      %get3A_305 = arith.index_cast %get3A_304 : i32 to index
      %get3A_306 = arith.index_cast %scan3A_294 : i32 to index
      %get3A_307 = arith.constant 64 : index
      %get3A_308 = tpu.vector_load %arg8[%get3A_305, %get3A_306, %get3A_307] {strides = array<i32>} : memref<2x64x128xf32, #tpu.memory_space<vmem>>, vector<16xf32>,
      %select_n3A = arith.select %eq3A_299, %get3A_303, %get3A_308 : vector<16xi1>, vector<16xf32>
      %add3A_309 = arith.constant 256 : i32
      %add3A_310 = arith.addi %add3A_309, %scan3A_294 : i32
      %swap3A = arith.index_cast %add3A_310 : i32 to index
      %swap3A_311 = arith.constant 0 : index
      %swap3A_312 = tpu.vector_load %arg9[%swap3A, %swap3A_311] {strides = array<i32>} : memref<512x64xf32, #tpu.memory_space<vmem>>, vector<16xf32>,
      tpu.vector_store %arg9[%swap3A, %swap3A_311], %select_n3A {strides = array<i32>} : memref<512x64xf32, #tpu.memory_space<vmem>>, vector<16xf32>,
      %get3A_313 = arith.constant 0 : i32
      %get3A_314 = arith.index_cast %get3A_313 : i32 to index
      %get3A_315 = arith.index_cast %scan3A_294 : i32 to index
      %get3A_316 = arith.constant 16 : index
      %get3A_317 = tpu.vector_load %arg8[%get3A_314, %get3A_315, %get3A_316] {strides = array<i32>} : memref<2x64x128xf32, #tpu.memory_space<vmem>>, vector<16xf32>,
      %get3A_318 = arith.constant 0 : i32
      %get3A_319 = arith.index_cast %get3A_318 : i32 to index
      %get3A_320 = arith.index_cast %scan3A_294 : i32 to index
      %get3A_321 = arith.constant 80 : index
      %get3A_322 = tpu.vector_load %arg8[%get3A_319, %get3A_320, %get3A_321] {strides = array<i32>} : memref<2x64x128xf32, #tpu.memory_space<vmem>>, vector<16xf32>,
      %select_n3A_323 = arith.select %eq3A_299, %get3A_317, %get3A_322 : vector<16xi1>, vector<16xf32>
      %add3A_324 = arith.constant 256 : i32
      %add3A_325 = arith.addi %add3A_324, %scan3A_294 : i32
      %swap3A_326 = arith.index_cast %add3A_325 : i32 to index
      %swap3A_327 = arith.constant 16 : index
      %swap3A_328 = tpu.vector_load %arg9[%swap3A_326, %swap3A_327] {strides = array<i32>} : memref<512x64xf32, #tpu.memory_space<vmem>>, vector<16xf32>,
      tpu.vector_store %arg9[%swap3A_326, %swap3A_327], %select_n3A_323 {strides = array<i32>} : memref<512x64xf32, #tpu.memory_space<vmem>>, vector<16xf32>,
      %get3A_329 = arith.constant 0 : i32
      %get3A_330 = arith.index_cast %get3A_329 : i32 to index
      %get3A_331 = arith.index_cast %scan3A_294 : i32 to index
      %get3A_332 = arith.constant 32 : index
      %get3A_333 = tpu.vector_load %arg8[%get3A_330, %get3A_331, %get3A_332] {strides = array<i32>} : memref<2x64x128xf32, #tpu.memory_space<vmem>>, vector<16xf32>,
      %get3A_334 = arith.constant 0 : i32
      %get3A_335 = arith.index_cast %get3A_334 : i32 to index
      %get3A_336 = arith.index_cast %scan3A_294 : i32 to index
      %get3A_337 = arith.constant 96 : index
      %get3A_338 = tpu.vector_load %arg8[%get3A_335, %get3A_336, %get3A_337] {strides = array<i32>} : memref<2x64x128xf32, #tpu.memory_space<vmem>>, vector<16xf32>,
      %select_n3A_339 = arith.select %eq3A_299, %get3A_333, %get3A_338 : vector<16xi1>, vector<16xf32>
      %add3A_340 = arith.constant 256 : i32
      %add3A_341 = arith.addi %add3A_340, %scan3A_294 : i32
      %swap3A_342 = arith.index_cast %add3A_341 : i32 to index
      %swap3A_343 = arith.constant 32 : index
      %swap3A_344 = tpu.vector_load %arg9[%swap3A_342, %swap3A_343] {strides = array<i32>} : memref<512x64xf32, #tpu.memory_space<vmem>>, vector<16xf32>,
      tpu.vector_store %arg9[%swap3A_342, %swap3A_343], %select_n3A_339 {strides = array<i32>} : memref<512x64xf32, #tpu.memory_space<vmem>>, vector<16xf32>,
      %get3A_345 = arith.constant 0 : i32
      %get3A_346 = arith.index_cast %get3A_345 : i32 to index
      %get3A_347 = arith.index_cast %scan3A_294 : i32 to index
      %get3A_348 = arith.constant 48 : index
      %get3A_349 = tpu.vector_load %arg8[%get3A_346, %get3A_347, %get3A_348] {strides = array<i32>} : memref<2x64x128xf32, #tpu.memory_space<vmem>>, vector<16xf32>,
      %get3A_350 = arith.constant 0 : i32
      %get3A_351 = arith.index_cast %get3A_350 : i32 to index
      %get3A_352 = arith.index_cast %scan3A_294 : i32 to index
      %get3A_353 = arith.constant 112 : index
      %get3A_354 = tpu.vector_load %arg8[%get3A_351, %get3A_352, %get3A_353] {strides = array<i32>} : memref<2x64x128xf32, #tpu.memory_space<vmem>>, vector<16xf32>,
      %select_n3A_355 = arith.select %eq3A_299, %get3A_349, %get3A_354 : vector<16xi1>, vector<16xf32>
      %add3A_356 = arith.constant 256 : i32
      %add3A_357 = arith.addi %add3A_356, %scan3A_294 : i32
      %swap3A_358 = arith.index_cast %add3A_357 : i32 to index
      %swap3A_359 = arith.constant 48 : index
      %swap3A_360 = tpu.vector_load %arg9[%swap3A_358, %swap3A_359] {strides = array<i32>} : memref<512x64xf32, #tpu.memory_space<vmem>>, vector<16xf32>,
      tpu.vector_store %arg9[%swap3A_358, %swap3A_359], %select_n3A_355 {strides = array<i32>} : memref<512x64xf32, #tpu.memory_space<vmem>>, vector<16xf32>,
    }
    %scan3A_215 = arith.constant 64 : i32
    %dma_wait3A_216 = arith.constant 5 : i32
    %dma_wait3A_217 = arith.constant 1 : i32
    %dma_wait3A_218 = arith.constant 0 : i32
    %dma_wait3A_219 = arith.constant 0 : i32
    %dma_wait3A_220 = tpu.memref_slice %arg8[%dma_wait3A_217, %dma_wait3A_218, %dma_wait3A_219] : memref<2x64x128xf32, #tpu.memory_space<vmem>> -> memref<1x64x128xf32, #tpu.memory_space<vmem>>
    %dma_wait3A_221 = tpu.memref_squeeze %dma_wait3A_220 : memref<1x64x128xf32, #tpu.memory_space<vmem>> -> memref<64x128xf32, #tpu.memory_space<vmem>>
    %dma_wait3A_222 = arith.constant 0 : i32
    %dma_wait3A_223 = tpu.memref_slice %arg6[%dma_wait3A_216, %dma_wait3A_222] : memref<8x64xi32, #tpu.memory_space<vmem>> -> memref<1x64xi32, #tpu.memory_space<vmem>>
    %dma_wait3A_224 = tpu.memref_squeeze %dma_wait3A_223 : memref<1x64xi32, #tpu.memory_space<vmem>> -> memref<64xi32, #tpu.memory_space<vmem>>
    %dma_wait3A_225 = arith.constant 0 : i32
    %dma_wait3A_226 = arith.constant 0 : i32
    %dma_wait3A_227 = tpu.memref_slice %arg2[%dma_wait3A_225, %dma_wait3A_226] : memref<8192x128xf32, #tpu.memory_space<hbm>> -> memref<8192x128xf32, #tpu.memory_space<hbm>>
    tpu.wait_indirect_dma semaphore(%arg11 : memref<!tpu.dma_semaphore, #tpu.memory_space<semaphore_mem>>) src(%dma_wait3A_227 : memref<8192x128xf32, #tpu.memory_space<hbm>>) dst(%dma_wait3A_221 : memref<64x128xf32, #tpu.memory_space<vmem>>)
    %dma_start3A_228 = arith.constant 6 : i32
    %dma_start3A_229 = arith.constant 0 : i32
    %dma_start3A_230 = arith.constant 0 : i32
    %dma_start3A_231 = arith.constant 0 : i32
    %dma_start3A_232 = tpu.memref_slice %arg8[%dma_start3A_229, %dma_start3A_230, %dma_start3A_231] : memref<2x64x128xf32, #tpu.memory_space<vmem>> -> memref<1x64x128xf32, #tpu.memory_space<vmem>>
    %dma_start3A_233 = tpu.memref_squeeze %dma_start3A_232 : memref<1x64x128xf32, #tpu.memory_space<vmem>> -> memref<64x128xf32, #tpu.memory_space<vmem>>
    %dma_start3A_234 = arith.constant 0 : i32
    %dma_start3A_235 = tpu.memref_slice %arg6[%dma_start3A_228, %dma_start3A_234] : memref<8x64xi32, #tpu.memory_space<vmem>> -> memref<1x64xi32, #tpu.memory_space<vmem>>
    %dma_start3A_236 = tpu.memref_squeeze %dma_start3A_235 : memref<1x64xi32, #tpu.memory_space<vmem>> -> memref<64xi32, #tpu.memory_space<vmem>>
    %dma_start3A_237 = arith.constant 0 : i32
    %dma_start3A_238 = arith.constant 0 : i32
    %dma_start3A_239 = tpu.memref_slice %arg2[%dma_start3A_237, %dma_start3A_238] : memref<8192x128xf32, #tpu.memory_space<hbm>> -> memref<8192x128xf32, #tpu.memory_space<hbm>>
    tpu.enqueue_indirect_dma source(%dma_start3A_239 : memref<8192x128xf32, #tpu.memory_space<hbm>>) target(%dma_start3A_233 : memref<64x128xf32, #tpu.memory_space<vmem>>) offsets(%dma_start3A_236 : memref<64xi32, #tpu.memory_space<vmem>>) semaphore(%arg10 : memref<!tpu.dma_semaphore, #tpu.memory_space<semaphore_mem>>)
    %scan3A_240 = arith.constant 0 : i32
    %scan3A_241 = arith.constant 0 : i32
    %scan3A_242 = arith.constant 64 : i32
    %scan3A_243 = arith.addi %scan3A_241, %scan3A_242 : i32
    %scan3A_244 = arith.constant 1 : i32
    scf.for %scan3A_294 = %scan3A_241 to %scan3A_243 step %scan3A_244  : i32 {
      %broadcast_in_dim3A = arith.constant 320 : i32
      %broadcast_in_dim3A_295 = vector.broadcast %broadcast_in_dim3A : i32 to vector<16xi32>
      %add3A_296 = vector.broadcast %scan3A_294 : i32 to vector<16xi32>
      %add3A_297 = arith.addi %broadcast_in_dim3A_295, %add3A_296 : vector<16xi32>
      %gather3A = tpu.vector_load_idx %arg7[%add3A_297] : memref<512xi32, #tpu.memory_space<vmem>>[vector<16xi32>], vector<16xi32>,
      %eq3A = arith.constant 0 : i32
      %eq3A_298 = vector.broadcast %eq3A : i32 to vector<16xi32>
      %eq3A_299 = arith.cmpi eq, %gather3A, %eq3A_298 : vector<16xi32>
      %get3A = arith.constant 1 : i32
      %get3A_300 = arith.index_cast %get3A : i32 to index
      %get3A_301 = arith.index_cast %scan3A_294 : i32 to index
      %get3A_302 = arith.constant 0 : index
      %get3A_303 = tpu.vector_load %arg8[%get3A_300, %get3A_301, %get3A_302] {strides = array<i32>} : memref<2x64x128xf32, #tpu.memory_space<vmem>>, vector<16xf32>,
      %get3A_304 = arith.constant 1 : i32
      %get3A_305 = arith.index_cast %get3A_304 : i32 to index
      %get3A_306 = arith.index_cast %scan3A_294 : i32 to index
      %get3A_307 = arith.constant 64 : index
      %get3A_308 = tpu.vector_load %arg8[%get3A_305, %get3A_306, %get3A_307] {strides = array<i32>} : memref<2x64x128xf32, #tpu.memory_space<vmem>>, vector<16xf32>,
      %select_n3A = arith.select %eq3A_299, %get3A_303, %get3A_308 : vector<16xi1>, vector<16xf32>
      %add3A_309 = arith.constant 320 : i32
      %add3A_310 = arith.addi %add3A_309, %scan3A_294 : i32
      %swap3A = arith.index_cast %add3A_310 : i32 to index
      %swap3A_311 = arith.constant 0 : index
      %swap3A_312 = tpu.vector_load %arg9[%swap3A, %swap3A_311] {strides = array<i32>} : memref<512x64xf32, #tpu.memory_space<vmem>>, vector<16xf32>,
      tpu.vector_store %arg9[%swap3A, %swap3A_311], %select_n3A {strides = array<i32>} : memref<512x64xf32, #tpu.memory_space<vmem>>, vector<16xf32>,
      %get3A_313 = arith.constant 1 : i32
      %get3A_314 = arith.index_cast %get3A_313 : i32 to index
      %get3A_315 = arith.index_cast %scan3A_294 : i32 to index
      %get3A_316 = arith.constant 16 : index
      %get3A_317 = tpu.vector_load %arg8[%get3A_314, %get3A_315, %get3A_316] {strides = array<i32>} : memref<2x64x128xf32, #tpu.memory_space<vmem>>, vector<16xf32>,
      %get3A_318 = arith.constant 1 : i32
      %get3A_319 = arith.index_cast %get3A_318 : i32 to index
      %get3A_320 = arith.index_cast %scan3A_294 : i32 to index
      %get3A_321 = arith.constant 80 : index
      %get3A_322 = tpu.vector_load %arg8[%get3A_319, %get3A_320, %get3A_321] {strides = array<i32>} : memref<2x64x128xf32, #tpu.memory_space<vmem>>, vector<16xf32>,
      %select_n3A_323 = arith.select %eq3A_299, %get3A_317, %get3A_322 : vector<16xi1>, vector<16xf32>
      %add3A_324 = arith.constant 320 : i32
      %add3A_325 = arith.addi %add3A_324, %scan3A_294 : i32
      %swap3A_326 = arith.index_cast %add3A_325 : i32 to index
      %swap3A_327 = arith.constant 16 : index
      %swap3A_328 = tpu.vector_load %arg9[%swap3A_326, %swap3A_327] {strides = array<i32>} : memref<512x64xf32, #tpu.memory_space<vmem>>, vector<16xf32>,
      tpu.vector_store %arg9[%swap3A_326, %swap3A_327], %select_n3A_323 {strides = array<i32>} : memref<512x64xf32, #tpu.memory_space<vmem>>, vector<16xf32>,
      %get3A_329 = arith.constant 1 : i32
      %get3A_330 = arith.index_cast %get3A_329 : i32 to index
      %get3A_331 = arith.index_cast %scan3A_294 : i32 to index
      %get3A_332 = arith.constant 32 : index
      %get3A_333 = tpu.vector_load %arg8[%get3A_330, %get3A_331, %get3A_332] {strides = array<i32>} : memref<2x64x128xf32, #tpu.memory_space<vmem>>, vector<16xf32>,
      %get3A_334 = arith.constant 1 : i32
      %get3A_335 = arith.index_cast %get3A_334 : i32 to index
      %get3A_336 = arith.index_cast %scan3A_294 : i32 to index
      %get3A_337 = arith.constant 96 : index
      %get3A_338 = tpu.vector_load %arg8[%get3A_335, %get3A_336, %get3A_337] {strides = array<i32>} : memref<2x64x128xf32, #tpu.memory_space<vmem>>, vector<16xf32>,
      %select_n3A_339 = arith.select %eq3A_299, %get3A_333, %get3A_338 : vector<16xi1>, vector<16xf32>
      %add3A_340 = arith.constant 320 : i32
      %add3A_341 = arith.addi %add3A_340, %scan3A_294 : i32
      %swap3A_342 = arith.index_cast %add3A_341 : i32 to index
      %swap3A_343 = arith.constant 32 : index
      %swap3A_344 = tpu.vector_load %arg9[%swap3A_342, %swap3A_343] {strides = array<i32>} : memref<512x64xf32, #tpu.memory_space<vmem>>, vector<16xf32>,
      tpu.vector_store %arg9[%swap3A_342, %swap3A_343], %select_n3A_339 {strides = array<i32>} : memref<512x64xf32, #tpu.memory_space<vmem>>, vector<16xf32>,
      %get3A_345 = arith.constant 1 : i32
      %get3A_346 = arith.index_cast %get3A_345 : i32 to index
      %get3A_347 = arith.index_cast %scan3A_294 : i32 to index
      %get3A_348 = arith.constant 48 : index
      %get3A_349 = tpu.vector_load %arg8[%get3A_346, %get3A_347, %get3A_348] {strides = array<i32>} : memref<2x64x128xf32, #tpu.memory_space<vmem>>, vector<16xf32>,
      %get3A_350 = arith.constant 1 : i32
      %get3A_351 = arith.index_cast %get3A_350 : i32 to index
      %get3A_352 = arith.index_cast %scan3A_294 : i32 to index
      %get3A_353 = arith.constant 112 : index
      %get3A_354 = tpu.vector_load %arg8[%get3A_351, %get3A_352, %get3A_353] {strides = array<i32>} : memref<2x64x128xf32, #tpu.memory_space<vmem>>, vector<16xf32>,
      %select_n3A_355 = arith.select %eq3A_299, %get3A_349, %get3A_354 : vector<16xi1>, vector<16xf32>
      %add3A_356 = arith.constant 320 : i32
      %add3A_357 = arith.addi %add3A_356, %scan3A_294 : i32
      %swap3A_358 = arith.index_cast %add3A_357 : i32 to index
      %swap3A_359 = arith.constant 48 : index
      %swap3A_360 = tpu.vector_load %arg9[%swap3A_358, %swap3A_359] {strides = array<i32>} : memref<512x64xf32, #tpu.memory_space<vmem>>, vector<16xf32>,
      tpu.vector_store %arg9[%swap3A_358, %swap3A_359], %select_n3A_355 {strides = array<i32>} : memref<512x64xf32, #tpu.memory_space<vmem>>, vector<16xf32>,
    }
    %scan3A_245 = arith.constant 64 : i32
    %dma_wait3A_246 = arith.constant 6 : i32
    %dma_wait3A_247 = arith.constant 0 : i32
    %dma_wait3A_248 = arith.constant 0 : i32
    %dma_wait3A_249 = arith.constant 0 : i32
    %dma_wait3A_250 = tpu.memref_slice %arg8[%dma_wait3A_247, %dma_wait3A_248, %dma_wait3A_249] : memref<2x64x128xf32, #tpu.memory_space<vmem>> -> memref<1x64x128xf32, #tpu.memory_space<vmem>>
    %dma_wait3A_251 = tpu.memref_squeeze %dma_wait3A_250 : memref<1x64x128xf32, #tpu.memory_space<vmem>> -> memref<64x128xf32, #tpu.memory_space<vmem>>
    %dma_wait3A_252 = arith.constant 0 : i32
    %dma_wait3A_253 = tpu.memref_slice %arg6[%dma_wait3A_246, %dma_wait3A_252] : memref<8x64xi32, #tpu.memory_space<vmem>> -> memref<1x64xi32, #tpu.memory_space<vmem>>
    %dma_wait3A_254 = tpu.memref_squeeze %dma_wait3A_253 : memref<1x64xi32, #tpu.memory_space<vmem>> -> memref<64xi32, #tpu.memory_space<vmem>>
    %dma_wait3A_255 = arith.constant 0 : i32
    %dma_wait3A_256 = arith.constant 0 : i32
    %dma_wait3A_257 = tpu.memref_slice %arg2[%dma_wait3A_255, %dma_wait3A_256] : memref<8192x128xf32, #tpu.memory_space<hbm>> -> memref<8192x128xf32, #tpu.memory_space<hbm>>
    tpu.wait_indirect_dma semaphore(%arg10 : memref<!tpu.dma_semaphore, #tpu.memory_space<semaphore_mem>>) src(%dma_wait3A_257 : memref<8192x128xf32, #tpu.memory_space<hbm>>) dst(%dma_wait3A_251 : memref<64x128xf32, #tpu.memory_space<vmem>>)
    %dma_start3A_258 = arith.constant 7 : i32
    %dma_start3A_259 = arith.constant 1 : i32
    %dma_start3A_260 = arith.constant 0 : i32
    %dma_start3A_261 = arith.constant 0 : i32
    %dma_start3A_262 = tpu.memref_slice %arg8[%dma_start3A_259, %dma_start3A_260, %dma_start3A_261] : memref<2x64x128xf32, #tpu.memory_space<vmem>> -> memref<1x64x128xf32, #tpu.memory_space<vmem>>
    %dma_start3A_263 = tpu.memref_squeeze %dma_start3A_262 : memref<1x64x128xf32, #tpu.memory_space<vmem>> -> memref<64x128xf32, #tpu.memory_space<vmem>>
    %dma_start3A_264 = arith.constant 0 : i32
    %dma_start3A_265 = tpu.memref_slice %arg6[%dma_start3A_258, %dma_start3A_264] : memref<8x64xi32, #tpu.memory_space<vmem>> -> memref<1x64xi32, #tpu.memory_space<vmem>>
    %dma_start3A_266 = tpu.memref_squeeze %dma_start3A_265 : memref<1x64xi32, #tpu.memory_space<vmem>> -> memref<64xi32, #tpu.memory_space<vmem>>
    %dma_start3A_267 = arith.constant 0 : i32
    %dma_start3A_268 = arith.constant 0 : i32
    %dma_start3A_269 = tpu.memref_slice %arg2[%dma_start3A_267, %dma_start3A_268] : memref<8192x128xf32, #tpu.memory_space<hbm>> -> memref<8192x128xf32, #tpu.memory_space<hbm>>
    tpu.enqueue_indirect_dma source(%dma_start3A_269 : memref<8192x128xf32, #tpu.memory_space<hbm>>) target(%dma_start3A_263 : memref<64x128xf32, #tpu.memory_space<vmem>>) offsets(%dma_start3A_266 : memref<64xi32, #tpu.memory_space<vmem>>) semaphore(%arg11 : memref<!tpu.dma_semaphore, #tpu.memory_space<semaphore_mem>>)
    %scan3A_270 = arith.constant 0 : i32
    %scan3A_271 = arith.constant 0 : i32
    %scan3A_272 = arith.constant 64 : i32
    %scan3A_273 = arith.addi %scan3A_271, %scan3A_272 : i32
    %scan3A_274 = arith.constant 1 : i32
    scf.for %scan3A_294 = %scan3A_271 to %scan3A_273 step %scan3A_274  : i32 {
      %broadcast_in_dim3A = arith.constant 384 : i32
      %broadcast_in_dim3A_295 = vector.broadcast %broadcast_in_dim3A : i32 to vector<16xi32>
      %add3A_296 = vector.broadcast %scan3A_294 : i32 to vector<16xi32>
      %add3A_297 = arith.addi %broadcast_in_dim3A_295, %add3A_296 : vector<16xi32>
      %gather3A = tpu.vector_load_idx %arg7[%add3A_297] : memref<512xi32, #tpu.memory_space<vmem>>[vector<16xi32>], vector<16xi32>,
      %eq3A = arith.constant 0 : i32
      %eq3A_298 = vector.broadcast %eq3A : i32 to vector<16xi32>
      %eq3A_299 = arith.cmpi eq, %gather3A, %eq3A_298 : vector<16xi32>
      %get3A = arith.constant 0 : i32
      %get3A_300 = arith.index_cast %get3A : i32 to index
      %get3A_301 = arith.index_cast %scan3A_294 : i32 to index
      %get3A_302 = arith.constant 0 : index
      %get3A_303 = tpu.vector_load %arg8[%get3A_300, %get3A_301, %get3A_302] {strides = array<i32>} : memref<2x64x128xf32, #tpu.memory_space<vmem>>, vector<16xf32>,
      %get3A_304 = arith.constant 0 : i32
      %get3A_305 = arith.index_cast %get3A_304 : i32 to index
      %get3A_306 = arith.index_cast %scan3A_294 : i32 to index
      %get3A_307 = arith.constant 64 : index
      %get3A_308 = tpu.vector_load %arg8[%get3A_305, %get3A_306, %get3A_307] {strides = array<i32>} : memref<2x64x128xf32, #tpu.memory_space<vmem>>, vector<16xf32>,
      %select_n3A = arith.select %eq3A_299, %get3A_303, %get3A_308 : vector<16xi1>, vector<16xf32>
      %add3A_309 = arith.constant 384 : i32
      %add3A_310 = arith.addi %add3A_309, %scan3A_294 : i32
      %swap3A = arith.index_cast %add3A_310 : i32 to index
      %swap3A_311 = arith.constant 0 : index
      %swap3A_312 = tpu.vector_load %arg9[%swap3A, %swap3A_311] {strides = array<i32>} : memref<512x64xf32, #tpu.memory_space<vmem>>, vector<16xf32>,
      tpu.vector_store %arg9[%swap3A, %swap3A_311], %select_n3A {strides = array<i32>} : memref<512x64xf32, #tpu.memory_space<vmem>>, vector<16xf32>,
      %get3A_313 = arith.constant 0 : i32
      %get3A_314 = arith.index_cast %get3A_313 : i32 to index
      %get3A_315 = arith.index_cast %scan3A_294 : i32 to index
      %get3A_316 = arith.constant 16 : index
      %get3A_317 = tpu.vector_load %arg8[%get3A_314, %get3A_315, %get3A_316] {strides = array<i32>} : memref<2x64x128xf32, #tpu.memory_space<vmem>>, vector<16xf32>,
      %get3A_318 = arith.constant 0 : i32
      %get3A_319 = arith.index_cast %get3A_318 : i32 to index
      %get3A_320 = arith.index_cast %scan3A_294 : i32 to index
      %get3A_321 = arith.constant 80 : index
      %get3A_322 = tpu.vector_load %arg8[%get3A_319, %get3A_320, %get3A_321] {strides = array<i32>} : memref<2x64x128xf32, #tpu.memory_space<vmem>>, vector<16xf32>,
      %select_n3A_323 = arith.select %eq3A_299, %get3A_317, %get3A_322 : vector<16xi1>, vector<16xf32>
      %add3A_324 = arith.constant 384 : i32
      %add3A_325 = arith.addi %add3A_324, %scan3A_294 : i32
      %swap3A_326 = arith.index_cast %add3A_325 : i32 to index
      %swap3A_327 = arith.constant 16 : index
      %swap3A_328 = tpu.vector_load %arg9[%swap3A_326, %swap3A_327] {strides = array<i32>} : memref<512x64xf32, #tpu.memory_space<vmem>>, vector<16xf32>,
      tpu.vector_store %arg9[%swap3A_326, %swap3A_327], %select_n3A_323 {strides = array<i32>} : memref<512x64xf32, #tpu.memory_space<vmem>>, vector<16xf32>,
      %get3A_329 = arith.constant 0 : i32
      %get3A_330 = arith.index_cast %get3A_329 : i32 to index
      %get3A_331 = arith.index_cast %scan3A_294 : i32 to index
      %get3A_332 = arith.constant 32 : index
      %get3A_333 = tpu.vector_load %arg8[%get3A_330, %get3A_331, %get3A_332] {strides = array<i32>} : memref<2x64x128xf32, #tpu.memory_space<vmem>>, vector<16xf32>,
      %get3A_334 = arith.constant 0 : i32
      %get3A_335 = arith.index_cast %get3A_334 : i32 to index
      %get3A_336 = arith.index_cast %scan3A_294 : i32 to index
      %get3A_337 = arith.constant 96 : index
      %get3A_338 = tpu.vector_load %arg8[%get3A_335, %get3A_336, %get3A_337] {strides = array<i32>} : memref<2x64x128xf32, #tpu.memory_space<vmem>>, vector<16xf32>,
      %select_n3A_339 = arith.select %eq3A_299, %get3A_333, %get3A_338 : vector<16xi1>, vector<16xf32>
      %add3A_340 = arith.constant 384 : i32
      %add3A_341 = arith.addi %add3A_340, %scan3A_294 : i32
      %swap3A_342 = arith.index_cast %add3A_341 : i32 to index
      %swap3A_343 = arith.constant 32 : index
      %swap3A_344 = tpu.vector_load %arg9[%swap3A_342, %swap3A_343] {strides = array<i32>} : memref<512x64xf32, #tpu.memory_space<vmem>>, vector<16xf32>,
      tpu.vector_store %arg9[%swap3A_342, %swap3A_343], %select_n3A_339 {strides = array<i32>} : memref<512x64xf32, #tpu.memory_space<vmem>>, vector<16xf32>,
      %get3A_345 = arith.constant 0 : i32
      %get3A_346 = arith.index_cast %get3A_345 : i32 to index
      %get3A_347 = arith.index_cast %scan3A_294 : i32 to index
      %get3A_348 = arith.constant 48 : index
      %get3A_349 = tpu.vector_load %arg8[%get3A_346, %get3A_347, %get3A_348] {strides = array<i32>} : memref<2x64x128xf32, #tpu.memory_space<vmem>>, vector<16xf32>,
      %get3A_350 = arith.constant 0 : i32
      %get3A_351 = arith.index_cast %get3A_350 : i32 to index
      %get3A_352 = arith.index_cast %scan3A_294 : i32 to index
      %get3A_353 = arith.constant 112 : index
      %get3A_354 = tpu.vector_load %arg8[%get3A_351, %get3A_352, %get3A_353] {strides = array<i32>} : memref<2x64x128xf32, #tpu.memory_space<vmem>>, vector<16xf32>,
      %select_n3A_355 = arith.select %eq3A_299, %get3A_349, %get3A_354 : vector<16xi1>, vector<16xf32>
      %add3A_356 = arith.constant 384 : i32
      %add3A_357 = arith.addi %add3A_356, %scan3A_294 : i32
      %swap3A_358 = arith.index_cast %add3A_357 : i32 to index
      %swap3A_359 = arith.constant 48 : index
      %swap3A_360 = tpu.vector_load %arg9[%swap3A_358, %swap3A_359] {strides = array<i32>} : memref<512x64xf32, #tpu.memory_space<vmem>>, vector<16xf32>,
      tpu.vector_store %arg9[%swap3A_358, %swap3A_359], %select_n3A_355 {strides = array<i32>} : memref<512x64xf32, #tpu.memory_space<vmem>>, vector<16xf32>,
    }
    %scan3A_275 = arith.constant 64 : i32
    %dma_wait3A_276 = arith.constant 7 : i32
    %dma_wait3A_277 = arith.constant 1 : i32
    %dma_wait3A_278 = arith.constant 0 : i32
    %dma_wait3A_279 = arith.constant 0 : i32
    %dma_wait3A_280 = tpu.memref_slice %arg8[%dma_wait3A_277, %dma_wait3A_278, %dma_wait3A_279] : memref<2x64x128xf32, #tpu.memory_space<vmem>> -> memref<1x64x128xf32, #tpu.memory_space<vmem>>
    %dma_wait3A_281 = tpu.memref_squeeze %dma_wait3A_280 : memref<1x64x128xf32, #tpu.memory_space<vmem>> -> memref<64x128xf32, #tpu.memory_space<vmem>>
    %dma_wait3A_282 = arith.constant 0 : i32
    %dma_wait3A_283 = tpu.memref_slice %arg6[%dma_wait3A_276, %dma_wait3A_282] : memref<8x64xi32, #tpu.memory_space<vmem>> -> memref<1x64xi32, #tpu.memory_space<vmem>>
    %dma_wait3A_284 = tpu.memref_squeeze %dma_wait3A_283 : memref<1x64xi32, #tpu.memory_space<vmem>> -> memref<64xi32, #tpu.memory_space<vmem>>
    %dma_wait3A_285 = arith.constant 0 : i32
    %dma_wait3A_286 = arith.constant 0 : i32
    %dma_wait3A_287 = tpu.memref_slice %arg2[%dma_wait3A_285, %dma_wait3A_286] : memref<8192x128xf32, #tpu.memory_space<hbm>> -> memref<8192x128xf32, #tpu.memory_space<hbm>>
    tpu.wait_indirect_dma semaphore(%arg11 : memref<!tpu.dma_semaphore, #tpu.memory_space<semaphore_mem>>) src(%dma_wait3A_287 : memref<8192x128xf32, #tpu.memory_space<hbm>>) dst(%dma_wait3A_281 : memref<64x128xf32, #tpu.memory_space<vmem>>)
    %scan3A_288 = arith.constant 0 : i32
    %scan3A_289 = arith.constant 0 : i32
    %scan3A_290 = arith.constant 64 : i32
    %scan3A_291 = arith.addi %scan3A_289, %scan3A_290 : i32
    %scan3A_292 = arith.constant 1 : i32
    scf.for %scan3A_294 = %scan3A_289 to %scan3A_291 step %scan3A_292  : i32 {
      %broadcast_in_dim3A = arith.constant 448 : i32
      %broadcast_in_dim3A_295 = vector.broadcast %broadcast_in_dim3A : i32 to vector<16xi32>
      %add3A_296 = vector.broadcast %scan3A_294 : i32 to vector<16xi32>
      %add3A_297 = arith.addi %broadcast_in_dim3A_295, %add3A_296 : vector<16xi32>
      %gather3A = tpu.vector_load_idx %arg7[%add3A_297] : memref<512xi32, #tpu.memory_space<vmem>>[vector<16xi32>], vector<16xi32>,
      %eq3A = arith.constant 0 : i32
      %eq3A_298 = vector.broadcast %eq3A : i32 to vector<16xi32>
      %eq3A_299 = arith.cmpi eq, %gather3A, %eq3A_298 : vector<16xi32>
      %get3A = arith.constant 1 : i32
      %get3A_300 = arith.index_cast %get3A : i32 to index
      %get3A_301 = arith.index_cast %scan3A_294 : i32 to index
      %get3A_302 = arith.constant 0 : index
      %get3A_303 = tpu.vector_load %arg8[%get3A_300, %get3A_301, %get3A_302] {strides = array<i32>} : memref<2x64x128xf32, #tpu.memory_space<vmem>>, vector<16xf32>,
      %get3A_304 = arith.constant 1 : i32
      %get3A_305 = arith.index_cast %get3A_304 : i32 to index
      %get3A_306 = arith.index_cast %scan3A_294 : i32 to index
      %get3A_307 = arith.constant 64 : index
      %get3A_308 = tpu.vector_load %arg8[%get3A_305, %get3A_306, %get3A_307] {strides = array<i32>} : memref<2x64x128xf32, #tpu.memory_space<vmem>>, vector<16xf32>,
      %select_n3A = arith.select %eq3A_299, %get3A_303, %get3A_308 : vector<16xi1>, vector<16xf32>
      %add3A_309 = arith.constant 448 : i32
      %add3A_310 = arith.addi %add3A_309, %scan3A_294 : i32
      %swap3A = arith.index_cast %add3A_310 : i32 to index
      %swap3A_311 = arith.constant 0 : index
      %swap3A_312 = tpu.vector_load %arg9[%swap3A, %swap3A_311] {strides = array<i32>} : memref<512x64xf32, #tpu.memory_space<vmem>>, vector<16xf32>,
      tpu.vector_store %arg9[%swap3A, %swap3A_311], %select_n3A {strides = array<i32>} : memref<512x64xf32, #tpu.memory_space<vmem>>, vector<16xf32>,
      %get3A_313 = arith.constant 1 : i32
      %get3A_314 = arith.index_cast %get3A_313 : i32 to index
      %get3A_315 = arith.index_cast %scan3A_294 : i32 to index
      %get3A_316 = arith.constant 16 : index
      %get3A_317 = tpu.vector_load %arg8[%get3A_314, %get3A_315, %get3A_316] {strides = array<i32>} : memref<2x64x128xf32, #tpu.memory_space<vmem>>, vector<16xf32>,
      %get3A_318 = arith.constant 1 : i32
      %get3A_319 = arith.index_cast %get3A_318 : i32 to index
      %get3A_320 = arith.index_cast %scan3A_294 : i32 to index
      %get3A_321 = arith.constant 80 : index
      %get3A_322 = tpu.vector_load %arg8[%get3A_319, %get3A_320, %get3A_321] {strides = array<i32>} : memref<2x64x128xf32, #tpu.memory_space<vmem>>, vector<16xf32>,
      %select_n3A_323 = arith.select %eq3A_299, %get3A_317, %get3A_322 : vector<16xi1>, vector<16xf32>
      %add3A_324 = arith.constant 448 : i32
      %add3A_325 = arith.addi %add3A_324, %scan3A_294 : i32
      %swap3A_326 = arith.index_cast %add3A_325 : i32 to index
      %swap3A_327 = arith.constant 16 : index
      %swap3A_328 = tpu.vector_load %arg9[%swap3A_326, %swap3A_327] {strides = array<i32>} : memref<512x64xf32, #tpu.memory_space<vmem>>, vector<16xf32>,
      tpu.vector_store %arg9[%swap3A_326, %swap3A_327], %select_n3A_323 {strides = array<i32>} : memref<512x64xf32, #tpu.memory_space<vmem>>, vector<16xf32>,
      %get3A_329 = arith.constant 1 : i32
      %get3A_330 = arith.index_cast %get3A_329 : i32 to index
      %get3A_331 = arith.index_cast %scan3A_294 : i32 to index
      %get3A_332 = arith.constant 32 : index
      %get3A_333 = tpu.vector_load %arg8[%get3A_330, %get3A_331, %get3A_332] {strides = array<i32>} : memref<2x64x128xf32, #tpu.memory_space<vmem>>, vector<16xf32>,
      %get3A_334 = arith.constant 1 : i32
      %get3A_335 = arith.index_cast %get3A_334 : i32 to index
      %get3A_336 = arith.index_cast %scan3A_294 : i32 to index
      %get3A_337 = arith.constant 96 : index
      %get3A_338 = tpu.vector_load %arg8[%get3A_335, %get3A_336, %get3A_337] {strides = array<i32>} : memref<2x64x128xf32, #tpu.memory_space<vmem>>, vector<16xf32>,
      %select_n3A_339 = arith.select %eq3A_299, %get3A_333, %get3A_338 : vector<16xi1>, vector<16xf32>
      %add3A_340 = arith.constant 448 : i32
      %add3A_341 = arith.addi %add3A_340, %scan3A_294 : i32
      %swap3A_342 = arith.index_cast %add3A_341 : i32 to index
      %swap3A_343 = arith.constant 32 : index
      %swap3A_344 = tpu.vector_load %arg9[%swap3A_342, %swap3A_343] {strides = array<i32>} : memref<512x64xf32, #tpu.memory_space<vmem>>, vector<16xf32>,
      tpu.vector_store %arg9[%swap3A_342, %swap3A_343], %select_n3A_339 {strides = array<i32>} : memref<512x64xf32, #tpu.memory_space<vmem>>, vector<16xf32>,
      %get3A_345 = arith.constant 1 : i32
      %get3A_346 = arith.index_cast %get3A_345 : i32 to index
      %get3A_347 = arith.index_cast %scan3A_294 : i32 to index
      %get3A_348 = arith.constant 48 : index
      %get3A_349 = tpu.vector_load %arg8[%get3A_346, %get3A_347, %get3A_348] {strides = array<i32>} : memref<2x64x128xf32, #tpu.memory_space<vmem>>, vector<16xf32>,
      %get3A_350 = arith.constant 1 : i32
      %get3A_351 = arith.index_cast %get3A_350 : i32 to index
      %get3A_352 = arith.index_cast %scan3A_294 : i32 to index
      %get3A_353 = arith.constant 112 : index
      %get3A_354 = tpu.vector_load %arg8[%get3A_351, %get3A_352, %get3A_353] {strides = array<i32>} : memref<2x64x128xf32, #tpu.memory_space<vmem>>, vector<16xf32>,
      %select_n3A_355 = arith.select %eq3A_299, %get3A_349, %get3A_354 : vector<16xi1>, vector<16xf32>
      %add3A_356 = arith.constant 448 : i32
      %add3A_357 = arith.addi %add3A_356, %scan3A_294 : i32
      %swap3A_358 = arith.index_cast %add3A_357 : i32 to index
      %swap3A_359 = arith.constant 48 : index
      %swap3A_360 = tpu.vector_load %arg9[%swap3A_358, %swap3A_359] {strides = array<i32>} : memref<512x64xf32, #tpu.memory_space<vmem>>, vector<16xf32>,
      tpu.vector_store %arg9[%swap3A_358, %swap3A_359], %select_n3A_355 {strides = array<i32>} : memref<512x64xf32, #tpu.memory_space<vmem>>, vector<16xf32>,
    }
    %scan3A_293 = arith.constant 64 : i32
    "tpu.region"() ({
      %run_scoped3A = tpu.sem_alloc : memref<!tpu.dma_semaphore, #tpu.memory_space<semaphore_mem>>
      %dma_start3A_294 = arith.constant 0 : i32
      %dma_start3A_295 = tpu.memref_slice %arg4[%mul3A_2, %dma_start3A_294] : memref<16384x64xf32, #tpu.memory_space<hbm>> -> memref<512x64xf32, #tpu.memory_space<hbm>>
      %dma_start3A_296 = arith.constant 0 : i32
      %dma_start3A_297 = tpu.memref_slice %arg4[%mul3A_2, %dma_start3A_296] : memref<16384x64xf32, #tpu.memory_space<hbm>> -> memref<512x64xf32, #tpu.memory_space<hbm>>
      tpu.enqueue_dma source(%arg9 : memref<512x64xf32, #tpu.memory_space<vmem>>) target(%dma_start3A_297 : memref<512x64xf32, #tpu.memory_space<hbm>>) target_semaphore(%run_scoped3A : memref<!tpu.dma_semaphore, #tpu.memory_space<semaphore_mem>>)
      %dma_wait3A_298 = arith.constant 0 : i32
      %dma_wait3A_299 = tpu.memref_slice %arg4[%mul3A_2, %dma_wait3A_298] : memref<16384x64xf32, #tpu.memory_space<hbm>> -> memref<512x64xf32, #tpu.memory_space<hbm>>
      %dma_wait3A_300 = arith.constant 0 : i32
      %dma_wait3A_301 = tpu.memref_slice %arg4[%mul3A_2, %dma_wait3A_300] : memref<16384x64xf32, #tpu.memory_space<hbm>> -> memref<512x64xf32, #tpu.memory_space<hbm>>
      tpu.wait_dma2 semaphore(%run_scoped3A : memref<!tpu.dma_semaphore, #tpu.memory_space<semaphore_mem>>) src(%arg9 : memref<512x64xf32, #tpu.memory_space<vmem>>) dst(%dma_wait3A_301 : memref<512x64xf32, #tpu.memory_space<hbm>>)
      tpu.yield
    }) : () -> ()
    return
  }
}

module attributes {stable_mosaic.version = 14 : i64} {
  func.func @_mlp_body(%arg0: i32, %arg1: memref<2048x64xf32, #tpu.memory_space<vmem>>, %arg2: memref<64x16xf32, #tpu.memory_space<vmem>>, %arg3: memref<1x16xf32, #tpu.memory_space<vmem>>, %arg4: memref<16x64xf32, #tpu.memory_space<vmem>>, %arg5: memref<1x64xf32, #tpu.memory_space<vmem>>, %arg6: memref<64x2048xf32, #tpu.memory_space<vmem>>, %arg7: memref<64x2048xf32, #tpu.memory_space<vmem>>) attributes {dimension_semantics = [#tpu.dimension_semantics<arbitrary>], iteration_bounds = array<i64: 8>, scalar_prefetch = 0 : i64, scratch_operands = 0 : i64, tpu.core_type = #tpu.core_type<tc>, window_params = [{transform_indices = @transform_0, window_bounds = array<i64: 2048, 64>}, {pipeline_mode = #tpu.pipeline_mode<synchronous>, transform_indices = @transform_1, window_bounds = array<i64: 64, 16>}, {pipeline_mode = #tpu.pipeline_mode<synchronous>, transform_indices = @transform_2, window_bounds = array<i64: 1, 16>}, {pipeline_mode = #tpu.pipeline_mode<synchronous>, transform_indices = @transform_3, window_bounds = array<i64: 16, 64>}, {pipeline_mode = #tpu.pipeline_mode<synchronous>, transform_indices = @transform_4, window_bounds = array<i64: 1, 64>}, {transform_indices = @transform_5, window_bounds = array<i64: 64, 2048>}, {transform_indices = @transform_6, window_bounds = array<i64: 64, 2048>}]} {
    %get3A = arith.constant 0 : index
    %get3A_0 = arith.constant 0 : index
    %get3A_1 = vector.load %arg1[%get3A, %get3A_0] : memref<2048x64xf32, #tpu.memory_space<vmem>>, vector<2048x64xf32>
    %get3A_2 = arith.constant 0 : index
    %get3A_3 = arith.constant 0 : index
    %get3A_4 = vector.load %arg2[%get3A_2, %get3A_3] : memref<64x16xf32, #tpu.memory_space<vmem>>, vector<64x16xf32>
    %dot_general3A = arith.constant dense<0.000000e+00> : vector<2048x16xf32>
    %dot_general3A_5 = tpu.matmul %get3A_1, %get3A_4, %dot_general3A {dimension_numbers = #tpu.dot_dimension_numbers<[1], [0], [0], [1], [0, 0, 1, 1], [], []>, transpose_lhs_hint = false} : vector<2048x64xf32>, vector<64x16xf32>, vector<2048x16xf32> -> vector<2048x16xf32>
    %get3A_6 = arith.constant 0 : index
    %get3A_7 = arith.constant 0 : index
    %get3A_8 = vector.load %arg3[%get3A_6, %get3A_7] : memref<1x16xf32, #tpu.memory_space<vmem>>, vector<1x16xf32>
    %add3A = vector.broadcast %get3A_8 : vector<1x16xf32> to vector<2048x16xf32>
    %add3A_9 = arith.addf %dot_general3A_5, %add3A : vector<2048x16xf32>
    %max3A = arith.constant 0.000000e+00 : f32
    %max3A_10 = vector.broadcast %max3A : f32 to vector<2048x16xf32>
    %max3A_11 = arith.maximumf %add3A_9, %max3A_10 : vector<2048x16xf32>
    %get3A_12 = arith.constant 0 : index
    %get3A_13 = arith.constant 0 : index
    %get3A_14 = vector.load %arg4[%get3A_12, %get3A_13] : memref<16x64xf32, #tpu.memory_space<vmem>>, vector<16x64xf32>
    %dot_general3A_15 = arith.constant dense<0.000000e+00> : vector<2048x64xf32>
    %dot_general3A_16 = tpu.matmul %max3A_11, %get3A_14, %dot_general3A_15 {dimension_numbers = #tpu.dot_dimension_numbers<[1], [0], [0], [1], [0, 0, 1, 1], [], []>, transpose_lhs_hint = false} : vector<2048x16xf32>, vector<16x64xf32>, vector<2048x64xf32> -> vector<2048x64xf32>
    %get3A_17 = arith.constant 0 : index
    %get3A_18 = arith.constant 0 : index
    %get3A_19 = vector.load %arg5[%get3A_17, %get3A_18] : memref<1x64xf32, #tpu.memory_space<vmem>>, vector<1x64xf32>
    %add3A_20 = vector.broadcast %get3A_19 : vector<1x64xf32> to vector<2048x64xf32>
    %add3A_21 = arith.addf %dot_general3A_16, %add3A_20 : vector<2048x64xf32>
    %transpose3A = tpu.transpose %get3A_1, [1, 0] : vector<2048x64xf32> -> vector<64x2048xf32>
    %swap3A = arith.constant 0 : index
    %swap3A_22 = arith.constant 0 : index
    %swap3A_23 = vector.load %arg6[%swap3A, %swap3A_22] : memref<64x2048xf32, #tpu.memory_space<vmem>>, vector<64x2048xf32>
    tpu.vector_store %arg6[%swap3A, %swap3A_22], %transpose3A {strides = array<i32>} : memref<64x2048xf32, #tpu.memory_space<vmem>>, vector<64x2048xf32>,
    %transpose3A_24 = tpu.transpose %add3A_21, [1, 0] : vector<2048x64xf32> -> vector<64x2048xf32>
    %swap3A_25 = arith.constant 0 : index
    %swap3A_26 = arith.constant 0 : index
    %swap3A_27 = vector.load %arg7[%swap3A_25, %swap3A_26] : memref<64x2048xf32, #tpu.memory_space<vmem>>, vector<64x2048xf32>
    tpu.vector_store %arg7[%swap3A_25, %swap3A_26], %transpose3A_24 {strides = array<i32>} : memref<64x2048xf32, #tpu.memory_space<vmem>>, vector<64x2048xf32>,
    return
  }
  func.func @transform_0(%arg0: i32) -> (i32, i32) {
    %c0_i32 = arith.constant 0 : i32
    %c0_i32_0 = arith.constant 0 : i32
    return %arg0, %c0_i32 : i32, i32
  }
  func.func @transform_1(%arg0: i32) -> (i32, i32) {
    %c0_i32 = arith.constant 0 : i32
    %c0_i32_0 = arith.constant 0 : i32
    %c0_i32_1 = arith.constant 0 : i32
    return %c0_i32, %c0_i32_0 : i32, i32
  }
  func.func @transform_2(%arg0: i32) -> (i32, i32) {
    %c0_i32 = arith.constant 0 : i32
    %c0_i32_0 = arith.constant 0 : i32
    %c0_i32_1 = arith.constant 0 : i32
    return %c0_i32, %c0_i32_0 : i32, i32
  }
  func.func @transform_3(%arg0: i32) -> (i32, i32) {
    %c0_i32 = arith.constant 0 : i32
    %c0_i32_0 = arith.constant 0 : i32
    %c0_i32_1 = arith.constant 0 : i32
    return %c0_i32, %c0_i32_0 : i32, i32
  }
  func.func @transform_4(%arg0: i32) -> (i32, i32) {
    %c0_i32 = arith.constant 0 : i32
    %c0_i32_0 = arith.constant 0 : i32
    %c0_i32_1 = arith.constant 0 : i32
    return %c0_i32, %c0_i32_0 : i32, i32
  }
  func.func @transform_5(%arg0: i32) -> (i32, i32) {
    %c0_i32 = arith.constant 0 : i32
    %c0_i32_0 = arith.constant 0 : i32
    return %c0_i32, %arg0 : i32, i32
  }
  func.func @transform_6(%arg0: i32) -> (i32, i32) {
    %c0_i32 = arith.constant 0 : i32
    %c0_i32_0 = arith.constant 0 : i32
    return %c0_i32, %arg0 : i32, i32
  }
}

</mosaic_0001>

<sc_bundles>
// kernel: kernel.5.cloned.1.call-start
scs
__scs_entry_jumppad:
0x0: {  	(pc) =	sbr.rel $0x88, $3  }
0x1: {  	(tag) =	ssettag $0x0;
	lr =	simm.s32 $0x1  }
0x2: {  	[smem:$0x3F9B] =	sst lr;
	_ =	strace $0xD0000000  }
0x3: {  	_ = 	snop  }
0x4: {  	_ = 	snop  }
0x5: {  	_ = 	snop  }
0x6: {  	_ = 	snop  }
0x7: {  	_ = 	snop  }
__scs_overlays_trampoline_lowered:
0x8: {  	[smem:$0x3FAA] =	sst s0  }
0x9: {  	[smem:$0x3FAB] =	sst s1  }
0xa: {  	[smem:$0x3FAC] =	sst s2  }
0xb: {  	[smem:$0x3FAD] =	sst s3  }
0xc: {  	[smem:$0x3FAE] =	sst s4  }
0xd: {  	[smem:$0x3FAF] =	sst s5  }
0xe: {  	[smem:$0x3FB0] =	sst s6  }
0xf: {  	[smem:$0x3FB1] =	sst s7  }
0x10: {  	[smem:$0x3FB2] =	sst s8  }
0x11: {  	[smem:$0x3FB3] =	sst s9;
	s0 =	simm.s32 @!p0 $0x0  }
0x12: {  	s1 =	sld [smem:$0x3F99];
	s0 =	simm.s32 @p0 $0x1  }
0x13: {  	[smem:$0x3FB4] =	sst s0;
	s0 =	simm.s32 @!p1 $0x0  }
0x14: {  	s2 =	sld [smem:$0x3F98];
	s0 =	simm.s32 @p1 $0x1  }
0x15: {  	[smem:$0x3FB5] =	sst s0;
	s0 =	simm.s32 @!p2 $0x0  }
0x16: {  	s3 =	sld [smem:$0x3FDB];
	s0 =	simm.s32 @p2 $0x1  }
0x17: {  	s4 =	simm.s32 $0x1BF5;
	[smem:$0x3FB7] =	sst s0  }
0x18: {  	s0 =	sld [smem:$0x3F9A];
	_ =	swait.ge [sflag:s4], $0x0  }
0x19: {  	s7 =	sld [smem:$0x3F9B]  }
0x1a: {  	s8 =	sadd.s32 $0xFFFFE003, lr  }
0x1b: {  	s9 =	sadd.s32 $0xFFFFFEF7, lr;
	s5 =	simm.s32 $0xFFFFFFFF;
	p2 =	slt.u32 s8, $0xFFFFF086  }
0x1c: {  	p1 =	slt.u32 s9, $0xF7A;
	s5 =	simm.s32 @!p2 $0x0  }
0x1d: {  	s5 =	simm.s32 @p1 $0x1;
	p0 =	seq.s32 s7, s2  }
0x1e: {  	s7 =	smul.u32 @!p0 $0xF7A, s2;
	p2 =	seq.s32 @!p0 s5, $0x0  }
0x1f: {  	s9 =	smul.u32 $0xF7A, s1;
	s8 =	simm.s32 @!p0 $0x1BF5;
	p2 =	por !p2, p0  }
0x20: {  	[sflag:s8] =	ssyncset.s32 @!p0 $0xFFFFF086;
	s6 =	sadd.s32 @!p0 s3, s7;
	s7 =	simm.s32 @!p0 $0x108  }
0x21: {  	s3 =	sadd.s32 s3, s9;
	s6 =	sadd.s32 @!p0 $0x88, s6;
	s7 =	simm.s32 @p2 $0x1082  }
0x22: {  	[simem:s7], [sflag:s8] =	dma.local @!p0 [hbm:s6], $0xF7A  }
0x23: {  	s9 =	sor.u32 $0xD0000000, s2;
	s6 =	simm.s32 $0x108;
	_ =	swait.ge @!p0 [sflag:s8], $0x0  }
0x24: {  	s3 =	sadd.s32 $0x88, s3;
	s6 =	simm.s32 @!p1 $0x1082;
	[sflag:s4] =	ssyncset.s32 $0xFFFFF086  }
0x25: {  	[simem:s6], [sflag:s4] =	dma.local [hbm:s3], $0xF7A  }
0x26: {  	[smem:$0x3F9B] =	sst s1;
	(tag) =	ssettag s2;
	_ =	strace s9  }
0x27: {  	s1 =	sld [smem:$0x3FAB]  }
0x28: {  	s2 =	sld [smem:$0x3FAC]  }
0x29: {  	s4 =	sld [smem:$0x3FAE]  }
0x2a: {  	p0 =	seq.s32 s5, $0x0;
	s5 =	sld [smem:$0x3FAF]  }
0x2b: {  	s6 =	sld [smem:$0x3FB0]  }
0x2c: {  	s7 =	sld [smem:$0x3FB1]  }
0x2d: {  	s3 =	simm.s32 $0x108;
	s8 =	sld [smem:$0x3FB2]  }
0x2e: {  	s3 =	simm.s32 @!p0 $0x1082;
	s9 =	sld [smem:$0x3FB3]  }
0x2f: {  	lr =	sadd.s32 s0, s3;
	s0 =	sld [smem:$0x3FAA]  }
0x30: {  	s3 =	sld [smem:$0x3FAD]  }
0x31: {  	[smem:$0x3FB6] =	sst s10  }
0x32: {  	s10 =	sld [smem:$0x3FB4];
	_ =	sdelay $0x3  }
0x33: {  	p0 =	seq.s32 s10, $0x1;
	s10 =	sld [smem:$0x3FB6];
	_ =	sdelay $0x3  }
0x34: {  	[smem:$0x3FB6] =	sst s10  }
0x35: {  	s10 =	sld [smem:$0x3FB5];
	_ =	sdelay $0x3  }
0x36: {  	p1 =	seq.s32 s10, $0x1;
	s10 =	sld [smem:$0x3FB6];
	_ =	sdelay $0x3  }
0x37: {  	[smem:$0x3FB6] =	sst s10  }
0x38: {  	s10 =	sld [smem:$0x3FB7]  }
0x39: {  	_ = 	snop;
	(pc) =	sbr.ind lr, $3  }
0x3a: {  	_ = 	snop  }
0x3b: {  	_ = 	snop  }
0x3c: {  	p2 =	seq.s32 s10, $0x1;
	s10 =	sld [smem:$0x3FB6]  }
0x3d: {  	_ =	shalt  }
0x3e: {  	_ =	shalt  }
0x3f: {  	_ =	shalt  }
0x40: {  	_ =	shalt  }
0x41: {  	_ =	shalt  }
0x42: {  	_ =	shalt  }
0x43: {  	_ =	shalt  }
0x44: {  	_ =	shalt  }
0x45: {  	_ =	shalt  }
0x46: {  	_ =	shalt  }
0x47: {  	_ =	shalt  }
0x48: {  	_ =	shalt  }
0x49: {  	_ =	shalt  }
0x4a: {  	_ =	shalt  }
0x4b: {  	_ =	shalt  }
0x4c: {  	_ =	shalt  }
0x4d: {  	_ =	shalt  }
0x4e: {  	_ =	shalt  }
0x4f: {  	_ =	shalt  }
0x50: {  	_ =	shalt  }
0x51: {  	_ =	shalt  }
0x52: {  	_ =	shalt  }
0x53: {  	_ =	shalt  }
0x54: {  	_ =	shalt  }
0x55: {  	_ =	shalt  }
0x56: {  	_ =	shalt  }
0x57: {  	_ =	shalt  }
0x58: {  	_ =	shalt  }
0x59: {  	_ =	shalt  }
0x5a: {  	_ =	shalt  }
0x5b: {  	_ =	shalt  }
0x5c: {  	_ =	shalt  }
0x5d: {  	_ =	shalt  }
0x5e: {  	_ =	shalt  }
0x5f: {  	_ =	shalt  }
0x60: {  	_ =	shalt  }
0x61: {  	_ =	shalt  }
0x62: {  	_ =	shalt  }
0x63: {  	_ =	shalt  }
0x64: {  	_ =	shalt  }
0x65: {  	_ =	shalt  }
0x66: {  	_ =	shalt  }
0x67: {  	_ =	shalt  }
0x68: {  	_ =	shalt  }
0x69: {  	_ =	shalt  }
0x6a: {  	_ =	shalt  }
0x6b: {  	_ =	shalt  }
0x6c: {  	_ =	shalt  }
0x6d: {  	_ =	shalt  }
0x6e: {  	_ =	shalt  }
0x6f: {  	_ =	shalt  }
0x70: {  	_ =	shalt  }
0x71: {  	_ =	shalt  }
0x72: {  	_ =	shalt  }
0x73: {  	_ =	shalt  }
0x74: {  	_ =	shalt  }
0x75: {  	_ =	shalt  }
0x76: {  	_ =	shalt  }
0x77: {  	_ =	shalt  }
0x78: {  	_ =	shalt  }
0x79: {  	_ =	shalt  }
0x7a: {  	_ =	shalt  }
0x7b: {  	_ =	shalt  }
0x7c: {  	_ =	shalt  }
0x7d: {  	_ =	shalt  }
0x7e: {  	_ =	shalt  }
0x7f: {  	_ =	shalt  }
0x80: {  	_ =	shalt  }
0x81: {  	_ =	shalt  }
0x82: {  	_ =	shalt  }
0x83: {  	_ =	shalt  }
0x84: {  	_ =	shalt  }
0x85: {  	_ =	shalt  }
0x86: {  	_ =	shalt  }
0x87: {  	_ =	shalt  }
.Lfunc_end0:
.L_simem_size_0:
called_computation_lowered:
.L_overlay_start_0:
0x88: {  	s2 =	sld [smem:$0x3FD9]  }
0x89: {  	s3 =	sld [smem:$0x3FFE];
	_ =	sdelay $0x1  }
0x8a: {  	s1 =	srdreg.scid  }
0x8b: {  	s0 =	sand.u32 $0x1, s1  }
0x8c: {  	s14 =	sshll.u32 s0, $0xA;
	s2 =	sadd.s32 s3, s2  }
0x8d: {  	s2 =	sadd.s32 s2, s14  }
0x8e: {  	[smem:$0x3FC2] =	sst s2  }
0x8f: {  	_ = 	snop  }
0x90: {  	s2 =	sld [smem:$0x3FD0];
	_ =	sdelay $0x2  }
0x91: {  	s4 =	simm.s32 $0xA;
	s5 =	simm.s32 $0x10;
	s15 =	sld [smem:$0x3FC8]  }
0x92: {  	[smem:s5], [sflag:s4] =	dma.local [hbm:s2], $0x1  }
0x93: {  	_ =	swait.eq [sflag:s4], $0x1  }
0x94: {  	[sflag:s4] =	ssyncset.done $0x0  }
0x95: {  	s16 =	sld [smem:$0x10];
	[sflag:s4] =	ssyncadd.s32 $0xFFFFFFFF  }
0x96: {  	s17 =	sld [smem:$0x11];
	(tm) =	ssettm $0x1  }
0x97: {  	s18 =	sld [smem:$0x3FFB];
	_ =	sdelay $0x3  }
0x98: {  	_ =	strace s18  }
0x99: {  	s5 =	sld [smem:$0x3FFC];
	_ =	sdelay $0x3  }
0x9a: {  	_ =	strace s5  }
0x9b: {  	s5 =	sld [smem:$0x3FFD];
	_ =	sdelay $0x3  }
0x9c: {  	_ =	strace s5  }
0x9d: {  	_ =	strace $0x8FFFFFFF  }
0x9e: {  	s19 =	sld [smem:$0x3FDB];
	_ =	sdelay $0x1  }
0x9f: {  	s6 =	simm.s32 $_scs_section_size  }
0xa0: {  	s7 =	simm.s32 $_size__tile_overlayer_lowered;
	s8 =	simm.s32 $_tile_overlayer_lowered  }
0xa1: {  	s22 =	simm.s32 $0x1BFF;
	s21 =	sshll.u32 s8, $0x1;
	s5 =	sadd.s32 s6, s19  }
0xa2: {  	s9 =	simm.s32 $0x0;
	s20 =	sshll.u32 s7, $0x1;
	s7 =	sadd.s32 s21, s5  }
0xa3: {  	[timem:s9], [sflag:s22] =	dma.local [hbm:s7], s20  }
0xa4: {  	_ =	swait.ge [sflag:s22], s20  }
0xa5: {  	s6 =	ssub.s32 $0x0, s20;
	[sflag:s22] =	ssyncset.done $0x0  }
0xa6: {  	[sflag:s22] =	ssyncadd.s32 s6;
	_ =	sdelay $0x1  }
0xa7: {  	s23 =	simm.s32 $0x1B8B  }
0xa8: {  	_ =	swait.ge [sflag:s23], $0x1  }
0xa9: {  	[sflag:s23] =	ssyncset.done $0x0  }
0xaa: {  	s25 =	simm.s32 $0x1B8E;
	s24 =	sld [smem:$0x3FFE];
	[sflag:s23] =	ssyncadd.s32 $0xFFFFFFFF  }
0xab: {  	s26 =	simm.s32 $execute0_lowered;
	[smem:$0x3FD2] =	sst s25  }
0xac: {  	s7 =	sshll.u32 s26, $0x1;
	_ =	strace $0x80000046;
	[dreg:$0x1] =	wrdreg $0xFFFFFFFF  }
0xad: {  	s28 =	simm.s32 $_size_execute0_lowered;
	s5 =	sadd.s32 s5, s7;
	[dreg:$0x0] =	wrdreg $0x0  }
0xae: {  	s7 =	sshll.u32 s28, $0x1;
	[dreg:$0x2] =	wrdreg s5  }
0xaf: {  	[dreg:$0x3] =	wrdreg s7  }
0xb0: {  	[dreg:$0x4] =	wrdreg $0xC0  }
0xb1: {  	_ =	task [dreg:s9], $0x5FFFF  }
0xb2: {  	[dreg:$0x1] =	wrdreg $0xFFFFFFFF  }
0xb3: {  	[dreg:$0x0] =	wrdreg $0x60  }
0xb4: {  	[dreg:$0x2] =	wrdreg s15  }
0xb5: {  	[dreg:$0x3] =	wrdreg s24  }
0xb6: {  	[dreg:$0x4] =	wrdreg s16  }
0xb7: {  	[dreg:$0x5] =	wrdreg s17  }
0xb8: {  	[dreg:$0x6] =	wrdreg $0x9  }
0xb9: {  	_ =	task.clear_ibuf [dreg:s9], $0x7FFFF;
	_ =	strace $0x90000046  }
0xba: {  	s29 =	simm.s32 $0x9;
	_ =	strace $0x80000048  }
0xbb: {  	_ =	swait.ge [sflag:s29], $0x1  }
0xbc: {  	[sflag:s29] =	ssyncadd.s32 $0xFFFFFFFF  }
0xbd: {  	_ =	strace $0x90000048  }
0xbe: {  	_ =	sfence  }
0xbf: {  	s30 =	sld [smem:$0x0];
	_ =	sdelay $0x2  }
0xc0: {  	s31 =	sshll.u32 s1, $0xD;
	s1 =	sshrl.u32 s1, $0x2  }
0xc1: {  	s3 =	sand.u32 $0x4000, s31;
	s1 =	sadd.s32 s1, s30  }
0xc2: {  	s0 =	sor.u32 s3, s0;
	s1 =	sshll.u32 s1, $0x11  }
0xc3: {  	s0 =	sor.u32 s1, s0  }
0xc4: {  	s0 =	sadd.s32 $0x8F2B, s0  }
0xc5: {  	[sflag:s0] =	ssyncadd.remote.s32 $0x1  }
0xc6: {  	_ =	sfence.sel $0xFFFF  }
0xc7: {  	[dreg:$0x0] =	wrdreg $0xFFFFFFFF;
	(pc) =	sbr.abs _section_cstart, $3  }
0xc8: {  	[dreg:$0x1] =	wrdreg $0xFFFFFFFF  }
0xc9: {  	_ =	task.clear_ibuf [dreg:s9], $0x2FFFF;
	_ =	strace $0x9FFFFFFF  }
0xca: {  	(tm) =	ssettm $0x7FFFFFFF  }
0xcb: {  	_ =	shalt  }
tec
execute0_lowered:
.L_overlay_start_1:
0x0: {  	(tag) =	ssettag $0x1  }
0x1: {  	s1 =	rddreg [dreg:$0x0]  }
0x2: {  	s0 =	rddreg [dreg:$0x1]  }
0x3: {  	s3 =	rddreg [dreg:$0x3];
	s2 =	simm.s32 $0x0  }
0x4: {  	s12 =	srdreg.scid;
	s4 =	stileid.u32;
	s28 =	simm.s32 $0x5  }
0x5: {  	s29 =	simm.s32 $0x6;
	s30 =	simm.s32 $0x7;
	s31 =	simm.s32 $0x8  }
0x6: {  	[smem:$0x7FF] =	sst s2;
	s2 =	sand.u32 $0x1, s12;
	s4 =	sshll.u32 s4, $0x1  }
0x7: {  	s6 =	sadd.s32 $0x1C00, s0;
	s0 =	sadd.s32 $0x1A00, s0;
	_ =	strace $0x80000047  }
0x8: {  	s5 =	ssub.s32 $0x2, s2;
	s2 =	sor.u32 s2, s4;
	[dreg:$0x5] =	wrdreg s0  }
0x9: {  	s4 =	sand.u32 $0x10, s4;
	s13 =	sshrl.u32 s5, $0x1;
	s8 =	smul.u32 $0xF5, s2  }
0xa: {  	[dreg:$0x6] =	wrdreg s4;
	s14 =	sand.u32 $0xF, s2;
	s15 =	sadd.s32 $0x1, s2  }
0xb: {  	s2 =	smul.u32 $0x7A80, s2;
	s0 =	ssub.s32 s5, s13;
	s9 =	sand.u32 $0x30, s15  }
0xc: {  	s5 =	sand.u32 $0xF, s15;
	s7 =	smin.u32 s8, $0x1D90;
	[dreg:$0x7] =	wrdreg s9  }
0xd: {  	s2 =	sadd.s32 s1, s2;
	s16 =	sadd.s32 $0x1, s8;
	s17 =	sadd.s32 $0x2, s8  }
0xe: {  	s20 =	sadd.s32 $0x3, s8;
	s23 =	sadd.s32 $0x4, s8;
	s24 =	sadd.s32 $0x5, s8  }
0xf: {  	s13 =	sadd.s32 $0x6, s8;
	s11 =	sadd.s32 $0xF5, s7;
	[dreg:$0x8] =	wrdreg s2  }
0x10: {  	v0 =	vlaneseq.u32;
	s18 =	sshll.u32 s16, $0x7;
	s19 =	sshll.u32 s17, $0x7;
	s22 =	sshll.u32 s20, $0x7  }
0x11: {  	v1 =	vmul.u32 $0x80, v0;
	s10 =	sshll.u32 s23, $0x7;
	s12 =	sshll.u32 s24, $0x7;
	s26 =	sshll.u32 s13, $0x7  }
0x12: {  	s4 =	sadd.s32 s1, s18;
	s21 =	sadd.s32 s1, s19;
	s10 =	sadd.s32 s1, s10  }
0x13: {  	v4 =	vor.u32 $0x1800, v1;
	v5 =	vor.u32 $0x2000, v1;
	s25 =	sadd.s32 s1, s12;
	s19 =	smax.u32 s0, $0x1;
	p0 =	sge.u32 s8, s11  }
0x14: {  	v6 =	vor.u32 $0x2800, v1;
	v7 =	vor.u32 $0x3000, v1;
	v8 =	vor.u32 $0x3800, v1;
	p4 =	sge.u32 s23, s11;
	p5 =	sge.u32 s24, s11;
	[dreg:$0x9] =	wrdreg s4  }
0x15: {  	v9 =	vor.u32 $0x4000, v1;
	v10 =	vor.u32 $0x4800, v1;
	v11 =	vor.u32 $0x5000, v1;
	p6 =	sge.u32 s13, s11;
	s23 =	simm.s32 $0x500;
	[dreg:$0xa] =	wrdreg s21  }
0x16: {  	v12 =	vor.u32 $0x5800, v1;
	v13 =	vor.u32 $0x6000, v1;
	v14 =	vor.u32 $0x6800, v1;
	s24 =	simm.s32 $0x2;
	[dreg:$0xc] =	wrdreg s10;
	s0 =	simm.s32 @!p0 $0x0  }
0x17: {  	v15 =	vor.u32 $0x7000, v1;
	v16 =	vor.u32 $0x7800, v1;
	v17 =	vor.u32 $0x8000, v1;
	[dreg:$0xd] =	wrdreg s25;
	s0 =	simm.s32 @p0 $0x1;
	p0 =	sge.u32 s16, s11  }
0x18: {  	v18 =	vor.u32 $0x8800, v1;
	v19 =	vor.u32 $0x9000, v1;
	v20 =	vor.u32 $0x9800, v1;
	s4 =	sadd.s32 s1, s22;
	[smem:$0x7FA] =	sst s0;
	s0 =	simm.s32 @!p0 $0x0  }
0x19: {  	v21 =	vor.u32 $0xA000, v1;
	v22 =	vor.u32 $0xA800, v1;
	v23 =	vor.u32 $0xB000, v1;
	s10 =	sadd.s32 s1, s26;
	s0 =	simm.s32 @p0 $0x1;
	p0 =	sge.u32 s17, s11  }
0x1a: {  	v24 =	vor.u32 $0xB800, v1;
	v25 =	vor.u32 $0xC000, v1;
	v26 =	vor.u32 $0xC800, v1;
	s21 =	simm.s32 $0xA;
	[smem:$0x7FB] =	sst s0;
	s0 =	simm.s32 @!p0 $0x0  }
0x1b: {  	v27 =	vor.u32 $0xD000, v1;
	v28 =	vor.u32 $0xD800, v1;
	v29 =	vor.u32 $0xE000, v1;
	[dreg:$0xb] =	wrdreg s4;
	s0 =	simm.s32 @p0 $0x1;
	p0 =	sge.u32 s20, s11  }
0x1c: {  	v30 =	vor.u32 $0xE800, v1;
	v31 =	vor.u32 $0xF000, v1;
	v2 =	vmov s14;
	s22 =	simm.s32 $0x1;
	[smem:$0x7FC] =	sst s0;
	s0 =	simm.s32 @!p0 $0x0  }
0x1d: {  	v32 =	vor.u32 $0xF800, v1;
	v3 =	vmov s5;
	vm1 =	veq.s32 v2, v0;
	s25 =	simm.s32 $0x3;
	[dreg:$0xe] =	wrdreg s10;
	s0 =	simm.s32 @p0 $0x1  }
0x1e: {  	v2 =	vor.u32 $0x800, v1;
	vm0 =	veq.s32 v3, v0;
	v3 =	vor.u32 $0x1000, v1;
	s26 =	simm.s32 $0x4;
	[smem:$0x7FD] =	sst s0;
	s0 =	simm.s32 $0x0  }
.LBB2_1:
0x1f: {  	s12 =	simm.s32 $0x0;
	s2 =	rddreg [dreg:$0x5];
	s4 =	simm.s32 $0x480  }
0x20: {  	[tilespmem:s4], [sflag:$0xA] =	stream.linear.gather [hbm4b:s2+s12], $0x80, $0x38;
	[tilespmem:$0x1FD00] =	vst v63  }
0x21: {  	_ =	swait.ge [sflag:s21], $0x80  }
0x22: {  	[sflag:s21] =	ssyncset.done $0x0  }
0x23: {  	s10 =	rddreg [dreg:$0x6];
	[sflag:s21] =	ssyncadd.s32 $0xFFFFFF80  }
0x24: {  	v33 =	vld [tilespmem:s10+$0x480];
	_ =	sdelay $0x2  }
0x25: {  	s13 =	rddreg [dreg:$0x7]  }
0x26: {  	v34 =	vld [tilespmem:s13+$0x480]  }
0x27: {  	v33 =	vxor.u32 $0x80000000, v33  }
0x28: {  	v33 =	vnsel vm1, $0x7FFFFFFF, v33  }
0x29: {  	(xrf0) =	vmax.scan.msk.u32 $0xffff, v33;
	_ =	sdelay $0x1  }
0x2a: {  	v61 =	vxor.u32 $0x80000000, v34  }
0x2b: {  	v33 =	vnsel vm0, $0x7FFFFFFF, v61  }
0x2c: {  	(xrf0) =	vmax.scan.msk.u32 $0xffff, v33;
	_ =	sdelay $0x1  }
0x2d: {  	v62, _, _ =	vpop (xrf0)  }
0x2e: {  	(v2sf) =	vpush v62, $0xF;
	_ =	sdelay $0x2  }
0x2f: {  	v63, _, _ =	vpop (xrf0)  }
0x30: {  	(v2sf) =	vpush v63, $0xF;
	_ =	sdelay $0xa  }
0x31: {  	s4 =	spop (v2sf)  }
0x32: {  	s7 =	sxor.u32 $0x80000000, s4  }
0x33: {  	s2 =	sand.u32 $0xFFFFFFF0, s7  }
0x34: {  	s10 =	rddreg [dreg:$0x2];
	s5 =	sshrl.u32 s2, $0x3  }
0x35: {  	s9 =	spop (v2sf);
	s5 =	sadd.s32 s10, s5  }
0x36: {  	[tilespmem:s12], [sflag:$0xA] =	stream.linear.gather [hbm4b:s5+s12], $0x408, $0x38;
	[tilespmem:$0x1FD00] =	vst v63  }
0x37: {  	_ =	swait.ge [sflag:s21], $0x408  }
0x38: {  	s14 =	sld [smem:$0x7FA]  }
0x39: {  	s13 =	rddreg [dreg:$0x8]  }
0x3a: {  	s15 =	sld [smem:$0x7FB]  }
0x3b: {  	[sflag:s21] =	ssyncset.done $0x0;
	s16 =	sld [smem:$0x7FC]  }
0x3c: {  	s17 =	sld [smem:$0x7FD];
	[sflag:s21] =	ssyncadd.s32 $0xFFFFFBF8;
	p0 =	seq.s32 s14, $0x1  }
0x3d: {  	s5 =	simm.s32 @!p0 $0x400;
	s10 =	simm.s32 @!p0 $0x7A1400;
	s12 =	simm.s32 @!p0 $0x500  }
0x3e: {  	[tilespmem:s12], [sflag:$0x1] =	stream.strided.gather @!p0 [hbm4b:s13+s5], $0x2000, s10, s5, $0x38;
	[tilespmem:$0x1FD00] =	vst v63  }
0x3f: {  	p0 =	seq.s32 s15, $0x1;
	s13 =	rddreg [dreg:$0x9]  }
0x40: {  	s5 =	simm.s32 @!p0 $0x400;
	s10 =	simm.s32 @!p0 $0x7A1400;
	s12 =	simm.s32 @!p0 $0x2500  }
0x41: {  	[tilespmem:s12], [sflag:$0x2] =	stream.strided.gather @!p0 [hbm4b:s13+s5], $0x2000, s10, s5, $0x38;
	[tilespmem:$0x1FD00] =	vst v63  }
0x42: {  	p0 =	seq.s32 s16, $0x1;
	s13 =	rddreg [dreg:$0xa]  }
0x43: {  	s5 =	simm.s32 @!p0 $0x400;
	s10 =	simm.s32 @!p0 $0x7A1400;
	s12 =	simm.s32 @!p0 $0x4500  }
0x44: {  	[tilespmem:s12], [sflag:$0x3] =	stream.strided.gather @!p0 [hbm4b:s13+s5], $0x2000, s10, s5, $0x38;
	[tilespmem:$0x1FD00] =	vst v63  }
0x45: {  	p0 =	seq.s32 s17, $0x1;
	s13 =	rddreg [dreg:$0xb]  }
0x46: {  	s5 =	simm.s32 @!p0 $0x400;
	s10 =	simm.s32 @!p0 $0x7A1400;
	s12 =	simm.s32 @!p0 $0x6500  }
0x47: {  	[tilespmem:s12], [sflag:$0x4] =	stream.strided.gather @!p0 [hbm4b:s13+s5], $0x2000, s10, s5, $0x38;
	[tilespmem:$0x1FD00] =	vst v63  }
0x48: {  	s5 =	simm.s32 @!p4 $0x400  }
0x49: {  	s10 =	simm.s32 @!p4 $0x7A1400;
	s12 =	simm.s32 @!p4 $0x8500;
	s13 =	rddreg [dreg:$0xc]  }
0x4a: {  	[tilespmem:s12], [sflag:$0x5] =	stream.strided.gather @!p4 [hbm4b:s13+s5], $0x2000, s10, s5, $0x38;
	[tilespmem:$0x1FD00] =	vst v63  }
0x4b: {  	s5 =	simm.s32 @!p5 $0x400  }
0x4c: {  	s10 =	simm.s32 @!p5 $0x7A1400;
	s12 =	simm.s32 @!p5 $0xA500;
	s13 =	rddreg [dreg:$0xd]  }
0x4d: {  	[tilespmem:s12], [sflag:$0x6] =	stream.strided.gather @!p5 [hbm4b:s13+s5], $0x2000, s10, s5, $0x38;
	[tilespmem:$0x1FD00] =	vst v63  }
.Ltmp0:
0x4e: {  	s18 =	sshll.u32 s4, $0x6;
	(pc) =	sbr.rel .LBB2_2-.Ltmp0, $4  }
0x4f: {  	s20 =	sxor.u32 $0x80000000, s9;
	s9 =	ssub.s32 $0x0, s2;
	s5 =	simm.s32 @!p6 $0x400  }
0x50: {  	s10 =	simm.s32 @!p6 $0x7A1400;
	s12 =	simm.s32 @!p6 $0xC500;
	s13 =	rddreg [dreg:$0xe]  }
0x51: {  	[tilespmem:s12], [sflag:$0x7] =	stream.strided.gather @!p6 [hbm4b:s13+s5], $0x2000, s10, s5, $0x38;
	[tilespmem:$0x1FD00] =	vst v63  }
0x52: {  	s2 =	smov.u32 s7;
	s5 =	ssub.s32 $0x0, s18;
	s10 =	simm.s32 $0x0  }
.LBB2_33:
0x53: {  	s2 =	smov.u32 @p0 s2  }
.LBB2_34:
0x54: {  	s10 =	sadd.s32 $0x1, s10  }
0x55: {  	p0 =	sne.s32 s10, $0x1F  }
.Ltmp1:
0x56: {  	_ = 	snop;
	(pc) =	sbr.rel @!p0 .LBB2_35-.Ltmp1, $1  }
0x57: {  	_ =	sdelay $0x3  }
.LBB2_2:
0x58: {  	s12 =	sshll.u32 s10, $0x3  }
0x59: {  	s13 =	sadd.s32 s8, s12  }
0x5a: {  	p1 =	sge.u32 s13, s11  }
.Ltmp2:
0x5b: {  	_ = 	snop;
	(pc) =	sbr.rel @p1 .LBB2_6-.Ltmp2, $3  }
0x5c: {  	_ =	sdelay $0x1  }
0x5d: {  	s12 =	sadd.s32 $0x7, s13  }
0x5e: {  	p0 =	sge.u32 s12, s11  }
0x5f: {  	_ =	swait.ge [sflag:s22], $0x2000;
	p1 =	sgt.u32 @!p0 s13, $0x1E7C  }
0x60: {  	[sflag:s22] =	ssyncset.done $0x0;
	p2 =	por !p1, p0;
	p1 =	por p1, p0  }
0x61: {  	[sflag:s22] =	ssyncadd.s32 $0xFFFFE000;
	s14 =	simm.s32 @!p2 $0x0;
	s15 =	simm.s32 @!p2 $0xE500  }
0x62: {  	[tilespmem:s15], [sflag:$0x8] =	stream.linear.gather @!p2 [hbm4b:s6+s14], $0x2000, $0x38;
	[tilespmem:$0x1FD00] =	vst v63  }
0x63: {  	s16 =	simm.s32 @!p1 $0x7A1400;
	s14 =	sshll.u32 @!p1 s12, $0x7  }
0x64: {  	s17 =	simm.s32 @!p1 $0xE500;
	s15 =	simm.s32 @!p1 $0x400;
	s14 =	sadd.s32 @!p1 s1, s14  }
0x65: {  	[tilespmem:s17], [sflag:$0x8] =	stream.strided.gather @!p1 [hbm4b:s14+s15], $0x2000, s16, s15, $0x38;
	[tilespmem:$0x1FD00] =	vst v63  }
0x66: {  	s18 =	sshll.u32 s2, $0x6;
	s14 =	sshll.u32 s13, $0x7  }
0x67: {  	s16 =	sadd.s32 s18, s5;
	s15 =	sadd.s32 $0x80, s14  }
.LBB2_4:
0x68: {  	s17 =	sadd.s32 s2, s9  }
0x69: {  	s17 =	sand.u32 $0xFFFFFFF0, s17  }
0x6a: {  	v33 =	vld [tilespmem:s17+$0x0];
	_ =	sdelay $0x2  }
0x6b: {  	s18 =	sand.u32 $0xF, s2  }
0x6c: {  	v34 =	vmov s18  }
0x6d: {  	vm2 =	veq.s32 v34, v0;
	v33 =	vxor.u32 $0x80000000, v33  }
0x6e: {  	v33 =	vnsel vm2, $0x7FFFFFFF, v33  }
0x6f: {  	(xrf0) =	vmax.scan.msk.u32 $0xffff, v33;
	_ =	sdelay $0x5  }
0x70: {  	v33, _, _ =	vpop (xrf0)  }
0x71: {  	(v2sf) =	vpush v33, $0xF;
	_ =	sdelay $0xe  }
0x72: {  	s18 =	spop (v2sf)  }
0x73: {  	p1 =	sge.s32 s2, s20;
	s17 =	sxor.u32 $0x80000000, s18  }
0x74: {  	p2 =	sge.s32 @!p1 s17, s15  }
0x75: {  	p2 =	por p1, p2  }
.Ltmp3:
0x76: {  	_ = 	snop;
	(pc) =	sbr.rel @p2 .LBB2_5-.Ltmp3, $1  }
0x77: {  	_ =	sdelay $0x3  }
0x78: {  	s17 =	ssub.s32 s17, s14  }
0x79: {  	v33 =	vadd.s32 s17, v1;
	_ =	sdelay $0x4  }
0x7a: {  	v33 =	vld.idx.msk [tilespmem:v33+s23+$0x0], $0xffff  }
0x7b: {  	v34 =	vadd.s32 s17, v2;
	_ =	sdelay $0x2  }
0x7c: {  	s18 =	sand.u32 $0xFFFFFFC0, s16  }
0x7d: {  	[tilespmem:s18+$0x10500] =	vst v33  }
0x7e: {  	v33 =	vld.idx.msk [tilespmem:v34+s23+$0x0], $0xffff  }
0x7f: {  	v62 =	vadd.s32 s17, v3;
	_ =	sdelay $0x2  }
0x80: {  	s18 =	sadd.s32 $0x10500, s18  }
0x81: {  	[tilespmem:s18+$0x10] =	vst v33  }
0x82: {  	v33 =	vld.idx.msk [tilespmem:v62+s23+$0x0], $0xffff  }
0x83: {  	v63 =	vadd.s32 s17, v4;
	_ =	sdelay $0x3  }
0x84: {  	[tilespmem:s18+$0x20] =	vst v33  }
0x85: {  	v33 =	vld.idx.msk [tilespmem:v63+s23+$0x0], $0xffff  }
.Ltmp4:
0x86: {  	_ = 	snop;
	(pc) =	sbr.rel .LBB2_4-.Ltmp4, $2  }
0x87: {  	_ =	sdelay $0x2  }
0x88: {  	s2 =	sadd.s32 $0x1, s2;
	s16 =	sadd.s32 $0x40, s16;
	[tilespmem:s18+$0x30] =	vst v33  }
.LBB2_5:
0x89: {  	s2 =	smov.u32 @p1 s2  }
.LBB2_6:
0x8a: {  	s15 =	sadd.s32 $0x1, s13  }
0x8b: {  	p1 =	sge.u32 s15, s11  }
.Ltmp5:
0x8c: {  	_ = 	snop;
	(pc) =	sbr.rel @p1 .LBB2_10-.Ltmp5, $1  }
0x8d: {  	_ =	sdelay $0x3  }
0x8e: {  	s14 =	sadd.s32 $0x8, s13  }
0x8f: {  	p1 =	sge.u32 s14, s11  }
0x90: {  	_ =	swait.ge [sflag:s24], $0x2000;
	p2 =	sgt.u32 @!p1 s13, $0x1E7B  }
0x91: {  	[sflag:s24] =	ssyncset.done $0x0;
	p3 =	por !p2, p1  }
0x92: {  	[sflag:s24] =	ssyncadd.s32 $0xFFFFE000;
	p1 =	por p2, p1;
	s16 =	simm.s32 @!p3 $0x0  }
0x93: {  	s17 =	simm.s32 @!p3 $0x500;
	s14 =	sshll.u32 @!p1 s14, $0x7;
	s18 =	simm.s32 @!p1 $0x500  }
0x94: {  	[tilespmem:s17], [sflag:$0x1] =	stream.linear.gather @!p3 [hbm4b:s6+s16], $0x2000, $0x38;
	[tilespmem:$0x1FD00] =	vst v63  }
0x95: {  	s14 =	sadd.s32 @!p1 s1, s14;
	s16 =	simm.s32 @!p1 $0x400;
	s17 =	simm.s32 @!p1 $0x7A1400  }
0x96: {  	[tilespmem:s18], [sflag:$0x1] =	stream.strided.gather @!p1 [hbm4b:s14+s16], $0x2000, s17, s16, $0x38;
	[tilespmem:$0x1FD00] =	vst v63  }
0x97: {  	s17 =	sshll.u32 s13, $0x7;
	s18 =	sshll.u32 s2, $0x6  }
0x98: {  	s15 =	sshll.u32 s15, $0x7;
	s14 =	sadd.s32 $0x100, s17;
	s16 =	sadd.s32 s18, s5  }
.LBB2_8:
0x99: {  	s17 =	sadd.s32 s2, s9  }
0x9a: {  	s17 =	sand.u32 $0xFFFFFFF0, s17  }
0x9b: {  	v33 =	vld [tilespmem:s17+$0x0];
	_ =	sdelay $0x2  }
0x9c: {  	s18 =	sand.u32 $0xF, s2  }
0x9d: {  	v34 =	vmov s18  }
0x9e: {  	vm2 =	veq.s32 v34, v0;
	v33 =	vxor.u32 $0x80000000, v33  }
0x9f: {  	v33 =	vnsel vm2, $0x7FFFFFFF, v33  }
0xa0: {  	(xrf0) =	vmax.scan.msk.u32 $0xffff, v33;
	_ =	sdelay $0x5  }
0xa1: {  	v33, _, _ =	vpop (xrf0)  }
0xa2: {  	(v2sf) =	vpush v33, $0xF;
	_ =	sdelay $0xe  }
0xa3: {  	s18 =	spop (v2sf)  }
0xa4: {  	p1 =	sge.s32 s2, s20;
	s17 =	sxor.u32 $0x80000000, s18  }
0xa5: {  	p2 =	sge.s32 @!p1 s17, s14  }
0xa6: {  	p2 =	por p1, p2  }
.Ltmp6:
0xa7: {  	_ = 	snop;
	(pc) =	sbr.rel @p2 .LBB2_9-.Ltmp6, $1  }
0xa8: {  	_ =	sdelay $0x3  }
0xa9: {  	s17 =	ssub.s32 s17, s15  }
0xaa: {  	v33 =	vadd.s32 s17, v5;
	_ =	sdelay $0x4  }
0xab: {  	v33 =	vld.idx.msk [tilespmem:v33+s23+$0x0], $0xffff  }
0xac: {  	v34 =	vadd.s32 s17, v6;
	_ =	sdelay $0x2  }
0xad: {  	s18 =	sand.u32 $0xFFFFFFC0, s16  }
0xae: {  	[tilespmem:s18+$0x10500] =	vst v33  }
0xaf: {  	v33 =	vld.idx.msk [tilespmem:v34+s23+$0x0], $0xffff  }
0xb0: {  	v62 =	vadd.s32 s17, v7;
	_ =	sdelay $0x2  }
0xb1: {  	s18 =	sadd.s32 $0x10500, s18  }
0xb2: {  	[tilespmem:s18+$0x10] =	vst v33  }
0xb3: {  	v33 =	vld.idx.msk [tilespmem:v62+s23+$0x0], $0xffff  }
0xb4: {  	v63 =	vadd.s32 s17, v8;
	_ =	sdelay $0x3  }
0xb5: {  	[tilespmem:s18+$0x20] =	vst v33  }
0xb6: {  	v33 =	vld.idx.msk [tilespmem:v63+s23+$0x0], $0xffff  }
.Ltmp7:
0xb7: {  	_ = 	snop;
	(pc) =	sbr.rel .LBB2_8-.Ltmp7, $2  }
0xb8: {  	_ =	sdelay $0x2  }
0xb9: {  	s2 =	sadd.s32 $0x1, s2;
	s16 =	sadd.s32 $0x40, s16;
	[tilespmem:s18+$0x30] =	vst v33  }
.LBB2_9:
0xba: {  	s2 =	smov.u32 @p1 s2  }
.LBB2_10:
0xbb: {  	s15 =	sadd.s32 $0x2, s13  }
0xbc: {  	p1 =	sge.u32 s15, s11  }
.Ltmp8:
0xbd: {  	_ = 	snop;
	(pc) =	sbr.rel @p1 .LBB2_14-.Ltmp8, $1  }
0xbe: {  	_ =	sdelay $0x3  }
0xbf: {  	s14 =	sadd.s32 $0x9, s13  }
0xc0: {  	p1 =	sge.u32 s14, s11  }
0xc1: {  	_ =	swait.ge [sflag:s25], $0x2000;
	p2 =	sgt.u32 @!p1 s13, $0x1E7A  }
0xc2: {  	[sflag:s25] =	ssyncset.done $0x0;
	p3 =	por !p2, p1  }
0xc3: {  	[sflag:s25] =	ssyncadd.s32 $0xFFFFE000;
	p1 =	por p2, p1;
	s16 =	simm.s32 @!p3 $0x0  }
0xc4: {  	s17 =	simm.s32 @!p3 $0x2500;
	s14 =	sshll.u32 @!p1 s14, $0x7;
	s18 =	simm.s32 @!p1 $0x2500  }
0xc5: {  	[tilespmem:s17], [sflag:$0x2] =	stream.linear.gather @!p3 [hbm4b:s6+s16], $0x2000, $0x38;
	[tilespmem:$0x1FD00] =	vst v63  }
0xc6: {  	s14 =	sadd.s32 @!p1 s1, s14;
	s16 =	simm.s32 @!p1 $0x400;
	s17 =	simm.s32 @!p1 $0x7A1400  }
0xc7: {  	[tilespmem:s18], [sflag:$0x2] =	stream.strided.gather @!p1 [hbm4b:s14+s16], $0x2000, s17, s16, $0x38;
	[tilespmem:$0x1FD00] =	vst v63  }
0xc8: {  	s17 =	sshll.u32 s13, $0x7;
	s18 =	sshll.u32 s2, $0x6  }
0xc9: {  	s15 =	sshll.u32 s15, $0x7;
	s14 =	sadd.s32 $0x180, s17;
	s16 =	sadd.s32 s18, s5  }
.LBB2_12:
0xca: {  	s17 =	sadd.s32 s2, s9  }
0xcb: {  	s17 =	sand.u32 $0xFFFFFFF0, s17  }
0xcc: {  	v33 =	vld [tilespmem:s17+$0x0];
	_ =	sdelay $0x2  }
0xcd: {  	s18 =	sand.u32 $0xF, s2  }
0xce: {  	v34 =	vmov s18  }
0xcf: {  	vm2 =	veq.s32 v34, v0;
	v33 =	vxor.u32 $0x80000000, v33  }
0xd0: {  	v33 =	vnsel vm2, $0x7FFFFFFF, v33  }
0xd1: {  	(xrf0) =	vmax.scan.msk.u32 $0xffff, v33;
	_ =	sdelay $0x5  }
0xd2: {  	v33, _, _ =	vpop (xrf0)  }
0xd3: {  	(v2sf) =	vpush v33, $0xF;
	_ =	sdelay $0xe  }
0xd4: {  	s18 =	spop (v2sf)  }
0xd5: {  	p1 =	sge.s32 s2, s20;
	s17 =	sxor.u32 $0x80000000, s18  }
0xd6: {  	p2 =	sge.s32 @!p1 s17, s14  }
0xd7: {  	p2 =	por p1, p2  }
.Ltmp9:
0xd8: {  	_ = 	snop;
	(pc) =	sbr.rel @p2 .LBB2_13-.Ltmp9, $1  }
0xd9: {  	_ =	sdelay $0x3  }
0xda: {  	s17 =	ssub.s32 s17, s15  }
0xdb: {  	v33 =	vadd.s32 s17, v9;
	_ =	sdelay $0x4  }
0xdc: {  	v33 =	vld.idx.msk [tilespmem:v33+s23+$0x0], $0xffff  }
0xdd: {  	v34 =	vadd.s32 s17, v10;
	_ =	sdelay $0x2  }
0xde: {  	s18 =	sand.u32 $0xFFFFFFC0, s16  }
0xdf: {  	[tilespmem:s18+$0x10500] =	vst v33  }
0xe0: {  	v33 =	vld.idx.msk [tilespmem:v34+s23+$0x0], $0xffff  }
0xe1: {  	v62 =	vadd.s32 s17, v11;
	_ =	sdelay $0x2  }
0xe2: {  	s18 =	sadd.s32 $0x10500, s18  }
0xe3: {  	[tilespmem:s18+$0x10] =	vst v33  }
0xe4: {  	v33 =	vld.idx.msk [tilespmem:v62+s23+$0x0], $0xffff  }
0xe5: {  	v63 =	vadd.s32 s17, v12;
	_ =	sdelay $0x3  }
0xe6: {  	[tilespmem:s18+$0x20] =	vst v33  }
0xe7: {  	v33 =	vld.idx.msk [tilespmem:v63+s23+$0x0], $0xffff  }
.Ltmp10:
0xe8: {  	_ = 	snop;
	(pc) =	sbr.rel .LBB2_12-.Ltmp10, $2  }
0xe9: {  	_ =	sdelay $0x2  }
0xea: {  	s2 =	sadd.s32 $0x1, s2;
	s16 =	sadd.s32 $0x40, s16;
	[tilespmem:s18+$0x30] =	vst v33  }
.LBB2_13:
0xeb: {  	s2 =	smov.u32 @p1 s2  }
.LBB2_14:
0xec: {  	s15 =	sadd.s32 $0x3, s13  }
0xed: {  	p1 =	sge.u32 s15, s11  }
.Ltmp11:
0xee: {  	_ = 	snop;
	(pc) =	sbr.rel @p1 .LBB2_18-.Ltmp11, $1  }
0xef: {  	_ =	sdelay $0x3  }
0xf0: {  	s14 =	sadd.s32 $0xA, s13  }
0xf1: {  	p1 =	sge.u32 s14, s11  }
0xf2: {  	_ =	swait.ge [sflag:s26], $0x2000;
	p2 =	sgt.u32 @!p1 s13, $0x1E79  }
0xf3: {  	[sflag:s26] =	ssyncset.done $0x0;
	p3 =	por !p2, p1  }
0xf4: {  	[sflag:s26] =	ssyncadd.s32 $0xFFFFE000;
	p1 =	por p2, p1;
	s16 =	simm.s32 @!p3 $0x0  }
0xf5: {  	s17 =	simm.s32 @!p3 $0x4500;
	s14 =	sshll.u32 @!p1 s14, $0x7;
	s18 =	simm.s32 @!p1 $0x4500  }
0xf6: {  	[tilespmem:s17], [sflag:$0x3] =	stream.linear.gather @!p3 [hbm4b:s6+s16], $0x2000, $0x38;
	[tilespmem:$0x1FD00] =	vst v63  }
0xf7: {  	s14 =	sadd.s32 @!p1 s1, s14;
	s16 =	simm.s32 @!p1 $0x400;
	s17 =	simm.s32 @!p1 $0x7A1400  }
0xf8: {  	[tilespmem:s18], [sflag:$0x3] =	stream.strided.gather @!p1 [hbm4b:s14+s16], $0x2000, s17, s16, $0x38;
	[tilespmem:$0x1FD00] =	vst v63  }
0xf9: {  	s17 =	sshll.u32 s13, $0x7;
	s18 =	sshll.u32 s2, $0x6  }
0xfa: {  	s15 =	sshll.u32 s15, $0x7;
	s14 =	sadd.s32 $0x200, s17;
	s16 =	sadd.s32 s18, s5  }
.LBB2_16:
0xfb: {  	s17 =	sadd.s32 s2, s9  }
0xfc: {  	s17 =	sand.u32 $0xFFFFFFF0, s17  }
0xfd: {  	v33 =	vld [tilespmem:s17+$0x0];
	_ =	sdelay $0x2  }
0xfe: {  	s18 =	sand.u32 $0xF, s2  }
0xff: {  	v34 =	vmov s18  }
0x100: {  	vm2 =	veq.s32 v34, v0;
	v33 =	vxor.u32 $0x80000000, v33  }
0x101: {  	v33 =	vnsel vm2, $0x7FFFFFFF, v33  }
0x102: {  	(xrf0) =	vmax.scan.msk.u32 $0xffff, v33;
	_ =	sdelay $0x5  }
0x103: {  	v33, _, _ =	vpop (xrf0)  }
0x104: {  	(v2sf) =	vpush v33, $0xF;
	_ =	sdelay $0xe  }
0x105: {  	s18 =	spop (v2sf)  }
0x106: {  	p1 =	sge.s32 s2, s20;
	s17 =	sxor.u32 $0x80000000, s18  }
0x107: {  	p2 =	sge.s32 @!p1 s17, s14  }
0x108: {  	p2 =	por p1, p2  }
.Ltmp12:
0x109: {  	_ = 	snop;
	(pc) =	sbr.rel @p2 .LBB2_17-.Ltmp12, $1  }
0x10a: {  	_ =	sdelay $0x3  }
0x10b: {  	s17 =	ssub.s32 s17, s15  }
0x10c: {  	v33 =	vadd.s32 s17, v13;
	_ =	sdelay $0x4  }
0x10d: {  	v33 =	vld.idx.msk [tilespmem:v33+s23+$0x0], $0xffff  }
0x10e: {  	v34 =	vadd.s32 s17, v14;
	_ =	sdelay $0x2  }
0x10f: {  	s18 =	sand.u32 $0xFFFFFFC0, s16  }
0x110: {  	[tilespmem:s18+$0x10500] =	vst v33  }
0x111: {  	v33 =	vld.idx.msk [tilespmem:v34+s23+$0x0], $0xffff  }
0x112: {  	v62 =	vadd.s32 s17, v15;
	_ =	sdelay $0x2  }
0x113: {  	s18 =	sadd.s32 $0x10500, s18  }
0x114: {  	[tilespmem:s18+$0x10] =	vst v33  }
0x115: {  	v33 =	vld.idx.msk [tilespmem:v62+s23+$0x0], $0xffff  }
0x116: {  	v63 =	vadd.s32 s17, v16;
	_ =	sdelay $0x3  }
0x117: {  	[tilespmem:s18+$0x20] =	vst v33  }
0x118: {  	v33 =	vld.idx.msk [tilespmem:v63+s23+$0x0], $0xffff  }
.Ltmp13:
0x119: {  	_ = 	snop;
	(pc) =	sbr.rel .LBB2_16-.Ltmp13, $2  }
0x11a: {  	_ =	sdelay $0x2  }
0x11b: {  	s2 =	sadd.s32 $0x1, s2;
	s16 =	sadd.s32 $0x40, s16;
	[tilespmem:s18+$0x30] =	vst v33  }
.LBB2_17:
0x11c: {  	s2 =	smov.u32 @p1 s2  }
.LBB2_18:
0x11d: {  	s15 =	sadd.s32 $0x4, s13  }
0x11e: {  	p1 =	sge.u32 s15, s11  }
.Ltmp14:
0x11f: {  	_ = 	snop;
	(pc) =	sbr.rel @p1 .LBB2_22-.Ltmp14, $1  }
0x120: {  	_ =	sdelay $0x3  }
0x121: {  	s14 =	sadd.s32 $0xB, s13  }
0x122: {  	p1 =	sge.u32 s14, s11  }
0x123: {  	_ =	swait.ge [sflag:s28], $0x2000;
	p2 =	sgt.u32 @!p1 s13, $0x1E78  }
0x124: {  	[sflag:s28] =	ssyncset.done $0x0;
	p3 =	por !p2, p1  }
0x125: {  	[sflag:s28] =	ssyncadd.s32 $0xFFFFE000;
	p1 =	por p2, p1;
	s16 =	simm.s32 @!p3 $0x0  }
0x126: {  	s17 =	simm.s32 @!p3 $0x6500;
	s14 =	sshll.u32 @!p1 s14, $0x7;
	s18 =	simm.s32 @!p1 $0x6500  }
0x127: {  	[tilespmem:s17], [sflag:$0x4] =	stream.linear.gather @!p3 [hbm4b:s6+s16], $0x2000, $0x38;
	[tilespmem:$0x1FD00] =	vst v63  }
0x128: {  	s14 =	sadd.s32 @!p1 s1, s14;
	s16 =	simm.s32 @!p1 $0x400;
	s17 =	simm.s32 @!p1 $0x7A1400  }
0x129: {  	[tilespmem:s18], [sflag:$0x4] =	stream.strided.gather @!p1 [hbm4b:s14+s16], $0x2000, s17, s16, $0x38;
	[tilespmem:$0x1FD00] =	vst v63  }
0x12a: {  	s17 =	sshll.u32 s13, $0x7;
	s18 =	sshll.u32 s2, $0x6  }
0x12b: {  	s15 =	sshll.u32 s15, $0x7;
	s14 =	sadd.s32 $0x280, s17;
	s16 =	sadd.s32 s18, s5  }
.LBB2_20:
0x12c: {  	s17 =	sadd.s32 s2, s9  }
0x12d: {  	s17 =	sand.u32 $0xFFFFFFF0, s17  }
0x12e: {  	v33 =	vld [tilespmem:s17+$0x0];
	_ =	sdelay $0x2  }
0x12f: {  	s18 =	sand.u32 $0xF, s2  }
0x130: {  	v34 =	vmov s18  }
0x131: {  	vm2 =	veq.s32 v34, v0;
	v33 =	vxor.u32 $0x80000000, v33  }
0x132: {  	v33 =	vnsel vm2, $0x7FFFFFFF, v33  }
0x133: {  	(xrf0) =	vmax.scan.msk.u32 $0xffff, v33;
	_ =	sdelay $0x5  }
0x134: {  	v33, _, _ =	vpop (xrf0)  }
0x135: {  	(v2sf) =	vpush v33, $0xF;
	_ =	sdelay $0xe  }
0x136: {  	s18 =	spop (v2sf)  }
0x137: {  	p1 =	sge.s32 s2, s20;
	s17 =	sxor.u32 $0x80000000, s18  }
0x138: {  	p2 =	sge.s32 @!p1 s17, s14  }
0x139: {  	p2 =	por p1, p2  }
.Ltmp15:
0x13a: {  	_ = 	snop;
	(pc) =	sbr.rel @p2 .LBB2_21-.Ltmp15, $1  }
0x13b: {  	_ =	sdelay $0x3  }
0x13c: {  	s17 =	ssub.s32 s17, s15  }
0x13d: {  	v33 =	vadd.s32 s17, v17;
	_ =	sdelay $0x4  }
0x13e: {  	v33 =	vld.idx.msk [tilespmem:v33+s23+$0x0], $0xffff  }
0x13f: {  	v34 =	vadd.s32 s17, v18;
	_ =	sdelay $0x2  }
0x140: {  	s18 =	sand.u32 $0xFFFFFFC0, s16  }
0x141: {  	[tilespmem:s18+$0x10500] =	vst v33  }
0x142: {  	v33 =	vld.idx.msk [tilespmem:v34+s23+$0x0], $0xffff  }
0x143: {  	v62 =	vadd.s32 s17, v19;
	_ =	sdelay $0x2  }
0x144: {  	s18 =	sadd.s32 $0x10500, s18  }
0x145: {  	[tilespmem:s18+$0x10] =	vst v33  }
0x146: {  	v33 =	vld.idx.msk [tilespmem:v62+s23+$0x0], $0xffff  }
0x147: {  	v63 =	vadd.s32 s17, v20;
	_ =	sdelay $0x3  }
0x148: {  	[tilespmem:s18+$0x20] =	vst v33  }
0x149: {  	v33 =	vld.idx.msk [tilespmem:v63+s23+$0x0], $0xffff  }
.Ltmp16:
0x14a: {  	_ = 	snop;
	(pc) =	sbr.rel .LBB2_20-.Ltmp16, $2  }
0x14b: {  	_ =	sdelay $0x2  }
0x14c: {  	s2 =	sadd.s32 $0x1, s2;
	s16 =	sadd.s32 $0x40, s16;
	[tilespmem:s18+$0x30] =	vst v33  }
.LBB2_21:
0x14d: {  	s2 =	smov.u32 @p1 s2  }
.LBB2_22:
0x14e: {  	s15 =	sadd.s32 $0x5, s13  }
0x14f: {  	p1 =	sge.u32 s15, s11  }
.Ltmp17:
0x150: {  	_ = 	snop;
	(pc) =	sbr.rel @p1 .LBB2_26-.Ltmp17, $1  }
0x151: {  	_ =	sdelay $0x3  }
0x152: {  	s14 =	sadd.s32 $0xC, s13  }
0x153: {  	p1 =	sge.u32 s14, s11  }
0x154: {  	_ =	swait.ge [sflag:s29], $0x2000;
	p2 =	sgt.u32 @!p1 s13, $0x1E77  }
0x155: {  	[sflag:s29] =	ssyncset.done $0x0;
	p3 =	por !p2, p1  }
0x156: {  	[sflag:s29] =	ssyncadd.s32 $0xFFFFE000;
	p1 =	por p2, p1;
	s16 =	simm.s32 @!p3 $0x0  }
0x157: {  	s17 =	simm.s32 @!p3 $0x8500;
	s14 =	sshll.u32 @!p1 s14, $0x7;
	s18 =	simm.s32 @!p1 $0x8500  }
0x158: {  	[tilespmem:s17], [sflag:$0x5] =	stream.linear.gather @!p3 [hbm4b:s6+s16], $0x2000, $0x38;
	[tilespmem:$0x1FD00] =	vst v63  }
0x159: {  	s14 =	sadd.s32 @!p1 s1, s14;
	s16 =	simm.s32 @!p1 $0x400;
	s17 =	simm.s32 @!p1 $0x7A1400  }
0x15a: {  	[tilespmem:s18], [sflag:$0x5] =	stream.strided.gather @!p1 [hbm4b:s14+s16], $0x2000, s17, s16, $0x38;
	[tilespmem:$0x1FD00] =	vst v63  }
0x15b: {  	s17 =	sshll.u32 s13, $0x7;
	s18 =	sshll.u32 s2, $0x6  }
0x15c: {  	s15 =	sshll.u32 s15, $0x7;
	s14 =	sadd.s32 $0x300, s17;
	s16 =	sadd.s32 s18, s5  }
.LBB2_24:
0x15d: {  	s17 =	sadd.s32 s2, s9  }
0x15e: {  	s17 =	sand.u32 $0xFFFFFFF0, s17  }
0x15f: {  	v33 =	vld [tilespmem:s17+$0x0];
	_ =	sdelay $0x2  }
0x160: {  	s18 =	sand.u32 $0xF, s2  }
0x161: {  	v34 =	vmov s18  }
0x162: {  	vm2 =	veq.s32 v34, v0;
	v33 =	vxor.u32 $0x80000000, v33  }
0x163: {  	v33 =	vnsel vm2, $0x7FFFFFFF, v33  }
0x164: {  	(xrf0) =	vmax.scan.msk.u32 $0xffff, v33;
	_ =	sdelay $0x5  }
0x165: {  	v33, _, _ =	vpop (xrf0)  }
0x166: {  	(v2sf) =	vpush v33, $0xF;
	_ =	sdelay $0xe  }
0x167: {  	s18 =	spop (v2sf)  }
0x168: {  	p1 =	sge.s32 s2, s20;
	s17 =	sxor.u32 $0x80000000, s18  }
0x169: {  	p2 =	sge.s32 @!p1 s17, s14  }
0x16a: {  	p2 =	por p1, p2  }
.Ltmp18:
0x16b: {  	_ = 	snop;
	(pc) =	sbr.rel @p2 .LBB2_25-.Ltmp18, $1  }
0x16c: {  	_ =	sdelay $0x3  }
0x16d: {  	s17 =	ssub.s32 s17, s15  }
0x16e: {  	v33 =	vadd.s32 s17, v21;
	_ =	sdelay $0x4  }
0x16f: {  	v33 =	vld.idx.msk [tilespmem:v33+s23+$0x0], $0xffff  }
0x170: {  	v34 =	vadd.s32 s17, v22;
	_ =	sdelay $0x2  }
0x171: {  	s18 =	sand.u32 $0xFFFFFFC0, s16  }
0x172: {  	[tilespmem:s18+$0x10500] =	vst v33  }
0x173: {  	v33 =	vld.idx.msk [tilespmem:v34+s23+$0x0], $0xffff  }
0x174: {  	v62 =	vadd.s32 s17, v23;
	_ =	sdelay $0x2  }
0x175: {  	s18 =	sadd.s32 $0x10500, s18  }
0x176: {  	[tilespmem:s18+$0x10] =	vst v33  }
0x177: {  	v33 =	vld.idx.msk [tilespmem:v62+s23+$0x0], $0xffff  }
0x178: {  	v63 =	vadd.s32 s17, v24;
	_ =	sdelay $0x3  }
0x179: {  	[tilespmem:s18+$0x20] =	vst v33  }
0x17a: {  	v33 =	vld.idx.msk [tilespmem:v63+s23+$0x0], $0xffff  }
.Ltmp19:
0x17b: {  	_ = 	snop;
	(pc) =	sbr.rel .LBB2_24-.Ltmp19, $2  }
0x17c: {  	_ =	sdelay $0x2  }
0x17d: {  	s2 =	sadd.s32 $0x1, s2;
	s16 =	sadd.s32 $0x40, s16;
	[tilespmem:s18+$0x30] =	vst v33  }
.LBB2_25:
0x17e: {  	s2 =	smov.u32 @p1 s2  }
.LBB2_26:
0x17f: {  	s15 =	sadd.s32 $0x6, s13  }
0x180: {  	p1 =	sge.u32 s15, s11  }
.Ltmp20:
0x181: {  	_ = 	snop;
	(pc) =	sbr.rel @p1 .LBB2_30-.Ltmp20, $1  }
0x182: {  	_ =	sdelay $0x3  }
0x183: {  	s14 =	sadd.s32 $0xD, s13  }
0x184: {  	p1 =	sge.u32 s14, s11  }
0x185: {  	_ =	swait.ge [sflag:s30], $0x2000;
	p2 =	sgt.u32 @!p1 s13, $0x1E76  }
0x186: {  	[sflag:s30] =	ssyncset.done $0x0;
	p3 =	por !p2, p1  }
0x187: {  	[sflag:s30] =	ssyncadd.s32 $0xFFFFE000;
	p1 =	por p2, p1;
	s16 =	simm.s32 @!p3 $0x0  }
0x188: {  	s17 =	simm.s32 @!p3 $0xA500;
	s14 =	sshll.u32 @!p1 s14, $0x7;
	s18 =	simm.s32 @!p1 $0xA500  }
0x189: {  	[tilespmem:s17], [sflag:$0x6] =	stream.linear.gather @!p3 [hbm4b:s6+s16], $0x2000, $0x38;
	[tilespmem:$0x1FD00] =	vst v63  }
0x18a: {  	s14 =	sadd.s32 @!p1 s1, s14;
	s16 =	simm.s32 @!p1 $0x400;
	s17 =	simm.s32 @!p1 $0x7A1400  }
0x18b: {  	[tilespmem:s18], [sflag:$0x6] =	stream.strided.gather @!p1 [hbm4b:s14+s16], $0x2000, s17, s16, $0x38;
	[tilespmem:$0x1FD00] =	vst v63  }
0x18c: {  	s17 =	sshll.u32 s13, $0x7;
	s18 =	sshll.u32 s2, $0x6  }
0x18d: {  	s15 =	sshll.u32 s15, $0x7;
	s14 =	sadd.s32 $0x380, s17;
	s16 =	sadd.s32 s18, s5  }
.LBB2_28:
0x18e: {  	s17 =	sadd.s32 s2, s9  }
0x18f: {  	s17 =	sand.u32 $0xFFFFFFF0, s17  }
0x190: {  	v33 =	vld [tilespmem:s17+$0x0];
	_ =	sdelay $0x2  }
0x191: {  	s18 =	sand.u32 $0xF, s2  }
0x192: {  	v34 =	vmov s18  }
0x193: {  	vm2 =	veq.s32 v34, v0;
	v33 =	vxor.u32 $0x80000000, v33  }
0x194: {  	v33 =	vnsel vm2, $0x7FFFFFFF, v33  }
0x195: {  	(xrf0) =	vmax.scan.msk.u32 $0xffff, v33;
	_ =	sdelay $0x5  }
0x196: {  	v33, _, _ =	vpop (xrf0)  }
0x197: {  	(v2sf) =	vpush v33, $0xF;
	_ =	sdelay $0xe  }
0x198: {  	s18 =	spop (v2sf)  }
0x199: {  	p1 =	sge.s32 s2, s20;
	s17 =	sxor.u32 $0x80000000, s18  }
0x19a: {  	p2 =	sge.s32 @!p1 s17, s14  }
0x19b: {  	p2 =	por p1, p2  }
.Ltmp21:
0x19c: {  	_ = 	snop;
	(pc) =	sbr.rel @p2 .LBB2_29-.Ltmp21, $1  }
0x19d: {  	_ =	sdelay $0x3  }
0x19e: {  	s17 =	ssub.s32 s17, s15  }
0x19f: {  	v33 =	vadd.s32 s17, v25;
	_ =	sdelay $0x4  }
0x1a0: {  	v33 =	vld.idx.msk [tilespmem:v33+s23+$0x0], $0xffff  }
0x1a1: {  	v34 =	vadd.s32 s17, v26;
	_ =	sdelay $0x2  }
0x1a2: {  	s18 =	sand.u32 $0xFFFFFFC0, s16  }
0x1a3: {  	[tilespmem:s18+$0x10500] =	vst v33  }
0x1a4: {  	v33 =	vld.idx.msk [tilespmem:v34+s23+$0x0], $0xffff  }
0x1a5: {  	v62 =	vadd.s32 s17, v27;
	_ =	sdelay $0x2  }
0x1a6: {  	s18 =	sadd.s32 $0x10500, s18  }
0x1a7: {  	[tilespmem:s18+$0x10] =	vst v33  }
0x1a8: {  	v33 =	vld.idx.msk [tilespmem:v62+s23+$0x0], $0xffff  }
0x1a9: {  	v63 =	vadd.s32 s17, v28;
	_ =	sdelay $0x3  }
0x1aa: {  	[tilespmem:s18+$0x20] =	vst v33  }
0x1ab: {  	v33 =	vld.idx.msk [tilespmem:v63+s23+$0x0], $0xffff  }
.Ltmp22:
0x1ac: {  	_ = 	snop;
	(pc) =	sbr.rel .LBB2_28-.Ltmp22, $2  }
0x1ad: {  	_ =	sdelay $0x2  }
0x1ae: {  	s2 =	sadd.s32 $0x1, s2;
	s16 =	sadd.s32 $0x40, s16;
	[tilespmem:s18+$0x30] =	vst v33  }
.LBB2_29:
0x1af: {  	s2 =	smov.u32 @p1 s2  }
.LBB2_30:
.Ltmp23:
0x1b0: {  	(pc) =	sbr.rel @p0 .LBB2_34-.Ltmp23, $1  }
0x1b1: {  	_ =	sdelay $0x3  }
0x1b2: {  	s14 =	sadd.s32 $0xE, s13  }
0x1b3: {  	p0 =	sge.u32 s14, s11  }
0x1b4: {  	_ =	swait.ge [sflag:s31], $0x2000;
	p1 =	sgt.u32 @!p0 s13, $0x1E75  }
0x1b5: {  	[sflag:s31] =	ssyncset.done $0x0;
	p2 =	por !p1, p0  }
0x1b6: {  	[sflag:s31] =	ssyncadd.s32 $0xFFFFE000;
	p0 =	por p1, p0;
	s15 =	simm.s32 @!p2 $0x0  }
0x1b7: {  	s16 =	simm.s32 @!p2 $0xC500;
	s14 =	sshll.u32 @!p0 s14, $0x7;
	s17 =	simm.s32 @!p0 $0xC500  }
0x1b8: {  	[tilespmem:s16], [sflag:$0x7] =	stream.linear.gather @!p2 [hbm4b:s6+s15], $0x2000, $0x38;
	[tilespmem:$0x1FD00] =	vst v63  }
0x1b9: {  	s14 =	sadd.s32 @!p0 s1, s14;
	s15 =	simm.s32 @!p0 $0x400;
	s16 =	simm.s32 @!p0 $0x7A1400  }
0x1ba: {  	[tilespmem:s17], [sflag:$0x7] =	stream.strided.gather @!p0 [hbm4b:s14+s15], $0x2000, s16, s15, $0x38;
	[tilespmem:$0x1FD00] =	vst v63  }
0x1bb: {  	s18 =	sshll.u32 s2, $0x6;
	s17 =	sshll.u32 s13, $0x7  }
0x1bc: {  	s12 =	sshll.u32 s12, $0x7;
	s14 =	sadd.s32 s18, s5;
	s13 =	sadd.s32 $0x400, s17  }
.LBB2_32:
0x1bd: {  	s15 =	sadd.s32 s2, s9  }
0x1be: {  	s15 =	sand.u32 $0xFFFFFFF0, s15  }
0x1bf: {  	v33 =	vld [tilespmem:s15+$0x0];
	_ =	sdelay $0x2  }
0x1c0: {  	s17 =	sand.u32 $0xF, s2  }
0x1c1: {  	v34 =	vmov s17  }
0x1c2: {  	vm2 =	veq.s32 v34, v0;
	v33 =	vxor.u32 $0x80000000, v33  }
0x1c3: {  	v33 =	vnsel vm2, $0x7FFFFFFF, v33  }
0x1c4: {  	(xrf0) =	vmax.scan.msk.u32 $0xffff, v33;
	_ =	sdelay $0x5  }
0x1c5: {  	v33, _, _ =	vpop (xrf0)  }
0x1c6: {  	(v2sf) =	vpush v33, $0xF;
	_ =	sdelay $0xe  }
0x1c7: {  	s18 =	spop (v2sf)  }
0x1c8: {  	p0 =	sge.s32 s2, s20;
	s15 =	sxor.u32 $0x80000000, s18  }
0x1c9: {  	p1 =	sge.s32 @!p0 s15, s13  }
0x1ca: {  	p1 =	por p0, p1  }
.Ltmp24:
0x1cb: {  	_ = 	snop;
	(pc) =	sbr.rel @p1 .LBB2_33-.Ltmp24, $1  }
0x1cc: {  	_ =	sdelay $0x3  }
0x1cd: {  	s15 =	ssub.s32 s15, s12  }
0x1ce: {  	v33 =	vadd.s32 s15, v29;
	_ =	sdelay $0x4  }
0x1cf: {  	v33 =	vld.idx.msk [tilespmem:v33+s23+$0x0], $0xffff  }
0x1d0: {  	v34 =	vadd.s32 s15, v30;
	_ =	sdelay $0x2  }
0x1d1: {  	s16 =	sand.u32 $0xFFFFFFC0, s14  }
0x1d2: {  	[tilespmem:s16+$0x10500] =	vst v33  }
0x1d3: {  	v33 =	vld.idx.msk [tilespmem:v34+s23+$0x0], $0xffff  }
0x1d4: {  	v62 =	vadd.s32 s15, v31;
	_ =	sdelay $0x2  }
0x1d5: {  	s16 =	sadd.s32 $0x10500, s16  }
0x1d6: {  	[tilespmem:s16+$0x10] =	vst v33  }
0x1d7: {  	v33 =	vld.idx.msk [tilespmem:v62+s23+$0x0], $0xffff  }
0x1d8: {  	v63 =	vadd.s32 s15, v32;
	_ =	sdelay $0x3  }
0x1d9: {  	[tilespmem:s16+$0x20] =	vst v33  }
0x1da: {  	v33 =	vld.idx.msk [tilespmem:v63+s23+$0x0], $0xffff  }
.Ltmp25:
0x1db: {  	_ = 	snop;
	(pc) =	sbr.rel .LBB2_32-.Ltmp25, $2  }
0x1dc: {  	_ =	sdelay $0x2  }
0x1dd: {  	s2 =	sadd.s32 $0x1, s2;
	s14 =	sadd.s32 $0x40, s14;
	[tilespmem:s16+$0x30] =	vst v33  }
.LBB2_35:
0x1de: {  	s2 =	ssub.s32 s2, s7;
	s7 =	sshll.u32 s4, $0x3;
	s9 =	simm.s32 $0x0  }
0x1df: {  	s4 =	simm.s32 $0x40;
	p0 =	sle.s32 s2, $0x0;
	s5 =	sadd.s32 $0x8, s7  }
0x1e0: {  	s10 =	sand.u32 @!p0 $0x1FFFFFF8, s7;
	s12 =	sand.u32 @!p0 $0xFFC0, s9;
	s7 =	simm.s32 $0x1  }
0x1e1: {  	s9 =	sadd.s32 @!p0 s3, s10;
	s10 =	sadd.s32 @!p0 $0x10500, s12;
	s12 =	simm.s32 @!p0 $0x0  }
.LBB2_36:
0x1e2: {  	[hbm4b:s9+s12] =	stream.linear.scatter @!p0 [tilespmem:s10], [sflag:$0x9], $0x40, $0x38;
	[tilespmem:$0x1FD00] =	vst v63  }
0x1e3: {  	s9 =	smov.u32 s4;
	s4 =	sadd.s32 $0x40, s4  }
0x1e4: {  	p1 =	sne.s32 s4, $0xF800  }
.Ltmp26:
0x1e5: {  	(pc) =	sbr.rel @p1 .LBB2_36-.Ltmp26, $4  }
0x1e6: {  	s10 =	smov.u32 s5  }
0x1e7: {  	p0 =	sge.s32 s7, s2;
	s5 =	sadd.s32 $0x8, s5  }
0x1e8: {  	s7 =	sadd.s32 $0x1, s7;
	s10 =	sand.u32 @!p0 $0x1FFFFFF8, s10;
	s12 =	sand.u32 @!p0 $0xFFC0, s9  }
0x1e9: {  	s9 =	sadd.s32 @!p0 s3, s10;
	s10 =	sadd.s32 @!p0 $0x10500, s12;
	s12 =	simm.s32 @!p0 $0x0  }
0x1ea: {  	[hbm4b:s9+s12] =	stream.linear.scatter @!p0 [tilespmem:s10], [sflag:$0x9], $0x40, $0x38;
	[tilespmem:$0x1FD00] =	vst v63  }
0x1eb: {  	p0 =	sle.s32 s2, $0x0  }
0x1ec: {  	s5 =	simm.s32 @!p0 $0x9  }
0x1ed: {  	_ =	swait.ge @!p0 [sflag:s5], $0x40  }
0x1ee: {  	s4 =	simm.s32 $0x1;
	[sflag:s5] =	ssyncset.done @!p0 $0x0  }
.LBB2_38:
0x1ef: {  	[sflag:s5] =	ssyncadd.s32 @!p0 $0xFFFFFFC0;
	s5 =	smov.u32 s4;
	s4 =	sadd.s32 $0x1, s4  }
0x1f0: {  	p1 =	sne.s32 s4, $0x3E0  }
.Ltmp27:
0x1f1: {  	(pc) =	sbr.rel @p1 .LBB2_38-.Ltmp27, $4  }
0x1f2: {  	p0 =	sge.s32 s5, s2  }
0x1f3: {  	s5 =	simm.s32 @!p0 $0x9  }
0x1f4: {  	_ =	swait.ge @!p0 [sflag:s5], $0x40  }
0x1f5: {  	[sflag:s5] =	ssyncset.done @!p0 $0x0  }
0x1f6: {  	s0 =	sadd.s32 $0x1, s0  }
0x1f7: {  	p1 =	sne.s32 s0, s19  }
.Ltmp28:
0x1f8: {  	_ = 	snop;
	(pc) =	sbr.rel @p1 .LBB2_1-.Ltmp28, $2  }
0x1f9: {  	_ =	sdelay $0x2  }
0x1fa: {  	[sflag:s5] =	ssyncadd.s32 @!p0 $0xFFFFFFC0  }
0x1fb: {  	_ =	sfence.sel $0x180000  }
0x1fc: {  	[bflag:$0x0] =	sbarrier.arrive $0xFFFF  }
0x1fd: {  	_ =	strace $0x90000047  }
0x1fe: {  	s0 =	stileid.u32;
	[bflag:$0x2] =	sbarrier.arrive $0xFFFF  }
0x1ff: {  	p0 =	sne.s32 s0, $0x0;
	s0 =	rddreg [dreg:$0x4]  }
0x200: {  	s0 =	sadd.s32 @!p0 $0x100000, s0  }
0x201: {  	[sflag:s0] =	ssyncadd.tile.s32 @!p0 $0x1;
	_ =	shalt  }
.Lfunc_end2:
_tile_overlayer_lowered:
.L_overlay_start_2:
0x202: {  	(tag) =	ssettag $0x2  }
0x203: {  	s0 =	rddreg [dreg:$0x0];
	s2 =	stileid.u32  }
0x204: {  	s1 =	rddreg [dreg:$0x1];
	p0 =	sne.s32 s2, $0x0  }
0x205: {  	s3 =	rddreg [dreg:$0x2];
	[bflag:$0x3] =	sbarrier.arrive $0xFFFF;
	s2 =	simm.s32 @!p0 $0x1C0A  }
0x206: {  	[timem:s3], [sflag:s2] =	dma.local @!p0 [hbm:s0], s1  }
0x207: {  	s0 =	simm.s32 @!p0 $0xA  }
0x208: {  	_ =	swait.ge @!p0 [sflag:s0], s1  }
0x209: {  	s1 =	ssub.s32 @!p0 $0x0, s1;
	[sflag:s0] =	ssyncset.done @!p0 $0x0  }
0x20a: {  	[sflag:s0] =	ssyncadd.s32 @!p0 s1  }
0x20b: {  	[bflag:$0x3] =	sbarrier.arrive $0xFFFF  }
0x20c: {  	_ =	shalt  }

// kernel: kernel.8.cloned.1.call-start
scs
__scs_entry_jumppad:
0x0: {  	(pc) =	sbr.rel $0x88, $3  }
0x1: {  	(tag) =	ssettag $0x0;
	lr =	simm.s32 $0x1  }
0x2: {  	[smem:$0x3F9B] =	sst lr;
	_ =	strace $0xD0000000  }
0x3: {  	_ = 	snop  }
0x4: {  	_ = 	snop  }
0x5: {  	_ = 	snop  }
0x6: {  	_ = 	snop  }
0x7: {  	_ = 	snop  }
__scs_overlays_trampoline_lowered:
0x8: {  	[smem:$0x3FAA] =	sst s0  }
0x9: {  	[smem:$0x3FAB] =	sst s1  }
0xa: {  	[smem:$0x3FAC] =	sst s2  }
0xb: {  	[smem:$0x3FAD] =	sst s3  }
0xc: {  	[smem:$0x3FAE] =	sst s4  }
0xd: {  	[smem:$0x3FAF] =	sst s5  }
0xe: {  	[smem:$0x3FB0] =	sst s6  }
0xf: {  	[smem:$0x3FB1] =	sst s7  }
0x10: {  	[smem:$0x3FB2] =	sst s8  }
0x11: {  	[smem:$0x3FB3] =	sst s9;
	s0 =	simm.s32 @!p0 $0x0  }
0x12: {  	s1 =	sld [smem:$0x3F99];
	s0 =	simm.s32 @p0 $0x1  }
0x13: {  	[smem:$0x3FB4] =	sst s0;
	s0 =	simm.s32 @!p1 $0x0  }
0x14: {  	s2 =	sld [smem:$0x3F98];
	s0 =	simm.s32 @p1 $0x1  }
0x15: {  	[smem:$0x3FB5] =	sst s0;
	s0 =	simm.s32 @!p2 $0x0  }
0x16: {  	s3 =	sld [smem:$0x3FDB];
	s0 =	simm.s32 @p2 $0x1  }
0x17: {  	s4 =	simm.s32 $0x1BF5;
	[smem:$0x3FB7] =	sst s0  }
0x18: {  	s0 =	sld [smem:$0x3F9A];
	_ =	swait.ge [sflag:s4], $0x0  }
0x19: {  	s7 =	sld [smem:$0x3F9B]  }
0x1a: {  	s8 =	sadd.s32 $0xFFFFE003, lr  }
0x1b: {  	s9 =	sadd.s32 $0xFFFFFEF7, lr;
	s5 =	simm.s32 $0xFFFFFFFF;
	p2 =	slt.u32 s8, $0xFFFFF086  }
0x1c: {  	p1 =	slt.u32 s9, $0xF7A;
	s5 =	simm.s32 @!p2 $0x0  }
0x1d: {  	s5 =	simm.s32 @p1 $0x1;
	p0 =	seq.s32 s7, s2  }
0x1e: {  	s7 =	smul.u32 @!p0 $0xF7A, s2;
	p2 =	seq.s32 @!p0 s5, $0x0  }
0x1f: {  	s9 =	smul.u32 $0xF7A, s1;
	s8 =	simm.s32 @!p0 $0x1BF5;
	p2 =	por !p2, p0  }
0x20: {  	[sflag:s8] =	ssyncset.s32 @!p0 $0xFFFFF086;
	s6 =	sadd.s32 @!p0 s3, s7;
	s7 =	simm.s32 @!p0 $0x108  }
0x21: {  	s3 =	sadd.s32 s3, s9;
	s6 =	sadd.s32 @!p0 $0x88, s6;
	s7 =	simm.s32 @p2 $0x1082  }
0x22: {  	[simem:s7], [sflag:s8] =	dma.local @!p0 [hbm:s6], $0xF7A  }
0x23: {  	s9 =	sor.u32 $0xD0000000, s2;
	s6 =	simm.s32 $0x108;
	_ =	swait.ge @!p0 [sflag:s8], $0x0  }
0x24: {  	s3 =	sadd.s32 $0x88, s3;
	s6 =	simm.s32 @!p1 $0x1082;
	[sflag:s4] =	ssyncset.s32 $0xFFFFF086  }
0x25: {  	[simem:s6], [sflag:s4] =	dma.local [hbm:s3], $0xF7A  }
0x26: {  	[smem:$0x3F9B] =	sst s1;
	(tag) =	ssettag s2;
	_ =	strace s9  }
0x27: {  	s1 =	sld [smem:$0x3FAB]  }
0x28: {  	s2 =	sld [smem:$0x3FAC]  }
0x29: {  	s4 =	sld [smem:$0x3FAE]  }
0x2a: {  	p0 =	seq.s32 s5, $0x0;
	s5 =	sld [smem:$0x3FAF]  }
0x2b: {  	s6 =	sld [smem:$0x3FB0]  }
0x2c: {  	s7 =	sld [smem:$0x3FB1]  }
0x2d: {  	s3 =	simm.s32 $0x108;
	s8 =	sld [smem:$0x3FB2]  }
0x2e: {  	s3 =	simm.s32 @!p0 $0x1082;
	s9 =	sld [smem:$0x3FB3]  }
0x2f: {  	lr =	sadd.s32 s0, s3;
	s0 =	sld [smem:$0x3FAA]  }
0x30: {  	s3 =	sld [smem:$0x3FAD]  }
0x31: {  	[smem:$0x3FB6] =	sst s10  }
0x32: {  	s10 =	sld [smem:$0x3FB4];
	_ =	sdelay $0x3  }
0x33: {  	p0 =	seq.s32 s10, $0x1;
	s10 =	sld [smem:$0x3FB6];
	_ =	sdelay $0x3  }
0x34: {  	[smem:$0x3FB6] =	sst s10  }
0x35: {  	s10 =	sld [smem:$0x3FB5];
	_ =	sdelay $0x3  }
0x36: {  	p1 =	seq.s32 s10, $0x1;
	s10 =	sld [smem:$0x3FB6];
	_ =	sdelay $0x3  }
0x37: {  	[smem:$0x3FB6] =	sst s10  }
0x38: {  	s10 =	sld [smem:$0x3FB7]  }
0x39: {  	_ = 	snop;
	(pc) =	sbr.ind lr, $3  }
0x3a: {  	_ = 	snop  }
0x3b: {  	_ = 	snop  }
0x3c: {  	p2 =	seq.s32 s10, $0x1;
	s10 =	sld [smem:$0x3FB6]  }
0x3d: {  	_ =	shalt  }
0x3e: {  	_ =	shalt  }
0x3f: {  	_ =	shalt  }
0x40: {  	_ =	shalt  }
0x41: {  	_ =	shalt  }
0x42: {  	_ =	shalt  }
0x43: {  	_ =	shalt  }
0x44: {  	_ =	shalt  }
0x45: {  	_ =	shalt  }
0x46: {  	_ =	shalt  }
0x47: {  	_ =	shalt  }
0x48: {  	_ =	shalt  }
0x49: {  	_ =	shalt  }
0x4a: {  	_ =	shalt  }
0x4b: {  	_ =	shalt  }
0x4c: {  	_ =	shalt  }
0x4d: {  	_ =	shalt  }
0x4e: {  	_ =	shalt  }
0x4f: {  	_ =	shalt  }
0x50: {  	_ =	shalt  }
0x51: {  	_ =	shalt  }
0x52: {  	_ =	shalt  }
0x53: {  	_ =	shalt  }
0x54: {  	_ =	shalt  }
0x55: {  	_ =	shalt  }
0x56: {  	_ =	shalt  }
0x57: {  	_ =	shalt  }
0x58: {  	_ =	shalt  }
0x59: {  	_ =	shalt  }
0x5a: {  	_ =	shalt  }
0x5b: {  	_ =	shalt  }
0x5c: {  	_ =	shalt  }
0x5d: {  	_ =	shalt  }
0x5e: {  	_ =	shalt  }
0x5f: {  	_ =	shalt  }
0x60: {  	_ =	shalt  }
0x61: {  	_ =	shalt  }
0x62: {  	_ =	shalt  }
0x63: {  	_ =	shalt  }
0x64: {  	_ =	shalt  }
0x65: {  	_ =	shalt  }
0x66: {  	_ =	shalt  }
0x67: {  	_ =	shalt  }
0x68: {  	_ =	shalt  }
0x69: {  	_ =	shalt  }
0x6a: {  	_ =	shalt  }
0x6b: {  	_ =	shalt  }
0x6c: {  	_ =	shalt  }
0x6d: {  	_ =	shalt  }
0x6e: {  	_ =	shalt  }
0x6f: {  	_ =	shalt  }
0x70: {  	_ =	shalt  }
0x71: {  	_ =	shalt  }
0x72: {  	_ =	shalt  }
0x73: {  	_ =	shalt  }
0x74: {  	_ =	shalt  }
0x75: {  	_ =	shalt  }
0x76: {  	_ =	shalt  }
0x77: {  	_ =	shalt  }
0x78: {  	_ =	shalt  }
0x79: {  	_ =	shalt  }
0x7a: {  	_ =	shalt  }
0x7b: {  	_ =	shalt  }
0x7c: {  	_ =	shalt  }
0x7d: {  	_ =	shalt  }
0x7e: {  	_ =	shalt  }
0x7f: {  	_ =	shalt  }
0x80: {  	_ =	shalt  }
0x81: {  	_ =	shalt  }
0x82: {  	_ =	shalt  }
0x83: {  	_ =	shalt  }
0x84: {  	_ =	shalt  }
0x85: {  	_ =	shalt  }
0x86: {  	_ =	shalt  }
0x87: {  	_ =	shalt  }
.Lfunc_end0:
.L_simem_size_0:
called_computation.1_lowered:
.L_overlay_start_0:
0x88: {  	s2 =	sld [smem:$0x3FD9]  }
0x89: {  	s3 =	sld [smem:$0x3FFE];
	_ =	sdelay $0x1  }
0x8a: {  	s1 =	srdreg.scid  }
0x8b: {  	s0 =	sand.u32 $0x1, s1  }
0x8c: {  	s14 =	sshll.u32 s0, $0xA;
	s2 =	sadd.s32 s3, s2  }
0x8d: {  	s2 =	sadd.s32 s2, s14  }
0x8e: {  	[smem:$0x3FC2] =	sst s2  }
0x8f: {  	_ = 	snop  }
0x90: {  	s2 =	sld [smem:$0x3FD0];
	_ =	sdelay $0x2  }
0x91: {  	s15 =	simm.s32 $0xA;
	s4 =	simm.s32 $0x10  }
0x92: {  	[smem:s4], [sflag:s15] =	dma.local [hbm:s2], $0x1  }
0x93: {  	_ =	swait.eq [sflag:s15], $0x1  }
0x94: {  	[sflag:s15] =	ssyncset.done $0x0  }
0x95: {  	[sflag:s15] =	ssyncadd.s32 $0xFFFFFFFF  }
0x96: {  	s16 =	sld [smem:$0x11];
	(tm) =	ssettm $0x1  }
0x97: {  	s17 =	sld [smem:$0x3FFB];
	_ =	sdelay $0x3  }
0x98: {  	_ =	strace s17  }
0x99: {  	s3 =	sld [smem:$0x3FFC];
	_ =	sdelay $0x3  }
0x9a: {  	_ =	strace s3  }
0x9b: {  	s3 =	sld [smem:$0x3FFD];
	_ =	sdelay $0x3  }
0x9c: {  	_ =	strace s3  }
0x9d: {  	_ =	strace $0x8FFFFFFF  }
0x9e: {  	s18 =	sld [smem:$0x3FDB];
	_ =	sdelay $0x1  }
0x9f: {  	s19 =	simm.s32 $_scs_section_size  }
0xa0: {  	s5 =	simm.s32 $_size__tile_overlayer_lowered;
	s6 =	simm.s32 $_tile_overlayer_lowered  }
0xa1: {  	s22 =	simm.s32 $0x1BFF;
	s21 =	sshll.u32 s6, $0x1;
	s3 =	sadd.s32 s19, s18  }
0xa2: {  	s7 =	simm.s32 $0x0;
	s20 =	sshll.u32 s5, $0x1;
	s5 =	sadd.s32 s21, s3  }
0xa3: {  	[timem:s7], [sflag:s22] =	dma.local [hbm:s5], s20  }
0xa4: {  	_ =	swait.ge [sflag:s22], s20  }
0xa5: {  	s4 =	ssub.s32 $0x0, s20;
	[sflag:s22] =	ssyncset.done $0x0  }
0xa6: {  	[sflag:s22] =	ssyncadd.s32 s4;
	_ =	sdelay $0x1  }
0xa7: {  	s23 =	simm.s32 $0x1B8B  }
0xa8: {  	_ =	swait.ge [sflag:s23], $0x1  }
0xa9: {  	[sflag:s23] =	ssyncset.done $0x0  }
0xaa: {  	s25 =	simm.s32 $0x1B8E;
	s24 =	sld [smem:$0x3FFE];
	[sflag:s23] =	ssyncadd.s32 $0xFFFFFFFF  }
0xab: {  	s26 =	simm.s32 $execute0_lowered;
	[smem:$0x3FD2] =	sst s25  }
0xac: {  	s5 =	sshll.u32 s26, $0x1;
	_ =	strace $0x80000049;
	[dreg:$0x1] =	wrdreg $0xFFFFFFFF  }
0xad: {  	s28 =	simm.s32 $_size_execute0_lowered;
	s3 =	sadd.s32 s3, s5;
	[dreg:$0x0] =	wrdreg $0x0  }
0xae: {  	s5 =	sshll.u32 s28, $0x1;
	[dreg:$0x2] =	wrdreg s3  }
0xaf: {  	[dreg:$0x3] =	wrdreg s5  }
0xb0: {  	[dreg:$0x4] =	wrdreg $0xC0  }
0xb1: {  	_ =	task [dreg:s7], $0x5FFFF  }
0xb2: {  	[dreg:$0x1] =	wrdreg $0xFFFFFFFF  }
0xb3: {  	[dreg:$0x0] =	wrdreg $0x60  }
0xb4: {  	[dreg:$0x2] =	wrdreg s16  }
0xb5: {  	[dreg:$0x3] =	wrdreg s24  }
0xb6: {  	[dreg:$0x4] =	wrdreg $0x9  }
0xb7: {  	_ =	task.clear_ibuf [dreg:s7], $0x5FFFF;
	_ =	strace $0x90000049  }
0xb8: {  	s29 =	simm.s32 $0x9;
	_ =	strace $0x8000004B  }
0xb9: {  	_ =	swait.ge [sflag:s29], $0x1  }
0xba: {  	[sflag:s29] =	ssyncadd.s32 $0xFFFFFFFF  }
0xbb: {  	_ =	strace $0x9000004B  }
0xbc: {  	_ =	sfence  }
0xbd: {  	s30 =	sld [smem:$0x0];
	_ =	sdelay $0x2  }
0xbe: {  	s31 =	sshll.u32 s1, $0xD;
	s1 =	sshrl.u32 s1, $0x2  }
0xbf: {  	s3 =	sand.u32 $0x4000, s31;
	s1 =	sadd.s32 s1, s30  }
0xc0: {  	s0 =	sor.u32 s3, s0;
	s1 =	sshll.u32 s1, $0x11  }
0xc1: {  	s0 =	sor.u32 s1, s0  }
0xc2: {  	s0 =	sadd.s32 $0x8F2B, s0  }
0xc3: {  	[sflag:s0] =	ssyncadd.remote.s32 $0x1  }
0xc4: {  	_ =	sfence.sel $0xFFFF  }
0xc5: {  	[dreg:$0x0] =	wrdreg $0xFFFFFFFF;
	(pc) =	sbr.abs _section_cstart, $3  }
0xc6: {  	[dreg:$0x1] =	wrdreg $0xFFFFFFFF  }
0xc7: {  	_ =	task.clear_ibuf [dreg:s7], $0x2FFFF;
	_ =	strace $0x9FFFFFFF  }
0xc8: {  	(tm) =	ssettm $0x7FFFFFFF  }
0xc9: {  	_ =	shalt  }
tec
execute0_lowered:
.L_overlay_start_1:
0x0: {  	(tag) =	ssettag $0x1  }
0x1: {  	s1 =	rddreg [dreg:$0x0]  }
0x2: {  	s4 =	rddreg [dreg:$0x1]  }
0x3: {  	s0 =	rddreg [dreg:$0x2]  }
0x4: {  	s5 =	srdreg.scid;
	s3 =	simm.s32 $0x0;
	s2 =	stileid.u32  }
0x5: {  	s9 =	simm.s32 $0x200;
	s10 =	simm.s32 $0x800;
	s11 =	simm.s32 $0x1  }
0x6: {  	s12 =	simm.s32 $0x280;
	s13 =	simm.s32 $0x2800;
	s14 =	simm.s32 $0x600  }
0x7: {  	s15 =	simm.s32 $0x2;
	s16 =	simm.s32 $0x300;
	s17 =	simm.s32 $0x380  }
0x8: {  	s18 =	simm.s32 $0x400;
	s19 =	simm.s32 $0x480;
	s20 =	simm.s32 $0x500  }
0x9: {  	s21 =	simm.s32 $0x580;
	s22 =	simm.s32 $0x4800;
	s5 =	sand.u32 $0x1, s5  }
0xa: {  	[smem:$0x7FF] =	sst s3;
	s6 =	sshll.u32 s2, $0xA;
	s7 =	sshll.u32 s5, $0x9  }
0xb: {  	s23 =	simm.s32 $0x0;
	_ =	strace $0x8000004A;
	s6 =	sor.u32 s7, s6  }
0xc: {  	s5 =	ssub.s32 $0x2, s5;
	s7 =	sshrl.u32 s6, $0x3;
	s6 =	sshll.u32 s6, $0x4  }
0xd: {  	s31 =	sshrl.u32 s5, $0x1;
	s7 =	sadd.s32 s7, s4;
	s6 =	sadd.s32 s6, s4  }
0xe: {  	s8 =	ssub.s32 s5, s31;
	s4 =	sadd.s32 $0x1200, s7;
	s5 =	sadd.s32 $0x1A00, s6  }
0xf: {  	s6 =	smax.u32 s8, $0x1;
	s7 =	simm.s32 $0x3;
	s8 =	simm.s32 $0x40  }
.LBB2_1:
0x10: {  	[tilespmem:s3], [sflag:$0x3] =	stream.linear.gather [hbm4b:s4+s3], $0x200, $0x38;
	[tilespmem:$0x14800] =	vst v63  }
0x11: {  	_ =	swait.ge [sflag:s7], $0x200  }
0x12: {  	[sflag:s7] =	ssyncset.done $0x0  }
0x13: {  	s24 =	simm.s32 $0x0;
	[sflag:s7] =	ssyncadd.s32 $0xFFFFFE00  }
0x14: {  	s25 =	simm.s32 $0x40;
	v0 =	vld [tilespmem:s24+$0x0]  }
.LBB2_2:
0x15: {  	p0 =	sne.s32 s25, $0x7C0  }
.Ltmp0:
0x16: {  	_ = 	snop;
	(pc) =	sbr.rel @p0 .LBB2_2-.Ltmp0, $3  }
0x17: {  	_ =	sdelay $0x1  }
0x18: {  	s26 =	sshra.s32 s25, $0x2;
	s25 =	sadd.s32 $0x40, s25;
	v1 =	vand.u32 $0x1, v0  }
0x19: {  	v0 =	vld [tilespmem:s26+$0x0];
	[tilespmem:s24+$0x600] =	vst v1;
	s24 =	smov.u32 s26  }
0x1a: {  	_ =	sdelay $0x3  }
0x1b: {  	v0 =	vand.u32 $0x1, v0  }
0x1c: {  	[tilespmem:s24+$0x600] =	vst v0  }
0x1d: {  	v0 =	vld [tilespmem:$0x0]  }
0x1e: {  	v1 =	vld [tilespmem:$0x10]  }
0x1f: {  	v2 =	vld [tilespmem:$0x20]  }
0x20: {  	v3 =	vld [tilespmem:$0x30]  }
0x21: {  	v4 =	vld [tilespmem:$0x40]  }
0x22: {  	v5 =	vld [tilespmem:$0x50];
	v0 =	vshra.s32 v0, $0x1  }
0x23: {  	[tilespmem:$0x200] =	vst v0;
	v0 =	vshra.s32 v1, $0x1;
	v1 =	vld [tilespmem:$0x60]  }
0x24: {  	[tilespmem:$0x210] =	vst v0;
	v0 =	vshra.s32 v2, $0x1;
	v2 =	vld [tilespmem:$0x70]  }
0x25: {  	[tilespmem:$0x220] =	vst v0;
	v0 =	vshra.s32 v3, $0x1;
	v3 =	vld [tilespmem:$0x80]  }
0x26: {  	v54 =	vld [tilespmem:$0x90];
	[tilespmem:$0x230] =	vst v0;
	v0 =	vshra.s32 v4, $0x1  }
0x27: {  	v55 =	vld [tilespmem:$0xA0];
	[tilespmem:$0x280] =	vst v0;
	v0 =	vshra.s32 v5, $0x1  }
0x28: {  	[tilespmem:$0x290] =	vst v0;
	v0 =	vshra.s32 v1, $0x1;
	v1 =	vld [tilespmem:$0xB0]  }
0x29: {  	[tilespmem:$0x2A0] =	vst v0;
	v0 =	vshra.s32 v2, $0x1;
	v2 =	vld [tilespmem:$0xC0]  }
0x2a: {  	[tilespmem:$0x2B0] =	vst v0;
	v0 =	vshra.s32 v3, $0x1;
	v3 =	vld [tilespmem:$0xD0]  }
0x2b: {  	v56 =	vld [tilespmem:$0xE0];
	[tilespmem:$0x300] =	vst v0;
	v0 =	vshra.s32 v54, $0x1  }
0x2c: {  	v57 =	vld [tilespmem:$0xF0];
	[tilespmem:$0x310] =	vst v0;
	v0 =	vshra.s32 v55, $0x1  }
0x2d: {  	[tilespmem:$0x320] =	vst v0;
	v0 =	vshra.s32 v1, $0x1;
	v1 =	vld [tilespmem:$0x100]  }
0x2e: {  	[tilespmem:$0x330] =	vst v0;
	v0 =	vshra.s32 v2, $0x1;
	v2 =	vld [tilespmem:$0x110]  }
0x2f: {  	[tilespmem:$0x380] =	vst v0;
	v0 =	vshra.s32 v3, $0x1;
	v3 =	vld [tilespmem:$0x120]  }
0x30: {  	v58 =	vld [tilespmem:$0x130];
	[tilespmem:$0x390] =	vst v0;
	v0 =	vshra.s32 v56, $0x1  }
0x31: {  	v59 =	vld [tilespmem:$0x140];
	[tilespmem:$0x3A0] =	vst v0;
	v0 =	vshra.s32 v57, $0x1  }
0x32: {  	[tilespmem:$0x3B0] =	vst v0;
	v0 =	vshra.s32 v1, $0x1;
	v1 =	vld [tilespmem:$0x150]  }
0x33: {  	[tilespmem:$0x400] =	vst v0;
	v0 =	vshra.s32 v2, $0x1;
	v2 =	vld [tilespmem:$0x160]  }
0x34: {  	[tilespmem:$0x410] =	vst v0;
	v0 =	vshra.s32 v3, $0x1;
	v3 =	vld [tilespmem:$0x170]  }
0x35: {  	v60 =	vld [tilespmem:$0x180];
	[tilespmem:$0x420] =	vst v0;
	v0 =	vshra.s32 v58, $0x1  }
0x36: {  	v61 =	vld [tilespmem:$0x190];
	[tilespmem:$0x430] =	vst v0;
	v0 =	vshra.s32 v59, $0x1  }
0x37: {  	[tilespmem:$0x480] =	vst v0;
	v0 =	vshra.s32 v1, $0x1;
	v1 =	vld [tilespmem:$0x1A0]  }
0x38: {  	[tilespmem:$0x490] =	vst v0;
	v0 =	vshra.s32 v2, $0x1;
	v2 =	vld [tilespmem:$0x1B0]  }
0x39: {  	[tilespmem:$0x4A0] =	vst v0;
	v0 =	vshra.s32 v3, $0x1;
	v3 =	vld [tilespmem:$0x1C0]  }
0x3a: {  	v62 =	vld [tilespmem:$0x1D0];
	[tilespmem:$0x4B0] =	vst v0;
	v0 =	vshra.s32 v60, $0x1  }
0x3b: {  	v63 =	vld [tilespmem:$0x1E0];
	[tilespmem:$0x500] =	vst v0;
	v0 =	vshra.s32 v61, $0x1  }
0x3c: {  	[tilespmem:$0x510] =	vst v0;
	v0 =	vshra.s32 v1, $0x1;
	v1 =	vld [tilespmem:$0x1F0]  }
0x3d: {  	[tilespmem:$0x520] =	vst v0;
	v0 =	vshra.s32 v2, $0x1  }
0x3e: {  	[tilespmem:$0x530] =	vst v0;
	v0 =	vshra.s32 v3, $0x1  }
0x3f: {  	[tilespmem:$0x580] =	vst v0;
	v0 =	vshra.s32 v62, $0x1  }
0x40: {  	[tilespmem:$0x590] =	vst v0;
	v0 =	vshra.s32 v63, $0x1  }
0x41: {  	[tilespmem:$0x5A0] =	vst v0;
	v0 =	vshra.s32 v1, $0x1  }
0x42: {  	s31 =	simm.s32 $0x0;
	[tilespmem:$0x5B0] =	vst v0  }
0x43: {  	v0 =	vmov s31;
	[tilespmem:s10], [sflag:$0x1] =	stream.indirect.gather [hbm4b:s1+s8], $0x80, s9, s8, $0xb8;
	[tilespmem:$0x14800] =	vst v63  }
0x44: {  	_ =	swait.ge [sflag:s11], $0x2000  }
0x45: {  	[sflag:s11] =	ssyncset.done $0x0  }
0x46: {  	[sflag:s11] =	ssyncadd.s32 $0xFFFFE000  }
0x47: {  	[tilespmem:s13], [sflag:$0x2] =	stream.indirect.gather [hbm4b:s1+s8], $0x80, s12, s8, $0xb8;
	[tilespmem:$0x14800] =	vst v63  }
0x48: {  	s24 =	simm.s32 $0x840;
	v0 =	vld.idx.msk [tilespmem:v0+s14+$0x0], $0xffff  }
0x49: {  	v1 =	vld [tilespmem:s24+$0x0]  }
0x4a: {  	v2 =	vld [tilespmem:s24+$0xFFFFFFC0];
	_ =	sdelay $0x3  }
0x4b: {  	vm0 =	veq.s32 v0, $0x0  }
0x4c: {  	s25 =	simm.s32 $0x4820;
	v0 =	vsel vm0, v2, v1  }
0x4d: {  	[tilespmem:s25+$0xFFFFFFE0] =	vst v0  }
0x4e: {  	v0 =	vld [tilespmem:s24+$0xFFFFFFD0]  }
0x4f: {  	v1 =	vld [tilespmem:s24+$0x10];
	_ =	sdelay $0x4  }
0x50: {  	v0 =	vsel vm0, v0, v1  }
0x51: {  	[tilespmem:s25+$0xFFFFFFF0] =	vst v0  }
0x52: {  	v0 =	vld [tilespmem:s24+$0xFFFFFFE0]  }
0x53: {  	v1 =	vld [tilespmem:s24+$0x20];
	_ =	sdelay $0x4  }
0x54: {  	v0 =	vsel vm0, v0, v1  }
0x55: {  	[tilespmem:s25+$0x0] =	vst v0  }
0x56: {  	v0 =	vld [tilespmem:s24+$0xFFFFFFF0]  }
0x57: {  	s26 =	simm.s32 $0x1;
	v2 =	vld [tilespmem:s24+$0x30]  }
0x58: {  	s28 =	simm.s32 $0x2;
	v1 =	vmov s26;
	s26 =	simm.s32 $0x4820  }
.LBB2_4:
0x59: {  	s24 =	sadd.s32 $0x80, s24  }
0x5a: {  	s25 =	sadd.s32 $0x80, s25;
	s29 =	smov.u32 s28;
	s30 =	sadd.s32 $0x1, s28  }
0x5b: {  	p0 =	sne.s32 s28, $0x3F  }
0x5c: {  	v0 =	vsel vm0, v0, v2  }
0x5d: {  	[tilespmem:s26+$0x10] =	vst v0;
	s26 =	smov.u32 s25  }
0x5e: {  	v0 =	vld.idx.msk [tilespmem:v1+s14+$0x0], $0xffff  }
0x5f: {  	v1 =	vld [tilespmem:s24+$0x0]  }
0x60: {  	v2 =	vld [tilespmem:s24+$0xFFFFFFC0];
	_ =	sdelay $0x3  }
0x61: {  	vm0 =	veq.s32 v0, $0x0  }
0x62: {  	v0 =	vsel vm0, v2, v1  }
0x63: {  	[tilespmem:s25+$0xFFFFFFE0] =	vst v0  }
0x64: {  	v0 =	vld [tilespmem:s24+$0xFFFFFFD0]  }
0x65: {  	v1 =	vld [tilespmem:s24+$0x10];
	_ =	sdelay $0x4  }
0x66: {  	v0 =	vsel vm0, v0, v1  }
0x67: {  	[tilespmem:s25+$0xFFFFFFF0] =	vst v0  }
0x68: {  	v0 =	vld [tilespmem:s24+$0xFFFFFFE0]  }
0x69: {  	v1 =	vld [tilespmem:s24+$0x20];
	_ =	sdelay $0x4  }
0x6a: {  	v0 =	vsel vm0, v0, v1  }
.Ltmp1:
0x6b: {  	[tilespmem:s25+$0x0] =	vst v0;
	(pc) =	sbr.rel @p0 .LBB2_4-.Ltmp1, $3  }
0x6c: {  	v0 =	vld [tilespmem:s24+$0xFFFFFFF0]  }
0x6d: {  	v2 =	vld [tilespmem:s24+$0x30];
	_ =	sdelay $0x1  }
0x6e: {  	s28 =	smov.u32 s30;
	v1 =	vmov s29  }
0x6f: {  	_ =	sdelay $0x1  }
0x70: {  	v0 =	vsel vm0, v0, v2  }
0x71: {  	[tilespmem:s26+$0x10] =	vst v0  }
0x72: {  	s24 =	sadd.s32 $0x80, s24;
	v0 =	vld.idx.msk [tilespmem:v1+s14+$0x0], $0xffff  }
0x73: {  	v1 =	vld [tilespmem:s24+$0x0]  }
0x74: {  	v2 =	vld [tilespmem:s24+$0xFFFFFFC0];
	_ =	sdelay $0x3  }
0x75: {  	vm0 =	veq.s32 v0, $0x0  }
0x76: {  	s25 =	sadd.s32 $0x80, s25;
	v0 =	vsel vm0, v2, v1  }
0x77: {  	[tilespmem:s25+$0xFFFFFFE0] =	vst v0  }
0x78: {  	v0 =	vld [tilespmem:s24+$0xFFFFFFD0]  }
0x79: {  	v1 =	vld [tilespmem:s24+$0x10];
	_ =	sdelay $0x4  }
0x7a: {  	v0 =	vsel vm0, v0, v1  }
0x7b: {  	[tilespmem:s25+$0xFFFFFFF0] =	vst v0  }
0x7c: {  	v0 =	vld [tilespmem:s24+$0xFFFFFFE0]  }
0x7d: {  	v1 =	vld [tilespmem:s24+$0x20];
	_ =	sdelay $0x4  }
0x7e: {  	v0 =	vsel vm0, v0, v1  }
0x7f: {  	[tilespmem:s25+$0x0] =	vst v0  }
0x80: {  	v0 =	vld [tilespmem:s24+$0xFFFFFFF0]  }
0x81: {  	v1 =	vld [tilespmem:s24+$0x30];
	_ =	sdelay $0x1  }
0x82: {  	s30 =	simm.s32 $0x0  }
0x83: {  	v2 =	vmov s30  }
0x84: {  	v2 =	vadd.s32 $0x40, v2  }
0x85: {  	v0 =	vsel vm0, v0, v1;
	v1 =	vbroadcast v2, $0x0  }
0x86: {  	[tilespmem:s25+$0x10] =	vst v0  }
0x87: {  	_ =	swait.ge [sflag:s15], $0x2000  }
0x88: {  	[sflag:s15] =	ssyncset.done $0x0  }
0x89: {  	[sflag:s15] =	ssyncadd.s32 $0xFFFFE000  }
0x8a: {  	[tilespmem:s10], [sflag:$0x1] =	stream.indirect.gather [hbm4b:s1+s8], $0x80, s16, s8, $0xb8;
	[tilespmem:$0x14800] =	vst v63  }
0x8b: {  	s24 =	simm.s32 $0x2870;
	v0 =	vld.idx.msk [tilespmem:v1+s14+$0x0], $0xffff  }
0x8c: {  	v1 =	vld [tilespmem:s24+$0xFFFFFFD0]  }
0x8d: {  	v2 =	vld [tilespmem:s24+$0xFFFFFF90];
	_ =	sdelay $0x3  }
0x8e: {  	vm0 =	veq.s32 v0, $0x0  }
0x8f: {  	s25 =	simm.s32 $0x6830;
	v0 =	vsel vm0, v2, v1  }
0x90: {  	[tilespmem:s25+$0xFFFFFFD0] =	vst v0  }
0x91: {  	v0 =	vld [tilespmem:s24+$0xFFFFFFA0]  }
0x92: {  	v1 =	vld [tilespmem:s24+$0xFFFFFFE0];
	_ =	sdelay $0x4  }
0x93: {  	v0 =	vsel vm0, v0, v1  }
0x94: {  	[tilespmem:s25+$0xFFFFFFE0] =	vst v0  }
0x95: {  	v0 =	vld [tilespmem:s24+$0xFFFFFFB0]  }
0x96: {  	v1 =	vld [tilespmem:s24+$0xFFFFFFF0];
	_ =	sdelay $0x4  }
0x97: {  	v0 =	vsel vm0, v0, v1  }
0x98: {  	s31 =	simm.s32 $0x1;
	[tilespmem:s25+$0xFFFFFFF0] =	vst v0  }
0x99: {  	v1 =	vmov s31;
	v0 =	vld [tilespmem:s24+$0xFFFFFFC0]  }
0x9a: {  	v1 =	vadd.s32 $0x40, v1;
	v2 =	vld [tilespmem:s24+$0x0]  }
0x9b: {  	s28 =	simm.s32 $0x2;
	s26 =	simm.s32 $0x6830;
	v1 =	vbroadcast v1, $0x0  }
.LBB2_6:
0x9c: {  	s24 =	sadd.s32 $0x80, s24  }
0x9d: {  	s25 =	sadd.s32 $0x80, s25;
	s29 =	smov.u32 s28;
	s30 =	sadd.s32 $0x1, s28  }
0x9e: {  	p0 =	sne.s32 s28, $0x3F  }
0x9f: {  	v0 =	vsel vm0, v0, v2  }
0xa0: {  	[tilespmem:s26+$0x0] =	vst v0;
	s26 =	smov.u32 s25  }
0xa1: {  	v0 =	vld.idx.msk [tilespmem:v1+s14+$0x0], $0xffff  }
0xa2: {  	v1 =	vld [tilespmem:s24+$0xFFFFFFD0]  }
0xa3: {  	v2 =	vld [tilespmem:s24+$0xFFFFFF90];
	_ =	sdelay $0x3  }
0xa4: {  	vm0 =	veq.s32 v0, $0x0  }
0xa5: {  	v0 =	vsel vm0, v2, v1  }
0xa6: {  	[tilespmem:s25+$0xFFFFFFD0] =	vst v0  }
0xa7: {  	v0 =	vld [tilespmem:s24+$0xFFFFFFA0]  }
0xa8: {  	v1 =	vld [tilespmem:s24+$0xFFFFFFE0];
	_ =	sdelay $0x4  }
0xa9: {  	v0 =	vsel vm0, v0, v1  }
0xaa: {  	[tilespmem:s25+$0xFFFFFFE0] =	vst v0  }
0xab: {  	v0 =	vld [tilespmem:s24+$0xFFFFFFB0]  }
0xac: {  	v1 =	vld [tilespmem:s24+$0xFFFFFFF0];
	_ =	sdelay $0x4  }
.Ltmp2:
0xad: {  	v0 =	vsel vm0, v0, v1;
	(pc) =	sbr.rel @p0 .LBB2_6-.Ltmp2, $4  }
0xae: {  	[tilespmem:s25+$0xFFFFFFF0] =	vst v0  }
0xaf: {  	v1 =	vmov s29;
	v0 =	vld [tilespmem:s24+$0xFFFFFFC0]  }
0xb0: {  	v1 =	vadd.s32 $0x40, v1;
	v2 =	vld [tilespmem:s24+$0x0]  }
0xb1: {  	s28 =	smov.u32 s30;
	v1 =	vbroadcast v1, $0x0  }
0xb2: {  	_ =	sdelay $0x2  }
0xb3: {  	v0 =	vsel vm0, v0, v2  }
0xb4: {  	[tilespmem:s26+$0x0] =	vst v0  }
0xb5: {  	s24 =	sadd.s32 $0x80, s24;
	v0 =	vld.idx.msk [tilespmem:v1+s14+$0x0], $0xffff  }
0xb6: {  	v1 =	vld [tilespmem:s24+$0xFFFFFFD0]  }
0xb7: {  	v2 =	vld [tilespmem:s24+$0xFFFFFF90];
	_ =	sdelay $0x3  }
0xb8: {  	vm15 =	veq.s32 v0, $0x0  }
0xb9: {  	s25 =	sadd.s32 $0x80, s25;
	v0 =	vsel vm15, v2, v1  }
0xba: {  	[tilespmem:s25+$0xFFFFFFD0] =	vst v0  }
0xbb: {  	v0 =	vld [tilespmem:s24+$0xFFFFFFA0]  }
0xbc: {  	v1 =	vld [tilespmem:s24+$0xFFFFFFE0];
	_ =	sdelay $0x4  }
0xbd: {  	v0 =	vsel vm15, v0, v1  }
0xbe: {  	[tilespmem:s25+$0xFFFFFFE0] =	vst v0  }
0xbf: {  	v0 =	vld [tilespmem:s24+$0xFFFFFFB0]  }
0xc0: {  	v1 =	vld [tilespmem:s24+$0xFFFFFFF0];
	_ =	sdelay $0x4  }
0xc1: {  	v0 =	vsel vm15, v0, v1  }
0xc2: {  	[tilespmem:s25+$0xFFFFFFF0] =	vst v0  }
0xc3: {  	v0 =	vld [tilespmem:s24+$0xFFFFFFC0]  }
0xc4: {  	v1 =	vld [tilespmem:s24+$0x0];
	_ =	sdelay $0x4  }
0xc5: {  	v0 =	vsel vm15, v0, v1  }
0xc6: {  	[tilespmem:s25+$0x0] =	vst v0  }
0xc7: {  	_ =	swait.ge [sflag:s11], $0x2000  }
0xc8: {  	s31 =	simm.s32 $0x0;
	[sflag:s11] =	ssyncset.done $0x0  }
0xc9: {  	s24 =	simm.s32 $0x0;
	v0 =	vmov s31;
	[sflag:s11] =	ssyncadd.s32 $0xFFFFE000  }
0xca: {  	v0 =	vadd.s32 $0x80, v0;
	[tilespmem:s13], [sflag:$0x2] =	stream.indirect.gather [hbm4b:s1+s8], $0x80, s17, s8, $0xb8;
	[tilespmem:$0x14800] =	vst v63  }
0xcb: {  	v5 =	vbroadcast v0, $0x0;
	v0 =	vld [tilespmem:s24+$0x800]  }
0xcc: {  	v2 =	vld [tilespmem:s24+$0x840]  }
0xcd: {  	v1 =	vld [tilespmem:s24+$0x810]  }
0xce: {  	v3 =	vld [tilespmem:s24+$0x850]  }
0xcf: {  	v4 =	vld [tilespmem:s24+$0x820]  }
0xd0: {  	v6 =	vld [tilespmem:s24+$0x860]  }
0xd1: {  	v8 =	vld.idx.msk [tilespmem:v5+s14+$0x0], $0xffff  }
0xd2: {  	v7 =	vld [tilespmem:s24+$0x870]  }
0xd3: {  	s25 =	simm.s32 $0x1;
	v5 =	vld [tilespmem:s24+$0x830]  }
0xd4: {  	s28 =	simm.s32 $0x400;
	s26 =	simm.s32 $0x200;
	v9 =	vmov s25  }
.LBB2_8:
0xd5: {  	p0 =	sne.s32 s28, $0x7E00;
	v9 =	vadd.s32 $0x80, v9  }
0xd6: {  	s29 =	sshra.s32 s26, $0x2;
	vm0 =	veq.s32 v8, $0x0;
	s26 =	smov.u32 s28;
	v9 =	vbroadcast v9, $0x0  }
0xd7: {  	v8 =	vsel vm0, v0, v2;
	v3 =	vsel vm0, v1, v3;
	v4 =	vsel vm0, v4, v6;
	v0 =	vld [tilespmem:s29+$0x800]  }
0xd8: {  	v2 =	vld [tilespmem:s29+$0x840];
	[tilespmem:s24+$0x8800] =	vst v8;
	v5 =	vsel vm0, v5, v7  }
0xd9: {  	v1 =	vld [tilespmem:s29+$0x810];
	[tilespmem:s24+$0x8810] =	vst v3  }
0xda: {  	v3 =	vld [tilespmem:s29+$0x850];
	[tilespmem:s24+$0x8820] =	vst v4  }
0xdb: {  	v4 =	vld [tilespmem:s29+$0x820];
	[tilespmem:s24+$0x8830] =	vst v5;
	s24 =	smov.u32 s29  }
.Ltmp3:
0xdc: {  	v8 =	vld.idx.msk [tilespmem:v9+s14+$0x0], $0xffff;
	(pc) =	sbr.rel @p0 .LBB2_8-.Ltmp3, $4  }
0xdd: {  	v6 =	vld [tilespmem:s24+$0x860]  }
0xde: {  	v5 =	vld [tilespmem:s24+$0x830]  }
0xdf: {  	s25 =	sadd.s32 $0x1, s25;
	v7 =	vld [tilespmem:s24+$0x870]  }
0xe0: {  	s28 =	sadd.s32 $0x200, s28;
	v9 =	vmov s25  }
0xe1: {  	s25 =	sshra.s32 s26, $0x2;
	vm0 =	veq.s32 v8, $0x0  }
0xe2: {  	v9 =	vadd.s32 $0x80, v9;
	v8 =	vld [tilespmem:s25+$0x800];
	v0 =	vsel vm0, v0, v2  }
0xe3: {  	v2 =	vld [tilespmem:s25+$0x840];
	[tilespmem:s24+$0x8800] =	vst v0;
	v0 =	vbroadcast v9, $0x0;
	_ =	sdelay $0x1  }
0xe4: {  	v1 =	vsel vm0, v1, v3  }
0xe5: {  	v3 =	vld [tilespmem:s25+$0x810];
	[tilespmem:s24+$0x8810] =	vst v1;
	v1 =	vsel vm0, v4, v6  }
0xe6: {  	v4 =	vld [tilespmem:s25+$0x850];
	[tilespmem:s24+$0x8820] =	vst v1;
	v1 =	vsel vm0, v5, v7  }
0xe7: {  	v5 =	vld [tilespmem:s25+$0x820];
	[tilespmem:s24+$0x8830] =	vst v1  }
0xe8: {  	v0 =	vld.idx.msk [tilespmem:v0+s14+$0x0], $0xffff;
	_ =	sdelay $0x1  }
0xe9: {  	v1 =	vld [tilespmem:s25+$0x860]  }
0xea: {  	v6 =	vld [tilespmem:s25+$0x830]  }
0xeb: {  	v7 =	vld [tilespmem:s25+$0x870]  }
0xec: {  	vm15 =	veq.s32 v0, $0x0  }
0xed: {  	v0 =	vsel vm15, v8, v2  }
0xee: {  	v2 =	vsel vm15, v3, v4;
	[tilespmem:s25+$0x8800] =	vst v0  }
0xef: {  	v0 =	vsel vm15, v5, v1;
	[tilespmem:s25+$0x8810] =	vst v2  }
0xf0: {  	v1 =	vsel vm15, v6, v7;
	[tilespmem:s25+$0x8820] =	vst v0  }
0xf1: {  	[tilespmem:s25+$0x8830] =	vst v1  }
0xf2: {  	_ =	swait.ge [sflag:s15], $0x2000  }
0xf3: {  	s31 =	simm.s32 $0x0;
	[sflag:s15] =	ssyncset.done $0x0  }
0xf4: {  	s24 =	simm.s32 $0x0;
	v0 =	vmov s31;
	[sflag:s15] =	ssyncadd.s32 $0xFFFFE000  }
0xf5: {  	v0 =	vadd.s32 $0xC0, v0;
	[tilespmem:s10], [sflag:$0x1] =	stream.indirect.gather [hbm4b:s1+s8], $0x80, s18, s8, $0xb8;
	[tilespmem:$0x14800] =	vst v63  }
0xf6: {  	v5 =	vbroadcast v0, $0x0;
	v0 =	vld [tilespmem:s24+$0x2800]  }
0xf7: {  	v2 =	vld [tilespmem:s24+$0x2840]  }
0xf8: {  	v1 =	vld [tilespmem:s24+$0x2810]  }
0xf9: {  	v3 =	vld [tilespmem:s24+$0x2850]  }
0xfa: {  	v4 =	vld [tilespmem:s24+$0x2820]  }
0xfb: {  	v6 =	vld [tilespmem:s24+$0x2860]  }
0xfc: {  	v8 =	vld.idx.msk [tilespmem:v5+s14+$0x0], $0xffff  }
0xfd: {  	v7 =	vld [tilespmem:s24+$0x2870]  }
0xfe: {  	s25 =	simm.s32 $0x1;
	v5 =	vld [tilespmem:s24+$0x2830]  }
0xff: {  	s26 =	simm.s32 $0x200;
	s28 =	simm.s32 $0x400;
	v9 =	vmov s25  }
.LBB2_10:
0x100: {  	p0 =	sne.s32 s28, $0x7E00;
	v9 =	vadd.s32 $0xC0, v9  }
0x101: {  	s29 =	sshra.s32 s26, $0x2;
	vm0 =	veq.s32 v8, $0x0;
	s26 =	smov.u32 s28;
	v9 =	vbroadcast v9, $0x0  }
0x102: {  	v8 =	vsel vm0, v0, v2;
	v3 =	vsel vm0, v1, v3;
	v4 =	vsel vm0, v4, v6;
	v0 =	vld [tilespmem:s29+$0x2800]  }
0x103: {  	v2 =	vld [tilespmem:s29+$0x2840];
	[tilespmem:s24+$0xA800] =	vst v8;
	v5 =	vsel vm0, v5, v7  }
0x104: {  	v1 =	vld [tilespmem:s29+$0x2810];
	[tilespmem:s24+$0xA810] =	vst v3  }
0x105: {  	v3 =	vld [tilespmem:s29+$0x2850];
	[tilespmem:s24+$0xA820] =	vst v4  }
0x106: {  	v4 =	vld [tilespmem:s29+$0x2820];
	[tilespmem:s24+$0xA830] =	vst v5;
	s24 =	smov.u32 s29  }
.Ltmp4:
0x107: {  	v8 =	vld.idx.msk [tilespmem:v9+s14+$0x0], $0xffff;
	(pc) =	sbr.rel @p0 .LBB2_10-.Ltmp4, $4  }
0x108: {  	v6 =	vld [tilespmem:s24+$0x2860]  }
0x109: {  	v5 =	vld [tilespmem:s24+$0x2830]  }
0x10a: {  	s25 =	sadd.s32 $0x1, s25;
	v7 =	vld [tilespmem:s24+$0x2870]  }
0x10b: {  	s28 =	sadd.s32 $0x200, s28;
	v9 =	vmov s25  }
0x10c: {  	s25 =	sshra.s32 s26, $0x2;
	vm0 =	veq.s32 v8, $0x0  }
0x10d: {  	v9 =	vadd.s32 $0xC0, v9;
	v8 =	vld [tilespmem:s25+$0x2800];
	v0 =	vsel vm0, v0, v2  }
0x10e: {  	v2 =	vld [tilespmem:s25+$0x2840];
	[tilespmem:s24+$0xA800] =	vst v0;
	v0 =	vbroadcast v9, $0x0;
	_ =	sdelay $0x1  }
0x10f: {  	v1 =	vsel vm0, v1, v3  }
0x110: {  	v3 =	vld [tilespmem:s25+$0x2810];
	[tilespmem:s24+$0xA810] =	vst v1;
	v1 =	vsel vm0, v4, v6  }
0x111: {  	v4 =	vld [tilespmem:s25+$0x2850];
	[tilespmem:s24+$0xA820] =	vst v1;
	v1 =	vsel vm0, v5, v7  }
0x112: {  	v5 =	vld [tilespmem:s25+$0x2820];
	[tilespmem:s24+$0xA830] =	vst v1  }
0x113: {  	v0 =	vld.idx.msk [tilespmem:v0+s14+$0x0], $0xffff;
	_ =	sdelay $0x1  }
0x114: {  	v1 =	vld [tilespmem:s25+$0x2860]  }
0x115: {  	v6 =	vld [tilespmem:s25+$0x2830]  }
0x116: {  	v7 =	vld [tilespmem:s25+$0x2870]  }
0x117: {  	vm15 =	veq.s32 v0, $0x0  }
0x118: {  	v0 =	vsel vm15, v8, v2  }
0x119: {  	v2 =	vsel vm15, v3, v4;
	[tilespmem:s25+$0xA800] =	vst v0  }
0x11a: {  	v0 =	vsel vm15, v5, v1;
	[tilespmem:s25+$0xA810] =	vst v2  }
0x11b: {  	v1 =	vsel vm15, v6, v7;
	[tilespmem:s25+$0xA820] =	vst v0  }
0x11c: {  	[tilespmem:s25+$0xA830] =	vst v1  }
0x11d: {  	_ =	swait.ge [sflag:s11], $0x2000  }
0x11e: {  	s31 =	simm.s32 $0x0;
	[sflag:s11] =	ssyncset.done $0x0  }
0x11f: {  	s24 =	simm.s32 $0x0;
	v0 =	vmov s31;
	[sflag:s11] =	ssyncadd.s32 $0xFFFFE000  }
0x120: {  	v0 =	vadd.s32 $0x100, v0;
	[tilespmem:s13], [sflag:$0x2] =	stream.indirect.gather [hbm4b:s1+s8], $0x80, s19, s8, $0xb8;
	[tilespmem:$0x14800] =	vst v63  }
0x121: {  	v5 =	vbroadcast v0, $0x0;
	v0 =	vld [tilespmem:s24+$0x800]  }
0x122: {  	v2 =	vld [tilespmem:s24+$0x840]  }
0x123: {  	v1 =	vld [tilespmem:s24+$0x810]  }
0x124: {  	v3 =	vld [tilespmem:s24+$0x850]  }
0x125: {  	v4 =	vld [tilespmem:s24+$0x820]  }
0x126: {  	v6 =	vld [tilespmem:s24+$0x860]  }
0x127: {  	v8 =	vld.idx.msk [tilespmem:v5+s14+$0x0], $0xffff  }
0x128: {  	v7 =	vld [tilespmem:s24+$0x870]  }
0x129: {  	s25 =	simm.s32 $0x1;
	v5 =	vld [tilespmem:s24+$0x830]  }
0x12a: {  	s26 =	simm.s32 $0x200;
	s28 =	simm.s32 $0x400;
	v9 =	vmov s25  }
.LBB2_12:
0x12b: {  	p0 =	sne.s32 s28, $0x7E00;
	v9 =	vadd.s32 $0x100, v9  }
0x12c: {  	s29 =	sshra.s32 s26, $0x2;
	vm0 =	veq.s32 v8, $0x0;
	s26 =	smov.u32 s28;
	v9 =	vbroadcast v9, $0x0  }
0x12d: {  	v8 =	vsel vm0, v0, v2;
	v3 =	vsel vm0, v1, v3;
	v4 =	vsel vm0, v4, v6;
	v0 =	vld [tilespmem:s29+$0x800]  }
0x12e: {  	v2 =	vld [tilespmem:s29+$0x840];
	[tilespmem:s24+$0xC800] =	vst v8;
	v5 =	vsel vm0, v5, v7  }
0x12f: {  	v1 =	vld [tilespmem:s29+$0x810];
	[tilespmem:s24+$0xC810] =	vst v3  }
0x130: {  	v3 =	vld [tilespmem:s29+$0x850];
	[tilespmem:s24+$0xC820] =	vst v4  }
0x131: {  	v4 =	vld [tilespmem:s29+$0x820];
	[tilespmem:s24+$0xC830] =	vst v5;
	s24 =	smov.u32 s29  }
.Ltmp5:
0x132: {  	v8 =	vld.idx.msk [tilespmem:v9+s14+$0x0], $0xffff;
	(pc) =	sbr.rel @p0 .LBB2_12-.Ltmp5, $4  }
0x133: {  	v6 =	vld [tilespmem:s24+$0x860]  }
0x134: {  	v5 =	vld [tilespmem:s24+$0x830]  }
0x135: {  	s25 =	sadd.s32 $0x1, s25;
	v7 =	vld [tilespmem:s24+$0x870]  }
0x136: {  	s28 =	sadd.s32 $0x200, s28;
	v9 =	vmov s25  }
0x137: {  	s25 =	sshra.s32 s26, $0x2;
	vm0 =	veq.s32 v8, $0x0  }
0x138: {  	v9 =	vadd.s32 $0x100, v9;
	v8 =	vld [tilespmem:s25+$0x800];
	v0 =	vsel vm0, v0, v2  }
0x139: {  	v2 =	vld [tilespmem:s25+$0x840];
	[tilespmem:s24+$0xC800] =	vst v0;
	v0 =	vbroadcast v9, $0x0;
	_ =	sdelay $0x1  }
0x13a: {  	v1 =	vsel vm0, v1, v3  }
0x13b: {  	v3 =	vld [tilespmem:s25+$0x810];
	[tilespmem:s24+$0xC810] =	vst v1;
	v1 =	vsel vm0, v4, v6  }
0x13c: {  	v4 =	vld [tilespmem:s25+$0x850];
	[tilespmem:s24+$0xC820] =	vst v1;
	v1 =	vsel vm0, v5, v7  }
0x13d: {  	v5 =	vld [tilespmem:s25+$0x820];
	[tilespmem:s24+$0xC830] =	vst v1  }
0x13e: {  	v0 =	vld.idx.msk [tilespmem:v0+s14+$0x0], $0xffff;
	_ =	sdelay $0x1  }
0x13f: {  	v1 =	vld [tilespmem:s25+$0x860]  }
0x140: {  	v6 =	vld [tilespmem:s25+$0x830]  }
0x141: {  	v7 =	vld [tilespmem:s25+$0x870]  }
0x142: {  	vm15 =	veq.s32 v0, $0x0  }
0x143: {  	v0 =	vsel vm15, v8, v2  }
0x144: {  	v2 =	vsel vm15, v3, v4;
	[tilespmem:s25+$0xC800] =	vst v0  }
0x145: {  	v0 =	vsel vm15, v5, v1;
	[tilespmem:s25+$0xC810] =	vst v2  }
0x146: {  	v1 =	vsel vm15, v6, v7;
	[tilespmem:s25+$0xC820] =	vst v0  }
0x147: {  	[tilespmem:s25+$0xC830] =	vst v1  }
0x148: {  	_ =	swait.ge [sflag:s15], $0x2000  }
0x149: {  	s31 =	simm.s32 $0x0;
	[sflag:s15] =	ssyncset.done $0x0  }
0x14a: {  	s24 =	simm.s32 $0x0;
	v0 =	vmov s31;
	[sflag:s15] =	ssyncadd.s32 $0xFFFFE000  }
0x14b: {  	v0 =	vadd.s32 $0x140, v0;
	[tilespmem:s10], [sflag:$0x1] =	stream.indirect.gather [hbm4b:s1+s8], $0x80, s20, s8, $0xb8;
	[tilespmem:$0x14800] =	vst v63  }
0x14c: {  	v5 =	vbroadcast v0, $0x0;
	v0 =	vld [tilespmem:s24+$0x2800]  }
0x14d: {  	v2 =	vld [tilespmem:s24+$0x2840]  }
0x14e: {  	v1 =	vld [tilespmem:s24+$0x2810]  }
0x14f: {  	v3 =	vld [tilespmem:s24+$0x2850]  }
0x150: {  	v4 =	vld [tilespmem:s24+$0x2820]  }
0x151: {  	v6 =	vld [tilespmem:s24+$0x2860]  }
0x152: {  	v8 =	vld.idx.msk [tilespmem:v5+s14+$0x0], $0xffff  }
0x153: {  	v7 =	vld [tilespmem:s24+$0x2870]  }
0x154: {  	s25 =	simm.s32 $0x1;
	v5 =	vld [tilespmem:s24+$0x2830]  }
0x155: {  	s26 =	simm.s32 $0x200;
	s28 =	simm.s32 $0x400;
	v9 =	vmov s25  }
.LBB2_14:
0x156: {  	p0 =	sne.s32 s28, $0x7E00;
	v9 =	vadd.s32 $0x140, v9  }
0x157: {  	s29 =	sshra.s32 s26, $0x2;
	vm0 =	veq.s32 v8, $0x0;
	s26 =	smov.u32 s28;
	v9 =	vbroadcast v9, $0x0  }
0x158: {  	v8 =	vsel vm0, v0, v2;
	v3 =	vsel vm0, v1, v3;
	v4 =	vsel vm0, v4, v6;
	v0 =	vld [tilespmem:s29+$0x2800]  }
0x159: {  	v2 =	vld [tilespmem:s29+$0x2840];
	[tilespmem:s24+$0xE800] =	vst v8;
	v5 =	vsel vm0, v5, v7  }
0x15a: {  	v1 =	vld [tilespmem:s29+$0x2810];
	[tilespmem:s24+$0xE810] =	vst v3  }
0x15b: {  	v3 =	vld [tilespmem:s29+$0x2850];
	[tilespmem:s24+$0xE820] =	vst v4  }
0x15c: {  	v4 =	vld [tilespmem:s29+$0x2820];
	[tilespmem:s24+$0xE830] =	vst v5;
	s24 =	smov.u32 s29  }
.Ltmp6:
0x15d: {  	v8 =	vld.idx.msk [tilespmem:v9+s14+$0x0], $0xffff;
	(pc) =	sbr.rel @p0 .LBB2_14-.Ltmp6, $4  }
0x15e: {  	v6 =	vld [tilespmem:s24+$0x2860]  }
0x15f: {  	v5 =	vld [tilespmem:s24+$0x2830]  }
0x160: {  	s25 =	sadd.s32 $0x1, s25;
	v7 =	vld [tilespmem:s24+$0x2870]  }
0x161: {  	s28 =	sadd.s32 $0x200, s28;
	v9 =	vmov s25  }
0x162: {  	s25 =	sshra.s32 s26, $0x2;
	vm0 =	veq.s32 v8, $0x0  }
0x163: {  	v9 =	vadd.s32 $0x140, v9;
	v8 =	vld [tilespmem:s25+$0x2800];
	v0 =	vsel vm0, v0, v2  }
0x164: {  	v2 =	vld [tilespmem:s25+$0x2840];
	[tilespmem:s24+$0xE800] =	vst v0;
	v0 =	vbroadcast v9, $0x0;
	_ =	sdelay $0x1  }
0x165: {  	v1 =	vsel vm0, v1, v3  }
0x166: {  	v3 =	vld [tilespmem:s25+$0x2810];
	[tilespmem:s24+$0xE810] =	vst v1;
	v1 =	vsel vm0, v4, v6  }
0x167: {  	v4 =	vld [tilespmem:s25+$0x2850];
	[tilespmem:s24+$0xE820] =	vst v1;
	v1 =	vsel vm0, v5, v7  }
0x168: {  	v5 =	vld [tilespmem:s25+$0x2820];
	[tilespmem:s24+$0xE830] =	vst v1  }
0x169: {  	v0 =	vld.idx.msk [tilespmem:v0+s14+$0x0], $0xffff;
	_ =	sdelay $0x1  }
0x16a: {  	v1 =	vld [tilespmem:s25+$0x2860]  }
0x16b: {  	v6 =	vld [tilespmem:s25+$0x2830]  }
0x16c: {  	v7 =	vld [tilespmem:s25+$0x2870]  }
0x16d: {  	vm15 =	veq.s32 v0, $0x0  }
0x16e: {  	v0 =	vsel vm15, v8, v2  }
0x16f: {  	v2 =	vsel vm15, v3, v4;
	[tilespmem:s25+$0xE800] =	vst v0  }
0x170: {  	v0 =	vsel vm15, v5, v1;
	[tilespmem:s25+$0xE810] =	vst v2  }
0x171: {  	v1 =	vsel vm15, v6, v7;
	[tilespmem:s25+$0xE820] =	vst v0  }
0x172: {  	[tilespmem:s25+$0xE830] =	vst v1  }
0x173: {  	_ =	swait.ge [sflag:s11], $0x2000  }
0x174: {  	s31 =	simm.s32 $0x0;
	[sflag:s11] =	ssyncset.done $0x0  }
0x175: {  	s24 =	simm.s32 $0x0;
	v0 =	vmov s31;
	[sflag:s11] =	ssyncadd.s32 $0xFFFFE000  }
0x176: {  	v0 =	vadd.s32 $0x180, v0;
	[tilespmem:s13], [sflag:$0x2] =	stream.indirect.gather [hbm4b:s1+s8], $0x80, s21, s8, $0xb8;
	[tilespmem:$0x14800] =	vst v63  }
0x177: {  	v5 =	vbroadcast v0, $0x0;
	v0 =	vld [tilespmem:s24+$0x800]  }
0x178: {  	v2 =	vld [tilespmem:s24+$0x840]  }
0x179: {  	v1 =	vld [tilespmem:s24+$0x810]  }
0x17a: {  	v3 =	vld [tilespmem:s24+$0x850]  }
0x17b: {  	v4 =	vld [tilespmem:s24+$0x820]  }
0x17c: {  	v6 =	vld [tilespmem:s24+$0x860]  }
0x17d: {  	v8 =	vld.idx.msk [tilespmem:v5+s14+$0x0], $0xffff  }
0x17e: {  	v7 =	vld [tilespmem:s24+$0x870]  }
0x17f: {  	s25 =	simm.s32 $0x1;
	v5 =	vld [tilespmem:s24+$0x830]  }
0x180: {  	s26 =	simm.s32 $0x200;
	s28 =	simm.s32 $0x400;
	v9 =	vmov s25  }
.LBB2_16:
0x181: {  	p0 =	sne.s32 s28, $0x7E00;
	v9 =	vadd.s32 $0x180, v9  }
0x182: {  	s29 =	sshra.s32 s26, $0x2;
	vm0 =	veq.s32 v8, $0x0;
	s26 =	smov.u32 s28;
	v9 =	vbroadcast v9, $0x0  }
0x183: {  	v8 =	vsel vm0, v0, v2;
	v3 =	vsel vm0, v1, v3;
	v4 =	vsel vm0, v4, v6;
	v0 =	vld [tilespmem:s29+$0x800]  }
0x184: {  	v2 =	vld [tilespmem:s29+$0x840];
	[tilespmem:s24+$0x10800] =	vst v8;
	v5 =	vsel vm0, v5, v7  }
0x185: {  	v1 =	vld [tilespmem:s29+$0x810];
	[tilespmem:s24+$0x10810] =	vst v3  }
0x186: {  	v3 =	vld [tilespmem:s29+$0x850];
	[tilespmem:s24+$0x10820] =	vst v4  }
0x187: {  	v4 =	vld [tilespmem:s29+$0x820];
	[tilespmem:s24+$0x10830] =	vst v5;
	s24 =	smov.u32 s29  }
.Ltmp7:
0x188: {  	v8 =	vld.idx.msk [tilespmem:v9+s14+$0x0], $0xffff;
	(pc) =	sbr.rel @p0 .LBB2_16-.Ltmp7, $4  }
0x189: {  	v6 =	vld [tilespmem:s24+$0x860]  }
0x18a: {  	v5 =	vld [tilespmem:s24+$0x830]  }
0x18b: {  	s25 =	sadd.s32 $0x1, s25;
	v7 =	vld [tilespmem:s24+$0x870]  }
0x18c: {  	s28 =	sadd.s32 $0x200, s28;
	v9 =	vmov s25  }
0x18d: {  	s25 =	sshra.s32 s26, $0x2;
	vm0 =	veq.s32 v8, $0x0  }
0x18e: {  	v9 =	vadd.s32 $0x180, v9;
	v8 =	vld [tilespmem:s25+$0x800];
	v0 =	vsel vm0, v0, v2  }
0x18f: {  	v2 =	vld [tilespmem:s25+$0x840];
	[tilespmem:s24+$0x10800] =	vst v0;
	v0 =	vbroadcast v9, $0x0;
	_ =	sdelay $0x1  }
0x190: {  	v1 =	vsel vm0, v1, v3  }
0x191: {  	v3 =	vld [tilespmem:s25+$0x810];
	[tilespmem:s24+$0x10810] =	vst v1;
	v1 =	vsel vm0, v4, v6  }
0x192: {  	v4 =	vld [tilespmem:s25+$0x850];
	[tilespmem:s24+$0x10820] =	vst v1;
	v1 =	vsel vm0, v5, v7  }
0x193: {  	v5 =	vld [tilespmem:s25+$0x820];
	[tilespmem:s24+$0x10830] =	vst v1  }
0x194: {  	v0 =	vld.idx.msk [tilespmem:v0+s14+$0x0], $0xffff;
	_ =	sdelay $0x1  }
0x195: {  	v1 =	vld [tilespmem:s25+$0x860]  }
0x196: {  	v6 =	vld [tilespmem:s25+$0x830]  }
0x197: {  	v7 =	vld [tilespmem:s25+$0x870]  }
0x198: {  	vm15 =	veq.s32 v0, $0x0  }
0x199: {  	v0 =	vsel vm15, v8, v2  }
0x19a: {  	v2 =	vsel vm15, v3, v4;
	[tilespmem:s25+$0x10800] =	vst v0  }
0x19b: {  	v0 =	vsel vm15, v5, v1;
	[tilespmem:s25+$0x10810] =	vst v2  }
0x19c: {  	v1 =	vsel vm15, v6, v7;
	[tilespmem:s25+$0x10820] =	vst v0  }
0x19d: {  	[tilespmem:s25+$0x10830] =	vst v1  }
0x19e: {  	s31 =	simm.s32 $0x0;
	_ =	swait.ge [sflag:s15], $0x2000  }
0x19f: {  	v0 =	vmov s31;
	[sflag:s15] =	ssyncset.done $0x0  }
0x1a0: {  	s24 =	simm.s32 $0x0;
	v0 =	vadd.s32 $0x1C0, v0;
	[sflag:s15] =	ssyncadd.s32 $0xFFFFE000  }
0x1a1: {  	v5 =	vbroadcast v0, $0x0;
	v0 =	vld [tilespmem:s24+$0x2800]  }
0x1a2: {  	v2 =	vld [tilespmem:s24+$0x2840]  }
0x1a3: {  	v1 =	vld [tilespmem:s24+$0x2810]  }
0x1a4: {  	v3 =	vld [tilespmem:s24+$0x2850]  }
0x1a5: {  	v4 =	vld [tilespmem:s24+$0x2820]  }
0x1a6: {  	v6 =	vld [tilespmem:s24+$0x2860]  }
0x1a7: {  	v8 =	vld.idx.msk [tilespmem:v5+s14+$0x0], $0xffff  }
0x1a8: {  	v7 =	vld [tilespmem:s24+$0x2870]  }
0x1a9: {  	s25 =	simm.s32 $0x1;
	v5 =	vld [tilespmem:s24+$0x2830]  }
0x1aa: {  	s26 =	simm.s32 $0x200;
	s28 =	simm.s32 $0x400;
	v9 =	vmov s25  }
.LBB2_18:
0x1ab: {  	p0 =	sne.s32 s28, $0x7E00;
	v9 =	vadd.s32 $0x1C0, v9  }
0x1ac: {  	s29 =	sshra.s32 s26, $0x2;
	vm0 =	veq.s32 v8, $0x0;
	s26 =	smov.u32 s28;
	v9 =	vbroadcast v9, $0x0  }
0x1ad: {  	v8 =	vsel vm0, v0, v2;
	v3 =	vsel vm0, v1, v3;
	v4 =	vsel vm0, v4, v6;
	v0 =	vld [tilespmem:s29+$0x2800]  }
0x1ae: {  	v2 =	vld [tilespmem:s29+$0x2840];
	[tilespmem:s24+$0x12800] =	vst v8;
	v5 =	vsel vm0, v5, v7  }
0x1af: {  	v1 =	vld [tilespmem:s29+$0x2810];
	[tilespmem:s24+$0x12810] =	vst v3  }
0x1b0: {  	v3 =	vld [tilespmem:s29+$0x2850];
	[tilespmem:s24+$0x12820] =	vst v4  }
0x1b1: {  	v4 =	vld [tilespmem:s29+$0x2820];
	[tilespmem:s24+$0x12830] =	vst v5;
	s24 =	smov.u32 s29  }
.Ltmp8:
0x1b2: {  	v8 =	vld.idx.msk [tilespmem:v9+s14+$0x0], $0xffff;
	(pc) =	sbr.rel @p0 .LBB2_18-.Ltmp8, $4  }
0x1b3: {  	v6 =	vld [tilespmem:s24+$0x2860]  }
0x1b4: {  	v5 =	vld [tilespmem:s24+$0x2830]  }
0x1b5: {  	s25 =	sadd.s32 $0x1, s25;
	v7 =	vld [tilespmem:s24+$0x2870]  }
0x1b6: {  	s28 =	sadd.s32 $0x200, s28;
	v9 =	vmov s25  }
0x1b7: {  	v9 =	vadd.s32 $0x1C0, v9  }
0x1b8: {  	s25 =	sshra.s32 s26, $0x2;
	vm0 =	veq.s32 v8, $0x0;
	v53 =	vbroadcast v9, $0x0  }
0x1b9: {  	v51 =	vld [tilespmem:s25+$0x2800];
	v0 =	vsel vm0, v0, v2  }
0x1ba: {  	v52 =	vld [tilespmem:s25+$0x2840];
	v1 =	vsel vm0, v1, v3;
	[tilespmem:s24+$0x12800] =	vst v0  }
0x1bb: {  	v55 =	vsel vm0, v4, v6;
	v54 =	vld [tilespmem:s25+$0x2810];
	[tilespmem:s24+$0x12810] =	vst v1  }
0x1bc: {  	v57 =	vsel vm0, v5, v7;
	v56 =	vld [tilespmem:s25+$0x2850];
	[tilespmem:s24+$0x12820] =	vst v55  }
0x1bd: {  	v58 =	vld [tilespmem:s25+$0x2820];
	[tilespmem:s24+$0x12830] =	vst v57  }
0x1be: {  	v0 =	vld.idx.msk [tilespmem:v53+s14+$0x0], $0xffff;
	_ =	sdelay $0x1  }
0x1bf: {  	v1 =	vld [tilespmem:s25+$0x2860]  }
0x1c0: {  	v59 =	vld [tilespmem:s25+$0x2830]  }
0x1c1: {  	v60 =	vld [tilespmem:s25+$0x2870]  }
0x1c2: {  	vm15 =	veq.s32 v0, $0x0  }
0x1c3: {  	v0 =	vsel vm15, v51, v52  }
0x1c4: {  	v61 =	vsel vm15, v54, v56;
	[tilespmem:s25+$0x12800] =	vst v0  }
0x1c5: {  	s23 =	sadd.s32 $0x1, s23;
	v62 =	vsel vm15, v58, v1;
	[tilespmem:s25+$0x12810] =	vst v61  }
0x1c6: {  	p0 =	sne.s32 s23, s6;
	v63 =	vsel vm15, v59, v60;
	[tilespmem:s25+$0x12820] =	vst v62  }
.Ltmp9:
0x1c7: {  	[tilespmem:s25+$0x12830] =	vst v63;
	(pc) =	sbr.rel @p0 .LBB2_1-.Ltmp9, $4  }
0x1c8: {  	[hbm4b:s5+s3] =	stream.linear.scatter [tilespmem:s22], [sflag:$0x3], $0x10000, $0x38;
	[tilespmem:$0x14800] =	vst v63  }
0x1c9: {  	_ =	swait.ge [sflag:s7], $0x10000  }
0x1ca: {  	[sflag:s7] =	ssyncset.done $0x0  }
0x1cb: {  	[sflag:s7] =	ssyncadd.s32 $0xFFFF0000  }
0x1cc: {  	_ =	sfence.sel $0x180000  }
0x1cd: {  	[bflag:$0x0] =	sbarrier.arrive $0xFFFF  }
0x1ce: {  	p0 =	sne.s32 s2, $0x0;
	_ =	strace $0x9000004A  }
0x1cf: {  	s0 =	sadd.s32 @!p0 $0x100000, s0;
	[bflag:$0x2] =	sbarrier.arrive $0xFFFF  }
0x1d0: {  	[sflag:s0] =	ssyncadd.tile.s32 @!p0 $0x1;
	_ =	shalt  }
.Lfunc_end2:
_tile_overlayer_lowered:
.L_overlay_start_2:
0x1d1: {  	(tag) =	ssettag $0x2  }
0x1d2: {  	s0 =	rddreg [dreg:$0x0];
	s2 =	stileid.u32  }
0x1d3: {  	s1 =	rddreg [dreg:$0x1];
	p0 =	sne.s32 s2, $0x0  }
0x1d4: {  	s3 =	rddreg [dreg:$0x2];
	[bflag:$0x3] =	sbarrier.arrive $0xFFFF;
	s2 =	simm.s32 @!p0 $0x1C03  }
0x1d5: {  	[timem:s3], [sflag:s2] =	dma.local @!p0 [hbm:s0], s1  }
0x1d6: {  	s0 =	simm.s32 @!p0 $0x3  }
0x1d7: {  	_ =	swait.ge @!p0 [sflag:s0], s1  }
0x1d8: {  	s1 =	ssub.s32 @!p0 $0x0, s1;
	[sflag:s0] =	ssyncset.done @!p0 $0x0  }
0x1d9: {  	[sflag:s0] =	ssyncadd.s32 @!p0 s1  }
0x1da: {  	[bflag:$0x3] =	sbarrier.arrive $0xFFFF  }
0x1db: {  	_ =	shalt  }

</sc_bundles>
